<compile_context>
chip_gen: v7x
topology: tpu7x:2x2x1
jax: 0.10.2.dev20260603
libtpu: 0.0.44.dev20260713+nightly
codegen_flags: <defaults>
</compile_context>

<pallas_src>
import functools

import jax
import jax.numpy as jnp
from jax import lax
from jax.experimental import pallas as pl
from jax.experimental.pallas import tpu as pltpu
from jax.experimental.pallas import tpu_sc as plsc

N = 10000
E = 320000
D = 128
NC = 2
NS = 16
EPW = E // (NC * NS)
C = 125
NCHUNK = EPW // C
W = 8
NG = NCHUNK // W
RPT = N // NS
RZ = 125
RCH = RPT // RZ

_mesh = plsc.VectorSubcoreMesh(
    core_axis_name="c", subcore_axis_name="s", num_cores=NC, num_subcores=NS)


def _make_pool():

    def body(h_hbm, src_hbm, dst_hbm, zer_hbm, zed_hbm, one_hbm, flg_hbm,
             part_out, deg_out,
             src_w, dst_w, r0, r1, ones_v, flg_v,
             g0, g1, a0, a1, d0, d1, ws0, ws1, wd0, wd1,
             agg_sh, deg_sh):
        rows = (r0, r1)
        gsem = (g0, g1)
        asem = (a0, a1)
        dsem = (d0, d1)
        wssem = (ws0, ws1)
        wdsem = (wd0, wd1)
        c = lax.axis_index("c")
        s = lax.axis_index("s")

        pltpu.sync_copy(flg_hbm, flg_v)
        with_deg = jnp.sum(flg_v[...]) > 0

        def zbody(i, carry):
            base = s * RPT + i * RZ
            pltpu.sync_copy(zer_hbm, agg_sh.at[pl.ds(base, RZ)])

            @pl.when(with_deg)
            def _():
                pltpu.sync_copy(zed_hbm, deg_sh.at[pl.ds(base, RZ)])
            return carry
        lax.fori_loop(0, RCH, zbody, 0)

        def issue_window(g, slot):
            pltpu.async_copy(src_hbm.at[c, s, pl.ds(g * W, W)],
                             src_w.at[slot], wssem[slot])
            pltpu.async_copy(dst_hbm.at[c, s, pl.ds(g * W, W)],
                             dst_w.at[slot], wdsem[slot])

        def wait_window(slot):
            pltpu.make_async_copy(src_hbm.at[c, s, pl.ds(0, W)],
                                  src_w.at[slot], wssem[slot]).wait()
            pltpu.make_async_copy(dst_hbm.at[c, s, pl.ds(0, W)],
                                  dst_w.at[slot], wdsem[slot]).wait()

        def wait_adds(b):
            pltpu.make_async_copy(rows[b], agg_sh.at[dst_w.at[0, 0]],
                                  asem[b]).wait()

            @pl.when(with_deg)
            def _():
                pltpu.make_async_copy(ones_v, deg_sh.at[dst_w.at[0, 0]],
                                      dsem[b]).wait()

        def issue_gather(slot, wb, b):
            pltpu.async_copy(h_hbm.at[src_w.at[slot, wb]], rows[b], gsem[b])

        def wait_gather(b):
            pltpu.make_async_copy(h_hbm.at[src_w.at[0, 0]], rows[b],
                                  gsem[b]).wait()

        def issue_adds(slot, wb, b):
            pltpu.async_copy(rows[b], agg_sh.at[dst_w.at[slot, wb]], asem[b],
                             add=True)

            @pl.when(with_deg)
            def _():
                pltpu.async_copy(ones_v, deg_sh.at[dst_w.at[slot, wb]],
                                 dsem[b], add=True)

        pltpu.sync_copy(one_hbm, ones_v)
        issue_window(0, 0)
        wait_window(0)
        plsc.subcore_barrier()
        issue_gather(0, 0, 0)

        def outer(i0, carry):
            for k in range(2 * W):
                slot = k // W
                wb = k % W
                b = k % 2
                ob = 1 - b
                nslot = 1 - slot
                wait_gather(b)
                issue_adds(slot, wb, b)
                if wb == 2:
                    if slot == 0:
                        issue_window(2 * i0 + 1, 1)
                    else:
                        @pl.when(i0 < NG // 2 - 1)
                        def _():
                            issue_window(2 * i0 + 2, 0)
                if k == 0:
                    @pl.when(i0 >= 1)
                    def _():
                        wait_adds(ob)
                    issue_gather(slot, wb + 1, ob)
                elif wb == W - 1:
                    wait_adds(ob)
                    if slot == 0:
                        wait_window(1)
                        issue_gather(1, 0, ob)
                    else:
                        @pl.when(i0 < NG // 2 - 1)
                        def _():
                            wait_window(0)
                            issue_gather(0, 0, ob)
                else:
                    wait_adds(ob)
                    issue_gather(slot, wb + 1, ob)
            return carry
        lax.fori_loop(0, NG // 2, outer, 0)

        wait_adds(1)
        plsc.subcore_barrier()

        def obody(i, carry):
            base = s * RPT + i * RZ
            pltpu.sync_copy(agg_sh.at[pl.ds(base, RZ)],
                            part_out.at[c, pl.ds(base, RZ)])

            @pl.when(with_deg)
            def _():
                pltpu.sync_copy(deg_sh.at[pl.ds(base, RZ)],
                                deg_out.at[c, pl.ds(base, RZ)])
            return carry
        lax.fori_loop(0, RCH, obody, 0)

    return pl.kernel(
        body,
        out_type=(jax.ShapeDtypeStruct((NC, N, D), jnp.float32),
                  jax.ShapeDtypeStruct((NC, N, 16), jnp.float32)),
        mesh=_mesh,
        compiler_params=pltpu.CompilerParams(use_tc_tiling_on_sc=False,
                                             needs_layout_passes=False),
        scratch_types=(
            pltpu.VMEM((2, W, C), jnp.int32),
            pltpu.VMEM((2, W, C), jnp.int32),
            pltpu.VMEM((C, D), jnp.float32),
            pltpu.VMEM((C, D), jnp.float32),
            pltpu.VMEM((C, 16), jnp.float32),
            pltpu.VMEM((16,), jnp.int32),
        ) + (pltpu.SemaphoreType.DMA,) * 10 + (
            pltpu.VMEM_SHARED((N, D), jnp.float32),
            pltpu.VMEM_SHARED((N, 16), jnp.float32),
        ),
    )


_pool = _make_pool()


RB = 1000


def _wcomb_body(w1_ref, w2_ref, b1_ref, ow_ref, ob_ref):
    ow_ref[...] = jnp.dot(w1_ref[...], w2_ref[...],
                          preferred_element_type=jnp.float32)
    ob_ref[...] = jnp.dot(b1_ref[...][None, :], w2_ref[...],
                          preferred_element_type=jnp.float32)[0]


_wcomb = pl.pallas_call(
    _wcomb_body,
    out_shape=(jax.ShapeDtypeStruct((D, D), jnp.float32),
               jax.ShapeDtypeStruct((D,), jnp.float32)),
)


def _deg_of(d_ref):
    return jnp.sum(d_ref[0] + d_ref[1], axis=1, keepdims=True) / 16.0


def _norm(p_ref, d_ref):
    p = p_ref[0] + p_ref[1]
    return p / jnp.maximum(_deg_of(d_ref), 1.0)


def _comb_gemm_body(p_ref, d_ref, w_ref, b12_ref, b2_ref, o_ref):
    deg = _deg_of(d_ref)
    pooled = (p_ref[0] + p_ref[1]) / jnp.maximum(deg, 1.0)
    m = jnp.where(deg > 0.0, 1.0, 0.0)
    o_ref[...] = (jnp.dot(pooled, w_ref[...],
                          preferred_element_type=jnp.float32)
                  + m * b12_ref[...][None, :] + b2_ref[...][None, :])


_comb_gemm = pl.pallas_call(
    _comb_gemm_body,
    grid=(N // RB,),
    in_specs=[
        pl.BlockSpec((NC, RB, D), lambda i: (0, i, 0)),
        pl.BlockSpec((NC, RB, 16), lambda i: (0, i, 0)),
        pl.BlockSpec((D, D), lambda i: (0, 0)),
        pl.BlockSpec((D,), lambda i: (0,)),
        pl.BlockSpec((D,), lambda i: (0,)),
    ],
    out_specs=pl.BlockSpec((RB, D), lambda i: (i, 0)),
    out_shape=jax.ShapeDtypeStruct((N, D), jnp.float32),
)


def _comb_body(p_ref, d_ref, o_ref):
    o_ref[...] = _norm(p_ref, d_ref)


_comb = pl.pallas_call(
    _comb_body,
    grid=(N // RB,),
    in_specs=[
        pl.BlockSpec((NC, RB, D), lambda i: (0, i, 0)),
        pl.BlockSpec((NC, RB, 16), lambda i: (0, i, 0)),
    ],
    out_specs=pl.BlockSpec((RB, D), lambda i: (i, 0)),
    out_shape=jax.ShapeDtypeStruct((N, D), jnp.float32),
)


def kernel(x, edge_index, W1, b1, W2, b2):
    src = edge_index[0].reshape(NC, NS, NCHUNK, C)
    dst = edge_index[1].reshape(NC, NS, NCHUNK, C)
    zer = jnp.zeros((RZ, D), jnp.float32)
    zed = jnp.zeros((RZ, 16), jnp.float32)
    one = jnp.ones((C, 16), jnp.float32)

    f1 = jnp.ones((16,), jnp.int32)
    f0 = jnp.zeros((16,), jnp.int32)

    px, d1 = _pool(x, src, dst, zer, zed, one, f1)
    W12, b12 = _wcomb(W1, W2, b1)
    h2 = _comb_gemm(px, d1, W12, b12, b2)
    p2, _ = _pool(h2, src, dst, zer, zed, one, f0)
    return _comb(p2, d1)

# --- scband reference (transcript-rebuilt; emitter-appended) ---
"""Pipeline reference for scband-gcn-7971459301494 (READ-ONLY COPY).

The authoritative reference and input builder live on the scoring server;
editing this copy changes nothing except your own understanding.
"""

import jax, jax.numpy as jnp
import numpy as np

N = 10000
E = 320000
D_IN = 128
HID = 128
D_OUT = 128


def setup_inputs(seed: int = 0) -> dict:
    key = jax.random.key(seed)
    ks = jax.random.split(key, 6)
    x = jax.random.normal(ks[0], (N, D_IN), dtype=jnp.float32)
    edge_index = jax.random.randint(ks[1], (2, E), 0, N, dtype=jnp.int32)
    W1 = jax.random.normal(ks[2], (D_IN, HID), dtype=jnp.float32) * (1.0 / np.sqrt(D_IN))
    b1 = jnp.zeros((HID,), dtype=jnp.float32)
    W2 = jax.random.normal(ks[3], (HID, D_OUT), dtype=jnp.float32) * (1.0 / np.sqrt(HID))
    b2 = jnp.zeros((D_OUT,), dtype=jnp.float32)
    return {"x": x, "edge_index": edge_index, "W1": W1, "b1": b1, "W2": W2, "b2": b2}


def _graph_pool(h, src, dst):
    # mean aggregation over incoming edges, defined by the graph adjacency
    # (sparse matmul adj @ h realized as gather over src + scatter-add over dst)
    msgs = jnp.take(h, src, axis=0)                      # gather  [E, d]
    agg = jax.ops.segment_sum(msgs, dst, num_segments=N) # scatter-add [N, d]
    deg = jax.ops.segment_sum(jnp.ones((src.shape[0],), dtype=h.dtype), dst, num_segments=N)
    return agg / jnp.clip(deg, 1.0)[:, None]


def reference(x, edge_index, W1, b1, W2, b2):
    src = edge_index[0]
    dst = edge_index[1]
    # gc1: GraphConv dense transform
    h = x @ W1 + b1
    # pool1: adjacency-based pooling (adj @ h with degree normalization)
    h = _graph_pool(h, src, dst)
    # gc2
    h = h @ W2 + b2
    # pool2
    h = _graph_pool(h, src, dst)
    return h

if __name__ == "__main__":
    import jax
    _d = setup_inputs()
    print(jax.jit(kernel)(*tuple(_d.values())))

</pallas_src>

<mosaic_0001>
#map = affine_map<(d0, d1) -> (0, 0)>
#map1 = affine_map<(d0, d1) -> (0, 0, 0, 0)>
#map2 = affine_map<(d0, d1) -> (0)>
#map3 = affine_map<(d0, d1) -> (0, 0, 0)>
module attributes {stable_mosaic.version = 14 : i64} {
  func.func @body(%arg0: i32, %arg1: i32, %arg2: memref<10000x128xf32, #tpu.memory_space<hbm>>, %arg3: memref<2x16x80x125xi32, #tpu.memory_space<hbm>>, %arg4: memref<2x16x80x125xi32, #tpu.memory_space<hbm>>, %arg5: memref<125x128xf32, #tpu.memory_space<hbm>>, %arg6: memref<125x16xf32, #tpu.memory_space<hbm>>, %arg7: memref<125x16xf32, #tpu.memory_space<hbm>>, %arg8: memref<16xi32, #tpu.memory_space<hbm>>, %arg9: memref<2x10000x128xf32, #tpu.memory_space<hbm>>, %arg10: memref<2x10000x16xf32, #tpu.memory_space<hbm>>, %arg11: memref<2x8x125xi32, #tpu.memory_space<vmem>>, %arg12: memref<2x8x125xi32, #tpu.memory_space<vmem>>, %arg13: memref<125x128xf32, #tpu.memory_space<vmem>>, %arg14: memref<125x128xf32, #tpu.memory_space<vmem>>, %arg15: memref<125x16xf32, #tpu.memory_space<vmem>>, %arg16: memref<16xi32, #tpu.memory_space<vmem>>, %arg17: memref<!tpu.dma_semaphore, #tpu.memory_space<semaphore_mem>>, %arg18: memref<!tpu.dma_semaphore, #tpu.memory_space<semaphore_mem>>, %arg19: memref<!tpu.dma_semaphore, #tpu.memory_space<semaphore_mem>>, %arg20: memref<!tpu.dma_semaphore, #tpu.memory_space<semaphore_mem>>, %arg21: memref<!tpu.dma_semaphore, #tpu.memory_space<semaphore_mem>>, %arg22: memref<!tpu.dma_semaphore, #tpu.memory_space<semaphore_mem>>, %arg23: memref<!tpu.dma_semaphore, #tpu.memory_space<semaphore_mem>>, %arg24: memref<!tpu.dma_semaphore, #tpu.memory_space<semaphore_mem>>, %arg25: memref<!tpu.dma_semaphore, #tpu.memory_space<semaphore_mem>>, %arg26: memref<!tpu.dma_semaphore, #tpu.memory_space<semaphore_mem>>, %arg27: memref<10000x128xf32, #tpu.memory_space<vmem_shared>>, %arg28: memref<10000x16xf32, #tpu.memory_space<vmem_shared>>) attributes {dimension_semantics = [#tpu.dimension_semantics<core_parallel>, #tpu.dimension_semantics<subcore_parallel>], iteration_bounds = array<i64: 2, 16>, scalar_prefetch = 0 : i64, scratch_operands = 18 : i64, tpu.core_type = #tpu.core_type<sc_vector_subcore>, window_params = [{transform_indices = #map}, {transform_indices = #map1}, {transform_indices = #map1}, {transform_indices = #map}, {transform_indices = #map}, {transform_indices = #map}, {transform_indices = #map2}, {transform_indices = #map3}, {transform_indices = #map3}]} {
    "tpu.region"() ({
      %run_scoped3A = tpu.sem_alloc : memref<!tpu.dma_semaphore, #tpu.memory_space<semaphore_mem>>
      tpu.enqueue_dma source(%arg8 : memref<16xi32, #tpu.memory_space<hbm>>) target(%arg16 : memref<16xi32, #tpu.memory_space<vmem>>) target_semaphore(%run_scoped3A : memref<!tpu.dma_semaphore, #tpu.memory_space<semaphore_mem>>)
      tpu.wait_dma2 semaphore(%run_scoped3A : memref<!tpu.dma_semaphore, #tpu.memory_space<semaphore_mem>>) src(%arg8 : memref<16xi32, #tpu.memory_space<hbm>>) dst(%arg16 : memref<16xi32, #tpu.memory_space<vmem>>)
      tpu.yield
    }) : () -> ()
    %get3A = arith.constant 0 : index
    %get3A_0 = tpu.vector_load %arg16[%get3A] {strides = array<i32>} : memref<16xi32, #tpu.memory_space<vmem>>, vector<16xi32>,
    %reduce_sum3A = arith.constant true
    %reduce_sum3A_1 = vector.broadcast %reduce_sum3A : i1 to vector<16xi1>
    %reduce_sum3A_2 = tpu.scan <sum>, %get3A_0 masked %reduce_sum3A_1 : vector<16xi32>, vector<16xi1> -> vector<16xi32>
    %reduce_sum3A_3 = vector.extract %reduce_sum3A_2[15] : i32 from vector<16xi32>
    %gt3A = arith.constant 0 : i32
    %gt3A_4 = arith.cmpi sgt, %reduce_sum3A_3, %gt3A : i32
    %scan3A = arith.constant 0 : i32
    %scan3A_5 = arith.constant 0 : i32
    %scan3A_6 = arith.constant 5 : i32
    %scan3A_7 = arith.addi %scan3A_5, %scan3A_6 : i32
    %scan3A_8 = arith.constant 1 : i32
    scf.for %scan3A_106 = %scan3A_5 to %scan3A_7 step %scan3A_8  : i32 {
      %mul3A = arith.constant 625 : i32
      %mul3A_107 = arith.muli %arg1, %mul3A : i32
      %mul3A_108 = arith.constant 125 : i32
      %mul3A_109 = arith.muli %scan3A_106, %mul3A_108 : i32
      %add3A = arith.addi %mul3A_107, %mul3A_109 : i32
      "tpu.region"() ({
        %run_scoped3A = tpu.sem_alloc : memref<!tpu.dma_semaphore, #tpu.memory_space<semaphore_mem>>
        %dma_start3A_113 = arith.constant 0 : i32
        %dma_start3A_114 = tpu.memref_slice %arg27[%add3A, %dma_start3A_113] : memref<10000x128xf32, #tpu.memory_space<vmem_shared>> -> memref<125x128xf32, #tpu.memory_space<vmem_shared>>
        tpu.enqueue_dma source(%arg5 : memref<125x128xf32, #tpu.memory_space<hbm>>) target(%dma_start3A_114 : memref<125x128xf32, #tpu.memory_space<vmem_shared>>) target_semaphore(%run_scoped3A : memref<!tpu.dma_semaphore, #tpu.memory_space<semaphore_mem>>)
        %dma_wait3A_115 = arith.constant 0 : i32
        %dma_wait3A_116 = tpu.memref_slice %arg27[%add3A, %dma_wait3A_115] : memref<10000x128xf32, #tpu.memory_space<vmem_shared>> -> memref<125x128xf32, #tpu.memory_space<vmem_shared>>
        tpu.wait_dma2 semaphore(%run_scoped3A : memref<!tpu.dma_semaphore, #tpu.memory_space<semaphore_mem>>) src(%arg5 : memref<125x128xf32, #tpu.memory_space<hbm>>) dst(%dma_wait3A_116 : memref<125x128xf32, #tpu.memory_space<vmem_shared>>)
        tpu.yield
      }) : () -> ()
      %convert_element_type3A_110 = arith.extui %gt3A_4 : i1 to i32
      %cond3A_111 = arith.constant 0 : i32
      %cond3A_112 = arith.cmpi ne, %convert_element_type3A_110, %cond3A_111 : i32
      scf.if %cond3A_112 {
        "tpu.region"() ({
          %run_scoped3A = tpu.sem_alloc : memref<!tpu.dma_semaphore, #tpu.memory_space<semaphore_mem>>
          %dma_start3A_113 = arith.constant 0 : i32
          %dma_start3A_114 = tpu.memref_slice %arg28[%add3A, %dma_start3A_113] : memref<10000x16xf32, #tpu.memory_space<vmem_shared>> -> memref<125x16xf32, #tpu.memory_space<vmem_shared>>
          tpu.enqueue_dma source(%arg6 : memref<125x16xf32, #tpu.memory_space<hbm>>) target(%dma_start3A_114 : memref<125x16xf32, #tpu.memory_space<vmem_shared>>) target_semaphore(%run_scoped3A : memref<!tpu.dma_semaphore, #tpu.memory_space<semaphore_mem>>)
          %dma_wait3A_115 = arith.constant 0 : i32
          %dma_wait3A_116 = tpu.memref_slice %arg28[%add3A, %dma_wait3A_115] : memref<10000x16xf32, #tpu.memory_space<vmem_shared>> -> memref<125x16xf32, #tpu.memory_space<vmem_shared>>
          tpu.wait_dma2 semaphore(%run_scoped3A : memref<!tpu.dma_semaphore, #tpu.memory_space<semaphore_mem>>) src(%arg6 : memref<125x16xf32, #tpu.memory_space<hbm>>) dst(%dma_wait3A_116 : memref<125x16xf32, #tpu.memory_space<vmem_shared>>)
          tpu.yield
        }) : () -> ()
      } else {
      }
    }
    %scan3A_9 = arith.constant 5 : i32
    "tpu.region"() ({
      %run_scoped3A = tpu.sem_alloc : memref<!tpu.dma_semaphore, #tpu.memory_space<semaphore_mem>>
      tpu.enqueue_dma source(%arg7 : memref<125x16xf32, #tpu.memory_space<hbm>>) target(%arg15 : memref<125x16xf32, #tpu.memory_space<vmem>>) target_semaphore(%run_scoped3A : memref<!tpu.dma_semaphore, #tpu.memory_space<semaphore_mem>>)
      tpu.wait_dma2 semaphore(%run_scoped3A : memref<!tpu.dma_semaphore, #tpu.memory_space<semaphore_mem>>) src(%arg7 : memref<125x16xf32, #tpu.memory_space<hbm>>) dst(%arg15 : memref<125x16xf32, #tpu.memory_space<vmem>>)
      tpu.yield
    }) : () -> ()
    %dma_start3A = arith.constant 0 : i32
    %dma_start3A_10 = arith.constant 0 : i32
    %dma_start3A_11 = arith.constant 0 : i32
    %dma_start3A_12 = tpu.memref_slice %arg11[%dma_start3A, %dma_start3A_10, %dma_start3A_11] : memref<2x8x125xi32, #tpu.memory_space<vmem>> -> memref<1x8x125xi32, #tpu.memory_space<vmem>>
    %dma_start3A_13 = tpu.memref_squeeze %dma_start3A_12 : memref<1x8x125xi32, #tpu.memory_space<vmem>> -> memref<8x125xi32, #tpu.memory_space<vmem>>
    %dma_start3A_14 = arith.constant 0 : i32
    %dma_start3A_15 = arith.constant 0 : i32
    %dma_start3A_16 = tpu.memref_slice %arg3[%arg0, %arg1, %dma_start3A_14, %dma_start3A_15] : memref<2x16x80x125xi32, #tpu.memory_space<hbm>> -> memref<1x1x8x125xi32, #tpu.memory_space<hbm>>
    %dma_start3A_17 = tpu.memref_squeeze %dma_start3A_16 : memref<1x1x8x125xi32, #tpu.memory_space<hbm>> -> memref<8x125xi32, #tpu.memory_space<hbm>>
    %dma_start3A_18 = arith.constant 0 : i32
    %dma_start3A_19 = arith.constant 0 : i32
    %dma_start3A_20 = tpu.memref_slice %arg11[%dma_start3A, %dma_start3A_18, %dma_start3A_19] : memref<2x8x125xi32, #tpu.memory_space<vmem>> -> memref<1x8x125xi32, #tpu.memory_space<vmem>>
    %dma_start3A_21 = tpu.memref_squeeze %dma_start3A_20 : memref<1x8x125xi32, #tpu.memory_space<vmem>> -> memref<8x125xi32, #tpu.memory_space<vmem>>
    %dma_start3A_22 = arith.constant 0 : i32
    %dma_start3A_23 = arith.constant 0 : i32
    %dma_start3A_24 = tpu.memref_slice %arg3[%arg0, %arg1, %dma_start3A_22, %dma_start3A_23] : memref<2x16x80x125xi32, #tpu.memory_space<hbm>> -> memref<1x1x8x125xi32, #tpu.memory_space<hbm>>
    %dma_start3A_25 = tpu.memref_squeeze %dma_start3A_24 : memref<1x1x8x125xi32, #tpu.memory_space<hbm>> -> memref<8x125xi32, #tpu.memory_space<hbm>>
    tpu.enqueue_dma source(%dma_start3A_25 : memref<8x125xi32, #tpu.memory_space<hbm>>) target(%dma_start3A_21 : memref<8x125xi32, #tpu.memory_space<vmem>>) target_semaphore(%arg23 : memref<!tpu.dma_semaphore, #tpu.memory_space<semaphore_mem>>)
    %dma_start3A_26 = arith.constant 0 : i32
    %dma_start3A_27 = arith.constant 0 : i32
    %dma_start3A_28 = arith.constant 0 : i32
    %dma_start3A_29 = tpu.memref_slice %arg12[%dma_start3A_26, %dma_start3A_27, %dma_start3A_28] : memref<2x8x125xi32, #tpu.memory_space<vmem>> -> memref<1x8x125xi32, #tpu.memory_space<vmem>>
    %dma_start3A_30 = tpu.memref_squeeze %dma_start3A_29 : memref<1x8x125xi32, #tpu.memory_space<vmem>> -> memref<8x125xi32, #tpu.memory_space<vmem>>
    %dma_start3A_31 = arith.constant 0 : i32
    %dma_start3A_32 = arith.constant 0 : i32
    %dma_start3A_33 = tpu.memref_slice %arg4[%arg0, %arg1, %dma_start3A_31, %dma_start3A_32] : memref<2x16x80x125xi32, #tpu.memory_space<hbm>> -> memref<1x1x8x125xi32, #tpu.memory_space<hbm>>
    %dma_start3A_34 = tpu.memref_squeeze %dma_start3A_33 : memref<1x1x8x125xi32, #tpu.memory_space<hbm>> -> memref<8x125xi32, #tpu.memory_space<hbm>>
    %dma_start3A_35 = arith.constant 0 : i32
    %dma_start3A_36 = arith.constant 0 : i32
    %dma_start3A_37 = tpu.memref_slice %arg12[%dma_start3A_26, %dma_start3A_35, %dma_start3A_36] : memref<2x8x125xi32, #tpu.memory_space<vmem>> -> memref<1x8x125xi32, #tpu.memory_space<vmem>>
    %dma_start3A_38 = tpu.memref_squeeze %dma_start3A_37 : memref<1x8x125xi32, #tpu.memory_space<vmem>> -> memref<8x125xi32, #tpu.memory_space<vmem>>
    %dma_start3A_39 = arith.constant 0 : i32
    %dma_start3A_40 = arith.constant 0 : i32
    %dma_start3A_41 = tpu.memref_slice %arg4[%arg0, %arg1, %dma_start3A_39, %dma_start3A_40] : memref<2x16x80x125xi32, #tpu.memory_space<hbm>> -> memref<1x1x8x125xi32, #tpu.memory_space<hbm>>
    %dma_start3A_42 = tpu.memref_squeeze %dma_start3A_41 : memref<1x1x8x125xi32, #tpu.memory_space<hbm>> -> memref<8x125xi32, #tpu.memory_space<hbm>>
    tpu.enqueue_dma source(%dma_start3A_42 : memref<8x125xi32, #tpu.memory_space<hbm>>) target(%dma_start3A_38 : memref<8x125xi32, #tpu.memory_space<vmem>>) target_semaphore(%arg25 : memref<!tpu.dma_semaphore, #tpu.memory_space<semaphore_mem>>)
    %dma_wait3A = arith.constant 0 : i32
    %dma_wait3A_43 = arith.constant 0 : i32
    %dma_wait3A_44 = arith.constant 0 : i32
    %dma_wait3A_45 = tpu.memref_slice %arg11[%dma_wait3A, %dma_wait3A_43, %dma_wait3A_44] : memref<2x8x125xi32, #tpu.memory_space<vmem>> -> memref<1x8x125xi32, #tpu.memory_space<vmem>>
    %dma_wait3A_46 = tpu.memref_squeeze %dma_wait3A_45 : memref<1x8x125xi32, #tpu.memory_space<vmem>> -> memref<8x125xi32, #tpu.memory_space<vmem>>
    %dma_wait3A_47 = arith.constant 0 : i32
    %dma_wait3A_48 = arith.constant 0 : i32
    %dma_wait3A_49 = tpu.memref_slice %arg3[%arg0, %arg1, %dma_wait3A_47, %dma_wait3A_48] : memref<2x16x80x125xi32, #tpu.memory_space<hbm>> -> memref<1x1x8x125xi32, #tpu.memory_space<hbm>>
    %dma_wait3A_50 = tpu.memref_squeeze %dma_wait3A_49 : memref<1x1x8x125xi32, #tpu.memory_space<hbm>> -> memref<8x125xi32, #tpu.memory_space<hbm>>
    %dma_wait3A_51 = arith.constant 0 : i32
    %dma_wait3A_52 = arith.constant 0 : i32
    %dma_wait3A_53 = tpu.memref_slice %arg11[%dma_wait3A, %dma_wait3A_51, %dma_wait3A_52] : memref<2x8x125xi32, #tpu.memory_space<vmem>> -> memref<1x8x125xi32, #tpu.memory_space<vmem>>
    %dma_wait3A_54 = tpu.memref_squeeze %dma_wait3A_53 : memref<1x8x125xi32, #tpu.memory_space<vmem>> -> memref<8x125xi32, #tpu.memory_space<vmem>>
    %dma_wait3A_55 = arith.constant 0 : i32
    %dma_wait3A_56 = arith.constant 0 : i32
    %dma_wait3A_57 = tpu.memref_slice %arg3[%arg0, %arg1, %dma_wait3A_55, %dma_wait3A_56] : memref<2x16x80x125xi32, #tpu.memory_space<hbm>> -> memref<1x1x8x125xi32, #tpu.memory_space<hbm>>
    %dma_wait3A_58 = tpu.memref_squeeze %dma_wait3A_57 : memref<1x1x8x125xi32, #tpu.memory_space<hbm>> -> memref<8x125xi32, #tpu.memory_space<hbm>>
    tpu.wait_dma2 semaphore(%arg23 : memref<!tpu.dma_semaphore, #tpu.memory_space<semaphore_mem>>) src(%dma_wait3A_58 : memref<8x125xi32, #tpu.memory_space<hbm>>) dst(%dma_wait3A_54 : memref<8x125xi32, #tpu.memory_space<vmem>>)
    %dma_wait3A_59 = arith.constant 0 : i32
    %dma_wait3A_60 = arith.constant 0 : i32
    %dma_wait3A_61 = arith.constant 0 : i32
    %dma_wait3A_62 = tpu.memref_slice %arg12[%dma_wait3A_59, %dma_wait3A_60, %dma_wait3A_61] : memref<2x8x125xi32, #tpu.memory_space<vmem>> -> memref<1x8x125xi32, #tpu.memory_space<vmem>>
    %dma_wait3A_63 = tpu.memref_squeeze %dma_wait3A_62 : memref<1x8x125xi32, #tpu.memory_space<vmem>> -> memref<8x125xi32, #tpu.memory_space<vmem>>
    %dma_wait3A_64 = arith.constant 0 : i32
    %dma_wait3A_65 = arith.constant 0 : i32
    %dma_wait3A_66 = tpu.memref_slice %arg4[%arg0, %arg1, %dma_wait3A_64, %dma_wait3A_65] : memref<2x16x80x125xi32, #tpu.memory_space<hbm>> -> memref<1x1x8x125xi32, #tpu.memory_space<hbm>>
    %dma_wait3A_67 = tpu.memref_squeeze %dma_wait3A_66 : memref<1x1x8x125xi32, #tpu.memory_space<hbm>> -> memref<8x125xi32, #tpu.memory_space<hbm>>
    %dma_wait3A_68 = arith.constant 0 : i32
    %dma_wait3A_69 = arith.constant 0 : i32
    %dma_wait3A_70 = tpu.memref_slice %arg12[%dma_wait3A_59, %dma_wait3A_68, %dma_wait3A_69] : memref<2x8x125xi32, #tpu.memory_space<vmem>> -> memref<1x8x125xi32, #tpu.memory_space<vmem>>
    %dma_wait3A_71 = tpu.memref_squeeze %dma_wait3A_70 : memref<1x8x125xi32, #tpu.memory_space<vmem>> -> memref<8x125xi32, #tpu.memory_space<vmem>>
    %dma_wait3A_72 = arith.constant 0 : i32
    %dma_wait3A_73 = arith.constant 0 : i32
    %dma_wait3A_74 = tpu.memref_slice %arg4[%arg0, %arg1, %dma_wait3A_72, %dma_wait3A_73] : memref<2x16x80x125xi32, #tpu.memory_space<hbm>> -> memref<1x1x8x125xi32, #tpu.memory_space<hbm>>
    %dma_wait3A_75 = tpu.memref_squeeze %dma_wait3A_74 : memref<1x1x8x125xi32, #tpu.memory_space<hbm>> -> memref<8x125xi32, #tpu.memory_space<hbm>>
    tpu.wait_dma2 semaphore(%arg25 : memref<!tpu.dma_semaphore, #tpu.memory_space<semaphore_mem>>) src(%dma_wait3A_75 : memref<8x125xi32, #tpu.memory_space<hbm>>) dst(%dma_wait3A_71 : memref<8x125xi32, #tpu.memory_space<vmem>>)
    %barrier3A = arith.constant 0 : index
    tpu.barrier barrier_id(%barrier3A)
    %dma_start3A_76 = arith.constant 0 : i32
    %dma_start3A_77 = arith.constant 0 : i32
    %dma_start3A_78 = arith.constant 0 : i32
    %dma_start3A_79 = tpu.memref_slice %arg11[%dma_start3A_76, %dma_start3A_77, %dma_start3A_78] : memref<2x8x125xi32, #tpu.memory_space<vmem>> -> memref<1x1x125xi32, #tpu.memory_space<vmem>>
    %dma_start3A_80 = tpu.memref_squeeze %dma_start3A_79 : memref<1x1x125xi32, #tpu.memory_space<vmem>> -> memref<125xi32, #tpu.memory_space<vmem>>
    %dma_start3A_81 = arith.constant 0 : i32
    %dma_start3A_82 = arith.constant 0 : i32
    %dma_start3A_83 = tpu.memref_slice %arg2[%dma_start3A_81, %dma_start3A_82] : memref<10000x128xf32, #tpu.memory_space<hbm>> -> memref<10000x128xf32, #tpu.memory_space<hbm>>
    tpu.enqueue_indirect_dma source(%dma_start3A_83 : memref<10000x128xf32, #tpu.memory_space<hbm>>) target(%arg13 : memref<125x128xf32, #tpu.memory_space<vmem>>) offsets(%dma_start3A_80 : memref<125xi32, #tpu.memory_space<vmem>>) semaphore(%arg17 : memref<!tpu.dma_semaphore, #tpu.memory_space<semaphore_mem>>)
    %scan3A_84 = arith.constant 0 : i32
    %scan3A_85 = arith.constant 0 : i32
    %scan3A_86 = arith.constant 5 : i32
    %scan3A_87 = arith.addi %scan3A_85, %scan3A_86 : i32
    %scan3A_88 = arith.constant 1 : i32
    scf.for %scan3A_106 = %scan3A_85 to %scan3A_87 step %scan3A_88  : i32 {
      %dma_wait3A_107 = arith.constant 0 : i32
      %dma_wait3A_108 = arith.constant 0 : i32
      %dma_wait3A_109 = arith.constant 0 : i32
      %dma_wait3A_110 = tpu.memref_slice %arg11[%dma_wait3A_107, %dma_wait3A_108, %dma_wait3A_109] : memref<2x8x125xi32, #tpu.memory_space<vmem>> -> memref<1x1x125xi32, #tpu.memory_space<vmem>>
      %dma_wait3A_111 = tpu.memref_squeeze %dma_wait3A_110 : memref<1x1x125xi32, #tpu.memory_space<vmem>> -> memref<125xi32, #tpu.memory_space<vmem>>
      %dma_wait3A_112 = arith.constant 0 : i32
      %dma_wait3A_113 = arith.constant 0 : i32
      %dma_wait3A_114 = tpu.memref_slice %arg2[%dma_wait3A_112, %dma_wait3A_113] : memref<10000x128xf32, #tpu.memory_space<hbm>> -> memref<10000x128xf32, #tpu.memory_space<hbm>>
      tpu.wait_indirect_dma semaphore(%arg17 : memref<!tpu.dma_semaphore, #tpu.memory_space<semaphore_mem>>) src(%dma_wait3A_114 : memref<10000x128xf32, #tpu.memory_space<hbm>>) dst(%arg13 : memref<125x128xf32, #tpu.memory_space<vmem>>)
      %dma_start3A_115 = arith.constant 0 : i32
      %dma_start3A_116 = arith.constant 0 : i32
      %dma_start3A_117 = arith.constant 0 : i32
      %dma_start3A_118 = tpu.memref_slice %arg12[%dma_start3A_115, %dma_start3A_116, %dma_start3A_117] : memref<2x8x125xi32, #tpu.memory_space<vmem>> -> memref<1x1x125xi32, #tpu.memory_space<vmem>>
      %dma_start3A_119 = tpu.memref_squeeze %dma_start3A_118 : memref<1x1x125xi32, #tpu.memory_space<vmem>> -> memref<125xi32, #tpu.memory_space<vmem>>
      %dma_start3A_120 = arith.constant 0 : i32
      %dma_start3A_121 = arith.constant 0 : i32
      %dma_start3A_122 = tpu.memref_slice %arg27[%dma_start3A_120, %dma_start3A_121] : memref<10000x128xf32, #tpu.memory_space<vmem_shared>> -> memref<10000x128xf32, #tpu.memory_space<vmem_shared>>
      tpu.enqueue_indirect_dma source(%arg13 : memref<125x128xf32, #tpu.memory_space<vmem>>) target(%dma_start3A_122 : memref<10000x128xf32, #tpu.memory_space<vmem_shared>>) offsets(%dma_start3A_119 : memref<125xi32, #tpu.memory_space<vmem>>) semaphore(%arg19 : memref<!tpu.dma_semaphore, #tpu.memory_space<semaphore_mem>>) {add = true}
      %convert_element_type3A_123 = arith.extui %gt3A_4 : i1 to i32
      %cond3A_124 = arith.constant 0 : i32
      %cond3A_125 = arith.cmpi ne, %convert_element_type3A_123, %cond3A_124 : i32
      scf.if %cond3A_125 {
        %dma_start3A_779 = arith.constant 0 : i32
        %dma_start3A_780 = arith.constant 0 : i32
        %dma_start3A_781 = arith.constant 0 : i32
        %dma_start3A_782 = tpu.memref_slice %arg12[%dma_start3A_779, %dma_start3A_780, %dma_start3A_781] : memref<2x8x125xi32, #tpu.memory_space<vmem>> -> memref<1x1x125xi32, #tpu.memory_space<vmem>>
        %dma_start3A_783 = tpu.memref_squeeze %dma_start3A_782 : memref<1x1x125xi32, #tpu.memory_space<vmem>> -> memref<125xi32, #tpu.memory_space<vmem>>
        %dma_start3A_784 = arith.constant 0 : i32
        %dma_start3A_785 = arith.constant 0 : i32
        %dma_start3A_786 = tpu.memref_slice %arg28[%dma_start3A_784, %dma_start3A_785] : memref<10000x16xf32, #tpu.memory_space<vmem_shared>> -> memref<10000x16xf32, #tpu.memory_space<vmem_shared>>
        tpu.enqueue_indirect_dma source(%arg15 : memref<125x16xf32, #tpu.memory_space<vmem>>) target(%dma_start3A_786 : memref<10000x16xf32, #tpu.memory_space<vmem_shared>>) offsets(%dma_start3A_783 : memref<125xi32, #tpu.memory_space<vmem>>) semaphore(%arg21 : memref<!tpu.dma_semaphore, #tpu.memory_space<semaphore_mem>>) {add = true}
      } else {
      }
      %ge3A = arith.constant 1 : i32
      %ge3A_126 = arith.cmpi sge, %scan3A_106, %ge3A : i32
      %convert_element_type3A_127 = arith.extui %ge3A_126 : i1 to i32
      %cond3A_128 = arith.constant 0 : i32
      %cond3A_129 = arith.cmpi ne, %convert_element_type3A_127, %cond3A_128 : i32
      scf.if %cond3A_129 {
        %dma_wait3A_779 = arith.constant 0 : i32
        %dma_wait3A_780 = arith.constant 0 : i32
        %dma_wait3A_781 = arith.constant 0 : i32
        %dma_wait3A_782 = tpu.memref_slice %arg12[%dma_wait3A_779, %dma_wait3A_780, %dma_wait3A_781] : memref<2x8x125xi32, #tpu.memory_space<vmem>> -> memref<1x1x125xi32, #tpu.memory_space<vmem>>
        %dma_wait3A_783 = tpu.memref_squeeze %dma_wait3A_782 : memref<1x1x125xi32, #tpu.memory_space<vmem>> -> memref<125xi32, #tpu.memory_space<vmem>>
        %dma_wait3A_784 = arith.constant 0 : i32
        %dma_wait3A_785 = arith.constant 0 : i32
        %dma_wait3A_786 = tpu.memref_slice %arg27[%dma_wait3A_784, %dma_wait3A_785] : memref<10000x128xf32, #tpu.memory_space<vmem_shared>> -> memref<10000x128xf32, #tpu.memory_space<vmem_shared>>
        tpu.wait_indirect_dma semaphore(%arg20 : memref<!tpu.dma_semaphore, #tpu.memory_space<semaphore_mem>>) src(%arg14 : memref<125x128xf32, #tpu.memory_space<vmem>>) dst(%dma_wait3A_786 : memref<10000x128xf32, #tpu.memory_space<vmem_shared>>)
        %convert_element_type3A_787 = arith.extui %gt3A_4 : i1 to i32
        %cond3A_788 = arith.constant 0 : i32
        %cond3A_789 = arith.cmpi ne, %convert_element_type3A_787, %cond3A_788 : i32
        scf.if %cond3A_789 {
          %dma_wait3A_790 = arith.constant 0 : i32
          %dma_wait3A_791 = arith.constant 0 : i32
          %dma_wait3A_792 = arith.constant 0 : i32
          %dma_wait3A_793 = tpu.memref_slice %arg12[%dma_wait3A_790, %dma_wait3A_791, %dma_wait3A_792] : memref<2x8x125xi32, #tpu.memory_space<vmem>> -> memref<1x1x125xi32, #tpu.memory_space<vmem>>
          %dma_wait3A_794 = tpu.memref_squeeze %dma_wait3A_793 : memref<1x1x125xi32, #tpu.memory_space<vmem>> -> memref<125xi32, #tpu.memory_space<vmem>>
          %dma_wait3A_795 = arith.constant 0 : i32
          %dma_wait3A_796 = arith.constant 0 : i32
          %dma_wait3A_797 = tpu.memref_slice %arg28[%dma_wait3A_795, %dma_wait3A_796] : memref<10000x16xf32, #tpu.memory_space<vmem_shared>> -> memref<10000x16xf32, #tpu.memory_space<vmem_shared>>
          tpu.wait_indirect_dma semaphore(%arg22 : memref<!tpu.dma_semaphore, #tpu.memory_space<semaphore_mem>>) src(%arg15 : memref<125x16xf32, #tpu.memory_space<vmem>>) dst(%dma_wait3A_797 : memref<10000x16xf32, #tpu.memory_space<vmem_shared>>)
        } else {
        }
      } else {
      }
      %dma_start3A_130 = arith.constant 0 : i32
      %dma_start3A_131 = arith.constant 1 : i32
      %dma_start3A_132 = arith.constant 0 : i32
      %dma_start3A_133 = tpu.memref_slice %arg11[%dma_start3A_130, %dma_start3A_131, %dma_start3A_132] : memref<2x8x125xi32, #tpu.memory_space<vmem>> -> memref<1x1x125xi32, #tpu.memory_space<vmem>>
      %dma_start3A_134 = tpu.memref_squeeze %dma_start3A_133 : memref<1x1x125xi32, #tpu.memory_space<vmem>> -> memref<125xi32, #tpu.memory_space<vmem>>
      %dma_start3A_135 = arith.constant 0 : i32
      %dma_start3A_136 = arith.constant 0 : i32
      %dma_start3A_137 = tpu.memref_slice %arg2[%dma_start3A_135, %dma_start3A_136] : memref<10000x128xf32, #tpu.memory_space<hbm>> -> memref<10000x128xf32, #tpu.memory_space<hbm>>
      tpu.enqueue_indirect_dma source(%dma_start3A_137 : memref<10000x128xf32, #tpu.memory_space<hbm>>) target(%arg14 : memref<125x128xf32, #tpu.memory_space<vmem>>) offsets(%dma_start3A_134 : memref<125xi32, #tpu.memory_space<vmem>>) semaphore(%arg18 : memref<!tpu.dma_semaphore, #tpu.memory_space<semaphore_mem>>)
      %dma_wait3A_138 = arith.constant 0 : i32
      %dma_wait3A_139 = arith.constant 0 : i32
      %dma_wait3A_140 = arith.constant 0 : i32
      %dma_wait3A_141 = tpu.memref_slice %arg11[%dma_wait3A_138, %dma_wait3A_139, %dma_wait3A_140] : memref<2x8x125xi32, #tpu.memory_space<vmem>> -> memref<1x1x125xi32, #tpu.memory_space<vmem>>
      %dma_wait3A_142 = tpu.memref_squeeze %dma_wait3A_141 : memref<1x1x125xi32, #tpu.memory_space<vmem>> -> memref<125xi32, #tpu.memory_space<vmem>>
      %dma_wait3A_143 = arith.constant 0 : i32
      %dma_wait3A_144 = arith.constant 0 : i32
      %dma_wait3A_145 = tpu.memref_slice %arg2[%dma_wait3A_143, %dma_wait3A_144] : memref<10000x128xf32, #tpu.memory_space<hbm>> -> memref<10000x128xf32, #tpu.memory_space<hbm>>
      tpu.wait_indirect_dma semaphore(%arg18 : memref<!tpu.dma_semaphore, #tpu.memory_space<semaphore_mem>>) src(%dma_wait3A_145 : memref<10000x128xf32, #tpu.memory_space<hbm>>) dst(%arg14 : memref<125x128xf32, #tpu.memory_space<vmem>>)
      %dma_start3A_146 = arith.constant 0 : i32
      %dma_start3A_147 = arith.constant 1 : i32
      %dma_start3A_148 = arith.constant 0 : i32
      %dma_start3A_149 = tpu.memref_slice %arg12[%dma_start3A_146, %dma_start3A_147, %dma_start3A_148] : memref<2x8x125xi32, #tpu.memory_space<vmem>> -> memref<1x1x125xi32, #tpu.memory_space<vmem>>
      %dma_start3A_150 = tpu.memref_squeeze %dma_start3A_149 : memref<1x1x125xi32, #tpu.memory_space<vmem>> -> memref<125xi32, #tpu.memory_space<vmem>>
      %dma_start3A_151 = arith.constant 0 : i32
      %dma_start3A_152 = arith.constant 0 : i32
      %dma_start3A_153 = tpu.memref_slice %arg27[%dma_start3A_151, %dma_start3A_152] : memref<10000x128xf32, #tpu.memory_space<vmem_shared>> -> memref<10000x128xf32, #tpu.memory_space<vmem_shared>>
      tpu.enqueue_indirect_dma source(%arg14 : memref<125x128xf32, #tpu.memory_space<vmem>>) target(%dma_start3A_153 : memref<10000x128xf32, #tpu.memory_space<vmem_shared>>) offsets(%dma_start3A_150 : memref<125xi32, #tpu.memory_space<vmem>>) semaphore(%arg20 : memref<!tpu.dma_semaphore, #tpu.memory_space<semaphore_mem>>) {add = true}
      %convert_element_type3A_154 = arith.extui %gt3A_4 : i1 to i32
      %cond3A_155 = arith.constant 0 : i32
      %cond3A_156 = arith.cmpi ne, %convert_element_type3A_154, %cond3A_155 : i32
      scf.if %cond3A_156 {
        %dma_start3A_779 = arith.constant 0 : i32
        %dma_start3A_780 = arith.constant 1 : i32
        %dma_start3A_781 = arith.constant 0 : i32
        %dma_start3A_782 = tpu.memref_slice %arg12[%dma_start3A_779, %dma_start3A_780, %dma_start3A_781] : memref<2x8x125xi32, #tpu.memory_space<vmem>> -> memref<1x1x125xi32, #tpu.memory_space<vmem>>
        %dma_start3A_783 = tpu.memref_squeeze %dma_start3A_782 : memref<1x1x125xi32, #tpu.memory_space<vmem>> -> memref<125xi32, #tpu.memory_space<vmem>>
        %dma_start3A_784 = arith.constant 0 : i32
        %dma_start3A_785 = arith.constant 0 : i32
        %dma_start3A_786 = tpu.memref_slice %arg28[%dma_start3A_784, %dma_start3A_785] : memref<10000x16xf32, #tpu.memory_space<vmem_shared>> -> memref<10000x16xf32, #tpu.memory_space<vmem_shared>>
        tpu.enqueue_indirect_dma source(%arg15 : memref<125x16xf32, #tpu.memory_space<vmem>>) target(%dma_start3A_786 : memref<10000x16xf32, #tpu.memory_space<vmem_shared>>) offsets(%dma_start3A_783 : memref<125xi32, #tpu.memory_space<vmem>>) semaphore(%arg22 : memref<!tpu.dma_semaphore, #tpu.memory_space<semaphore_mem>>) {add = true}
      } else {
      }
      %dma_wait3A_157 = arith.constant 0 : i32
      %dma_wait3A_158 = arith.constant 0 : i32
      %dma_wait3A_159 = arith.constant 0 : i32
      %dma_wait3A_160 = tpu.memref_slice %arg12[%dma_wait3A_157, %dma_wait3A_158, %dma_wait3A_159] : memref<2x8x125xi32, #tpu.memory_space<vmem>> -> memref<1x1x125xi32, #tpu.memory_space<vmem>>
      %dma_wait3A_161 = tpu.memref_squeeze %dma_wait3A_160 : memref<1x1x125xi32, #tpu.memory_space<vmem>> -> memref<125xi32, #tpu.memory_space<vmem>>
      %dma_wait3A_162 = arith.constant 0 : i32
      %dma_wait3A_163 = arith.constant 0 : i32
      %dma_wait3A_164 = tpu.memref_slice %arg27[%dma_wait3A_162, %dma_wait3A_163] : memref<10000x128xf32, #tpu.memory_space<vmem_shared>> -> memref<10000x128xf32, #tpu.memory_space<vmem_shared>>
      tpu.wait_indirect_dma semaphore(%arg19 : memref<!tpu.dma_semaphore, #tpu.memory_space<semaphore_mem>>) src(%arg13 : memref<125x128xf32, #tpu.memory_space<vmem>>) dst(%dma_wait3A_164 : memref<10000x128xf32, #tpu.memory_space<vmem_shared>>)
      %convert_element_type3A_165 = arith.extui %gt3A_4 : i1 to i32
      %cond3A_166 = arith.constant 0 : i32
      %cond3A_167 = arith.cmpi ne, %convert_element_type3A_165, %cond3A_166 : i32
      scf.if %cond3A_167 {
        %dma_wait3A_779 = arith.constant 0 : i32
        %dma_wait3A_780 = arith.constant 0 : i32
        %dma_wait3A_781 = arith.constant 0 : i32
        %dma_wait3A_782 = tpu.memref_slice %arg12[%dma_wait3A_779, %dma_wait3A_780, %dma_wait3A_781] : memref<2x8x125xi32, #tpu.memory_space<vmem>> -> memref<1x1x125xi32, #tpu.memory_space<vmem>>
        %dma_wait3A_783 = tpu.memref_squeeze %dma_wait3A_782 : memref<1x1x125xi32, #tpu.memory_space<vmem>> -> memref<125xi32, #tpu.memory_space<vmem>>
        %dma_wait3A_784 = arith.constant 0 : i32
        %dma_wait3A_785 = arith.constant 0 : i32
        %dma_wait3A_786 = tpu.memref_slice %arg28[%dma_wait3A_784, %dma_wait3A_785] : memref<10000x16xf32, #tpu.memory_space<vmem_shared>> -> memref<10000x16xf32, #tpu.memory_space<vmem_shared>>
        tpu.wait_indirect_dma semaphore(%arg21 : memref<!tpu.dma_semaphore, #tpu.memory_space<semaphore_mem>>) src(%arg15 : memref<125x16xf32, #tpu.memory_space<vmem>>) dst(%dma_wait3A_786 : memref<10000x16xf32, #tpu.memory_space<vmem_shared>>)
      } else {
      }
      %dma_start3A_168 = arith.constant 0 : i32
      %dma_start3A_169 = arith.constant 2 : i32
      %dma_start3A_170 = arith.constant 0 : i32
      %dma_start3A_171 = tpu.memref_slice %arg11[%dma_start3A_168, %dma_start3A_169, %dma_start3A_170] : memref<2x8x125xi32, #tpu.memory_space<vmem>> -> memref<1x1x125xi32, #tpu.memory_space<vmem>>
      %dma_start3A_172 = tpu.memref_squeeze %dma_start3A_171 : memref<1x1x125xi32, #tpu.memory_space<vmem>> -> memref<125xi32, #tpu.memory_space<vmem>>
      %dma_start3A_173 = arith.constant 0 : i32
      %dma_start3A_174 = arith.constant 0 : i32
      %dma_start3A_175 = tpu.memref_slice %arg2[%dma_start3A_173, %dma_start3A_174] : memref<10000x128xf32, #tpu.memory_space<hbm>> -> memref<10000x128xf32, #tpu.memory_space<hbm>>
      tpu.enqueue_indirect_dma source(%dma_start3A_175 : memref<10000x128xf32, #tpu.memory_space<hbm>>) target(%arg13 : memref<125x128xf32, #tpu.memory_space<vmem>>) offsets(%dma_start3A_172 : memref<125xi32, #tpu.memory_space<vmem>>) semaphore(%arg17 : memref<!tpu.dma_semaphore, #tpu.memory_space<semaphore_mem>>)
      %dma_wait3A_176 = arith.constant 0 : i32
      %dma_wait3A_177 = arith.constant 0 : i32
      %dma_wait3A_178 = arith.constant 0 : i32
      %dma_wait3A_179 = tpu.memref_slice %arg11[%dma_wait3A_176, %dma_wait3A_177, %dma_wait3A_178] : memref<2x8x125xi32, #tpu.memory_space<vmem>> -> memref<1x1x125xi32, #tpu.memory_space<vmem>>
      %dma_wait3A_180 = tpu.memref_squeeze %dma_wait3A_179 : memref<1x1x125xi32, #tpu.memory_space<vmem>> -> memref<125xi32, #tpu.memory_space<vmem>>
      %dma_wait3A_181 = arith.constant 0 : i32
      %dma_wait3A_182 = arith.constant 0 : i32
      %dma_wait3A_183 = tpu.memref_slice %arg2[%dma_wait3A_181, %dma_wait3A_182] : memref<10000x128xf32, #tpu.memory_space<hbm>> -> memref<10000x128xf32, #tpu.memory_space<hbm>>
      tpu.wait_indirect_dma semaphore(%arg17 : memref<!tpu.dma_semaphore, #tpu.memory_space<semaphore_mem>>) src(%dma_wait3A_183 : memref<10000x128xf32, #tpu.memory_space<hbm>>) dst(%arg13 : memref<125x128xf32, #tpu.memory_space<vmem>>)
      %dma_start3A_184 = arith.constant 0 : i32
      %dma_start3A_185 = arith.constant 2 : i32
      %dma_start3A_186 = arith.constant 0 : i32
      %dma_start3A_187 = tpu.memref_slice %arg12[%dma_start3A_184, %dma_start3A_185, %dma_start3A_186] : memref<2x8x125xi32, #tpu.memory_space<vmem>> -> memref<1x1x125xi32, #tpu.memory_space<vmem>>
      %dma_start3A_188 = tpu.memref_squeeze %dma_start3A_187 : memref<1x1x125xi32, #tpu.memory_space<vmem>> -> memref<125xi32, #tpu.memory_space<vmem>>
      %dma_start3A_189 = arith.constant 0 : i32
      %dma_start3A_190 = arith.constant 0 : i32
      %dma_start3A_191 = tpu.memref_slice %arg27[%dma_start3A_189, %dma_start3A_190] : memref<10000x128xf32, #tpu.memory_space<vmem_shared>> -> memref<10000x128xf32, #tpu.memory_space<vmem_shared>>
      tpu.enqueue_indirect_dma source(%arg13 : memref<125x128xf32, #tpu.memory_space<vmem>>) target(%dma_start3A_191 : memref<10000x128xf32, #tpu.memory_space<vmem_shared>>) offsets(%dma_start3A_188 : memref<125xi32, #tpu.memory_space<vmem>>) semaphore(%arg19 : memref<!tpu.dma_semaphore, #tpu.memory_space<semaphore_mem>>) {add = true}
      %convert_element_type3A_192 = arith.extui %gt3A_4 : i1 to i32
      %cond3A_193 = arith.constant 0 : i32
      %cond3A_194 = arith.cmpi ne, %convert_element_type3A_192, %cond3A_193 : i32
      scf.if %cond3A_194 {
        %dma_start3A_779 = arith.constant 0 : i32
        %dma_start3A_780 = arith.constant 2 : i32
        %dma_start3A_781 = arith.constant 0 : i32
        %dma_start3A_782 = tpu.memref_slice %arg12[%dma_start3A_779, %dma_start3A_780, %dma_start3A_781] : memref<2x8x125xi32, #tpu.memory_space<vmem>> -> memref<1x1x125xi32, #tpu.memory_space<vmem>>
        %dma_start3A_783 = tpu.memref_squeeze %dma_start3A_782 : memref<1x1x125xi32, #tpu.memory_space<vmem>> -> memref<125xi32, #tpu.memory_space<vmem>>
        %dma_start3A_784 = arith.constant 0 : i32
        %dma_start3A_785 = arith.constant 0 : i32
        %dma_start3A_786 = tpu.memref_slice %arg28[%dma_start3A_784, %dma_start3A_785] : memref<10000x16xf32, #tpu.memory_space<vmem_shared>> -> memref<10000x16xf32, #tpu.memory_space<vmem_shared>>
        tpu.enqueue_indirect_dma source(%arg15 : memref<125x16xf32, #tpu.memory_space<vmem>>) target(%dma_start3A_786 : memref<10000x16xf32, #tpu.memory_space<vmem_shared>>) offsets(%dma_start3A_783 : memref<125xi32, #tpu.memory_space<vmem>>) semaphore(%arg21 : memref<!tpu.dma_semaphore, #tpu.memory_space<semaphore_mem>>) {add = true}
      } else {
      }
      %mul3A = arith.constant 2 : i32
      %mul3A_195 = arith.muli %mul3A, %scan3A_106 : i32
      %add3A = arith.constant 1 : i32
      %add3A_196 = arith.addi %mul3A_195, %add3A : i32
      %mul3A_197 = arith.constant 8 : i32
      %mul3A_198 = arith.muli %add3A_196, %mul3A_197 : i32
      %dma_start3A_199 = arith.constant 1 : i32
      %dma_start3A_200 = arith.constant 0 : i32
      %dma_start3A_201 = arith.constant 0 : i32
      %dma_start3A_202 = tpu.memref_slice %arg11[%dma_start3A_199, %dma_start3A_200, %dma_start3A_201] : memref<2x8x125xi32, #tpu.memory_space<vmem>> -> memref<1x8x125xi32, #tpu.memory_space<vmem>>
      %dma_start3A_203 = tpu.memref_squeeze %dma_start3A_202 : memref<1x8x125xi32, #tpu.memory_space<vmem>> -> memref<8x125xi32, #tpu.memory_space<vmem>>
      %dma_start3A_204 = arith.constant 0 : i32
      %dma_start3A_205 = tpu.memref_slice %arg3[%arg0, %arg1, %mul3A_198, %dma_start3A_204] : memref<2x16x80x125xi32, #tpu.memory_space<hbm>> -> memref<1x1x8x125xi32, #tpu.memory_space<hbm>>
      %dma_start3A_206 = tpu.memref_squeeze %dma_start3A_205 : memref<1x1x8x125xi32, #tpu.memory_space<hbm>> -> memref<8x125xi32, #tpu.memory_space<hbm>>
      %dma_start3A_207 = arith.constant 0 : i32
      %dma_start3A_208 = arith.constant 0 : i32
      %dma_start3A_209 = tpu.memref_slice %arg11[%dma_start3A_199, %dma_start3A_207, %dma_start3A_208] : memref<2x8x125xi32, #tpu.memory_space<vmem>> -> memref<1x8x125xi32, #tpu.memory_space<vmem>>
      %dma_start3A_210 = tpu.memref_squeeze %dma_start3A_209 : memref<1x8x125xi32, #tpu.memory_space<vmem>> -> memref<8x125xi32, #tpu.memory_space<vmem>>
      %dma_start3A_211 = arith.constant 0 : i32
      %dma_start3A_212 = tpu.memref_slice %arg3[%arg0, %arg1, %mul3A_198, %dma_start3A_211] : memref<2x16x80x125xi32, #tpu.memory_space<hbm>> -> memref<1x1x8x125xi32, #tpu.memory_space<hbm>>
      %dma_start3A_213 = tpu.memref_squeeze %dma_start3A_212 : memref<1x1x8x125xi32, #tpu.memory_space<hbm>> -> memref<8x125xi32, #tpu.memory_space<hbm>>
      tpu.enqueue_dma source(%dma_start3A_213 : memref<8x125xi32, #tpu.memory_space<hbm>>) target(%dma_start3A_210 : memref<8x125xi32, #tpu.memory_space<vmem>>) target_semaphore(%arg24 : memref<!tpu.dma_semaphore, #tpu.memory_space<semaphore_mem>>)
      %mul3A_214 = arith.constant 8 : i32
      %mul3A_215 = arith.muli %add3A_196, %mul3A_214 : i32
      %dma_start3A_216 = arith.constant 1 : i32
      %dma_start3A_217 = arith.constant 0 : i32
      %dma_start3A_218 = arith.constant 0 : i32
      %dma_start3A_219 = tpu.memref_slice %arg12[%dma_start3A_216, %dma_start3A_217, %dma_start3A_218] : memref<2x8x125xi32, #tpu.memory_space<vmem>> -> memref<1x8x125xi32, #tpu.memory_space<vmem>>
      %dma_start3A_220 = tpu.memref_squeeze %dma_start3A_219 : memref<1x8x125xi32, #tpu.memory_space<vmem>> -> memref<8x125xi32, #tpu.memory_space<vmem>>
      %dma_start3A_221 = arith.constant 0 : i32
      %dma_start3A_222 = tpu.memref_slice %arg4[%arg0, %arg1, %mul3A_215, %dma_start3A_221] : memref<2x16x80x125xi32, #tpu.memory_space<hbm>> -> memref<1x1x8x125xi32, #tpu.memory_space<hbm>>
      %dma_start3A_223 = tpu.memref_squeeze %dma_start3A_222 : memref<1x1x8x125xi32, #tpu.memory_space<hbm>> -> memref<8x125xi32, #tpu.memory_space<hbm>>
      %dma_start3A_224 = arith.constant 0 : i32
      %dma_start3A_225 = arith.constant 0 : i32
      %dma_start3A_226 = tpu.memref_slice %arg12[%dma_start3A_216, %dma_start3A_224, %dma_start3A_225] : memref<2x8x125xi32, #tpu.memory_space<vmem>> -> memref<1x8x125xi32, #tpu.memory_space<vmem>>
      %dma_start3A_227 = tpu.memref_squeeze %dma_start3A_226 : memref<1x8x125xi32, #tpu.memory_space<vmem>> -> memref<8x125xi32, #tpu.memory_space<vmem>>
      %dma_start3A_228 = arith.constant 0 : i32
      %dma_start3A_229 = tpu.memref_slice %arg4[%arg0, %arg1, %mul3A_215, %dma_start3A_228] : memref<2x16x80x125xi32, #tpu.memory_space<hbm>> -> memref<1x1x8x125xi32, #tpu.memory_space<hbm>>
      %dma_start3A_230 = tpu.memref_squeeze %dma_start3A_229 : memref<1x1x8x125xi32, #tpu.memory_space<hbm>> -> memref<8x125xi32, #tpu.memory_space<hbm>>
      tpu.enqueue_dma source(%dma_start3A_230 : memref<8x125xi32, #tpu.memory_space<hbm>>) target(%dma_start3A_227 : memref<8x125xi32, #tpu.memory_space<vmem>>) target_semaphore(%arg26 : memref<!tpu.dma_semaphore, #tpu.memory_space<semaphore_mem>>)
      %dma_wait3A_231 = arith.constant 0 : i32
      %dma_wait3A_232 = arith.constant 0 : i32
      %dma_wait3A_233 = arith.constant 0 : i32
      %dma_wait3A_234 = tpu.memref_slice %arg12[%dma_wait3A_231, %dma_wait3A_232, %dma_wait3A_233] : memref<2x8x125xi32, #tpu.memory_space<vmem>> -> memref<1x1x125xi32, #tpu.memory_space<vmem>>
      %dma_wait3A_235 = tpu.memref_squeeze %dma_wait3A_234 : memref<1x1x125xi32, #tpu.memory_space<vmem>> -> memref<125xi32, #tpu.memory_space<vmem>>
      %dma_wait3A_236 = arith.constant 0 : i32
      %dma_wait3A_237 = arith.constant 0 : i32
      %dma_wait3A_238 = tpu.memref_slice %arg27[%dma_wait3A_236, %dma_wait3A_237] : memref<10000x128xf32, #tpu.memory_space<vmem_shared>> -> memref<10000x128xf32, #tpu.memory_space<vmem_shared>>
      tpu.wait_indirect_dma semaphore(%arg20 : memref<!tpu.dma_semaphore, #tpu.memory_space<semaphore_mem>>) src(%arg14 : memref<125x128xf32, #tpu.memory_space<vmem>>) dst(%dma_wait3A_238 : memref<10000x128xf32, #tpu.memory_space<vmem_shared>>)
      %convert_element_type3A_239 = arith.extui %gt3A_4 : i1 to i32
      %cond3A_240 = arith.constant 0 : i32
      %cond3A_241 = arith.cmpi ne, %convert_element_type3A_239, %cond3A_240 : i32
      scf.if %cond3A_241 {
        %dma_wait3A_779 = arith.constant 0 : i32
        %dma_wait3A_780 = arith.constant 0 : i32
        %dma_wait3A_781 = arith.constant 0 : i32
        %dma_wait3A_782 = tpu.memref_slice %arg12[%dma_wait3A_779, %dma_wait3A_780, %dma_wait3A_781] : memref<2x8x125xi32, #tpu.memory_space<vmem>> -> memref<1x1x125xi32, #tpu.memory_space<vmem>>
        %dma_wait3A_783 = tpu.memref_squeeze %dma_wait3A_782 : memref<1x1x125xi32, #tpu.memory_space<vmem>> -> memref<125xi32, #tpu.memory_space<vmem>>
        %dma_wait3A_784 = arith.constant 0 : i32
        %dma_wait3A_785 = arith.constant 0 : i32
        %dma_wait3A_786 = tpu.memref_slice %arg28[%dma_wait3A_784, %dma_wait3A_785] : memref<10000x16xf32, #tpu.memory_space<vmem_shared>> -> memref<10000x16xf32, #tpu.memory_space<vmem_shared>>
        tpu.wait_indirect_dma semaphore(%arg22 : memref<!tpu.dma_semaphore, #tpu.memory_space<semaphore_mem>>) src(%arg15 : memref<125x16xf32, #tpu.memory_space<vmem>>) dst(%dma_wait3A_786 : memref<10000x16xf32, #tpu.memory_space<vmem_shared>>)
      } else {
      }
      %dma_start3A_242 = arith.constant 0 : i32
      %dma_start3A_243 = arith.constant 3 : i32
      %dma_start3A_244 = arith.constant 0 : i32
      %dma_start3A_245 = tpu.memref_slice %arg11[%dma_start3A_242, %dma_start3A_243, %dma_start3A_244] : memref<2x8x125xi32, #tpu.memory_space<vmem>> -> memref<1x1x125xi32, #tpu.memory_space<vmem>>
      %dma_start3A_246 = tpu.memref_squeeze %dma_start3A_245 : memref<1x1x125xi32, #tpu.memory_space<vmem>> -> memref<125xi32, #tpu.memory_space<vmem>>
      %dma_start3A_247 = arith.constant 0 : i32
      %dma_start3A_248 = arith.constant 0 : i32
      %dma_start3A_249 = tpu.memref_slice %arg2[%dma_start3A_247, %dma_start3A_248] : memref<10000x128xf32, #tpu.memory_space<hbm>> -> memref<10000x128xf32, #tpu.memory_space<hbm>>
      tpu.enqueue_indirect_dma source(%dma_start3A_249 : memref<10000x128xf32, #tpu.memory_space<hbm>>) target(%arg14 : memref<125x128xf32, #tpu.memory_space<vmem>>) offsets(%dma_start3A_246 : memref<125xi32, #tpu.memory_space<vmem>>) semaphore(%arg18 : memref<!tpu.dma_semaphore, #tpu.memory_space<semaphore_mem>>)
      %dma_wait3A_250 = arith.constant 0 : i32
      %dma_wait3A_251 = arith.constant 0 : i32
      %dma_wait3A_252 = arith.constant 0 : i32
      %dma_wait3A_253 = tpu.memref_slice %arg11[%dma_wait3A_250, %dma_wait3A_251, %dma_wait3A_252] : memref<2x8x125xi32, #tpu.memory_space<vmem>> -> memref<1x1x125xi32, #tpu.memory_space<vmem>>
      %dma_wait3A_254 = tpu.memref_squeeze %dma_wait3A_253 : memref<1x1x125xi32, #tpu.memory_space<vmem>> -> memref<125xi32, #tpu.memory_space<vmem>>
      %dma_wait3A_255 = arith.constant 0 : i32
      %dma_wait3A_256 = arith.constant 0 : i32
      %dma_wait3A_257 = tpu.memref_slice %arg2[%dma_wait3A_255, %dma_wait3A_256] : memref<10000x128xf32, #tpu.memory_space<hbm>> -> memref<10000x128xf32, #tpu.memory_space<hbm>>
      tpu.wait_indirect_dma semaphore(%arg18 : memref<!tpu.dma_semaphore, #tpu.memory_space<semaphore_mem>>) src(%dma_wait3A_257 : memref<10000x128xf32, #tpu.memory_space<hbm>>) dst(%arg14 : memref<125x128xf32, #tpu.memory_space<vmem>>)
      %dma_start3A_258 = arith.constant 0 : i32
      %dma_start3A_259 = arith.constant 3 : i32
      %dma_start3A_260 = arith.constant 0 : i32
      %dma_start3A_261 = tpu.memref_slice %arg12[%dma_start3A_258, %dma_start3A_259, %dma_start3A_260] : memref<2x8x125xi32, #tpu.memory_space<vmem>> -> memref<1x1x125xi32, #tpu.memory_space<vmem>>
      %dma_start3A_262 = tpu.memref_squeeze %dma_start3A_261 : memref<1x1x125xi32, #tpu.memory_space<vmem>> -> memref<125xi32, #tpu.memory_space<vmem>>
      %dma_start3A_263 = arith.constant 0 : i32
      %dma_start3A_264 = arith.constant 0 : i32
      %dma_start3A_265 = tpu.memref_slice %arg27[%dma_start3A_263, %dma_start3A_264] : memref<10000x128xf32, #tpu.memory_space<vmem_shared>> -> memref<10000x128xf32, #tpu.memory_space<vmem_shared>>
      tpu.enqueue_indirect_dma source(%arg14 : memref<125x128xf32, #tpu.memory_space<vmem>>) target(%dma_start3A_265 : memref<10000x128xf32, #tpu.memory_space<vmem_shared>>) offsets(%dma_start3A_262 : memref<125xi32, #tpu.memory_space<vmem>>) semaphore(%arg20 : memref<!tpu.dma_semaphore, #tpu.memory_space<semaphore_mem>>) {add = true}
      %convert_element_type3A_266 = arith.extui %gt3A_4 : i1 to i32
      %cond3A_267 = arith.constant 0 : i32
      %cond3A_268 = arith.cmpi ne, %convert_element_type3A_266, %cond3A_267 : i32
      scf.if %cond3A_268 {
        %dma_start3A_779 = arith.constant 0 : i32
        %dma_start3A_780 = arith.constant 3 : i32
        %dma_start3A_781 = arith.constant 0 : i32
        %dma_start3A_782 = tpu.memref_slice %arg12[%dma_start3A_779, %dma_start3A_780, %dma_start3A_781] : memref<2x8x125xi32, #tpu.memory_space<vmem>> -> memref<1x1x125xi32, #tpu.memory_space<vmem>>
        %dma_start3A_783 = tpu.memref_squeeze %dma_start3A_782 : memref<1x1x125xi32, #tpu.memory_space<vmem>> -> memref<125xi32, #tpu.memory_space<vmem>>
        %dma_start3A_784 = arith.constant 0 : i32
        %dma_start3A_785 = arith.constant 0 : i32
        %dma_start3A_786 = tpu.memref_slice %arg28[%dma_start3A_784, %dma_start3A_785] : memref<10000x16xf32, #tpu.memory_space<vmem_shared>> -> memref<10000x16xf32, #tpu.memory_space<vmem_shared>>
        tpu.enqueue_indirect_dma source(%arg15 : memref<125x16xf32, #tpu.memory_space<vmem>>) target(%dma_start3A_786 : memref<10000x16xf32, #tpu.memory_space<vmem_shared>>) offsets(%dma_start3A_783 : memref<125xi32, #tpu.memory_space<vmem>>) semaphore(%arg22 : memref<!tpu.dma_semaphore, #tpu.memory_space<semaphore_mem>>) {add = true}
      } else {
      }
      %dma_wait3A_269 = arith.constant 0 : i32
      %dma_wait3A_270 = arith.constant 0 : i32
      %dma_wait3A_271 = arith.constant 0 : i32
      %dma_wait3A_272 = tpu.memref_slice %arg12[%dma_wait3A_269, %dma_wait3A_270, %dma_wait3A_271] : memref<2x8x125xi32, #tpu.memory_space<vmem>> -> memref<1x1x125xi32, #tpu.memory_space<vmem>>
      %dma_wait3A_273 = tpu.memref_squeeze %dma_wait3A_272 : memref<1x1x125xi32, #tpu.memory_space<vmem>> -> memref<125xi32, #tpu.memory_space<vmem>>
      %dma_wait3A_274 = arith.constant 0 : i32
      %dma_wait3A_275 = arith.constant 0 : i32
      %dma_wait3A_276 = tpu.memref_slice %arg27[%dma_wait3A_274, %dma_wait3A_275] : memref<10000x128xf32, #tpu.memory_space<vmem_shared>> -> memref<10000x128xf32, #tpu.memory_space<vmem_shared>>
      tpu.wait_indirect_dma semaphore(%arg19 : memref<!tpu.dma_semaphore, #tpu.memory_space<semaphore_mem>>) src(%arg13 : memref<125x128xf32, #tpu.memory_space<vmem>>) dst(%dma_wait3A_276 : memref<10000x128xf32, #tpu.memory_space<vmem_shared>>)
      %convert_element_type3A_277 = arith.extui %gt3A_4 : i1 to i32
      %cond3A_278 = arith.constant 0 : i32
      %cond3A_279 = arith.cmpi ne, %convert_element_type3A_277, %cond3A_278 : i32
      scf.if %cond3A_279 {
        %dma_wait3A_779 = arith.constant 0 : i32
        %dma_wait3A_780 = arith.constant 0 : i32
        %dma_wait3A_781 = arith.constant 0 : i32
        %dma_wait3A_782 = tpu.memref_slice %arg12[%dma_wait3A_779, %dma_wait3A_780, %dma_wait3A_781] : memref<2x8x125xi32, #tpu.memory_space<vmem>> -> memref<1x1x125xi32, #tpu.memory_space<vmem>>
        %dma_wait3A_783 = tpu.memref_squeeze %dma_wait3A_782 : memref<1x1x125xi32, #tpu.memory_space<vmem>> -> memref<125xi32, #tpu.memory_space<vmem>>
        %dma_wait3A_784 = arith.constant 0 : i32
        %dma_wait3A_785 = arith.constant 0 : i32
        %dma_wait3A_786 = tpu.memref_slice %arg28[%dma_wait3A_784, %dma_wait3A_785] : memref<10000x16xf32, #tpu.memory_space<vmem_shared>> -> memref<10000x16xf32, #tpu.memory_space<vmem_shared>>
        tpu.wait_indirect_dma semaphore(%arg21 : memref<!tpu.dma_semaphore, #tpu.memory_space<semaphore_mem>>) src(%arg15 : memref<125x16xf32, #tpu.memory_space<vmem>>) dst(%dma_wait3A_786 : memref<10000x16xf32, #tpu.memory_space<vmem_shared>>)
      } else {
      }
      %dma_start3A_280 = arith.constant 0 : i32
      %dma_start3A_281 = arith.constant 4 : i32
      %dma_start3A_282 = arith.constant 0 : i32
      %dma_start3A_283 = tpu.memref_slice %arg11[%dma_start3A_280, %dma_start3A_281, %dma_start3A_282] : memref<2x8x125xi32, #tpu.memory_space<vmem>> -> memref<1x1x125xi32, #tpu.memory_space<vmem>>
      %dma_start3A_284 = tpu.memref_squeeze %dma_start3A_283 : memref<1x1x125xi32, #tpu.memory_space<vmem>> -> memref<125xi32, #tpu.memory_space<vmem>>
      %dma_start3A_285 = arith.constant 0 : i32
      %dma_start3A_286 = arith.constant 0 : i32
      %dma_start3A_287 = tpu.memref_slice %arg2[%dma_start3A_285, %dma_start3A_286] : memref<10000x128xf32, #tpu.memory_space<hbm>> -> memref<10000x128xf32, #tpu.memory_space<hbm>>
      tpu.enqueue_indirect_dma source(%dma_start3A_287 : memref<10000x128xf32, #tpu.memory_space<hbm>>) target(%arg13 : memref<125x128xf32, #tpu.memory_space<vmem>>) offsets(%dma_start3A_284 : memref<125xi32, #tpu.memory_space<vmem>>) semaphore(%arg17 : memref<!tpu.dma_semaphore, #tpu.memory_space<semaphore_mem>>)
      %dma_wait3A_288 = arith.constant 0 : i32
      %dma_wait3A_289 = arith.constant 0 : i32
      %dma_wait3A_290 = arith.constant 0 : i32
      %dma_wait3A_291 = tpu.memref_slice %arg11[%dma_wait3A_288, %dma_wait3A_289, %dma_wait3A_290] : memref<2x8x125xi32, #tpu.memory_space<vmem>> -> memref<1x1x125xi32, #tpu.memory_space<vmem>>
      %dma_wait3A_292 = tpu.memref_squeeze %dma_wait3A_291 : memref<1x1x125xi32, #tpu.memory_space<vmem>> -> memref<125xi32, #tpu.memory_space<vmem>>
      %dma_wait3A_293 = arith.constant 0 : i32
      %dma_wait3A_294 = arith.constant 0 : i32
      %dma_wait3A_295 = tpu.memref_slice %arg2[%dma_wait3A_293, %dma_wait3A_294] : memref<10000x128xf32, #tpu.memory_space<hbm>> -> memref<10000x128xf32, #tpu.memory_space<hbm>>
      tpu.wait_indirect_dma semaphore(%arg17 : memref<!tpu.dma_semaphore, #tpu.memory_space<semaphore_mem>>) src(%dma_wait3A_295 : memref<10000x128xf32, #tpu.memory_space<hbm>>) dst(%arg13 : memref<125x128xf32, #tpu.memory_space<vmem>>)
      %dma_start3A_296 = arith.constant 0 : i32
      %dma_start3A_297 = arith.constant 4 : i32
      %dma_start3A_298 = arith.constant 0 : i32
      %dma_start3A_299 = tpu.memref_slice %arg12[%dma_start3A_296, %dma_start3A_297, %dma_start3A_298] : memref<2x8x125xi32, #tpu.memory_space<vmem>> -> memref<1x1x125xi32, #tpu.memory_space<vmem>>
      %dma_start3A_300 = tpu.memref_squeeze %dma_start3A_299 : memref<1x1x125xi32, #tpu.memory_space<vmem>> -> memref<125xi32, #tpu.memory_space<vmem>>
      %dma_start3A_301 = arith.constant 0 : i32
      %dma_start3A_302 = arith.constant 0 : i32
      %dma_start3A_303 = tpu.memref_slice %arg27[%dma_start3A_301, %dma_start3A_302] : memref<10000x128xf32, #tpu.memory_space<vmem_shared>> -> memref<10000x128xf32, #tpu.memory_space<vmem_shared>>
      tpu.enqueue_indirect_dma source(%arg13 : memref<125x128xf32, #tpu.memory_space<vmem>>) target(%dma_start3A_303 : memref<10000x128xf32, #tpu.memory_space<vmem_shared>>) offsets(%dma_start3A_300 : memref<125xi32, #tpu.memory_space<vmem>>) semaphore(%arg19 : memref<!tpu.dma_semaphore, #tpu.memory_space<semaphore_mem>>) {add = true}
      %convert_element_type3A_304 = arith.extui %gt3A_4 : i1 to i32
      %cond3A_305 = arith.constant 0 : i32
      %cond3A_306 = arith.cmpi ne, %convert_element_type3A_304, %cond3A_305 : i32
      scf.if %cond3A_306 {
        %dma_start3A_779 = arith.constant 0 : i32
        %dma_start3A_780 = arith.constant 4 : i32
        %dma_start3A_781 = arith.constant 0 : i32
        %dma_start3A_782 = tpu.memref_slice %arg12[%dma_start3A_779, %dma_start3A_780, %dma_start3A_781] : memref<2x8x125xi32, #tpu.memory_space<vmem>> -> memref<1x1x125xi32, #tpu.memory_space<vmem>>
        %dma_start3A_783 = tpu.memref_squeeze %dma_start3A_782 : memref<1x1x125xi32, #tpu.memory_space<vmem>> -> memref<125xi32, #tpu.memory_space<vmem>>
        %dma_start3A_784 = arith.constant 0 : i32
        %dma_start3A_785 = arith.constant 0 : i32
        %dma_start3A_786 = tpu.memref_slice %arg28[%dma_start3A_784, %dma_start3A_785] : memref<10000x16xf32, #tpu.memory_space<vmem_shared>> -> memref<10000x16xf32, #tpu.memory_space<vmem_shared>>
        tpu.enqueue_indirect_dma source(%arg15 : memref<125x16xf32, #tpu.memory_space<vmem>>) target(%dma_start3A_786 : memref<10000x16xf32, #tpu.memory_space<vmem_shared>>) offsets(%dma_start3A_783 : memref<125xi32, #tpu.memory_space<vmem>>) semaphore(%arg21 : memref<!tpu.dma_semaphore, #tpu.memory_space<semaphore_mem>>) {add = true}
      } else {
      }
      %dma_wait3A_307 = arith.constant 0 : i32
      %dma_wait3A_308 = arith.constant 0 : i32
      %dma_wait3A_309 = arith.constant 0 : i32
      %dma_wait3A_310 = tpu.memref_slice %arg12[%dma_wait3A_307, %dma_wait3A_308, %dma_wait3A_309] : memref<2x8x125xi32, #tpu.memory_space<vmem>> -> memref<1x1x125xi32, #tpu.memory_space<vmem>>
      %dma_wait3A_311 = tpu.memref_squeeze %dma_wait3A_310 : memref<1x1x125xi32, #tpu.memory_space<vmem>> -> memref<125xi32, #tpu.memory_space<vmem>>
      %dma_wait3A_312 = arith.constant 0 : i32
      %dma_wait3A_313 = arith.constant 0 : i32
      %dma_wait3A_314 = tpu.memref_slice %arg27[%dma_wait3A_312, %dma_wait3A_313] : memref<10000x128xf32, #tpu.memory_space<vmem_shared>> -> memref<10000x128xf32, #tpu.memory_space<vmem_shared>>
      tpu.wait_indirect_dma semaphore(%arg20 : memref<!tpu.dma_semaphore, #tpu.memory_space<semaphore_mem>>) src(%arg14 : memref<125x128xf32, #tpu.memory_space<vmem>>) dst(%dma_wait3A_314 : memref<10000x128xf32, #tpu.memory_space<vmem_shared>>)
      %convert_element_type3A_315 = arith.extui %gt3A_4 : i1 to i32
      %cond3A_316 = arith.constant 0 : i32
      %cond3A_317 = arith.cmpi ne, %convert_element_type3A_315, %cond3A_316 : i32
      scf.if %cond3A_317 {
        %dma_wait3A_779 = arith.constant 0 : i32
        %dma_wait3A_780 = arith.constant 0 : i32
        %dma_wait3A_781 = arith.constant 0 : i32
        %dma_wait3A_782 = tpu.memref_slice %arg12[%dma_wait3A_779, %dma_wait3A_780, %dma_wait3A_781] : memref<2x8x125xi32, #tpu.memory_space<vmem>> -> memref<1x1x125xi32, #tpu.memory_space<vmem>>
        %dma_wait3A_783 = tpu.memref_squeeze %dma_wait3A_782 : memref<1x1x125xi32, #tpu.memory_space<vmem>> -> memref<125xi32, #tpu.memory_space<vmem>>
        %dma_wait3A_784 = arith.constant 0 : i32
        %dma_wait3A_785 = arith.constant 0 : i32
        %dma_wait3A_786 = tpu.memref_slice %arg28[%dma_wait3A_784, %dma_wait3A_785] : memref<10000x16xf32, #tpu.memory_space<vmem_shared>> -> memref<10000x16xf32, #tpu.memory_space<vmem_shared>>
        tpu.wait_indirect_dma semaphore(%arg22 : memref<!tpu.dma_semaphore, #tpu.memory_space<semaphore_mem>>) src(%arg15 : memref<125x16xf32, #tpu.memory_space<vmem>>) dst(%dma_wait3A_786 : memref<10000x16xf32, #tpu.memory_space<vmem_shared>>)
      } else {
      }
      %dma_start3A_318 = arith.constant 0 : i32
      %dma_start3A_319 = arith.constant 5 : i32
      %dma_start3A_320 = arith.constant 0 : i32
      %dma_start3A_321 = tpu.memref_slice %arg11[%dma_start3A_318, %dma_start3A_319, %dma_start3A_320] : memref<2x8x125xi32, #tpu.memory_space<vmem>> -> memref<1x1x125xi32, #tpu.memory_space<vmem>>
      %dma_start3A_322 = tpu.memref_squeeze %dma_start3A_321 : memref<1x1x125xi32, #tpu.memory_space<vmem>> -> memref<125xi32, #tpu.memory_space<vmem>>
      %dma_start3A_323 = arith.constant 0 : i32
      %dma_start3A_324 = arith.constant 0 : i32
      %dma_start3A_325 = tpu.memref_slice %arg2[%dma_start3A_323, %dma_start3A_324] : memref<10000x128xf32, #tpu.memory_space<hbm>> -> memref<10000x128xf32, #tpu.memory_space<hbm>>
      tpu.enqueue_indirect_dma source(%dma_start3A_325 : memref<10000x128xf32, #tpu.memory_space<hbm>>) target(%arg14 : memref<125x128xf32, #tpu.memory_space<vmem>>) offsets(%dma_start3A_322 : memref<125xi32, #tpu.memory_space<vmem>>) semaphore(%arg18 : memref<!tpu.dma_semaphore, #tpu.memory_space<semaphore_mem>>)
      %dma_wait3A_326 = arith.constant 0 : i32
      %dma_wait3A_327 = arith.constant 0 : i32
      %dma_wait3A_328 = arith.constant 0 : i32
      %dma_wait3A_329 = tpu.memref_slice %arg11[%dma_wait3A_326, %dma_wait3A_327, %dma_wait3A_328] : memref<2x8x125xi32, #tpu.memory_space<vmem>> -> memref<1x1x125xi32, #tpu.memory_space<vmem>>
      %dma_wait3A_330 = tpu.memref_squeeze %dma_wait3A_329 : memref<1x1x125xi32, #tpu.memory_space<vmem>> -> memref<125xi32, #tpu.memory_space<vmem>>
      %dma_wait3A_331 = arith.constant 0 : i32
      %dma_wait3A_332 = arith.constant 0 : i32
      %dma_wait3A_333 = tpu.memref_slice %arg2[%dma_wait3A_331, %dma_wait3A_332] : memref<10000x128xf32, #tpu.memory_space<hbm>> -> memref<10000x128xf32, #tpu.memory_space<hbm>>
      tpu.wait_indirect_dma semaphore(%arg18 : memref<!tpu.dma_semaphore, #tpu.memory_space<semaphore_mem>>) src(%dma_wait3A_333 : memref<10000x128xf32, #tpu.memory_space<hbm>>) dst(%arg14 : memref<125x128xf32, #tpu.memory_space<vmem>>)
      %dma_start3A_334 = arith.constant 0 : i32
      %dma_start3A_335 = arith.constant 5 : i32
      %dma_start3A_336 = arith.constant 0 : i32
      %dma_start3A_337 = tpu.memref_slice %arg12[%dma_start3A_334, %dma_start3A_335, %dma_start3A_336] : memref<2x8x125xi32, #tpu.memory_space<vmem>> -> memref<1x1x125xi32, #tpu.memory_space<vmem>>
      %dma_start3A_338 = tpu.memref_squeeze %dma_start3A_337 : memref<1x1x125xi32, #tpu.memory_space<vmem>> -> memref<125xi32, #tpu.memory_space<vmem>>
      %dma_start3A_339 = arith.constant 0 : i32
      %dma_start3A_340 = arith.constant 0 : i32
      %dma_start3A_341 = tpu.memref_slice %arg27[%dma_start3A_339, %dma_start3A_340] : memref<10000x128xf32, #tpu.memory_space<vmem_shared>> -> memref<10000x128xf32, #tpu.memory_space<vmem_shared>>
      tpu.enqueue_indirect_dma source(%arg14 : memref<125x128xf32, #tpu.memory_space<vmem>>) target(%dma_start3A_341 : memref<10000x128xf32, #tpu.memory_space<vmem_shared>>) offsets(%dma_start3A_338 : memref<125xi32, #tpu.memory_space<vmem>>) semaphore(%arg20 : memref<!tpu.dma_semaphore, #tpu.memory_space<semaphore_mem>>) {add = true}
      %convert_element_type3A_342 = arith.extui %gt3A_4 : i1 to i32
      %cond3A_343 = arith.constant 0 : i32
      %cond3A_344 = arith.cmpi ne, %convert_element_type3A_342, %cond3A_343 : i32
      scf.if %cond3A_344 {
        %dma_start3A_779 = arith.constant 0 : i32
        %dma_start3A_780 = arith.constant 5 : i32
        %dma_start3A_781 = arith.constant 0 : i32
        %dma_start3A_782 = tpu.memref_slice %arg12[%dma_start3A_779, %dma_start3A_780, %dma_start3A_781] : memref<2x8x125xi32, #tpu.memory_space<vmem>> -> memref<1x1x125xi32, #tpu.memory_space<vmem>>
        %dma_start3A_783 = tpu.memref_squeeze %dma_start3A_782 : memref<1x1x125xi32, #tpu.memory_space<vmem>> -> memref<125xi32, #tpu.memory_space<vmem>>
        %dma_start3A_784 = arith.constant 0 : i32
        %dma_start3A_785 = arith.constant 0 : i32
        %dma_start3A_786 = tpu.memref_slice %arg28[%dma_start3A_784, %dma_start3A_785] : memref<10000x16xf32, #tpu.memory_space<vmem_shared>> -> memref<10000x16xf32, #tpu.memory_space<vmem_shared>>
        tpu.enqueue_indirect_dma source(%arg15 : memref<125x16xf32, #tpu.memory_space<vmem>>) target(%dma_start3A_786 : memref<10000x16xf32, #tpu.memory_space<vmem_shared>>) offsets(%dma_start3A_783 : memref<125xi32, #tpu.memory_space<vmem>>) semaphore(%arg22 : memref<!tpu.dma_semaphore, #tpu.memory_space<semaphore_mem>>) {add = true}
      } else {
      }
      %dma_wait3A_345 = arith.constant 0 : i32
      %dma_wait3A_346 = arith.constant 0 : i32
      %dma_wait3A_347 = arith.constant 0 : i32
      %dma_wait3A_348 = tpu.memref_slice %arg12[%dma_wait3A_345, %dma_wait3A_346, %dma_wait3A_347] : memref<2x8x125xi32, #tpu.memory_space<vmem>> -> memref<1x1x125xi32, #tpu.memory_space<vmem>>
      %dma_wait3A_349 = tpu.memref_squeeze %dma_wait3A_348 : memref<1x1x125xi32, #tpu.memory_space<vmem>> -> memref<125xi32, #tpu.memory_space<vmem>>
      %dma_wait3A_350 = arith.constant 0 : i32
      %dma_wait3A_351 = arith.constant 0 : i32
      %dma_wait3A_352 = tpu.memref_slice %arg27[%dma_wait3A_350, %dma_wait3A_351] : memref<10000x128xf32, #tpu.memory_space<vmem_shared>> -> memref<10000x128xf32, #tpu.memory_space<vmem_shared>>
      tpu.wait_indirect_dma semaphore(%arg19 : memref<!tpu.dma_semaphore, #tpu.memory_space<semaphore_mem>>) src(%arg13 : memref<125x128xf32, #tpu.memory_space<vmem>>) dst(%dma_wait3A_352 : memref<10000x128xf32, #tpu.memory_space<vmem_shared>>)
      %convert_element_type3A_353 = arith.extui %gt3A_4 : i1 to i32
      %cond3A_354 = arith.constant 0 : i32
      %cond3A_355 = arith.cmpi ne, %convert_element_type3A_353, %cond3A_354 : i32
      scf.if %cond3A_355 {
        %dma_wait3A_779 = arith.constant 0 : i32
        %dma_wait3A_780 = arith.constant 0 : i32
        %dma_wait3A_781 = arith.constant 0 : i32
        %dma_wait3A_782 = tpu.memref_slice %arg12[%dma_wait3A_779, %dma_wait3A_780, %dma_wait3A_781] : memref<2x8x125xi32, #tpu.memory_space<vmem>> -> memref<1x1x125xi32, #tpu.memory_space<vmem>>
        %dma_wait3A_783 = tpu.memref_squeeze %dma_wait3A_782 : memref<1x1x125xi32, #tpu.memory_space<vmem>> -> memref<125xi32, #tpu.memory_space<vmem>>
        %dma_wait3A_784 = arith.constant 0 : i32
        %dma_wait3A_785 = arith.constant 0 : i32
        %dma_wait3A_786 = tpu.memref_slice %arg28[%dma_wait3A_784, %dma_wait3A_785] : memref<10000x16xf32, #tpu.memory_space<vmem_shared>> -> memref<10000x16xf32, #tpu.memory_space<vmem_shared>>
        tpu.wait_indirect_dma semaphore(%arg21 : memref<!tpu.dma_semaphore, #tpu.memory_space<semaphore_mem>>) src(%arg15 : memref<125x16xf32, #tpu.memory_space<vmem>>) dst(%dma_wait3A_786 : memref<10000x16xf32, #tpu.memory_space<vmem_shared>>)
      } else {
      }
      %dma_start3A_356 = arith.constant 0 : i32
      %dma_start3A_357 = arith.constant 6 : i32
      %dma_start3A_358 = arith.constant 0 : i32
      %dma_start3A_359 = tpu.memref_slice %arg11[%dma_start3A_356, %dma_start3A_357, %dma_start3A_358] : memref<2x8x125xi32, #tpu.memory_space<vmem>> -> memref<1x1x125xi32, #tpu.memory_space<vmem>>
      %dma_start3A_360 = tpu.memref_squeeze %dma_start3A_359 : memref<1x1x125xi32, #tpu.memory_space<vmem>> -> memref<125xi32, #tpu.memory_space<vmem>>
      %dma_start3A_361 = arith.constant 0 : i32
      %dma_start3A_362 = arith.constant 0 : i32
      %dma_start3A_363 = tpu.memref_slice %arg2[%dma_start3A_361, %dma_start3A_362] : memref<10000x128xf32, #tpu.memory_space<hbm>> -> memref<10000x128xf32, #tpu.memory_space<hbm>>
      tpu.enqueue_indirect_dma source(%dma_start3A_363 : memref<10000x128xf32, #tpu.memory_space<hbm>>) target(%arg13 : memref<125x128xf32, #tpu.memory_space<vmem>>) offsets(%dma_start3A_360 : memref<125xi32, #tpu.memory_space<vmem>>) semaphore(%arg17 : memref<!tpu.dma_semaphore, #tpu.memory_space<semaphore_mem>>)
      %dma_wait3A_364 = arith.constant 0 : i32
      %dma_wait3A_365 = arith.constant 0 : i32
      %dma_wait3A_366 = arith.constant 0 : i32
      %dma_wait3A_367 = tpu.memref_slice %arg11[%dma_wait3A_364, %dma_wait3A_365, %dma_wait3A_366] : memref<2x8x125xi32, #tpu.memory_space<vmem>> -> memref<1x1x125xi32, #tpu.memory_space<vmem>>
      %dma_wait3A_368 = tpu.memref_squeeze %dma_wait3A_367 : memref<1x1x125xi32, #tpu.memory_space<vmem>> -> memref<125xi32, #tpu.memory_space<vmem>>
      %dma_wait3A_369 = arith.constant 0 : i32
      %dma_wait3A_370 = arith.constant 0 : i32
      %dma_wait3A_371 = tpu.memref_slice %arg2[%dma_wait3A_369, %dma_wait3A_370] : memref<10000x128xf32, #tpu.memory_space<hbm>> -> memref<10000x128xf32, #tpu.memory_space<hbm>>
      tpu.wait_indirect_dma semaphore(%arg17 : memref<!tpu.dma_semaphore, #tpu.memory_space<semaphore_mem>>) src(%dma_wait3A_371 : memref<10000x128xf32, #tpu.memory_space<hbm>>) dst(%arg13 : memref<125x128xf32, #tpu.memory_space<vmem>>)
      %dma_start3A_372 = arith.constant 0 : i32
      %dma_start3A_373 = arith.constant 6 : i32
      %dma_start3A_374 = arith.constant 0 : i32
      %dma_start3A_375 = tpu.memref_slice %arg12[%dma_start3A_372, %dma_start3A_373, %dma_start3A_374] : memref<2x8x125xi32, #tpu.memory_space<vmem>> -> memref<1x1x125xi32, #tpu.memory_space<vmem>>
      %dma_start3A_376 = tpu.memref_squeeze %dma_start3A_375 : memref<1x1x125xi32, #tpu.memory_space<vmem>> -> memref<125xi32, #tpu.memory_space<vmem>>
      %dma_start3A_377 = arith.constant 0 : i32
      %dma_start3A_378 = arith.constant 0 : i32
      %dma_start3A_379 = tpu.memref_slice %arg27[%dma_start3A_377, %dma_start3A_378] : memref<10000x128xf32, #tpu.memory_space<vmem_shared>> -> memref<10000x128xf32, #tpu.memory_space<vmem_shared>>
      tpu.enqueue_indirect_dma source(%arg13 : memref<125x128xf32, #tpu.memory_space<vmem>>) target(%dma_start3A_379 : memref<10000x128xf32, #tpu.memory_space<vmem_shared>>) offsets(%dma_start3A_376 : memref<125xi32, #tpu.memory_space<vmem>>) semaphore(%arg19 : memref<!tpu.dma_semaphore, #tpu.memory_space<semaphore_mem>>) {add = true}
      %convert_element_type3A_380 = arith.extui %gt3A_4 : i1 to i32
      %cond3A_381 = arith.constant 0 : i32
      %cond3A_382 = arith.cmpi ne, %convert_element_type3A_380, %cond3A_381 : i32
      scf.if %cond3A_382 {
        %dma_start3A_779 = arith.constant 0 : i32
        %dma_start3A_780 = arith.constant 6 : i32
        %dma_start3A_781 = arith.constant 0 : i32
        %dma_start3A_782 = tpu.memref_slice %arg12[%dma_start3A_779, %dma_start3A_780, %dma_start3A_781] : memref<2x8x125xi32, #tpu.memory_space<vmem>> -> memref<1x1x125xi32, #tpu.memory_space<vmem>>
        %dma_start3A_783 = tpu.memref_squeeze %dma_start3A_782 : memref<1x1x125xi32, #tpu.memory_space<vmem>> -> memref<125xi32, #tpu.memory_space<vmem>>
        %dma_start3A_784 = arith.constant 0 : i32
        %dma_start3A_785 = arith.constant 0 : i32
        %dma_start3A_786 = tpu.memref_slice %arg28[%dma_start3A_784, %dma_start3A_785] : memref<10000x16xf32, #tpu.memory_space<vmem_shared>> -> memref<10000x16xf32, #tpu.memory_space<vmem_shared>>
        tpu.enqueue_indirect_dma source(%arg15 : memref<125x16xf32, #tpu.memory_space<vmem>>) target(%dma_start3A_786 : memref<10000x16xf32, #tpu.memory_space<vmem_shared>>) offsets(%dma_start3A_783 : memref<125xi32, #tpu.memory_space<vmem>>) semaphore(%arg21 : memref<!tpu.dma_semaphore, #tpu.memory_space<semaphore_mem>>) {add = true}
      } else {
      }
      %dma_wait3A_383 = arith.constant 0 : i32
      %dma_wait3A_384 = arith.constant 0 : i32
      %dma_wait3A_385 = arith.constant 0 : i32
      %dma_wait3A_386 = tpu.memref_slice %arg12[%dma_wait3A_383, %dma_wait3A_384, %dma_wait3A_385] : memref<2x8x125xi32, #tpu.memory_space<vmem>> -> memref<1x1x125xi32, #tpu.memory_space<vmem>>
      %dma_wait3A_387 = tpu.memref_squeeze %dma_wait3A_386 : memref<1x1x125xi32, #tpu.memory_space<vmem>> -> memref<125xi32, #tpu.memory_space<vmem>>
      %dma_wait3A_388 = arith.constant 0 : i32
      %dma_wait3A_389 = arith.constant 0 : i32
      %dma_wait3A_390 = tpu.memref_slice %arg27[%dma_wait3A_388, %dma_wait3A_389] : memref<10000x128xf32, #tpu.memory_space<vmem_shared>> -> memref<10000x128xf32, #tpu.memory_space<vmem_shared>>
      tpu.wait_indirect_dma semaphore(%arg20 : memref<!tpu.dma_semaphore, #tpu.memory_space<semaphore_mem>>) src(%arg14 : memref<125x128xf32, #tpu.memory_space<vmem>>) dst(%dma_wait3A_390 : memref<10000x128xf32, #tpu.memory_space<vmem_shared>>)
      %convert_element_type3A_391 = arith.extui %gt3A_4 : i1 to i32
      %cond3A_392 = arith.constant 0 : i32
      %cond3A_393 = arith.cmpi ne, %convert_element_type3A_391, %cond3A_392 : i32
      scf.if %cond3A_393 {
        %dma_wait3A_779 = arith.constant 0 : i32
        %dma_wait3A_780 = arith.constant 0 : i32
        %dma_wait3A_781 = arith.constant 0 : i32
        %dma_wait3A_782 = tpu.memref_slice %arg12[%dma_wait3A_779, %dma_wait3A_780, %dma_wait3A_781] : memref<2x8x125xi32, #tpu.memory_space<vmem>> -> memref<1x1x125xi32, #tpu.memory_space<vmem>>
        %dma_wait3A_783 = tpu.memref_squeeze %dma_wait3A_782 : memref<1x1x125xi32, #tpu.memory_space<vmem>> -> memref<125xi32, #tpu.memory_space<vmem>>
        %dma_wait3A_784 = arith.constant 0 : i32
        %dma_wait3A_785 = arith.constant 0 : i32
        %dma_wait3A_786 = tpu.memref_slice %arg28[%dma_wait3A_784, %dma_wait3A_785] : memref<10000x16xf32, #tpu.memory_space<vmem_shared>> -> memref<10000x16xf32, #tpu.memory_space<vmem_shared>>
        tpu.wait_indirect_dma semaphore(%arg22 : memref<!tpu.dma_semaphore, #tpu.memory_space<semaphore_mem>>) src(%arg15 : memref<125x16xf32, #tpu.memory_space<vmem>>) dst(%dma_wait3A_786 : memref<10000x16xf32, #tpu.memory_space<vmem_shared>>)
      } else {
      }
      %dma_start3A_394 = arith.constant 0 : i32
      %dma_start3A_395 = arith.constant 7 : i32
      %dma_start3A_396 = arith.constant 0 : i32
      %dma_start3A_397 = tpu.memref_slice %arg11[%dma_start3A_394, %dma_start3A_395, %dma_start3A_396] : memref<2x8x125xi32, #tpu.memory_space<vmem>> -> memref<1x1x125xi32, #tpu.memory_space<vmem>>
      %dma_start3A_398 = tpu.memref_squeeze %dma_start3A_397 : memref<1x1x125xi32, #tpu.memory_space<vmem>> -> memref<125xi32, #tpu.memory_space<vmem>>
      %dma_start3A_399 = arith.constant 0 : i32
      %dma_start3A_400 = arith.constant 0 : i32
      %dma_start3A_401 = tpu.memref_slice %arg2[%dma_start3A_399, %dma_start3A_400] : memref<10000x128xf32, #tpu.memory_space<hbm>> -> memref<10000x128xf32, #tpu.memory_space<hbm>>
      tpu.enqueue_indirect_dma source(%dma_start3A_401 : memref<10000x128xf32, #tpu.memory_space<hbm>>) target(%arg14 : memref<125x128xf32, #tpu.memory_space<vmem>>) offsets(%dma_start3A_398 : memref<125xi32, #tpu.memory_space<vmem>>) semaphore(%arg18 : memref<!tpu.dma_semaphore, #tpu.memory_space<semaphore_mem>>)
      %dma_wait3A_402 = arith.constant 0 : i32
      %dma_wait3A_403 = arith.constant 0 : i32
      %dma_wait3A_404 = arith.constant 0 : i32
      %dma_wait3A_405 = tpu.memref_slice %arg11[%dma_wait3A_402, %dma_wait3A_403, %dma_wait3A_404] : memref<2x8x125xi32, #tpu.memory_space<vmem>> -> memref<1x1x125xi32, #tpu.memory_space<vmem>>
      %dma_wait3A_406 = tpu.memref_squeeze %dma_wait3A_405 : memref<1x1x125xi32, #tpu.memory_space<vmem>> -> memref<125xi32, #tpu.memory_space<vmem>>
      %dma_wait3A_407 = arith.constant 0 : i32
      %dma_wait3A_408 = arith.constant 0 : i32
      %dma_wait3A_409 = tpu.memref_slice %arg2[%dma_wait3A_407, %dma_wait3A_408] : memref<10000x128xf32, #tpu.memory_space<hbm>> -> memref<10000x128xf32, #tpu.memory_space<hbm>>
      tpu.wait_indirect_dma semaphore(%arg18 : memref<!tpu.dma_semaphore, #tpu.memory_space<semaphore_mem>>) src(%dma_wait3A_409 : memref<10000x128xf32, #tpu.memory_space<hbm>>) dst(%arg14 : memref<125x128xf32, #tpu.memory_space<vmem>>)
      %dma_start3A_410 = arith.constant 0 : i32
      %dma_start3A_411 = arith.constant 7 : i32
      %dma_start3A_412 = arith.constant 0 : i32
      %dma_start3A_413 = tpu.memref_slice %arg12[%dma_start3A_410, %dma_start3A_411, %dma_start3A_412] : memref<2x8x125xi32, #tpu.memory_space<vmem>> -> memref<1x1x125xi32, #tpu.memory_space<vmem>>
      %dma_start3A_414 = tpu.memref_squeeze %dma_start3A_413 : memref<1x1x125xi32, #tpu.memory_space<vmem>> -> memref<125xi32, #tpu.memory_space<vmem>>
      %dma_start3A_415 = arith.constant 0 : i32
      %dma_start3A_416 = arith.constant 0 : i32
      %dma_start3A_417 = tpu.memref_slice %arg27[%dma_start3A_415, %dma_start3A_416] : memref<10000x128xf32, #tpu.memory_space<vmem_shared>> -> memref<10000x128xf32, #tpu.memory_space<vmem_shared>>
      tpu.enqueue_indirect_dma source(%arg14 : memref<125x128xf32, #tpu.memory_space<vmem>>) target(%dma_start3A_417 : memref<10000x128xf32, #tpu.memory_space<vmem_shared>>) offsets(%dma_start3A_414 : memref<125xi32, #tpu.memory_space<vmem>>) semaphore(%arg20 : memref<!tpu.dma_semaphore, #tpu.memory_space<semaphore_mem>>) {add = true}
      %convert_element_type3A_418 = arith.extui %gt3A_4 : i1 to i32
      %cond3A_419 = arith.constant 0 : i32
      %cond3A_420 = arith.cmpi ne, %convert_element_type3A_418, %cond3A_419 : i32
      scf.if %cond3A_420 {
        %dma_start3A_779 = arith.constant 0 : i32
        %dma_start3A_780 = arith.constant 7 : i32
        %dma_start3A_781 = arith.constant 0 : i32
        %dma_start3A_782 = tpu.memref_slice %arg12[%dma_start3A_779, %dma_start3A_780, %dma_start3A_781] : memref<2x8x125xi32, #tpu.memory_space<vmem>> -> memref<1x1x125xi32, #tpu.memory_space<vmem>>
        %dma_start3A_783 = tpu.memref_squeeze %dma_start3A_782 : memref<1x1x125xi32, #tpu.memory_space<vmem>> -> memref<125xi32, #tpu.memory_space<vmem>>
        %dma_start3A_784 = arith.constant 0 : i32
        %dma_start3A_785 = arith.constant 0 : i32
        %dma_start3A_786 = tpu.memref_slice %arg28[%dma_start3A_784, %dma_start3A_785] : memref<10000x16xf32, #tpu.memory_space<vmem_shared>> -> memref<10000x16xf32, #tpu.memory_space<vmem_shared>>
        tpu.enqueue_indirect_dma source(%arg15 : memref<125x16xf32, #tpu.memory_space<vmem>>) target(%dma_start3A_786 : memref<10000x16xf32, #tpu.memory_space<vmem_shared>>) offsets(%dma_start3A_783 : memref<125xi32, #tpu.memory_space<vmem>>) semaphore(%arg22 : memref<!tpu.dma_semaphore, #tpu.memory_space<semaphore_mem>>) {add = true}
      } else {
      }
      %dma_wait3A_421 = arith.constant 0 : i32
      %dma_wait3A_422 = arith.constant 0 : i32
      %dma_wait3A_423 = arith.constant 0 : i32
      %dma_wait3A_424 = tpu.memref_slice %arg12[%dma_wait3A_421, %dma_wait3A_422, %dma_wait3A_423] : memref<2x8x125xi32, #tpu.memory_space<vmem>> -> memref<1x1x125xi32, #tpu.memory_space<vmem>>
      %dma_wait3A_425 = tpu.memref_squeeze %dma_wait3A_424 : memref<1x1x125xi32, #tpu.memory_space<vmem>> -> memref<125xi32, #tpu.memory_space<vmem>>
      %dma_wait3A_426 = arith.constant 0 : i32
      %dma_wait3A_427 = arith.constant 0 : i32
      %dma_wait3A_428 = tpu.memref_slice %arg27[%dma_wait3A_426, %dma_wait3A_427] : memref<10000x128xf32, #tpu.memory_space<vmem_shared>> -> memref<10000x128xf32, #tpu.memory_space<vmem_shared>>
      tpu.wait_indirect_dma semaphore(%arg19 : memref<!tpu.dma_semaphore, #tpu.memory_space<semaphore_mem>>) src(%arg13 : memref<125x128xf32, #tpu.memory_space<vmem>>) dst(%dma_wait3A_428 : memref<10000x128xf32, #tpu.memory_space<vmem_shared>>)
      %convert_element_type3A_429 = arith.extui %gt3A_4 : i1 to i32
      %cond3A_430 = arith.constant 0 : i32
      %cond3A_431 = arith.cmpi ne, %convert_element_type3A_429, %cond3A_430 : i32
      scf.if %cond3A_431 {
        %dma_wait3A_779 = arith.constant 0 : i32
        %dma_wait3A_780 = arith.constant 0 : i32
        %dma_wait3A_781 = arith.constant 0 : i32
        %dma_wait3A_782 = tpu.memref_slice %arg12[%dma_wait3A_779, %dma_wait3A_780, %dma_wait3A_781] : memref<2x8x125xi32, #tpu.memory_space<vmem>> -> memref<1x1x125xi32, #tpu.memory_space<vmem>>
        %dma_wait3A_783 = tpu.memref_squeeze %dma_wait3A_782 : memref<1x1x125xi32, #tpu.memory_space<vmem>> -> memref<125xi32, #tpu.memory_space<vmem>>
        %dma_wait3A_784 = arith.constant 0 : i32
        %dma_wait3A_785 = arith.constant 0 : i32
        %dma_wait3A_786 = tpu.memref_slice %arg28[%dma_wait3A_784, %dma_wait3A_785] : memref<10000x16xf32, #tpu.memory_space<vmem_shared>> -> memref<10000x16xf32, #tpu.memory_space<vmem_shared>>
        tpu.wait_indirect_dma semaphore(%arg21 : memref<!tpu.dma_semaphore, #tpu.memory_space<semaphore_mem>>) src(%arg15 : memref<125x16xf32, #tpu.memory_space<vmem>>) dst(%dma_wait3A_786 : memref<10000x16xf32, #tpu.memory_space<vmem_shared>>)
      } else {
      }
      %dma_wait3A_432 = arith.constant 1 : i32
      %dma_wait3A_433 = arith.constant 0 : i32
      %dma_wait3A_434 = arith.constant 0 : i32
      %dma_wait3A_435 = tpu.memref_slice %arg11[%dma_wait3A_432, %dma_wait3A_433, %dma_wait3A_434] : memref<2x8x125xi32, #tpu.memory_space<vmem>> -> memref<1x8x125xi32, #tpu.memory_space<vmem>>
      %dma_wait3A_436 = tpu.memref_squeeze %dma_wait3A_435 : memref<1x8x125xi32, #tpu.memory_space<vmem>> -> memref<8x125xi32, #tpu.memory_space<vmem>>
      %dma_wait3A_437 = arith.constant 0 : i32
      %dma_wait3A_438 = arith.constant 0 : i32
      %dma_wait3A_439 = tpu.memref_slice %arg3[%arg0, %arg1, %dma_wait3A_437, %dma_wait3A_438] : memref<2x16x80x125xi32, #tpu.memory_space<hbm>> -> memref<1x1x8x125xi32, #tpu.memory_space<hbm>>
      %dma_wait3A_440 = tpu.memref_squeeze %dma_wait3A_439 : memref<1x1x8x125xi32, #tpu.memory_space<hbm>> -> memref<8x125xi32, #tpu.memory_space<hbm>>
      %dma_wait3A_441 = arith.constant 0 : i32
      %dma_wait3A_442 = arith.constant 0 : i32
      %dma_wait3A_443 = tpu.memref_slice %arg11[%dma_wait3A_432, %dma_wait3A_441, %dma_wait3A_442] : memref<2x8x125xi32, #tpu.memory_space<vmem>> -> memref<1x8x125xi32, #tpu.memory_space<vmem>>
      %dma_wait3A_444 = tpu.memref_squeeze %dma_wait3A_443 : memref<1x8x125xi32, #tpu.memory_space<vmem>> -> memref<8x125xi32, #tpu.memory_space<vmem>>
      %dma_wait3A_445 = arith.constant 0 : i32
      %dma_wait3A_446 = arith.constant 0 : i32
      %dma_wait3A_447 = tpu.memref_slice %arg3[%arg0, %arg1, %dma_wait3A_445, %dma_wait3A_446] : memref<2x16x80x125xi32, #tpu.memory_space<hbm>> -> memref<1x1x8x125xi32, #tpu.memory_space<hbm>>
      %dma_wait3A_448 = tpu.memref_squeeze %dma_wait3A_447 : memref<1x1x8x125xi32, #tpu.memory_space<hbm>> -> memref<8x125xi32, #tpu.memory_space<hbm>>
      tpu.wait_dma2 semaphore(%arg24 : memref<!tpu.dma_semaphore, #tpu.memory_space<semaphore_mem>>) src(%dma_wait3A_448 : memref<8x125xi32, #tpu.memory_space<hbm>>) dst(%dma_wait3A_444 : memref<8x125xi32, #tpu.memory_space<vmem>>)
      %dma_wait3A_449 = arith.constant 1 : i32
      %dma_wait3A_450 = arith.constant 0 : i32
      %dma_wait3A_451 = arith.constant 0 : i32
      %dma_wait3A_452 = tpu.memref_slice %arg12[%dma_wait3A_449, %dma_wait3A_450, %dma_wait3A_451] : memref<2x8x125xi32, #tpu.memory_space<vmem>> -> memref<1x8x125xi32, #tpu.memory_space<vmem>>
      %dma_wait3A_453 = tpu.memref_squeeze %dma_wait3A_452 : memref<1x8x125xi32, #tpu.memory_space<vmem>> -> memref<8x125xi32, #tpu.memory_space<vmem>>
      %dma_wait3A_454 = arith.constant 0 : i32
      %dma_wait3A_455 = arith.constant 0 : i32
      %dma_wait3A_456 = tpu.memref_slice %arg4[%arg0, %arg1, %dma_wait3A_454, %dma_wait3A_455] : memref<2x16x80x125xi32, #tpu.memory_space<hbm>> -> memref<1x1x8x125xi32, #tpu.memory_space<hbm>>
      %dma_wait3A_457 = tpu.memref_squeeze %dma_wait3A_456 : memref<1x1x8x125xi32, #tpu.memory_space<hbm>> -> memref<8x125xi32, #tpu.memory_space<hbm>>
      %dma_wait3A_458 = arith.constant 0 : i32
      %dma_wait3A_459 = arith.constant 0 : i32
      %dma_wait3A_460 = tpu.memref_slice %arg12[%dma_wait3A_449, %dma_wait3A_458, %dma_wait3A_459] : memref<2x8x125xi32, #tpu.memory_space<vmem>> -> memref<1x8x125xi32, #tpu.memory_space<vmem>>
      %dma_wait3A_461 = tpu.memref_squeeze %dma_wait3A_460 : memref<1x8x125xi32, #tpu.memory_space<vmem>> -> memref<8x125xi32, #tpu.memory_space<vmem>>
      %dma_wait3A_462 = arith.constant 0 : i32
      %dma_wait3A_463 = arith.constant 0 : i32
      %dma_wait3A_464 = tpu.memref_slice %arg4[%arg0, %arg1, %dma_wait3A_462, %dma_wait3A_463] : memref<2x16x80x125xi32, #tpu.memory_space<hbm>> -> memref<1x1x8x125xi32, #tpu.memory_space<hbm>>
      %dma_wait3A_465 = tpu.memref_squeeze %dma_wait3A_464 : memref<1x1x8x125xi32, #tpu.memory_space<hbm>> -> memref<8x125xi32, #tpu.memory_space<hbm>>
      tpu.wait_dma2 semaphore(%arg26 : memref<!tpu.dma_semaphore, #tpu.memory_space<semaphore_mem>>) src(%dma_wait3A_465 : memref<8x125xi32, #tpu.memory_space<hbm>>) dst(%dma_wait3A_461 : memref<8x125xi32, #tpu.memory_space<vmem>>)
      %dma_start3A_466 = arith.constant 1 : i32
      %dma_start3A_467 = arith.constant 0 : i32
      %dma_start3A_468 = arith.constant 0 : i32
      %dma_start3A_469 = tpu.memref_slice %arg11[%dma_start3A_466, %dma_start3A_467, %dma_start3A_468] : memref<2x8x125xi32, #tpu.memory_space<vmem>> -> memref<1x1x125xi32, #tpu.memory_space<vmem>>
      %dma_start3A_470 = tpu.memref_squeeze %dma_start3A_469 : memref<1x1x125xi32, #tpu.memory_space<vmem>> -> memref<125xi32, #tpu.memory_space<vmem>>
      %dma_start3A_471 = arith.constant 0 : i32
      %dma_start3A_472 = arith.constant 0 : i32
      %dma_start3A_473 = tpu.memref_slice %arg2[%dma_start3A_471, %dma_start3A_472] : memref<10000x128xf32, #tpu.memory_space<hbm>> -> memref<10000x128xf32, #tpu.memory_space<hbm>>
      tpu.enqueue_indirect_dma source(%dma_start3A_473 : memref<10000x128xf32, #tpu.memory_space<hbm>>) target(%arg13 : memref<125x128xf32, #tpu.memory_space<vmem>>) offsets(%dma_start3A_470 : memref<125xi32, #tpu.memory_space<vmem>>) semaphore(%arg17 : memref<!tpu.dma_semaphore, #tpu.memory_space<semaphore_mem>>)
      %dma_wait3A_474 = arith.constant 0 : i32
      %dma_wait3A_475 = arith.constant 0 : i32
      %dma_wait3A_476 = arith.constant 0 : i32
      %dma_wait3A_477 = tpu.memref_slice %arg11[%dma_wait3A_474, %dma_wait3A_475, %dma_wait3A_476] : memref<2x8x125xi32, #tpu.memory_space<vmem>> -> memref<1x1x125xi32, #tpu.memory_space<vmem>>
      %dma_wait3A_478 = tpu.memref_squeeze %dma_wait3A_477 : memref<1x1x125xi32, #tpu.memory_space<vmem>> -> memref<125xi32, #tpu.memory_space<vmem>>
      %dma_wait3A_479 = arith.constant 0 : i32
      %dma_wait3A_480 = arith.constant 0 : i32
      %dma_wait3A_481 = tpu.memref_slice %arg2[%dma_wait3A_479, %dma_wait3A_480] : memref<10000x128xf32, #tpu.memory_space<hbm>> -> memref<10000x128xf32, #tpu.memory_space<hbm>>
      tpu.wait_indirect_dma semaphore(%arg17 : memref<!tpu.dma_semaphore, #tpu.memory_space<semaphore_mem>>) src(%dma_wait3A_481 : memref<10000x128xf32, #tpu.memory_space<hbm>>) dst(%arg13 : memref<125x128xf32, #tpu.memory_space<vmem>>)
      %dma_start3A_482 = arith.constant 1 : i32
      %dma_start3A_483 = arith.constant 0 : i32
      %dma_start3A_484 = arith.constant 0 : i32
      %dma_start3A_485 = tpu.memref_slice %arg12[%dma_start3A_482, %dma_start3A_483, %dma_start3A_484] : memref<2x8x125xi32, #tpu.memory_space<vmem>> -> memref<1x1x125xi32, #tpu.memory_space<vmem>>
      %dma_start3A_486 = tpu.memref_squeeze %dma_start3A_485 : memref<1x1x125xi32, #tpu.memory_space<vmem>> -> memref<125xi32, #tpu.memory_space<vmem>>
      %dma_start3A_487 = arith.constant 0 : i32
      %dma_start3A_488 = arith.constant 0 : i32
      %dma_start3A_489 = tpu.memref_slice %arg27[%dma_start3A_487, %dma_start3A_488] : memref<10000x128xf32, #tpu.memory_space<vmem_shared>> -> memref<10000x128xf32, #tpu.memory_space<vmem_shared>>
      tpu.enqueue_indirect_dma source(%arg13 : memref<125x128xf32, #tpu.memory_space<vmem>>) target(%dma_start3A_489 : memref<10000x128xf32, #tpu.memory_space<vmem_shared>>) offsets(%dma_start3A_486 : memref<125xi32, #tpu.memory_space<vmem>>) semaphore(%arg19 : memref<!tpu.dma_semaphore, #tpu.memory_space<semaphore_mem>>) {add = true}
      %convert_element_type3A_490 = arith.extui %gt3A_4 : i1 to i32
      %cond3A_491 = arith.constant 0 : i32
      %cond3A_492 = arith.cmpi ne, %convert_element_type3A_490, %cond3A_491 : i32
      scf.if %cond3A_492 {
        %dma_start3A_779 = arith.constant 1 : i32
        %dma_start3A_780 = arith.constant 0 : i32
        %dma_start3A_781 = arith.constant 0 : i32
        %dma_start3A_782 = tpu.memref_slice %arg12[%dma_start3A_779, %dma_start3A_780, %dma_start3A_781] : memref<2x8x125xi32, #tpu.memory_space<vmem>> -> memref<1x1x125xi32, #tpu.memory_space<vmem>>
        %dma_start3A_783 = tpu.memref_squeeze %dma_start3A_782 : memref<1x1x125xi32, #tpu.memory_space<vmem>> -> memref<125xi32, #tpu.memory_space<vmem>>
        %dma_start3A_784 = arith.constant 0 : i32
        %dma_start3A_785 = arith.constant 0 : i32
        %dma_start3A_786 = tpu.memref_slice %arg28[%dma_start3A_784, %dma_start3A_785] : memref<10000x16xf32, #tpu.memory_space<vmem_shared>> -> memref<10000x16xf32, #tpu.memory_space<vmem_shared>>
        tpu.enqueue_indirect_dma source(%arg15 : memref<125x16xf32, #tpu.memory_space<vmem>>) target(%dma_start3A_786 : memref<10000x16xf32, #tpu.memory_space<vmem_shared>>) offsets(%dma_start3A_783 : memref<125xi32, #tpu.memory_space<vmem>>) semaphore(%arg21 : memref<!tpu.dma_semaphore, #tpu.memory_space<semaphore_mem>>) {add = true}
      } else {
      }
      %dma_wait3A_493 = arith.constant 0 : i32
      %dma_wait3A_494 = arith.constant 0 : i32
      %dma_wait3A_495 = arith.constant 0 : i32
      %dma_wait3A_496 = tpu.memref_slice %arg12[%dma_wait3A_493, %dma_wait3A_494, %dma_wait3A_495] : memref<2x8x125xi32, #tpu.memory_space<vmem>> -> memref<1x1x125xi32, #tpu.memory_space<vmem>>
      %dma_wait3A_497 = tpu.memref_squeeze %dma_wait3A_496 : memref<1x1x125xi32, #tpu.memory_space<vmem>> -> memref<125xi32, #tpu.memory_space<vmem>>
      %dma_wait3A_498 = arith.constant 0 : i32
      %dma_wait3A_499 = arith.constant 0 : i32
      %dma_wait3A_500 = tpu.memref_slice %arg27[%dma_wait3A_498, %dma_wait3A_499] : memref<10000x128xf32, #tpu.memory_space<vmem_shared>> -> memref<10000x128xf32, #tpu.memory_space<vmem_shared>>
      tpu.wait_indirect_dma semaphore(%arg20 : memref<!tpu.dma_semaphore, #tpu.memory_space<semaphore_mem>>) src(%arg14 : memref<125x128xf32, #tpu.memory_space<vmem>>) dst(%dma_wait3A_500 : memref<10000x128xf32, #tpu.memory_space<vmem_shared>>)
      %convert_element_type3A_501 = arith.extui %gt3A_4 : i1 to i32
      %cond3A_502 = arith.constant 0 : i32
      %cond3A_503 = arith.cmpi ne, %convert_element_type3A_501, %cond3A_502 : i32
      scf.if %cond3A_503 {
        %dma_wait3A_779 = arith.constant 0 : i32
        %dma_wait3A_780 = arith.constant 0 : i32
        %dma_wait3A_781 = arith.constant 0 : i32
        %dma_wait3A_782 = tpu.memref_slice %arg12[%dma_wait3A_779, %dma_wait3A_780, %dma_wait3A_781] : memref<2x8x125xi32, #tpu.memory_space<vmem>> -> memref<1x1x125xi32, #tpu.memory_space<vmem>>
        %dma_wait3A_783 = tpu.memref_squeeze %dma_wait3A_782 : memref<1x1x125xi32, #tpu.memory_space<vmem>> -> memref<125xi32, #tpu.memory_space<vmem>>
        %dma_wait3A_784 = arith.constant 0 : i32
        %dma_wait3A_785 = arith.constant 0 : i32
        %dma_wait3A_786 = tpu.memref_slice %arg28[%dma_wait3A_784, %dma_wait3A_785] : memref<10000x16xf32, #tpu.memory_space<vmem_shared>> -> memref<10000x16xf32, #tpu.memory_space<vmem_shared>>
        tpu.wait_indirect_dma semaphore(%arg22 : memref<!tpu.dma_semaphore, #tpu.memory_space<semaphore_mem>>) src(%arg15 : memref<125x16xf32, #tpu.memory_space<vmem>>) dst(%dma_wait3A_786 : memref<10000x16xf32, #tpu.memory_space<vmem_shared>>)
      } else {
      }
      %dma_start3A_504 = arith.constant 1 : i32
      %dma_start3A_505 = arith.constant 1 : i32
      %dma_start3A_506 = arith.constant 0 : i32
      %dma_start3A_507 = tpu.memref_slice %arg11[%dma_start3A_504, %dma_start3A_505, %dma_start3A_506] : memref<2x8x125xi32, #tpu.memory_space<vmem>> -> memref<1x1x125xi32, #tpu.memory_space<vmem>>
      %dma_start3A_508 = tpu.memref_squeeze %dma_start3A_507 : memref<1x1x125xi32, #tpu.memory_space<vmem>> -> memref<125xi32, #tpu.memory_space<vmem>>
      %dma_start3A_509 = arith.constant 0 : i32
      %dma_start3A_510 = arith.constant 0 : i32
      %dma_start3A_511 = tpu.memref_slice %arg2[%dma_start3A_509, %dma_start3A_510] : memref<10000x128xf32, #tpu.memory_space<hbm>> -> memref<10000x128xf32, #tpu.memory_space<hbm>>
      tpu.enqueue_indirect_dma source(%dma_start3A_511 : memref<10000x128xf32, #tpu.memory_space<hbm>>) target(%arg14 : memref<125x128xf32, #tpu.memory_space<vmem>>) offsets(%dma_start3A_508 : memref<125xi32, #tpu.memory_space<vmem>>) semaphore(%arg18 : memref<!tpu.dma_semaphore, #tpu.memory_space<semaphore_mem>>)
      %dma_wait3A_512 = arith.constant 0 : i32
      %dma_wait3A_513 = arith.constant 0 : i32
      %dma_wait3A_514 = arith.constant 0 : i32
      %dma_wait3A_515 = tpu.memref_slice %arg11[%dma_wait3A_512, %dma_wait3A_513, %dma_wait3A_514] : memref<2x8x125xi32, #tpu.memory_space<vmem>> -> memref<1x1x125xi32, #tpu.memory_space<vmem>>
      %dma_wait3A_516 = tpu.memref_squeeze %dma_wait3A_515 : memref<1x1x125xi32, #tpu.memory_space<vmem>> -> memref<125xi32, #tpu.memory_space<vmem>>
      %dma_wait3A_517 = arith.constant 0 : i32
      %dma_wait3A_518 = arith.constant 0 : i32
      %dma_wait3A_519 = tpu.memref_slice %arg2[%dma_wait3A_517, %dma_wait3A_518] : memref<10000x128xf32, #tpu.memory_space<hbm>> -> memref<10000x128xf32, #tpu.memory_space<hbm>>
      tpu.wait_indirect_dma semaphore(%arg18 : memref<!tpu.dma_semaphore, #tpu.memory_space<semaphore_mem>>) src(%dma_wait3A_519 : memref<10000x128xf32, #tpu.memory_space<hbm>>) dst(%arg14 : memref<125x128xf32, #tpu.memory_space<vmem>>)
      %dma_start3A_520 = arith.constant 1 : i32
      %dma_start3A_521 = arith.constant 1 : i32
      %dma_start3A_522 = arith.constant 0 : i32
      %dma_start3A_523 = tpu.memref_slice %arg12[%dma_start3A_520, %dma_start3A_521, %dma_start3A_522] : memref<2x8x125xi32, #tpu.memory_space<vmem>> -> memref<1x1x125xi32, #tpu.memory_space<vmem>>
      %dma_start3A_524 = tpu.memref_squeeze %dma_start3A_523 : memref<1x1x125xi32, #tpu.memory_space<vmem>> -> memref<125xi32, #tpu.memory_space<vmem>>
      %dma_start3A_525 = arith.constant 0 : i32
      %dma_start3A_526 = arith.constant 0 : i32
      %dma_start3A_527 = tpu.memref_slice %arg27[%dma_start3A_525, %dma_start3A_526] : memref<10000x128xf32, #tpu.memory_space<vmem_shared>> -> memref<10000x128xf32, #tpu.memory_space<vmem_shared>>
      tpu.enqueue_indirect_dma source(%arg14 : memref<125x128xf32, #tpu.memory_space<vmem>>) target(%dma_start3A_527 : memref<10000x128xf32, #tpu.memory_space<vmem_shared>>) offsets(%dma_start3A_524 : memref<125xi32, #tpu.memory_space<vmem>>) semaphore(%arg20 : memref<!tpu.dma_semaphore, #tpu.memory_space<semaphore_mem>>) {add = true}
      %convert_element_type3A_528 = arith.extui %gt3A_4 : i1 to i32
      %cond3A_529 = arith.constant 0 : i32
      %cond3A_530 = arith.cmpi ne, %convert_element_type3A_528, %cond3A_529 : i32
      scf.if %cond3A_530 {
        %dma_start3A_779 = arith.constant 1 : i32
        %dma_start3A_780 = arith.constant 1 : i32
        %dma_start3A_781 = arith.constant 0 : i32
        %dma_start3A_782 = tpu.memref_slice %arg12[%dma_start3A_779, %dma_start3A_780, %dma_start3A_781] : memref<2x8x125xi32, #tpu.memory_space<vmem>> -> memref<1x1x125xi32, #tpu.memory_space<vmem>>
        %dma_start3A_783 = tpu.memref_squeeze %dma_start3A_782 : memref<1x1x125xi32, #tpu.memory_space<vmem>> -> memref<125xi32, #tpu.memory_space<vmem>>
        %dma_start3A_784 = arith.constant 0 : i32
        %dma_start3A_785 = arith.constant 0 : i32
        %dma_start3A_786 = tpu.memref_slice %arg28[%dma_start3A_784, %dma_start3A_785] : memref<10000x16xf32, #tpu.memory_space<vmem_shared>> -> memref<10000x16xf32, #tpu.memory_space<vmem_shared>>
        tpu.enqueue_indirect_dma source(%arg15 : memref<125x16xf32, #tpu.memory_space<vmem>>) target(%dma_start3A_786 : memref<10000x16xf32, #tpu.memory_space<vmem_shared>>) offsets(%dma_start3A_783 : memref<125xi32, #tpu.memory_space<vmem>>) semaphore(%arg22 : memref<!tpu.dma_semaphore, #tpu.memory_space<semaphore_mem>>) {add = true}
      } else {
      }
      %dma_wait3A_531 = arith.constant 0 : i32
      %dma_wait3A_532 = arith.constant 0 : i32
      %dma_wait3A_533 = arith.constant 0 : i32
      %dma_wait3A_534 = tpu.memref_slice %arg12[%dma_wait3A_531, %dma_wait3A_532, %dma_wait3A_533] : memref<2x8x125xi32, #tpu.memory_space<vmem>> -> memref<1x1x125xi32, #tpu.memory_space<vmem>>
      %dma_wait3A_535 = tpu.memref_squeeze %dma_wait3A_534 : memref<1x1x125xi32, #tpu.memory_space<vmem>> -> memref<125xi32, #tpu.memory_space<vmem>>
      %dma_wait3A_536 = arith.constant 0 : i32
      %dma_wait3A_537 = arith.constant 0 : i32
      %dma_wait3A_538 = tpu.memref_slice %arg27[%dma_wait3A_536, %dma_wait3A_537] : memref<10000x128xf32, #tpu.memory_space<vmem_shared>> -> memref<10000x128xf32, #tpu.memory_space<vmem_shared>>
      tpu.wait_indirect_dma semaphore(%arg19 : memref<!tpu.dma_semaphore, #tpu.memory_space<semaphore_mem>>) src(%arg13 : memref<125x128xf32, #tpu.memory_space<vmem>>) dst(%dma_wait3A_538 : memref<10000x128xf32, #tpu.memory_space<vmem_shared>>)
      %convert_element_type3A_539 = arith.extui %gt3A_4 : i1 to i32
      %cond3A_540 = arith.constant 0 : i32
      %cond3A_541 = arith.cmpi ne, %convert_element_type3A_539, %cond3A_540 : i32
      scf.if %cond3A_541 {
        %dma_wait3A_779 = arith.constant 0 : i32
        %dma_wait3A_780 = arith.constant 0 : i32
        %dma_wait3A_781 = arith.constant 0 : i32
        %dma_wait3A_782 = tpu.memref_slice %arg12[%dma_wait3A_779, %dma_wait3A_780, %dma_wait3A_781] : memref<2x8x125xi32, #tpu.memory_space<vmem>> -> memref<1x1x125xi32, #tpu.memory_space<vmem>>
        %dma_wait3A_783 = tpu.memref_squeeze %dma_wait3A_782 : memref<1x1x125xi32, #tpu.memory_space<vmem>> -> memref<125xi32, #tpu.memory_space<vmem>>
        %dma_wait3A_784 = arith.constant 0 : i32
        %dma_wait3A_785 = arith.constant 0 : i32
        %dma_wait3A_786 = tpu.memref_slice %arg28[%dma_wait3A_784, %dma_wait3A_785] : memref<10000x16xf32, #tpu.memory_space<vmem_shared>> -> memref<10000x16xf32, #tpu.memory_space<vmem_shared>>
        tpu.wait_indirect_dma semaphore(%arg21 : memref<!tpu.dma_semaphore, #tpu.memory_space<semaphore_mem>>) src(%arg15 : memref<125x16xf32, #tpu.memory_space<vmem>>) dst(%dma_wait3A_786 : memref<10000x16xf32, #tpu.memory_space<vmem_shared>>)
      } else {
      }
      %dma_start3A_542 = arith.constant 1 : i32
      %dma_start3A_543 = arith.constant 2 : i32
      %dma_start3A_544 = arith.constant 0 : i32
      %dma_start3A_545 = tpu.memref_slice %arg11[%dma_start3A_542, %dma_start3A_543, %dma_start3A_544] : memref<2x8x125xi32, #tpu.memory_space<vmem>> -> memref<1x1x125xi32, #tpu.memory_space<vmem>>
      %dma_start3A_546 = tpu.memref_squeeze %dma_start3A_545 : memref<1x1x125xi32, #tpu.memory_space<vmem>> -> memref<125xi32, #tpu.memory_space<vmem>>
      %dma_start3A_547 = arith.constant 0 : i32
      %dma_start3A_548 = arith.constant 0 : i32
      %dma_start3A_549 = tpu.memref_slice %arg2[%dma_start3A_547, %dma_start3A_548] : memref<10000x128xf32, #tpu.memory_space<hbm>> -> memref<10000x128xf32, #tpu.memory_space<hbm>>
      tpu.enqueue_indirect_dma source(%dma_start3A_549 : memref<10000x128xf32, #tpu.memory_space<hbm>>) target(%arg13 : memref<125x128xf32, #tpu.memory_space<vmem>>) offsets(%dma_start3A_546 : memref<125xi32, #tpu.memory_space<vmem>>) semaphore(%arg17 : memref<!tpu.dma_semaphore, #tpu.memory_space<semaphore_mem>>)
      %dma_wait3A_550 = arith.constant 0 : i32
      %dma_wait3A_551 = arith.constant 0 : i32
      %dma_wait3A_552 = arith.constant 0 : i32
      %dma_wait3A_553 = tpu.memref_slice %arg11[%dma_wait3A_550, %dma_wait3A_551, %dma_wait3A_552] : memref<2x8x125xi32, #tpu.memory_space<vmem>> -> memref<1x1x125xi32, #tpu.memory_space<vmem>>
      %dma_wait3A_554 = tpu.memref_squeeze %dma_wait3A_553 : memref<1x1x125xi32, #tpu.memory_space<vmem>> -> memref<125xi32, #tpu.memory_space<vmem>>
      %dma_wait3A_555 = arith.constant 0 : i32
      %dma_wait3A_556 = arith.constant 0 : i32
      %dma_wait3A_557 = tpu.memref_slice %arg2[%dma_wait3A_555, %dma_wait3A_556] : memref<10000x128xf32, #tpu.memory_space<hbm>> -> memref<10000x128xf32, #tpu.memory_space<hbm>>
      tpu.wait_indirect_dma semaphore(%arg17 : memref<!tpu.dma_semaphore, #tpu.memory_space<semaphore_mem>>) src(%dma_wait3A_557 : memref<10000x128xf32, #tpu.memory_space<hbm>>) dst(%arg13 : memref<125x128xf32, #tpu.memory_space<vmem>>)
      %dma_start3A_558 = arith.constant 1 : i32
      %dma_start3A_559 = arith.constant 2 : i32
      %dma_start3A_560 = arith.constant 0 : i32
      %dma_start3A_561 = tpu.memref_slice %arg12[%dma_start3A_558, %dma_start3A_559, %dma_start3A_560] : memref<2x8x125xi32, #tpu.memory_space<vmem>> -> memref<1x1x125xi32, #tpu.memory_space<vmem>>
      %dma_start3A_562 = tpu.memref_squeeze %dma_start3A_561 : memref<1x1x125xi32, #tpu.memory_space<vmem>> -> memref<125xi32, #tpu.memory_space<vmem>>
      %dma_start3A_563 = arith.constant 0 : i32
      %dma_start3A_564 = arith.constant 0 : i32
      %dma_start3A_565 = tpu.memref_slice %arg27[%dma_start3A_563, %dma_start3A_564] : memref<10000x128xf32, #tpu.memory_space<vmem_shared>> -> memref<10000x128xf32, #tpu.memory_space<vmem_shared>>
      tpu.enqueue_indirect_dma source(%arg13 : memref<125x128xf32, #tpu.memory_space<vmem>>) target(%dma_start3A_565 : memref<10000x128xf32, #tpu.memory_space<vmem_shared>>) offsets(%dma_start3A_562 : memref<125xi32, #tpu.memory_space<vmem>>) semaphore(%arg19 : memref<!tpu.dma_semaphore, #tpu.memory_space<semaphore_mem>>) {add = true}
      %convert_element_type3A_566 = arith.extui %gt3A_4 : i1 to i32
      %cond3A_567 = arith.constant 0 : i32
      %cond3A_568 = arith.cmpi ne, %convert_element_type3A_566, %cond3A_567 : i32
      scf.if %cond3A_568 {
        %dma_start3A_779 = arith.constant 1 : i32
        %dma_start3A_780 = arith.constant 2 : i32
        %dma_start3A_781 = arith.constant 0 : i32
        %dma_start3A_782 = tpu.memref_slice %arg12[%dma_start3A_779, %dma_start3A_780, %dma_start3A_781] : memref<2x8x125xi32, #tpu.memory_space<vmem>> -> memref<1x1x125xi32, #tpu.memory_space<vmem>>
        %dma_start3A_783 = tpu.memref_squeeze %dma_start3A_782 : memref<1x1x125xi32, #tpu.memory_space<vmem>> -> memref<125xi32, #tpu.memory_space<vmem>>
        %dma_start3A_784 = arith.constant 0 : i32
        %dma_start3A_785 = arith.constant 0 : i32
        %dma_start3A_786 = tpu.memref_slice %arg28[%dma_start3A_784, %dma_start3A_785] : memref<10000x16xf32, #tpu.memory_space<vmem_shared>> -> memref<10000x16xf32, #tpu.memory_space<vmem_shared>>
        tpu.enqueue_indirect_dma source(%arg15 : memref<125x16xf32, #tpu.memory_space<vmem>>) target(%dma_start3A_786 : memref<10000x16xf32, #tpu.memory_space<vmem_shared>>) offsets(%dma_start3A_783 : memref<125xi32, #tpu.memory_space<vmem>>) semaphore(%arg21 : memref<!tpu.dma_semaphore, #tpu.memory_space<semaphore_mem>>) {add = true}
      } else {
      }
      %lt3A = arith.constant 4 : i32
      %lt3A_569 = arith.cmpi slt, %scan3A_106, %lt3A : i32
      %convert_element_type3A_570 = arith.extui %lt3A_569 : i1 to i32
      %cond3A_571 = arith.constant 0 : i32
      %cond3A_572 = arith.cmpi ne, %convert_element_type3A_570, %cond3A_571 : i32
      scf.if %cond3A_572 {
        %mul3A_779 = arith.constant 2 : i32
        %mul3A_780 = arith.muli %mul3A_779, %scan3A_106 : i32
        %add3A_781 = arith.constant 2 : i32
        %add3A_782 = arith.addi %mul3A_780, %add3A_781 : i32
        %mul3A_783 = arith.constant 8 : i32
        %mul3A_784 = arith.muli %add3A_782, %mul3A_783 : i32
        %dma_start3A_785 = arith.constant 0 : i32
        %dma_start3A_786 = arith.constant 0 : i32
        %dma_start3A_787 = arith.constant 0 : i32
        %dma_start3A_788 = tpu.memref_slice %arg11[%dma_start3A_785, %dma_start3A_786, %dma_start3A_787] : memref<2x8x125xi32, #tpu.memory_space<vmem>> -> memref<1x8x125xi32, #tpu.memory_space<vmem>>
        %dma_start3A_789 = tpu.memref_squeeze %dma_start3A_788 : memref<1x8x125xi32, #tpu.memory_space<vmem>> -> memref<8x125xi32, #tpu.memory_space<vmem>>
        %dma_start3A_790 = arith.constant 0 : i32
        %dma_start3A_791 = tpu.memref_slice %arg3[%arg0, %arg1, %mul3A_784, %dma_start3A_790] : memref<2x16x80x125xi32, #tpu.memory_space<hbm>> -> memref<1x1x8x125xi32, #tpu.memory_space<hbm>>
        %dma_start3A_792 = tpu.memref_squeeze %dma_start3A_791 : memref<1x1x8x125xi32, #tpu.memory_space<hbm>> -> memref<8x125xi32, #tpu.memory_space<hbm>>
        %dma_start3A_793 = arith.constant 0 : i32
        %dma_start3A_794 = arith.constant 0 : i32
        %dma_start3A_795 = tpu.memref_slice %arg11[%dma_start3A_785, %dma_start3A_793, %dma_start3A_794] : memref<2x8x125xi32, #tpu.memory_space<vmem>> -> memref<1x8x125xi32, #tpu.memory_space<vmem>>
        %dma_start3A_796 = tpu.memref_squeeze %dma_start3A_795 : memref<1x8x125xi32, #tpu.memory_space<vmem>> -> memref<8x125xi32, #tpu.memory_space<vmem>>
        %dma_start3A_797 = arith.constant 0 : i32
        %dma_start3A_798 = tpu.memref_slice %arg3[%arg0, %arg1, %mul3A_784, %dma_start3A_797] : memref<2x16x80x125xi32, #tpu.memory_space<hbm>> -> memref<1x1x8x125xi32, #tpu.memory_space<hbm>>
        %dma_start3A_799 = tpu.memref_squeeze %dma_start3A_798 : memref<1x1x8x125xi32, #tpu.memory_space<hbm>> -> memref<8x125xi32, #tpu.memory_space<hbm>>
        tpu.enqueue_dma source(%dma_start3A_799 : memref<8x125xi32, #tpu.memory_space<hbm>>) target(%dma_start3A_796 : memref<8x125xi32, #tpu.memory_space<vmem>>) target_semaphore(%arg23 : memref<!tpu.dma_semaphore, #tpu.memory_space<semaphore_mem>>)
        %mul3A_800 = arith.constant 8 : i32
        %mul3A_801 = arith.muli %add3A_782, %mul3A_800 : i32
        %dma_start3A_802 = arith.constant 0 : i32
        %dma_start3A_803 = arith.constant 0 : i32
        %dma_start3A_804 = arith.constant 0 : i32
        %dma_start3A_805 = tpu.memref_slice %arg12[%dma_start3A_802, %dma_start3A_803, %dma_start3A_804] : memref<2x8x125xi32, #tpu.memory_space<vmem>> -> memref<1x8x125xi32, #tpu.memory_space<vmem>>
        %dma_start3A_806 = tpu.memref_squeeze %dma_start3A_805 : memref<1x8x125xi32, #tpu.memory_space<vmem>> -> memref<8x125xi32, #tpu.memory_space<vmem>>
        %dma_start3A_807 = arith.constant 0 : i32
        %dma_start3A_808 = tpu.memref_slice %arg4[%arg0, %arg1, %mul3A_801, %dma_start3A_807] : memref<2x16x80x125xi32, #tpu.memory_space<hbm>> -> memref<1x1x8x125xi32, #tpu.memory_space<hbm>>
        %dma_start3A_809 = tpu.memref_squeeze %dma_start3A_808 : memref<1x1x8x125xi32, #tpu.memory_space<hbm>> -> memref<8x125xi32, #tpu.memory_space<hbm>>
        %dma_start3A_810 = arith.constant 0 : i32
        %dma_start3A_811 = arith.constant 0 : i32
        %dma_start3A_812 = tpu.memref_slice %arg12[%dma_start3A_802, %dma_start3A_810, %dma_start3A_811] : memref<2x8x125xi32, #tpu.memory_space<vmem>> -> memref<1x8x125xi32, #tpu.memory_space<vmem>>
        %dma_start3A_813 = tpu.memref_squeeze %dma_start3A_812 : memref<1x8x125xi32, #tpu.memory_space<vmem>> -> memref<8x125xi32, #tpu.memory_space<vmem>>
        %dma_start3A_814 = arith.constant 0 : i32
        %dma_start3A_815 = tpu.memref_slice %arg4[%arg0, %arg1, %mul3A_801, %dma_start3A_814] : memref<2x16x80x125xi32, #tpu.memory_space<hbm>> -> memref<1x1x8x125xi32, #tpu.memory_space<hbm>>
        %dma_start3A_816 = tpu.memref_squeeze %dma_start3A_815 : memref<1x1x8x125xi32, #tpu.memory_space<hbm>> -> memref<8x125xi32, #tpu.memory_space<hbm>>
        tpu.enqueue_dma source(%dma_start3A_816 : memref<8x125xi32, #tpu.memory_space<hbm>>) target(%dma_start3A_813 : memref<8x125xi32, #tpu.memory_space<vmem>>) target_semaphore(%arg25 : memref<!tpu.dma_semaphore, #tpu.memory_space<semaphore_mem>>)
      } else {
      }
      %dma_wait3A_573 = arith.constant 0 : i32
      %dma_wait3A_574 = arith.constant 0 : i32
      %dma_wait3A_575 = arith.constant 0 : i32
      %dma_wait3A_576 = tpu.memref_slice %arg12[%dma_wait3A_573, %dma_wait3A_574, %dma_wait3A_575] : memref<2x8x125xi32, #tpu.memory_space<vmem>> -> memref<1x1x125xi32, #tpu.memory_space<vmem>>
      %dma_wait3A_577 = tpu.memref_squeeze %dma_wait3A_576 : memref<1x1x125xi32, #tpu.memory_space<vmem>> -> memref<125xi32, #tpu.memory_space<vmem>>
      %dma_wait3A_578 = arith.constant 0 : i32
      %dma_wait3A_579 = arith.constant 0 : i32
      %dma_wait3A_580 = tpu.memref_slice %arg27[%dma_wait3A_578, %dma_wait3A_579] : memref<10000x128xf32, #tpu.memory_space<vmem_shared>> -> memref<10000x128xf32, #tpu.memory_space<vmem_shared>>
      tpu.wait_indirect_dma semaphore(%arg20 : memref<!tpu.dma_semaphore, #tpu.memory_space<semaphore_mem>>) src(%arg14 : memref<125x128xf32, #tpu.memory_space<vmem>>) dst(%dma_wait3A_580 : memref<10000x128xf32, #tpu.memory_space<vmem_shared>>)
      %convert_element_type3A_581 = arith.extui %gt3A_4 : i1 to i32
      %cond3A_582 = arith.constant 0 : i32
      %cond3A_583 = arith.cmpi ne, %convert_element_type3A_581, %cond3A_582 : i32
      scf.if %cond3A_583 {
        %dma_wait3A_779 = arith.constant 0 : i32
        %dma_wait3A_780 = arith.constant 0 : i32
        %dma_wait3A_781 = arith.constant 0 : i32
        %dma_wait3A_782 = tpu.memref_slice %arg12[%dma_wait3A_779, %dma_wait3A_780, %dma_wait3A_781] : memref<2x8x125xi32, #tpu.memory_space<vmem>> -> memref<1x1x125xi32, #tpu.memory_space<vmem>>
        %dma_wait3A_783 = tpu.memref_squeeze %dma_wait3A_782 : memref<1x1x125xi32, #tpu.memory_space<vmem>> -> memref<125xi32, #tpu.memory_space<vmem>>
        %dma_wait3A_784 = arith.constant 0 : i32
        %dma_wait3A_785 = arith.constant 0 : i32
        %dma_wait3A_786 = tpu.memref_slice %arg28[%dma_wait3A_784, %dma_wait3A_785] : memref<10000x16xf32, #tpu.memory_space<vmem_shared>> -> memref<10000x16xf32, #tpu.memory_space<vmem_shared>>
        tpu.wait_indirect_dma semaphore(%arg22 : memref<!tpu.dma_semaphore, #tpu.memory_space<semaphore_mem>>) src(%arg15 : memref<125x16xf32, #tpu.memory_space<vmem>>) dst(%dma_wait3A_786 : memref<10000x16xf32, #tpu.memory_space<vmem_shared>>)
      } else {
      }
      %dma_start3A_584 = arith.constant 1 : i32
      %dma_start3A_585 = arith.constant 3 : i32
      %dma_start3A_586 = arith.constant 0 : i32
      %dma_start3A_587 = tpu.memref_slice %arg11[%dma_start3A_584, %dma_start3A_585, %dma_start3A_586] : memref<2x8x125xi32, #tpu.memory_space<vmem>> -> memref<1x1x125xi32, #tpu.memory_space<vmem>>
      %dma_start3A_588 = tpu.memref_squeeze %dma_start3A_587 : memref<1x1x125xi32, #tpu.memory_space<vmem>> -> memref<125xi32, #tpu.memory_space<vmem>>
      %dma_start3A_589 = arith.constant 0 : i32
      %dma_start3A_590 = arith.constant 0 : i32
      %dma_start3A_591 = tpu.memref_slice %arg2[%dma_start3A_589, %dma_start3A_590] : memref<10000x128xf32, #tpu.memory_space<hbm>> -> memref<10000x128xf32, #tpu.memory_space<hbm>>
      tpu.enqueue_indirect_dma source(%dma_start3A_591 : memref<10000x128xf32, #tpu.memory_space<hbm>>) target(%arg14 : memref<125x128xf32, #tpu.memory_space<vmem>>) offsets(%dma_start3A_588 : memref<125xi32, #tpu.memory_space<vmem>>) semaphore(%arg18 : memref<!tpu.dma_semaphore, #tpu.memory_space<semaphore_mem>>)
      %dma_wait3A_592 = arith.constant 0 : i32
      %dma_wait3A_593 = arith.constant 0 : i32
      %dma_wait3A_594 = arith.constant 0 : i32
      %dma_wait3A_595 = tpu.memref_slice %arg11[%dma_wait3A_592, %dma_wait3A_593, %dma_wait3A_594] : memref<2x8x125xi32, #tpu.memory_space<vmem>> -> memref<1x1x125xi32, #tpu.memory_space<vmem>>
      %dma_wait3A_596 = tpu.memref_squeeze %dma_wait3A_595 : memref<1x1x125xi32, #tpu.memory_space<vmem>> -> memref<125xi32, #tpu.memory_space<vmem>>
      %dma_wait3A_597 = arith.constant 0 : i32
      %dma_wait3A_598 = arith.constant 0 : i32
      %dma_wait3A_599 = tpu.memref_slice %arg2[%dma_wait3A_597, %dma_wait3A_598] : memref<10000x128xf32, #tpu.memory_space<hbm>> -> memref<10000x128xf32, #tpu.memory_space<hbm>>
      tpu.wait_indirect_dma semaphore(%arg18 : memref<!tpu.dma_semaphore, #tpu.memory_space<semaphore_mem>>) src(%dma_wait3A_599 : memref<10000x128xf32, #tpu.memory_space<hbm>>) dst(%arg14 : memref<125x128xf32, #tpu.memory_space<vmem>>)
      %dma_start3A_600 = arith.constant 1 : i32
      %dma_start3A_601 = arith.constant 3 : i32
      %dma_start3A_602 = arith.constant 0 : i32
      %dma_start3A_603 = tpu.memref_slice %arg12[%dma_start3A_600, %dma_start3A_601, %dma_start3A_602] : memref<2x8x125xi32, #tpu.memory_space<vmem>> -> memref<1x1x125xi32, #tpu.memory_space<vmem>>
      %dma_start3A_604 = tpu.memref_squeeze %dma_start3A_603 : memref<1x1x125xi32, #tpu.memory_space<vmem>> -> memref<125xi32, #tpu.memory_space<vmem>>
      %dma_start3A_605 = arith.constant 0 : i32
      %dma_start3A_606 = arith.constant 0 : i32
      %dma_start3A_607 = tpu.memref_slice %arg27[%dma_start3A_605, %dma_start3A_606] : memref<10000x128xf32, #tpu.memory_space<vmem_shared>> -> memref<10000x128xf32, #tpu.memory_space<vmem_shared>>
      tpu.enqueue_indirect_dma source(%arg14 : memref<125x128xf32, #tpu.memory_space<vmem>>) target(%dma_start3A_607 : memref<10000x128xf32, #tpu.memory_space<vmem_shared>>) offsets(%dma_start3A_604 : memref<125xi32, #tpu.memory_space<vmem>>) semaphore(%arg20 : memref<!tpu.dma_semaphore, #tpu.memory_space<semaphore_mem>>) {add = true}
      %convert_element_type3A_608 = arith.extui %gt3A_4 : i1 to i32
      %cond3A_609 = arith.constant 0 : i32
      %cond3A_610 = arith.cmpi ne, %convert_element_type3A_608, %cond3A_609 : i32
      scf.if %cond3A_610 {
        %dma_start3A_779 = arith.constant 1 : i32
        %dma_start3A_780 = arith.constant 3 : i32
        %dma_start3A_781 = arith.constant 0 : i32
        %dma_start3A_782 = tpu.memref_slice %arg12[%dma_start3A_779, %dma_start3A_780, %dma_start3A_781] : memref<2x8x125xi32, #tpu.memory_space<vmem>> -> memref<1x1x125xi32, #tpu.memory_space<vmem>>
        %dma_start3A_783 = tpu.memref_squeeze %dma_start3A_782 : memref<1x1x125xi32, #tpu.memory_space<vmem>> -> memref<125xi32, #tpu.memory_space<vmem>>
        %dma_start3A_784 = arith.constant 0 : i32
        %dma_start3A_785 = arith.constant 0 : i32
        %dma_start3A_786 = tpu.memref_slice %arg28[%dma_start3A_784, %dma_start3A_785] : memref<10000x16xf32, #tpu.memory_space<vmem_shared>> -> memref<10000x16xf32, #tpu.memory_space<vmem_shared>>
        tpu.enqueue_indirect_dma source(%arg15 : memref<125x16xf32, #tpu.memory_space<vmem>>) target(%dma_start3A_786 : memref<10000x16xf32, #tpu.memory_space<vmem_shared>>) offsets(%dma_start3A_783 : memref<125xi32, #tpu.memory_space<vmem>>) semaphore(%arg22 : memref<!tpu.dma_semaphore, #tpu.memory_space<semaphore_mem>>) {add = true}
      } else {
      }
      %dma_wait3A_611 = arith.constant 0 : i32
      %dma_wait3A_612 = arith.constant 0 : i32
      %dma_wait3A_613 = arith.constant 0 : i32
      %dma_wait3A_614 = tpu.memref_slice %arg12[%dma_wait3A_611, %dma_wait3A_612, %dma_wait3A_613] : memref<2x8x125xi32, #tpu.memory_space<vmem>> -> memref<1x1x125xi32, #tpu.memory_space<vmem>>
      %dma_wait3A_615 = tpu.memref_squeeze %dma_wait3A_614 : memref<1x1x125xi32, #tpu.memory_space<vmem>> -> memref<125xi32, #tpu.memory_space<vmem>>
      %dma_wait3A_616 = arith.constant 0 : i32
      %dma_wait3A_617 = arith.constant 0 : i32
      %dma_wait3A_618 = tpu.memref_slice %arg27[%dma_wait3A_616, %dma_wait3A_617] : memref<10000x128xf32, #tpu.memory_space<vmem_shared>> -> memref<10000x128xf32, #tpu.memory_space<vmem_shared>>
      tpu.wait_indirect_dma semaphore(%arg19 : memref<!tpu.dma_semaphore, #tpu.memory_space<semaphore_mem>>) src(%arg13 : memref<125x128xf32, #tpu.memory_space<vmem>>) dst(%dma_wait3A_618 : memref<10000x128xf32, #tpu.memory_space<vmem_shared>>)
      %convert_element_type3A_619 = arith.extui %gt3A_4 : i1 to i32
      %cond3A_620 = arith.constant 0 : i32
      %cond3A_621 = arith.cmpi ne, %convert_element_type3A_619, %cond3A_620 : i32
      scf.if %cond3A_621 {
        %dma_wait3A_779 = arith.constant 0 : i32
        %dma_wait3A_780 = arith.constant 0 : i32
        %dma_wait3A_781 = arith.constant 0 : i32
        %dma_wait3A_782 = tpu.memref_slice %arg12[%dma_wait3A_779, %dma_wait3A_780, %dma_wait3A_781] : memref<2x8x125xi32, #tpu.memory_space<vmem>> -> memref<1x1x125xi32, #tpu.memory_space<vmem>>
        %dma_wait3A_783 = tpu.memref_squeeze %dma_wait3A_782 : memref<1x1x125xi32, #tpu.memory_space<vmem>> -> memref<125xi32, #tpu.memory_space<vmem>>
        %dma_wait3A_784 = arith.constant 0 : i32
        %dma_wait3A_785 = arith.constant 0 : i32
        %dma_wait3A_786 = tpu.memref_slice %arg28[%dma_wait3A_784, %dma_wait3A_785] : memref<10000x16xf32, #tpu.memory_space<vmem_shared>> -> memref<10000x16xf32, #tpu.memory_space<vmem_shared>>
        tpu.wait_indirect_dma semaphore(%arg21 : memref<!tpu.dma_semaphore, #tpu.memory_space<semaphore_mem>>) src(%arg15 : memref<125x16xf32, #tpu.memory_space<vmem>>) dst(%dma_wait3A_786 : memref<10000x16xf32, #tpu.memory_space<vmem_shared>>)
      } else {
      }
      %dma_start3A_622 = arith.constant 1 : i32
      %dma_start3A_623 = arith.constant 4 : i32
      %dma_start3A_624 = arith.constant 0 : i32
      %dma_start3A_625 = tpu.memref_slice %arg11[%dma_start3A_622, %dma_start3A_623, %dma_start3A_624] : memref<2x8x125xi32, #tpu.memory_space<vmem>> -> memref<1x1x125xi32, #tpu.memory_space<vmem>>
      %dma_start3A_626 = tpu.memref_squeeze %dma_start3A_625 : memref<1x1x125xi32, #tpu.memory_space<vmem>> -> memref<125xi32, #tpu.memory_space<vmem>>
      %dma_start3A_627 = arith.constant 0 : i32
      %dma_start3A_628 = arith.constant 0 : i32
      %dma_start3A_629 = tpu.memref_slice %arg2[%dma_start3A_627, %dma_start3A_628] : memref<10000x128xf32, #tpu.memory_space<hbm>> -> memref<10000x128xf32, #tpu.memory_space<hbm>>
      tpu.enqueue_indirect_dma source(%dma_start3A_629 : memref<10000x128xf32, #tpu.memory_space<hbm>>) target(%arg13 : memref<125x128xf32, #tpu.memory_space<vmem>>) offsets(%dma_start3A_626 : memref<125xi32, #tpu.memory_space<vmem>>) semaphore(%arg17 : memref<!tpu.dma_semaphore, #tpu.memory_space<semaphore_mem>>)
      %dma_wait3A_630 = arith.constant 0 : i32
      %dma_wait3A_631 = arith.constant 0 : i32
      %dma_wait3A_632 = arith.constant 0 : i32
      %dma_wait3A_633 = tpu.memref_slice %arg11[%dma_wait3A_630, %dma_wait3A_631, %dma_wait3A_632] : memref<2x8x125xi32, #tpu.memory_space<vmem>> -> memref<1x1x125xi32, #tpu.memory_space<vmem>>
      %dma_wait3A_634 = tpu.memref_squeeze %dma_wait3A_633 : memref<1x1x125xi32, #tpu.memory_space<vmem>> -> memref<125xi32, #tpu.memory_space<vmem>>
      %dma_wait3A_635 = arith.constant 0 : i32
      %dma_wait3A_636 = arith.constant 0 : i32
      %dma_wait3A_637 = tpu.memref_slice %arg2[%dma_wait3A_635, %dma_wait3A_636] : memref<10000x128xf32, #tpu.memory_space<hbm>> -> memref<10000x128xf32, #tpu.memory_space<hbm>>
      tpu.wait_indirect_dma semaphore(%arg17 : memref<!tpu.dma_semaphore, #tpu.memory_space<semaphore_mem>>) src(%dma_wait3A_637 : memref<10000x128xf32, #tpu.memory_space<hbm>>) dst(%arg13 : memref<125x128xf32, #tpu.memory_space<vmem>>)
      %dma_start3A_638 = arith.constant 1 : i32
      %dma_start3A_639 = arith.constant 4 : i32
      %dma_start3A_640 = arith.constant 0 : i32
      %dma_start3A_641 = tpu.memref_slice %arg12[%dma_start3A_638, %dma_start3A_639, %dma_start3A_640] : memref<2x8x125xi32, #tpu.memory_space<vmem>> -> memref<1x1x125xi32, #tpu.memory_space<vmem>>
      %dma_start3A_642 = tpu.memref_squeeze %dma_start3A_641 : memref<1x1x125xi32, #tpu.memory_space<vmem>> -> memref<125xi32, #tpu.memory_space<vmem>>
      %dma_start3A_643 = arith.constant 0 : i32
      %dma_start3A_644 = arith.constant 0 : i32
      %dma_start3A_645 = tpu.memref_slice %arg27[%dma_start3A_643, %dma_start3A_644] : memref<10000x128xf32, #tpu.memory_space<vmem_shared>> -> memref<10000x128xf32, #tpu.memory_space<vmem_shared>>
      tpu.enqueue_indirect_dma source(%arg13 : memref<125x128xf32, #tpu.memory_space<vmem>>) target(%dma_start3A_645 : memref<10000x128xf32, #tpu.memory_space<vmem_shared>>) offsets(%dma_start3A_642 : memref<125xi32, #tpu.memory_space<vmem>>) semaphore(%arg19 : memref<!tpu.dma_semaphore, #tpu.memory_space<semaphore_mem>>) {add = true}
      %convert_element_type3A_646 = arith.extui %gt3A_4 : i1 to i32
      %cond3A_647 = arith.constant 0 : i32
      %cond3A_648 = arith.cmpi ne, %convert_element_type3A_646, %cond3A_647 : i32
      scf.if %cond3A_648 {
        %dma_start3A_779 = arith.constant 1 : i32
        %dma_start3A_780 = arith.constant 4 : i32
        %dma_start3A_781 = arith.constant 0 : i32
        %dma_start3A_782 = tpu.memref_slice %arg12[%dma_start3A_779, %dma_start3A_780, %dma_start3A_781] : memref<2x8x125xi32, #tpu.memory_space<vmem>> -> memref<1x1x125xi32, #tpu.memory_space<vmem>>
        %dma_start3A_783 = tpu.memref_squeeze %dma_start3A_782 : memref<1x1x125xi32, #tpu.memory_space<vmem>> -> memref<125xi32, #tpu.memory_space<vmem>>
        %dma_start3A_784 = arith.constant 0 : i32
        %dma_start3A_785 = arith.constant 0 : i32
        %dma_start3A_786 = tpu.memref_slice %arg28[%dma_start3A_784, %dma_start3A_785] : memref<10000x16xf32, #tpu.memory_space<vmem_shared>> -> memref<10000x16xf32, #tpu.memory_space<vmem_shared>>
        tpu.enqueue_indirect_dma source(%arg15 : memref<125x16xf32, #tpu.memory_space<vmem>>) target(%dma_start3A_786 : memref<10000x16xf32, #tpu.memory_space<vmem_shared>>) offsets(%dma_start3A_783 : memref<125xi32, #tpu.memory_space<vmem>>) semaphore(%arg21 : memref<!tpu.dma_semaphore, #tpu.memory_space<semaphore_mem>>) {add = true}
      } else {
      }
      %dma_wait3A_649 = arith.constant 0 : i32
      %dma_wait3A_650 = arith.constant 0 : i32
      %dma_wait3A_651 = arith.constant 0 : i32
      %dma_wait3A_652 = tpu.memref_slice %arg12[%dma_wait3A_649, %dma_wait3A_650, %dma_wait3A_651] : memref<2x8x125xi32, #tpu.memory_space<vmem>> -> memref<1x1x125xi32, #tpu.memory_space<vmem>>
      %dma_wait3A_653 = tpu.memref_squeeze %dma_wait3A_652 : memref<1x1x125xi32, #tpu.memory_space<vmem>> -> memref<125xi32, #tpu.memory_space<vmem>>
      %dma_wait3A_654 = arith.constant 0 : i32
      %dma_wait3A_655 = arith.constant 0 : i32
      %dma_wait3A_656 = tpu.memref_slice %arg27[%dma_wait3A_654, %dma_wait3A_655] : memref<10000x128xf32, #tpu.memory_space<vmem_shared>> -> memref<10000x128xf32, #tpu.memory_space<vmem_shared>>
      tpu.wait_indirect_dma semaphore(%arg20 : memref<!tpu.dma_semaphore, #tpu.memory_space<semaphore_mem>>) src(%arg14 : memref<125x128xf32, #tpu.memory_space<vmem>>) dst(%dma_wait3A_656 : memref<10000x128xf32, #tpu.memory_space<vmem_shared>>)
      %convert_element_type3A_657 = arith.extui %gt3A_4 : i1 to i32
      %cond3A_658 = arith.constant 0 : i32
      %cond3A_659 = arith.cmpi ne, %convert_element_type3A_657, %cond3A_658 : i32
      scf.if %cond3A_659 {
        %dma_wait3A_779 = arith.constant 0 : i32
        %dma_wait3A_780 = arith.constant 0 : i32
        %dma_wait3A_781 = arith.constant 0 : i32
        %dma_wait3A_782 = tpu.memref_slice %arg12[%dma_wait3A_779, %dma_wait3A_780, %dma_wait3A_781] : memref<2x8x125xi32, #tpu.memory_space<vmem>> -> memref<1x1x125xi32, #tpu.memory_space<vmem>>
        %dma_wait3A_783 = tpu.memref_squeeze %dma_wait3A_782 : memref<1x1x125xi32, #tpu.memory_space<vmem>> -> memref<125xi32, #tpu.memory_space<vmem>>
        %dma_wait3A_784 = arith.constant 0 : i32
        %dma_wait3A_785 = arith.constant 0 : i32
        %dma_wait3A_786 = tpu.memref_slice %arg28[%dma_wait3A_784, %dma_wait3A_785] : memref<10000x16xf32, #tpu.memory_space<vmem_shared>> -> memref<10000x16xf32, #tpu.memory_space<vmem_shared>>
        tpu.wait_indirect_dma semaphore(%arg22 : memref<!tpu.dma_semaphore, #tpu.memory_space<semaphore_mem>>) src(%arg15 : memref<125x16xf32, #tpu.memory_space<vmem>>) dst(%dma_wait3A_786 : memref<10000x16xf32, #tpu.memory_space<vmem_shared>>)
      } else {
      }
      %dma_start3A_660 = arith.constant 1 : i32
      %dma_start3A_661 = arith.constant 5 : i32
      %dma_start3A_662 = arith.constant 0 : i32
      %dma_start3A_663 = tpu.memref_slice %arg11[%dma_start3A_660, %dma_start3A_661, %dma_start3A_662] : memref<2x8x125xi32, #tpu.memory_space<vmem>> -> memref<1x1x125xi32, #tpu.memory_space<vmem>>
      %dma_start3A_664 = tpu.memref_squeeze %dma_start3A_663 : memref<1x1x125xi32, #tpu.memory_space<vmem>> -> memref<125xi32, #tpu.memory_space<vmem>>
      %dma_start3A_665 = arith.constant 0 : i32
      %dma_start3A_666 = arith.constant 0 : i32
      %dma_start3A_667 = tpu.memref_slice %arg2[%dma_start3A_665, %dma_start3A_666] : memref<10000x128xf32, #tpu.memory_space<hbm>> -> memref<10000x128xf32, #tpu.memory_space<hbm>>
      tpu.enqueue_indirect_dma source(%dma_start3A_667 : memref<10000x128xf32, #tpu.memory_space<hbm>>) target(%arg14 : memref<125x128xf32, #tpu.memory_space<vmem>>) offsets(%dma_start3A_664 : memref<125xi32, #tpu.memory_space<vmem>>) semaphore(%arg18 : memref<!tpu.dma_semaphore, #tpu.memory_space<semaphore_mem>>)
      %dma_wait3A_668 = arith.constant 0 : i32
      %dma_wait3A_669 = arith.constant 0 : i32
      %dma_wait3A_670 = arith.constant 0 : i32
      %dma_wait3A_671 = tpu.memref_slice %arg11[%dma_wait3A_668, %dma_wait3A_669, %dma_wait3A_670] : memref<2x8x125xi32, #tpu.memory_space<vmem>> -> memref<1x1x125xi32, #tpu.memory_space<vmem>>
      %dma_wait3A_672 = tpu.memref_squeeze %dma_wait3A_671 : memref<1x1x125xi32, #tpu.memory_space<vmem>> -> memref<125xi32, #tpu.memory_space<vmem>>
      %dma_wait3A_673 = arith.constant 0 : i32
      %dma_wait3A_674 = arith.constant 0 : i32
      %dma_wait3A_675 = tpu.memref_slice %arg2[%dma_wait3A_673, %dma_wait3A_674] : memref<10000x128xf32, #tpu.memory_space<hbm>> -> memref<10000x128xf32, #tpu.memory_space<hbm>>
      tpu.wait_indirect_dma semaphore(%arg18 : memref<!tpu.dma_semaphore, #tpu.memory_space<semaphore_mem>>) src(%dma_wait3A_675 : memref<10000x128xf32, #tpu.memory_space<hbm>>) dst(%arg14 : memref<125x128xf32, #tpu.memory_space<vmem>>)
      %dma_start3A_676 = arith.constant 1 : i32
      %dma_start3A_677 = arith.constant 5 : i32
      %dma_start3A_678 = arith.constant 0 : i32
      %dma_start3A_679 = tpu.memref_slice %arg12[%dma_start3A_676, %dma_start3A_677, %dma_start3A_678] : memref<2x8x125xi32, #tpu.memory_space<vmem>> -> memref<1x1x125xi32, #tpu.memory_space<vmem>>
      %dma_start3A_680 = tpu.memref_squeeze %dma_start3A_679 : memref<1x1x125xi32, #tpu.memory_space<vmem>> -> memref<125xi32, #tpu.memory_space<vmem>>
      %dma_start3A_681 = arith.constant 0 : i32
      %dma_start3A_682 = arith.constant 0 : i32
      %dma_start3A_683 = tpu.memref_slice %arg27[%dma_start3A_681, %dma_start3A_682] : memref<10000x128xf32, #tpu.memory_space<vmem_shared>> -> memref<10000x128xf32, #tpu.memory_space<vmem_shared>>
      tpu.enqueue_indirect_dma source(%arg14 : memref<125x128xf32, #tpu.memory_space<vmem>>) target(%dma_start3A_683 : memref<10000x128xf32, #tpu.memory_space<vmem_shared>>) offsets(%dma_start3A_680 : memref<125xi32, #tpu.memory_space<vmem>>) semaphore(%arg20 : memref<!tpu.dma_semaphore, #tpu.memory_space<semaphore_mem>>) {add = true}
      %convert_element_type3A_684 = arith.extui %gt3A_4 : i1 to i32
      %cond3A_685 = arith.constant 0 : i32
      %cond3A_686 = arith.cmpi ne, %convert_element_type3A_684, %cond3A_685 : i32
      scf.if %cond3A_686 {
        %dma_start3A_779 = arith.constant 1 : i32
        %dma_start3A_780 = arith.constant 5 : i32
        %dma_start3A_781 = arith.constant 0 : i32
        %dma_start3A_782 = tpu.memref_slice %arg12[%dma_start3A_779, %dma_start3A_780, %dma_start3A_781] : memref<2x8x125xi32, #tpu.memory_space<vmem>> -> memref<1x1x125xi32, #tpu.memory_space<vmem>>
        %dma_start3A_783 = tpu.memref_squeeze %dma_start3A_782 : memref<1x1x125xi32, #tpu.memory_space<vmem>> -> memref<125xi32, #tpu.memory_space<vmem>>
        %dma_start3A_784 = arith.constant 0 : i32
        %dma_start3A_785 = arith.constant 0 : i32
        %dma_start3A_786 = tpu.memref_slice %arg28[%dma_start3A_784, %dma_start3A_785] : memref<10000x16xf32, #tpu.memory_space<vmem_shared>> -> memref<10000x16xf32, #tpu.memory_space<vmem_shared>>
        tpu.enqueue_indirect_dma source(%arg15 : memref<125x16xf32, #tpu.memory_space<vmem>>) target(%dma_start3A_786 : memref<10000x16xf32, #tpu.memory_space<vmem_shared>>) offsets(%dma_start3A_783 : memref<125xi32, #tpu.memory_space<vmem>>) semaphore(%arg22 : memref<!tpu.dma_semaphore, #tpu.memory_space<semaphore_mem>>) {add = true}
      } else {
      }
      %dma_wait3A_687 = arith.constant 0 : i32
      %dma_wait3A_688 = arith.constant 0 : i32
      %dma_wait3A_689 = arith.constant 0 : i32
      %dma_wait3A_690 = tpu.memref_slice %arg12[%dma_wait3A_687, %dma_wait3A_688, %dma_wait3A_689] : memref<2x8x125xi32, #tpu.memory_space<vmem>> -> memref<1x1x125xi32, #tpu.memory_space<vmem>>
      %dma_wait3A_691 = tpu.memref_squeeze %dma_wait3A_690 : memref<1x1x125xi32, #tpu.memory_space<vmem>> -> memref<125xi32, #tpu.memory_space<vmem>>
      %dma_wait3A_692 = arith.constant 0 : i32
      %dma_wait3A_693 = arith.constant 0 : i32
      %dma_wait3A_694 = tpu.memref_slice %arg27[%dma_wait3A_692, %dma_wait3A_693] : memref<10000x128xf32, #tpu.memory_space<vmem_shared>> -> memref<10000x128xf32, #tpu.memory_space<vmem_shared>>
      tpu.wait_indirect_dma semaphore(%arg19 : memref<!tpu.dma_semaphore, #tpu.memory_space<semaphore_mem>>) src(%arg13 : memref<125x128xf32, #tpu.memory_space<vmem>>) dst(%dma_wait3A_694 : memref<10000x128xf32, #tpu.memory_space<vmem_shared>>)
      %convert_element_type3A_695 = arith.extui %gt3A_4 : i1 to i32
      %cond3A_696 = arith.constant 0 : i32
      %cond3A_697 = arith.cmpi ne, %convert_element_type3A_695, %cond3A_696 : i32
      scf.if %cond3A_697 {
        %dma_wait3A_779 = arith.constant 0 : i32
        %dma_wait3A_780 = arith.constant 0 : i32
        %dma_wait3A_781 = arith.constant 0 : i32
        %dma_wait3A_782 = tpu.memref_slice %arg12[%dma_wait3A_779, %dma_wait3A_780, %dma_wait3A_781] : memref<2x8x125xi32, #tpu.memory_space<vmem>> -> memref<1x1x125xi32, #tpu.memory_space<vmem>>
        %dma_wait3A_783 = tpu.memref_squeeze %dma_wait3A_782 : memref<1x1x125xi32, #tpu.memory_space<vmem>> -> memref<125xi32, #tpu.memory_space<vmem>>
        %dma_wait3A_784 = arith.constant 0 : i32
        %dma_wait3A_785 = arith.constant 0 : i32
        %dma_wait3A_786 = tpu.memref_slice %arg28[%dma_wait3A_784, %dma_wait3A_785] : memref<10000x16xf32, #tpu.memory_space<vmem_shared>> -> memref<10000x16xf32, #tpu.memory_space<vmem_shared>>
        tpu.wait_indirect_dma semaphore(%arg21 : memref<!tpu.dma_semaphore, #tpu.memory_space<semaphore_mem>>) src(%arg15 : memref<125x16xf32, #tpu.memory_space<vmem>>) dst(%dma_wait3A_786 : memref<10000x16xf32, #tpu.memory_space<vmem_shared>>)
      } else {
      }
      %dma_start3A_698 = arith.constant 1 : i32
      %dma_start3A_699 = arith.constant 6 : i32
      %dma_start3A_700 = arith.constant 0 : i32
      %dma_start3A_701 = tpu.memref_slice %arg11[%dma_start3A_698, %dma_start3A_699, %dma_start3A_700] : memref<2x8x125xi32, #tpu.memory_space<vmem>> -> memref<1x1x125xi32, #tpu.memory_space<vmem>>
      %dma_start3A_702 = tpu.memref_squeeze %dma_start3A_701 : memref<1x1x125xi32, #tpu.memory_space<vmem>> -> memref<125xi32, #tpu.memory_space<vmem>>
      %dma_start3A_703 = arith.constant 0 : i32
      %dma_start3A_704 = arith.constant 0 : i32
      %dma_start3A_705 = tpu.memref_slice %arg2[%dma_start3A_703, %dma_start3A_704] : memref<10000x128xf32, #tpu.memory_space<hbm>> -> memref<10000x128xf32, #tpu.memory_space<hbm>>
      tpu.enqueue_indirect_dma source(%dma_start3A_705 : memref<10000x128xf32, #tpu.memory_space<hbm>>) target(%arg13 : memref<125x128xf32, #tpu.memory_space<vmem>>) offsets(%dma_start3A_702 : memref<125xi32, #tpu.memory_space<vmem>>) semaphore(%arg17 : memref<!tpu.dma_semaphore, #tpu.memory_space<semaphore_mem>>)
      %dma_wait3A_706 = arith.constant 0 : i32
      %dma_wait3A_707 = arith.constant 0 : i32
      %dma_wait3A_708 = arith.constant 0 : i32
      %dma_wait3A_709 = tpu.memref_slice %arg11[%dma_wait3A_706, %dma_wait3A_707, %dma_wait3A_708] : memref<2x8x125xi32, #tpu.memory_space<vmem>> -> memref<1x1x125xi32, #tpu.memory_space<vmem>>
      %dma_wait3A_710 = tpu.memref_squeeze %dma_wait3A_709 : memref<1x1x125xi32, #tpu.memory_space<vmem>> -> memref<125xi32, #tpu.memory_space<vmem>>
      %dma_wait3A_711 = arith.constant 0 : i32
      %dma_wait3A_712 = arith.constant 0 : i32
      %dma_wait3A_713 = tpu.memref_slice %arg2[%dma_wait3A_711, %dma_wait3A_712] : memref<10000x128xf32, #tpu.memory_space<hbm>> -> memref<10000x128xf32, #tpu.memory_space<hbm>>
      tpu.wait_indirect_dma semaphore(%arg17 : memref<!tpu.dma_semaphore, #tpu.memory_space<semaphore_mem>>) src(%dma_wait3A_713 : memref<10000x128xf32, #tpu.memory_space<hbm>>) dst(%arg13 : memref<125x128xf32, #tpu.memory_space<vmem>>)
      %dma_start3A_714 = arith.constant 1 : i32
      %dma_start3A_715 = arith.constant 6 : i32
      %dma_start3A_716 = arith.constant 0 : i32
      %dma_start3A_717 = tpu.memref_slice %arg12[%dma_start3A_714, %dma_start3A_715, %dma_start3A_716] : memref<2x8x125xi32, #tpu.memory_space<vmem>> -> memref<1x1x125xi32, #tpu.memory_space<vmem>>
      %dma_start3A_718 = tpu.memref_squeeze %dma_start3A_717 : memref<1x1x125xi32, #tpu.memory_space<vmem>> -> memref<125xi32, #tpu.memory_space<vmem>>
      %dma_start3A_719 = arith.constant 0 : i32
      %dma_start3A_720 = arith.constant 0 : i32
      %dma_start3A_721 = tpu.memref_slice %arg27[%dma_start3A_719, %dma_start3A_720] : memref<10000x128xf32, #tpu.memory_space<vmem_shared>> -> memref<10000x128xf32, #tpu.memory_space<vmem_shared>>
      tpu.enqueue_indirect_dma source(%arg13 : memref<125x128xf32, #tpu.memory_space<vmem>>) target(%dma_start3A_721 : memref<10000x128xf32, #tpu.memory_space<vmem_shared>>) offsets(%dma_start3A_718 : memref<125xi32, #tpu.memory_space<vmem>>) semaphore(%arg19 : memref<!tpu.dma_semaphore, #tpu.memory_space<semaphore_mem>>) {add = true}
      %convert_element_type3A_722 = arith.extui %gt3A_4 : i1 to i32
      %cond3A_723 = arith.constant 0 : i32
      %cond3A_724 = arith.cmpi ne, %convert_element_type3A_722, %cond3A_723 : i32
      scf.if %cond3A_724 {
        %dma_start3A_779 = arith.constant 1 : i32
        %dma_start3A_780 = arith.constant 6 : i32
        %dma_start3A_781 = arith.constant 0 : i32
        %dma_start3A_782 = tpu.memref_slice %arg12[%dma_start3A_779, %dma_start3A_780, %dma_start3A_781] : memref<2x8x125xi32, #tpu.memory_space<vmem>> -> memref<1x1x125xi32, #tpu.memory_space<vmem>>
        %dma_start3A_783 = tpu.memref_squeeze %dma_start3A_782 : memref<1x1x125xi32, #tpu.memory_space<vmem>> -> memref<125xi32, #tpu.memory_space<vmem>>
        %dma_start3A_784 = arith.constant 0 : i32
        %dma_start3A_785 = arith.constant 0 : i32
        %dma_start3A_786 = tpu.memref_slice %arg28[%dma_start3A_784, %dma_start3A_785] : memref<10000x16xf32, #tpu.memory_space<vmem_shared>> -> memref<10000x16xf32, #tpu.memory_space<vmem_shared>>
        tpu.enqueue_indirect_dma source(%arg15 : memref<125x16xf32, #tpu.memory_space<vmem>>) target(%dma_start3A_786 : memref<10000x16xf32, #tpu.memory_space<vmem_shared>>) offsets(%dma_start3A_783 : memref<125xi32, #tpu.memory_space<vmem>>) semaphore(%arg21 : memref<!tpu.dma_semaphore, #tpu.memory_space<semaphore_mem>>) {add = true}
      } else {
      }
      %dma_wait3A_725 = arith.constant 0 : i32
      %dma_wait3A_726 = arith.constant 0 : i32
      %dma_wait3A_727 = arith.constant 0 : i32
      %dma_wait3A_728 = tpu.memref_slice %arg12[%dma_wait3A_725, %dma_wait3A_726, %dma_wait3A_727] : memref<2x8x125xi32, #tpu.memory_space<vmem>> -> memref<1x1x125xi32, #tpu.memory_space<vmem>>
      %dma_wait3A_729 = tpu.memref_squeeze %dma_wait3A_728 : memref<1x1x125xi32, #tpu.memory_space<vmem>> -> memref<125xi32, #tpu.memory_space<vmem>>
      %dma_wait3A_730 = arith.constant 0 : i32
      %dma_wait3A_731 = arith.constant 0 : i32
      %dma_wait3A_732 = tpu.memref_slice %arg27[%dma_wait3A_730, %dma_wait3A_731] : memref<10000x128xf32, #tpu.memory_space<vmem_shared>> -> memref<10000x128xf32, #tpu.memory_space<vmem_shared>>
      tpu.wait_indirect_dma semaphore(%arg20 : memref<!tpu.dma_semaphore, #tpu.memory_space<semaphore_mem>>) src(%arg14 : memref<125x128xf32, #tpu.memory_space<vmem>>) dst(%dma_wait3A_732 : memref<10000x128xf32, #tpu.memory_space<vmem_shared>>)
      %convert_element_type3A_733 = arith.extui %gt3A_4 : i1 to i32
      %cond3A_734 = arith.constant 0 : i32
      %cond3A_735 = arith.cmpi ne, %convert_element_type3A_733, %cond3A_734 : i32
      scf.if %cond3A_735 {
        %dma_wait3A_779 = arith.constant 0 : i32
        %dma_wait3A_780 = arith.constant 0 : i32
        %dma_wait3A_781 = arith.constant 0 : i32
        %dma_wait3A_782 = tpu.memref_slice %arg12[%dma_wait3A_779, %dma_wait3A_780, %dma_wait3A_781] : memref<2x8x125xi32, #tpu.memory_space<vmem>> -> memref<1x1x125xi32, #tpu.memory_space<vmem>>
        %dma_wait3A_783 = tpu.memref_squeeze %dma_wait3A_782 : memref<1x1x125xi32, #tpu.memory_space<vmem>> -> memref<125xi32, #tpu.memory_space<vmem>>
        %dma_wait3A_784 = arith.constant 0 : i32
        %dma_wait3A_785 = arith.constant 0 : i32
        %dma_wait3A_786 = tpu.memref_slice %arg28[%dma_wait3A_784, %dma_wait3A_785] : memref<10000x16xf32, #tpu.memory_space<vmem_shared>> -> memref<10000x16xf32, #tpu.memory_space<vmem_shared>>
        tpu.wait_indirect_dma semaphore(%arg22 : memref<!tpu.dma_semaphore, #tpu.memory_space<semaphore_mem>>) src(%arg15 : memref<125x16xf32, #tpu.memory_space<vmem>>) dst(%dma_wait3A_786 : memref<10000x16xf32, #tpu.memory_space<vmem_shared>>)
      } else {
      }
      %dma_start3A_736 = arith.constant 1 : i32
      %dma_start3A_737 = arith.constant 7 : i32
      %dma_start3A_738 = arith.constant 0 : i32
      %dma_start3A_739 = tpu.memref_slice %arg11[%dma_start3A_736, %dma_start3A_737, %dma_start3A_738] : memref<2x8x125xi32, #tpu.memory_space<vmem>> -> memref<1x1x125xi32, #tpu.memory_space<vmem>>
      %dma_start3A_740 = tpu.memref_squeeze %dma_start3A_739 : memref<1x1x125xi32, #tpu.memory_space<vmem>> -> memref<125xi32, #tpu.memory_space<vmem>>
      %dma_start3A_741 = arith.constant 0 : i32
      %dma_start3A_742 = arith.constant 0 : i32
      %dma_start3A_743 = tpu.memref_slice %arg2[%dma_start3A_741, %dma_start3A_742] : memref<10000x128xf32, #tpu.memory_space<hbm>> -> memref<10000x128xf32, #tpu.memory_space<hbm>>
      tpu.enqueue_indirect_dma source(%dma_start3A_743 : memref<10000x128xf32, #tpu.memory_space<hbm>>) target(%arg14 : memref<125x128xf32, #tpu.memory_space<vmem>>) offsets(%dma_start3A_740 : memref<125xi32, #tpu.memory_space<vmem>>) semaphore(%arg18 : memref<!tpu.dma_semaphore, #tpu.memory_space<semaphore_mem>>)
      %dma_wait3A_744 = arith.constant 0 : i32
      %dma_wait3A_745 = arith.constant 0 : i32
      %dma_wait3A_746 = arith.constant 0 : i32
      %dma_wait3A_747 = tpu.memref_slice %arg11[%dma_wait3A_744, %dma_wait3A_745, %dma_wait3A_746] : memref<2x8x125xi32, #tpu.memory_space<vmem>> -> memref<1x1x125xi32, #tpu.memory_space<vmem>>
      %dma_wait3A_748 = tpu.memref_squeeze %dma_wait3A_747 : memref<1x1x125xi32, #tpu.memory_space<vmem>> -> memref<125xi32, #tpu.memory_space<vmem>>
      %dma_wait3A_749 = arith.constant 0 : i32
      %dma_wait3A_750 = arith.constant 0 : i32
      %dma_wait3A_751 = tpu.memref_slice %arg2[%dma_wait3A_749, %dma_wait3A_750] : memref<10000x128xf32, #tpu.memory_space<hbm>> -> memref<10000x128xf32, #tpu.memory_space<hbm>>
      tpu.wait_indirect_dma semaphore(%arg18 : memref<!tpu.dma_semaphore, #tpu.memory_space<semaphore_mem>>) src(%dma_wait3A_751 : memref<10000x128xf32, #tpu.memory_space<hbm>>) dst(%arg14 : memref<125x128xf32, #tpu.memory_space<vmem>>)
      %dma_start3A_752 = arith.constant 1 : i32
      %dma_start3A_753 = arith.constant 7 : i32
      %dma_start3A_754 = arith.constant 0 : i32
      %dma_start3A_755 = tpu.memref_slice %arg12[%dma_start3A_752, %dma_start3A_753, %dma_start3A_754] : memref<2x8x125xi32, #tpu.memory_space<vmem>> -> memref<1x1x125xi32, #tpu.memory_space<vmem>>
      %dma_start3A_756 = tpu.memref_squeeze %dma_start3A_755 : memref<1x1x125xi32, #tpu.memory_space<vmem>> -> memref<125xi32, #tpu.memory_space<vmem>>
      %dma_start3A_757 = arith.constant 0 : i32
      %dma_start3A_758 = arith.constant 0 : i32
      %dma_start3A_759 = tpu.memref_slice %arg27[%dma_start3A_757, %dma_start3A_758] : memref<10000x128xf32, #tpu.memory_space<vmem_shared>> -> memref<10000x128xf32, #tpu.memory_space<vmem_shared>>
      tpu.enqueue_indirect_dma source(%arg14 : memref<125x128xf32, #tpu.memory_space<vmem>>) target(%dma_start3A_759 : memref<10000x128xf32, #tpu.memory_space<vmem_shared>>) offsets(%dma_start3A_756 : memref<125xi32, #tpu.memory_space<vmem>>) semaphore(%arg20 : memref<!tpu.dma_semaphore, #tpu.memory_space<semaphore_mem>>) {add = true}
      %convert_element_type3A_760 = arith.extui %gt3A_4 : i1 to i32
      %cond3A_761 = arith.constant 0 : i32
      %cond3A_762 = arith.cmpi ne, %convert_element_type3A_760, %cond3A_761 : i32
      scf.if %cond3A_762 {
        %dma_start3A_779 = arith.constant 1 : i32
        %dma_start3A_780 = arith.constant 7 : i32
        %dma_start3A_781 = arith.constant 0 : i32
        %dma_start3A_782 = tpu.memref_slice %arg12[%dma_start3A_779, %dma_start3A_780, %dma_start3A_781] : memref<2x8x125xi32, #tpu.memory_space<vmem>> -> memref<1x1x125xi32, #tpu.memory_space<vmem>>
        %dma_start3A_783 = tpu.memref_squeeze %dma_start3A_782 : memref<1x1x125xi32, #tpu.memory_space<vmem>> -> memref<125xi32, #tpu.memory_space<vmem>>
        %dma_start3A_784 = arith.constant 0 : i32
        %dma_start3A_785 = arith.constant 0 : i32
        %dma_start3A_786 = tpu.memref_slice %arg28[%dma_start3A_784, %dma_start3A_785] : memref<10000x16xf32, #tpu.memory_space<vmem_shared>> -> memref<10000x16xf32, #tpu.memory_space<vmem_shared>>
        tpu.enqueue_indirect_dma source(%arg15 : memref<125x16xf32, #tpu.memory_space<vmem>>) target(%dma_start3A_786 : memref<10000x16xf32, #tpu.memory_space<vmem_shared>>) offsets(%dma_start3A_783 : memref<125xi32, #tpu.memory_space<vmem>>) semaphore(%arg22 : memref<!tpu.dma_semaphore, #tpu.memory_space<semaphore_mem>>) {add = true}
      } else {
      }
      %dma_wait3A_763 = arith.constant 0 : i32
      %dma_wait3A_764 = arith.constant 0 : i32
      %dma_wait3A_765 = arith.constant 0 : i32
      %dma_wait3A_766 = tpu.memref_slice %arg12[%dma_wait3A_763, %dma_wait3A_764, %dma_wait3A_765] : memref<2x8x125xi32, #tpu.memory_space<vmem>> -> memref<1x1x125xi32, #tpu.memory_space<vmem>>
      %dma_wait3A_767 = tpu.memref_squeeze %dma_wait3A_766 : memref<1x1x125xi32, #tpu.memory_space<vmem>> -> memref<125xi32, #tpu.memory_space<vmem>>
      %dma_wait3A_768 = arith.constant 0 : i32
      %dma_wait3A_769 = arith.constant 0 : i32
      %dma_wait3A_770 = tpu.memref_slice %arg27[%dma_wait3A_768, %dma_wait3A_769] : memref<10000x128xf32, #tpu.memory_space<vmem_shared>> -> memref<10000x128xf32, #tpu.memory_space<vmem_shared>>
      tpu.wait_indirect_dma semaphore(%arg19 : memref<!tpu.dma_semaphore, #tpu.memory_space<semaphore_mem>>) src(%arg13 : memref<125x128xf32, #tpu.memory_space<vmem>>) dst(%dma_wait3A_770 : memref<10000x128xf32, #tpu.memory_space<vmem_shared>>)
      %convert_element_type3A_771 = arith.extui %gt3A_4 : i1 to i32
      %cond3A_772 = arith.constant 0 : i32
      %cond3A_773 = arith.cmpi ne, %convert_element_type3A_771, %cond3A_772 : i32
      scf.if %cond3A_773 {
        %dma_wait3A_779 = arith.constant 0 : i32
        %dma_wait3A_780 = arith.constant 0 : i32
        %dma_wait3A_781 = arith.constant 0 : i32
        %dma_wait3A_782 = tpu.memref_slice %arg12[%dma_wait3A_779, %dma_wait3A_780, %dma_wait3A_781] : memref<2x8x125xi32, #tpu.memory_space<vmem>> -> memref<1x1x125xi32, #tpu.memory_space<vmem>>
        %dma_wait3A_783 = tpu.memref_squeeze %dma_wait3A_782 : memref<1x1x125xi32, #tpu.memory_space<vmem>> -> memref<125xi32, #tpu.memory_space<vmem>>
        %dma_wait3A_784 = arith.constant 0 : i32
        %dma_wait3A_785 = arith.constant 0 : i32
        %dma_wait3A_786 = tpu.memref_slice %arg28[%dma_wait3A_784, %dma_wait3A_785] : memref<10000x16xf32, #tpu.memory_space<vmem_shared>> -> memref<10000x16xf32, #tpu.memory_space<vmem_shared>>
        tpu.wait_indirect_dma semaphore(%arg21 : memref<!tpu.dma_semaphore, #tpu.memory_space<semaphore_mem>>) src(%arg15 : memref<125x16xf32, #tpu.memory_space<vmem>>) dst(%dma_wait3A_786 : memref<10000x16xf32, #tpu.memory_space<vmem_shared>>)
      } else {
      }
      %lt3A_774 = arith.constant 4 : i32
      %lt3A_775 = arith.cmpi slt, %scan3A_106, %lt3A_774 : i32
      %convert_element_type3A_776 = arith.extui %lt3A_775 : i1 to i32
      %cond3A_777 = arith.constant 0 : i32
      %cond3A_778 = arith.cmpi ne, %convert_element_type3A_776, %cond3A_777 : i32
      scf.if %cond3A_778 {
        %dma_wait3A_779 = arith.constant 0 : i32
        %dma_wait3A_780 = arith.constant 0 : i32
        %dma_wait3A_781 = arith.constant 0 : i32
        %dma_wait3A_782 = tpu.memref_slice %arg11[%dma_wait3A_779, %dma_wait3A_780, %dma_wait3A_781] : memref<2x8x125xi32, #tpu.memory_space<vmem>> -> memref<1x8x125xi32, #tpu.memory_space<vmem>>
        %dma_wait3A_783 = tpu.memref_squeeze %dma_wait3A_782 : memref<1x8x125xi32, #tpu.memory_space<vmem>> -> memref<8x125xi32, #tpu.memory_space<vmem>>
        %dma_wait3A_784 = arith.constant 0 : i32
        %dma_wait3A_785 = arith.constant 0 : i32
        %dma_wait3A_786 = tpu.memref_slice %arg3[%arg0, %arg1, %dma_wait3A_784, %dma_wait3A_785] : memref<2x16x80x125xi32, #tpu.memory_space<hbm>> -> memref<1x1x8x125xi32, #tpu.memory_space<hbm>>
        %dma_wait3A_787 = tpu.memref_squeeze %dma_wait3A_786 : memref<1x1x8x125xi32, #tpu.memory_space<hbm>> -> memref<8x125xi32, #tpu.memory_space<hbm>>
        %dma_wait3A_788 = arith.constant 0 : i32
        %dma_wait3A_789 = arith.constant 0 : i32
        %dma_wait3A_790 = tpu.memref_slice %arg11[%dma_wait3A_779, %dma_wait3A_788, %dma_wait3A_789] : memref<2x8x125xi32, #tpu.memory_space<vmem>> -> memref<1x8x125xi32, #tpu.memory_space<vmem>>
        %dma_wait3A_791 = tpu.memref_squeeze %dma_wait3A_790 : memref<1x8x125xi32, #tpu.memory_space<vmem>> -> memref<8x125xi32, #tpu.memory_space<vmem>>
        %dma_wait3A_792 = arith.constant 0 : i32
        %dma_wait3A_793 = arith.constant 0 : i32
        %dma_wait3A_794 = tpu.memref_slice %arg3[%arg0, %arg1, %dma_wait3A_792, %dma_wait3A_793] : memref<2x16x80x125xi32, #tpu.memory_space<hbm>> -> memref<1x1x8x125xi32, #tpu.memory_space<hbm>>
        %dma_wait3A_795 = tpu.memref_squeeze %dma_wait3A_794 : memref<1x1x8x125xi32, #tpu.memory_space<hbm>> -> memref<8x125xi32, #tpu.memory_space<hbm>>
        tpu.wait_dma2 semaphore(%arg23 : memref<!tpu.dma_semaphore, #tpu.memory_space<semaphore_mem>>) src(%dma_wait3A_795 : memref<8x125xi32, #tpu.memory_space<hbm>>) dst(%dma_wait3A_791 : memref<8x125xi32, #tpu.memory_space<vmem>>)
        %dma_wait3A_796 = arith.constant 0 : i32
        %dma_wait3A_797 = arith.constant 0 : i32
        %dma_wait3A_798 = arith.constant 0 : i32
        %dma_wait3A_799 = tpu.memref_slice %arg12[%dma_wait3A_796, %dma_wait3A_797, %dma_wait3A_798] : memref<2x8x125xi32, #tpu.memory_space<vmem>> -> memref<1x8x125xi32, #tpu.memory_space<vmem>>
        %dma_wait3A_800 = tpu.memref_squeeze %dma_wait3A_799 : memref<1x8x125xi32, #tpu.memory_space<vmem>> -> memref<8x125xi32, #tpu.memory_space<vmem>>
        %dma_wait3A_801 = arith.constant 0 : i32
        %dma_wait3A_802 = arith.constant 0 : i32
        %dma_wait3A_803 = tpu.memref_slice %arg4[%arg0, %arg1, %dma_wait3A_801, %dma_wait3A_802] : memref<2x16x80x125xi32, #tpu.memory_space<hbm>> -> memref<1x1x8x125xi32, #tpu.memory_space<hbm>>
        %dma_wait3A_804 = tpu.memref_squeeze %dma_wait3A_803 : memref<1x1x8x125xi32, #tpu.memory_space<hbm>> -> memref<8x125xi32, #tpu.memory_space<hbm>>
        %dma_wait3A_805 = arith.constant 0 : i32
        %dma_wait3A_806 = arith.constant 0 : i32
        %dma_wait3A_807 = tpu.memref_slice %arg12[%dma_wait3A_796, %dma_wait3A_805, %dma_wait3A_806] : memref<2x8x125xi32, #tpu.memory_space<vmem>> -> memref<1x8x125xi32, #tpu.memory_space<vmem>>
        %dma_wait3A_808 = tpu.memref_squeeze %dma_wait3A_807 : memref<1x8x125xi32, #tpu.memory_space<vmem>> -> memref<8x125xi32, #tpu.memory_space<vmem>>
        %dma_wait3A_809 = arith.constant 0 : i32
        %dma_wait3A_810 = arith.constant 0 : i32
        %dma_wait3A_811 = tpu.memref_slice %arg4[%arg0, %arg1, %dma_wait3A_809, %dma_wait3A_810] : memref<2x16x80x125xi32, #tpu.memory_space<hbm>> -> memref<1x1x8x125xi32, #tpu.memory_space<hbm>>
        %dma_wait3A_812 = tpu.memref_squeeze %dma_wait3A_811 : memref<1x1x8x125xi32, #tpu.memory_space<hbm>> -> memref<8x125xi32, #tpu.memory_space<hbm>>
        tpu.wait_dma2 semaphore(%arg25 : memref<!tpu.dma_semaphore, #tpu.memory_space<semaphore_mem>>) src(%dma_wait3A_812 : memref<8x125xi32, #tpu.memory_space<hbm>>) dst(%dma_wait3A_808 : memref<8x125xi32, #tpu.memory_space<vmem>>)
        %dma_start3A_813 = arith.constant 0 : i32
        %dma_start3A_814 = arith.constant 0 : i32
        %dma_start3A_815 = arith.constant 0 : i32
        %dma_start3A_816 = tpu.memref_slice %arg11[%dma_start3A_813, %dma_start3A_814, %dma_start3A_815] : memref<2x8x125xi32, #tpu.memory_space<vmem>> -> memref<1x1x125xi32, #tpu.memory_space<vmem>>
        %dma_start3A_817 = tpu.memref_squeeze %dma_start3A_816 : memref<1x1x125xi32, #tpu.memory_space<vmem>> -> memref<125xi32, #tpu.memory_space<vmem>>
        %dma_start3A_818 = arith.constant 0 : i32
        %dma_start3A_819 = arith.constant 0 : i32
        %dma_start3A_820 = tpu.memref_slice %arg2[%dma_start3A_818, %dma_start3A_819] : memref<10000x128xf32, #tpu.memory_space<hbm>> -> memref<10000x128xf32, #tpu.memory_space<hbm>>
        tpu.enqueue_indirect_dma source(%dma_start3A_820 : memref<10000x128xf32, #tpu.memory_space<hbm>>) target(%arg13 : memref<125x128xf32, #tpu.memory_space<vmem>>) offsets(%dma_start3A_817 : memref<125xi32, #tpu.memory_space<vmem>>) semaphore(%arg17 : memref<!tpu.dma_semaphore, #tpu.memory_space<semaphore_mem>>)
      } else {
      }
    }
    %scan3A_89 = arith.constant 5 : i32
    %dma_wait3A_90 = arith.constant 0 : i32
    %dma_wait3A_91 = arith.constant 0 : i32
    %dma_wait3A_92 = arith.constant 0 : i32
    %dma_wait3A_93 = tpu.memref_slice %arg12[%dma_wait3A_90, %dma_wait3A_91, %dma_wait3A_92] : memref<2x8x125xi32, #tpu.memory_space<vmem>> -> memref<1x1x125xi32, #tpu.memory_space<vmem>>
    %dma_wait3A_94 = tpu.memref_squeeze %dma_wait3A_93 : memref<1x1x125xi32, #tpu.memory_space<vmem>> -> memref<125xi32, #tpu.memory_space<vmem>>
    %dma_wait3A_95 = arith.constant 0 : i32
    %dma_wait3A_96 = arith.constant 0 : i32
    %dma_wait3A_97 = tpu.memref_slice %arg27[%dma_wait3A_95, %dma_wait3A_96] : memref<10000x128xf32, #tpu.memory_space<vmem_shared>> -> memref<10000x128xf32, #tpu.memory_space<vmem_shared>>
    tpu.wait_indirect_dma semaphore(%arg20 : memref<!tpu.dma_semaphore, #tpu.memory_space<semaphore_mem>>) src(%arg14 : memref<125x128xf32, #tpu.memory_space<vmem>>) dst(%dma_wait3A_97 : memref<10000x128xf32, #tpu.memory_space<vmem_shared>>)
    %convert_element_type3A = arith.extui %gt3A_4 : i1 to i32
    %cond3A = arith.constant 0 : i32
    %cond3A_98 = arith.cmpi ne, %convert_element_type3A, %cond3A : i32
    scf.if %cond3A_98 {
      %dma_wait3A_106 = arith.constant 0 : i32
      %dma_wait3A_107 = arith.constant 0 : i32
      %dma_wait3A_108 = arith.constant 0 : i32
      %dma_wait3A_109 = tpu.memref_slice %arg12[%dma_wait3A_106, %dma_wait3A_107, %dma_wait3A_108] : memref<2x8x125xi32, #tpu.memory_space<vmem>> -> memref<1x1x125xi32, #tpu.memory_space<vmem>>
      %dma_wait3A_110 = tpu.memref_squeeze %dma_wait3A_109 : memref<1x1x125xi32, #tpu.memory_space<vmem>> -> memref<125xi32, #tpu.memory_space<vmem>>
      %dma_wait3A_111 = arith.constant 0 : i32
      %dma_wait3A_112 = arith.constant 0 : i32
      %dma_wait3A_113 = tpu.memref_slice %arg28[%dma_wait3A_111, %dma_wait3A_112] : memref<10000x16xf32, #tpu.memory_space<vmem_shared>> -> memref<10000x16xf32, #tpu.memory_space<vmem_shared>>
      tpu.wait_indirect_dma semaphore(%arg22 : memref<!tpu.dma_semaphore, #tpu.memory_space<semaphore_mem>>) src(%arg15 : memref<125x16xf32, #tpu.memory_space<vmem>>) dst(%dma_wait3A_113 : memref<10000x16xf32, #tpu.memory_space<vmem_shared>>)
    } else {
    }
    %barrier3A_99 = arith.constant 0 : index
    tpu.barrier barrier_id(%barrier3A_99)
    %scan3A_100 = arith.constant 0 : i32
    %scan3A_101 = arith.constant 0 : i32
    %scan3A_102 = arith.constant 5 : i32
    %scan3A_103 = arith.addi %scan3A_101, %scan3A_102 : i32
    %scan3A_104 = arith.constant 1 : i32
    scf.for %scan3A_106 = %scan3A_101 to %scan3A_103 step %scan3A_104  : i32 {
      %mul3A = arith.constant 625 : i32
      %mul3A_107 = arith.muli %arg1, %mul3A : i32
      %mul3A_108 = arith.constant 125 : i32
      %mul3A_109 = arith.muli %scan3A_106, %mul3A_108 : i32
      %add3A = arith.addi %mul3A_107, %mul3A_109 : i32
      "tpu.region"() ({
        %run_scoped3A = tpu.sem_alloc : memref<!tpu.dma_semaphore, #tpu.memory_space<semaphore_mem>>
        %dma_start3A_113 = arith.constant 0 : i32
        %dma_start3A_114 = tpu.memref_slice %arg9[%arg0, %add3A, %dma_start3A_113] : memref<2x10000x128xf32, #tpu.memory_space<hbm>> -> memref<1x125x128xf32, #tpu.memory_space<hbm>>
        %dma_start3A_115 = tpu.memref_squeeze %dma_start3A_114 : memref<1x125x128xf32, #tpu.memory_space<hbm>> -> memref<125x128xf32, #tpu.memory_space<hbm>>
        %dma_start3A_116 = arith.constant 0 : i32
        %dma_start3A_117 = tpu.memref_slice %arg27[%add3A, %dma_start3A_116] : memref<10000x128xf32, #tpu.memory_space<vmem_shared>> -> memref<125x128xf32, #tpu.memory_space<vmem_shared>>
        tpu.enqueue_dma source(%dma_start3A_117 : memref<125x128xf32, #tpu.memory_space<vmem_shared>>) target(%dma_start3A_115 : memref<125x128xf32, #tpu.memory_space<hbm>>) target_semaphore(%run_scoped3A : memref<!tpu.dma_semaphore, #tpu.memory_space<semaphore_mem>>)
        %dma_wait3A_118 = arith.constant 0 : i32
        %dma_wait3A_119 = tpu.memref_slice %arg9[%arg0, %add3A, %dma_wait3A_118] : memref<2x10000x128xf32, #tpu.memory_space<hbm>> -> memref<1x125x128xf32, #tpu.memory_space<hbm>>
        %dma_wait3A_120 = tpu.memref_squeeze %dma_wait3A_119 : memref<1x125x128xf32, #tpu.memory_space<hbm>> -> memref<125x128xf32, #tpu.memory_space<hbm>>
        %dma_wait3A_121 = arith.constant 0 : i32
        %dma_wait3A_122 = tpu.memref_slice %arg27[%add3A, %dma_wait3A_121] : memref<10000x128xf32, #tpu.memory_space<vmem_shared>> -> memref<125x128xf32, #tpu.memory_space<vmem_shared>>
        tpu.wait_dma2 semaphore(%run_scoped3A : memref<!tpu.dma_semaphore, #tpu.memory_space<semaphore_mem>>) src(%dma_wait3A_122 : memref<125x128xf32, #tpu.memory_space<vmem_shared>>) dst(%dma_wait3A_120 : memref<125x128xf32, #tpu.memory_space<hbm>>)
        tpu.yield
      }) : () -> ()
      %convert_element_type3A_110 = arith.extui %gt3A_4 : i1 to i32
      %cond3A_111 = arith.constant 0 : i32
      %cond3A_112 = arith.cmpi ne, %convert_element_type3A_110, %cond3A_111 : i32
      scf.if %cond3A_112 {
        "tpu.region"() ({
          %run_scoped3A = tpu.sem_alloc : memref<!tpu.dma_semaphore, #tpu.memory_space<semaphore_mem>>
          %dma_start3A_113 = arith.constant 0 : i32
          %dma_start3A_114 = tpu.memref_slice %arg10[%arg0, %add3A, %dma_start3A_113] : memref<2x10000x16xf32, #tpu.memory_space<hbm>> -> memref<1x125x16xf32, #tpu.memory_space<hbm>>
          %dma_start3A_115 = tpu.memref_squeeze %dma_start3A_114 : memref<1x125x16xf32, #tpu.memory_space<hbm>> -> memref<125x16xf32, #tpu.memory_space<hbm>>
          %dma_start3A_116 = arith.constant 0 : i32
          %dma_start3A_117 = tpu.memref_slice %arg28[%add3A, %dma_start3A_116] : memref<10000x16xf32, #tpu.memory_space<vmem_shared>> -> memref<125x16xf32, #tpu.memory_space<vmem_shared>>
          tpu.enqueue_dma source(%dma_start3A_117 : memref<125x16xf32, #tpu.memory_space<vmem_shared>>) target(%dma_start3A_115 : memref<125x16xf32, #tpu.memory_space<hbm>>) target_semaphore(%run_scoped3A : memref<!tpu.dma_semaphore, #tpu.memory_space<semaphore_mem>>)
          %dma_wait3A_118 = arith.constant 0 : i32
          %dma_wait3A_119 = tpu.memref_slice %arg10[%arg0, %add3A, %dma_wait3A_118] : memref<2x10000x16xf32, #tpu.memory_space<hbm>> -> memref<1x125x16xf32, #tpu.memory_space<hbm>>
          %dma_wait3A_120 = tpu.memref_squeeze %dma_wait3A_119 : memref<1x125x16xf32, #tpu.memory_space<hbm>> -> memref<125x16xf32, #tpu.memory_space<hbm>>
          %dma_wait3A_121 = arith.constant 0 : i32
          %dma_wait3A_122 = tpu.memref_slice %arg28[%add3A, %dma_wait3A_121] : memref<10000x16xf32, #tpu.memory_space<vmem_shared>> -> memref<125x16xf32, #tpu.memory_space<vmem_shared>>
          tpu.wait_dma2 semaphore(%run_scoped3A : memref<!tpu.dma_semaphore, #tpu.memory_space<semaphore_mem>>) src(%dma_wait3A_122 : memref<125x16xf32, #tpu.memory_space<vmem_shared>>) dst(%dma_wait3A_120 : memref<125x16xf32, #tpu.memory_space<hbm>>)
          tpu.yield
        }) : () -> ()
      } else {
      }
    }
    %scan3A_105 = arith.constant 5 : i32
    return
  }
}

#map = affine_map<(d0, d1) -> (0, 0)>
#map1 = affine_map<(d0, d1) -> (0, 0, 0, 0)>
#map2 = affine_map<(d0, d1) -> (0)>
#map3 = affine_map<(d0, d1) -> (0, 0, 0)>
module attributes {stable_mosaic.version = 14 : i64} {
  func.func @body(%arg0: i32, %arg1: i32, %arg2: memref<10000x128xf32, #tpu.memory_space<hbm>>, %arg3: memref<2x16x80x125xi32, #tpu.memory_space<hbm>>, %arg4: memref<2x16x80x125xi32, #tpu.memory_space<hbm>>, %arg5: memref<125x128xf32, #tpu.memory_space<hbm>>, %arg6: memref<125x16xf32, #tpu.memory_space<hbm>>, %arg7: memref<125x16xf32, #tpu.memory_space<hbm>>, %arg8: memref<16xi32, #tpu.memory_space<hbm>>, %arg9: memref<2x10000x128xf32, #tpu.memory_space<hbm>>, %arg10: memref<2x10000x16xf32, #tpu.memory_space<hbm>>, %arg11: memref<2x8x125xi32, #tpu.memory_space<vmem>>, %arg12: memref<2x8x125xi32, #tpu.memory_space<vmem>>, %arg13: memref<125x128xf32, #tpu.memory_space<vmem>>, %arg14: memref<125x128xf32, #tpu.memory_space<vmem>>, %arg15: memref<125x16xf32, #tpu.memory_space<vmem>>, %arg16: memref<16xi32, #tpu.memory_space<vmem>>, %arg17: memref<!tpu.dma_semaphore, #tpu.memory_space<semaphore_mem>>, %arg18: memref<!tpu.dma_semaphore, #tpu.memory_space<semaphore_mem>>, %arg19: memref<!tpu.dma_semaphore, #tpu.memory_space<semaphore_mem>>, %arg20: memref<!tpu.dma_semaphore, #tpu.memory_space<semaphore_mem>>, %arg21: memref<!tpu.dma_semaphore, #tpu.memory_space<semaphore_mem>>, %arg22: memref<!tpu.dma_semaphore, #tpu.memory_space<semaphore_mem>>, %arg23: memref<!tpu.dma_semaphore, #tpu.memory_space<semaphore_mem>>, %arg24: memref<!tpu.dma_semaphore, #tpu.memory_space<semaphore_mem>>, %arg25: memref<!tpu.dma_semaphore, #tpu.memory_space<semaphore_mem>>, %arg26: memref<!tpu.dma_semaphore, #tpu.memory_space<semaphore_mem>>, %arg27: memref<10000x128xf32, #tpu.memory_space<vmem_shared>>, %arg28: memref<10000x16xf32, #tpu.memory_space<vmem_shared>>) attributes {dimension_semantics = [#tpu.dimension_semantics<core_parallel>, #tpu.dimension_semantics<subcore_parallel>], iteration_bounds = array<i64: 2, 16>, scalar_prefetch = 0 : i64, scratch_operands = 18 : i64, tpu.core_type = #tpu.core_type<sc_vector_subcore>, window_params = [{transform_indices = #map}, {transform_indices = #map1}, {transform_indices = #map1}, {transform_indices = #map}, {transform_indices = #map}, {transform_indices = #map}, {transform_indices = #map2}, {transform_indices = #map3}, {transform_indices = #map3}]} {
    "tpu.region"() ({
      %run_scoped3A = tpu.sem_alloc : memref<!tpu.dma_semaphore, #tpu.memory_space<semaphore_mem>>
      tpu.enqueue_dma source(%arg8 : memref<16xi32, #tpu.memory_space<hbm>>) target(%arg16 : memref<16xi32, #tpu.memory_space<vmem>>) target_semaphore(%run_scoped3A : memref<!tpu.dma_semaphore, #tpu.memory_space<semaphore_mem>>)
      tpu.wait_dma2 semaphore(%run_scoped3A : memref<!tpu.dma_semaphore, #tpu.memory_space<semaphore_mem>>) src(%arg8 : memref<16xi32, #tpu.memory_space<hbm>>) dst(%arg16 : memref<16xi32, #tpu.memory_space<vmem>>)
      tpu.yield
    }) : () -> ()
    %get3A = arith.constant 0 : index
    %get3A_0 = tpu.vector_load %arg16[%get3A] {strides = array<i32>} : memref<16xi32, #tpu.memory_space<vmem>>, vector<16xi32>,
    %reduce_sum3A = arith.constant true
    %reduce_sum3A_1 = vector.broadcast %reduce_sum3A : i1 to vector<16xi1>
    %reduce_sum3A_2 = tpu.scan <sum>, %get3A_0 masked %reduce_sum3A_1 : vector<16xi32>, vector<16xi1> -> vector<16xi32>
    %reduce_sum3A_3 = vector.extract %reduce_sum3A_2[15] : i32 from vector<16xi32>
    %gt3A = arith.constant 0 : i32
    %gt3A_4 = arith.cmpi sgt, %reduce_sum3A_3, %gt3A : i32
    %scan3A = arith.constant 0 : i32
    %scan3A_5 = arith.constant 0 : i32
    %scan3A_6 = arith.constant 5 : i32
    %scan3A_7 = arith.addi %scan3A_5, %scan3A_6 : i32
    %scan3A_8 = arith.constant 1 : i32
    scf.for %scan3A_106 = %scan3A_5 to %scan3A_7 step %scan3A_8  : i32 {
      %mul3A = arith.constant 625 : i32
      %mul3A_107 = arith.muli %arg1, %mul3A : i32
      %mul3A_108 = arith.constant 125 : i32
      %mul3A_109 = arith.muli %scan3A_106, %mul3A_108 : i32
      %add3A = arith.addi %mul3A_107, %mul3A_109 : i32
      "tpu.region"() ({
        %run_scoped3A = tpu.sem_alloc : memref<!tpu.dma_semaphore, #tpu.memory_space<semaphore_mem>>
        %dma_start3A_113 = arith.constant 0 : i32
        %dma_start3A_114 = tpu.memref_slice %arg27[%add3A, %dma_start3A_113] : memref<10000x128xf32, #tpu.memory_space<vmem_shared>> -> memref<125x128xf32, #tpu.memory_space<vmem_shared>>
        tpu.enqueue_dma source(%arg5 : memref<125x128xf32, #tpu.memory_space<hbm>>) target(%dma_start3A_114 : memref<125x128xf32, #tpu.memory_space<vmem_shared>>) target_semaphore(%run_scoped3A : memref<!tpu.dma_semaphore, #tpu.memory_space<semaphore_mem>>)
        %dma_wait3A_115 = arith.constant 0 : i32
        %dma_wait3A_116 = tpu.memref_slice %arg27[%add3A, %dma_wait3A_115] : memref<10000x128xf32, #tpu.memory_space<vmem_shared>> -> memref<125x128xf32, #tpu.memory_space<vmem_shared>>
        tpu.wait_dma2 semaphore(%run_scoped3A : memref<!tpu.dma_semaphore, #tpu.memory_space<semaphore_mem>>) src(%arg5 : memref<125x128xf32, #tpu.memory_space<hbm>>) dst(%dma_wait3A_116 : memref<125x128xf32, #tpu.memory_space<vmem_shared>>)
        tpu.yield
      }) : () -> ()
      %convert_element_type3A_110 = arith.extui %gt3A_4 : i1 to i32
      %cond3A_111 = arith.constant 0 : i32
      %cond3A_112 = arith.cmpi ne, %convert_element_type3A_110, %cond3A_111 : i32
      scf.if %cond3A_112 {
        "tpu.region"() ({
          %run_scoped3A = tpu.sem_alloc : memref<!tpu.dma_semaphore, #tpu.memory_space<semaphore_mem>>
          %dma_start3A_113 = arith.constant 0 : i32
          %dma_start3A_114 = tpu.memref_slice %arg28[%add3A, %dma_start3A_113] : memref<10000x16xf32, #tpu.memory_space<vmem_shared>> -> memref<125x16xf32, #tpu.memory_space<vmem_shared>>
          tpu.enqueue_dma source(%arg6 : memref<125x16xf32, #tpu.memory_space<hbm>>) target(%dma_start3A_114 : memref<125x16xf32, #tpu.memory_space<vmem_shared>>) target_semaphore(%run_scoped3A : memref<!tpu.dma_semaphore, #tpu.memory_space<semaphore_mem>>)
          %dma_wait3A_115 = arith.constant 0 : i32
          %dma_wait3A_116 = tpu.memref_slice %arg28[%add3A, %dma_wait3A_115] : memref<10000x16xf32, #tpu.memory_space<vmem_shared>> -> memref<125x16xf32, #tpu.memory_space<vmem_shared>>
          tpu.wait_dma2 semaphore(%run_scoped3A : memref<!tpu.dma_semaphore, #tpu.memory_space<semaphore_mem>>) src(%arg6 : memref<125x16xf32, #tpu.memory_space<hbm>>) dst(%dma_wait3A_116 : memref<125x16xf32, #tpu.memory_space<vmem_shared>>)
          tpu.yield
        }) : () -> ()
      } else {
      }
    }
    %scan3A_9 = arith.constant 5 : i32
    "tpu.region"() ({
      %run_scoped3A = tpu.sem_alloc : memref<!tpu.dma_semaphore, #tpu.memory_space<semaphore_mem>>
      tpu.enqueue_dma source(%arg7 : memref<125x16xf32, #tpu.memory_space<hbm>>) target(%arg15 : memref<125x16xf32, #tpu.memory_space<vmem>>) target_semaphore(%run_scoped3A : memref<!tpu.dma_semaphore, #tpu.memory_space<semaphore_mem>>)
      tpu.wait_dma2 semaphore(%run_scoped3A : memref<!tpu.dma_semaphore, #tpu.memory_space<semaphore_mem>>) src(%arg7 : memref<125x16xf32, #tpu.memory_space<hbm>>) dst(%arg15 : memref<125x16xf32, #tpu.memory_space<vmem>>)
      tpu.yield
    }) : () -> ()
    %dma_start3A = arith.constant 0 : i32
    %dma_start3A_10 = arith.constant 0 : i32
    %dma_start3A_11 = arith.constant 0 : i32
    %dma_start3A_12 = tpu.memref_slice %arg11[%dma_start3A, %dma_start3A_10, %dma_start3A_11] : memref<2x8x125xi32, #tpu.memory_space<vmem>> -> memref<1x8x125xi32, #tpu.memory_space<vmem>>
    %dma_start3A_13 = tpu.memref_squeeze %dma_start3A_12 : memref<1x8x125xi32, #tpu.memory_space<vmem>> -> memref<8x125xi32, #tpu.memory_space<vmem>>
    %dma_start3A_14 = arith.constant 0 : i32
    %dma_start3A_15 = arith.constant 0 : i32
    %dma_start3A_16 = tpu.memref_slice %arg3[%arg0, %arg1, %dma_start3A_14, %dma_start3A_15] : memref<2x16x80x125xi32, #tpu.memory_space<hbm>> -> memref<1x1x8x125xi32, #tpu.memory_space<hbm>>
    %dma_start3A_17 = tpu.memref_squeeze %dma_start3A_16 : memref<1x1x8x125xi32, #tpu.memory_space<hbm>> -> memref<8x125xi32, #tpu.memory_space<hbm>>
    %dma_start3A_18 = arith.constant 0 : i32
    %dma_start3A_19 = arith.constant 0 : i32
    %dma_start3A_20 = tpu.memref_slice %arg11[%dma_start3A, %dma_start3A_18, %dma_start3A_19] : memref<2x8x125xi32, #tpu.memory_space<vmem>> -> memref<1x8x125xi32, #tpu.memory_space<vmem>>
    %dma_start3A_21 = tpu.memref_squeeze %dma_start3A_20 : memref<1x8x125xi32, #tpu.memory_space<vmem>> -> memref<8x125xi32, #tpu.memory_space<vmem>>
    %dma_start3A_22 = arith.constant 0 : i32
    %dma_start3A_23 = arith.constant 0 : i32
    %dma_start3A_24 = tpu.memref_slice %arg3[%arg0, %arg1, %dma_start3A_22, %dma_start3A_23] : memref<2x16x80x125xi32, #tpu.memory_space<hbm>> -> memref<1x1x8x125xi32, #tpu.memory_space<hbm>>
    %dma_start3A_25 = tpu.memref_squeeze %dma_start3A_24 : memref<1x1x8x125xi32, #tpu.memory_space<hbm>> -> memref<8x125xi32, #tpu.memory_space<hbm>>
    tpu.enqueue_dma source(%dma_start3A_25 : memref<8x125xi32, #tpu.memory_space<hbm>>) target(%dma_start3A_21 : memref<8x125xi32, #tpu.memory_space<vmem>>) target_semaphore(%arg23 : memref<!tpu.dma_semaphore, #tpu.memory_space<semaphore_mem>>)
    %dma_start3A_26 = arith.constant 0 : i32
    %dma_start3A_27 = arith.constant 0 : i32
    %dma_start3A_28 = arith.constant 0 : i32
    %dma_start3A_29 = tpu.memref_slice %arg12[%dma_start3A_26, %dma_start3A_27, %dma_start3A_28] : memref<2x8x125xi32, #tpu.memory_space<vmem>> -> memref<1x8x125xi32, #tpu.memory_space<vmem>>
    %dma_start3A_30 = tpu.memref_squeeze %dma_start3A_29 : memref<1x8x125xi32, #tpu.memory_space<vmem>> -> memref<8x125xi32, #tpu.memory_space<vmem>>
    %dma_start3A_31 = arith.constant 0 : i32
    %dma_start3A_32 = arith.constant 0 : i32
    %dma_start3A_33 = tpu.memref_slice %arg4[%arg0, %arg1, %dma_start3A_31, %dma_start3A_32] : memref<2x16x80x125xi32, #tpu.memory_space<hbm>> -> memref<1x1x8x125xi32, #tpu.memory_space<hbm>>
    %dma_start3A_34 = tpu.memref_squeeze %dma_start3A_33 : memref<1x1x8x125xi32, #tpu.memory_space<hbm>> -> memref<8x125xi32, #tpu.memory_space<hbm>>
    %dma_start3A_35 = arith.constant 0 : i32
    %dma_start3A_36 = arith.constant 0 : i32
    %dma_start3A_37 = tpu.memref_slice %arg12[%dma_start3A_26, %dma_start3A_35, %dma_start3A_36] : memref<2x8x125xi32, #tpu.memory_space<vmem>> -> memref<1x8x125xi32, #tpu.memory_space<vmem>>
    %dma_start3A_38 = tpu.memref_squeeze %dma_start3A_37 : memref<1x8x125xi32, #tpu.memory_space<vmem>> -> memref<8x125xi32, #tpu.memory_space<vmem>>
    %dma_start3A_39 = arith.constant 0 : i32
    %dma_start3A_40 = arith.constant 0 : i32
    %dma_start3A_41 = tpu.memref_slice %arg4[%arg0, %arg1, %dma_start3A_39, %dma_start3A_40] : memref<2x16x80x125xi32, #tpu.memory_space<hbm>> -> memref<1x1x8x125xi32, #tpu.memory_space<hbm>>
    %dma_start3A_42 = tpu.memref_squeeze %dma_start3A_41 : memref<1x1x8x125xi32, #tpu.memory_space<hbm>> -> memref<8x125xi32, #tpu.memory_space<hbm>>
    tpu.enqueue_dma source(%dma_start3A_42 : memref<8x125xi32, #tpu.memory_space<hbm>>) target(%dma_start3A_38 : memref<8x125xi32, #tpu.memory_space<vmem>>) target_semaphore(%arg25 : memref<!tpu.dma_semaphore, #tpu.memory_space<semaphore_mem>>)
    %dma_wait3A = arith.constant 0 : i32
    %dma_wait3A_43 = arith.constant 0 : i32
    %dma_wait3A_44 = arith.constant 0 : i32
    %dma_wait3A_45 = tpu.memref_slice %arg11[%dma_wait3A, %dma_wait3A_43, %dma_wait3A_44] : memref<2x8x125xi32, #tpu.memory_space<vmem>> -> memref<1x8x125xi32, #tpu.memory_space<vmem>>
    %dma_wait3A_46 = tpu.memref_squeeze %dma_wait3A_45 : memref<1x8x125xi32, #tpu.memory_space<vmem>> -> memref<8x125xi32, #tpu.memory_space<vmem>>
    %dma_wait3A_47 = arith.constant 0 : i32
    %dma_wait3A_48 = arith.constant 0 : i32
    %dma_wait3A_49 = tpu.memref_slice %arg3[%arg0, %arg1, %dma_wait3A_47, %dma_wait3A_48] : memref<2x16x80x125xi32, #tpu.memory_space<hbm>> -> memref<1x1x8x125xi32, #tpu.memory_space<hbm>>
    %dma_wait3A_50 = tpu.memref_squeeze %dma_wait3A_49 : memref<1x1x8x125xi32, #tpu.memory_space<hbm>> -> memref<8x125xi32, #tpu.memory_space<hbm>>
    %dma_wait3A_51 = arith.constant 0 : i32
    %dma_wait3A_52 = arith.constant 0 : i32
    %dma_wait3A_53 = tpu.memref_slice %arg11[%dma_wait3A, %dma_wait3A_51, %dma_wait3A_52] : memref<2x8x125xi32, #tpu.memory_space<vmem>> -> memref<1x8x125xi32, #tpu.memory_space<vmem>>
    %dma_wait3A_54 = tpu.memref_squeeze %dma_wait3A_53 : memref<1x8x125xi32, #tpu.memory_space<vmem>> -> memref<8x125xi32, #tpu.memory_space<vmem>>
    %dma_wait3A_55 = arith.constant 0 : i32
    %dma_wait3A_56 = arith.constant 0 : i32
    %dma_wait3A_57 = tpu.memref_slice %arg3[%arg0, %arg1, %dma_wait3A_55, %dma_wait3A_56] : memref<2x16x80x125xi32, #tpu.memory_space<hbm>> -> memref<1x1x8x125xi32, #tpu.memory_space<hbm>>
    %dma_wait3A_58 = tpu.memref_squeeze %dma_wait3A_57 : memref<1x1x8x125xi32, #tpu.memory_space<hbm>> -> memref<8x125xi32, #tpu.memory_space<hbm>>
    tpu.wait_dma2 semaphore(%arg23 : memref<!tpu.dma_semaphore, #tpu.memory_space<semaphore_mem>>) src(%dma_wait3A_58 : memref<8x125xi32, #tpu.memory_space<hbm>>) dst(%dma_wait3A_54 : memref<8x125xi32, #tpu.memory_space<vmem>>)
    %dma_wait3A_59 = arith.constant 0 : i32
    %dma_wait3A_60 = arith.constant 0 : i32
    %dma_wait3A_61 = arith.constant 0 : i32
    %dma_wait3A_62 = tpu.memref_slice %arg12[%dma_wait3A_59, %dma_wait3A_60, %dma_wait3A_61] : memref<2x8x125xi32, #tpu.memory_space<vmem>> -> memref<1x8x125xi32, #tpu.memory_space<vmem>>
    %dma_wait3A_63 = tpu.memref_squeeze %dma_wait3A_62 : memref<1x8x125xi32, #tpu.memory_space<vmem>> -> memref<8x125xi32, #tpu.memory_space<vmem>>
    %dma_wait3A_64 = arith.constant 0 : i32
    %dma_wait3A_65 = arith.constant 0 : i32
    %dma_wait3A_66 = tpu.memref_slice %arg4[%arg0, %arg1, %dma_wait3A_64, %dma_wait3A_65] : memref<2x16x80x125xi32, #tpu.memory_space<hbm>> -> memref<1x1x8x125xi32, #tpu.memory_space<hbm>>
    %dma_wait3A_67 = tpu.memref_squeeze %dma_wait3A_66 : memref<1x1x8x125xi32, #tpu.memory_space<hbm>> -> memref<8x125xi32, #tpu.memory_space<hbm>>
    %dma_wait3A_68 = arith.constant 0 : i32
    %dma_wait3A_69 = arith.constant 0 : i32
    %dma_wait3A_70 = tpu.memref_slice %arg12[%dma_wait3A_59, %dma_wait3A_68, %dma_wait3A_69] : memref<2x8x125xi32, #tpu.memory_space<vmem>> -> memref<1x8x125xi32, #tpu.memory_space<vmem>>
    %dma_wait3A_71 = tpu.memref_squeeze %dma_wait3A_70 : memref<1x8x125xi32, #tpu.memory_space<vmem>> -> memref<8x125xi32, #tpu.memory_space<vmem>>
    %dma_wait3A_72 = arith.constant 0 : i32
    %dma_wait3A_73 = arith.constant 0 : i32
    %dma_wait3A_74 = tpu.memref_slice %arg4[%arg0, %arg1, %dma_wait3A_72, %dma_wait3A_73] : memref<2x16x80x125xi32, #tpu.memory_space<hbm>> -> memref<1x1x8x125xi32, #tpu.memory_space<hbm>>
    %dma_wait3A_75 = tpu.memref_squeeze %dma_wait3A_74 : memref<1x1x8x125xi32, #tpu.memory_space<hbm>> -> memref<8x125xi32, #tpu.memory_space<hbm>>
    tpu.wait_dma2 semaphore(%arg25 : memref<!tpu.dma_semaphore, #tpu.memory_space<semaphore_mem>>) src(%dma_wait3A_75 : memref<8x125xi32, #tpu.memory_space<hbm>>) dst(%dma_wait3A_71 : memref<8x125xi32, #tpu.memory_space<vmem>>)
    %barrier3A = arith.constant 0 : index
    tpu.barrier barrier_id(%barrier3A)
    %dma_start3A_76 = arith.constant 0 : i32
    %dma_start3A_77 = arith.constant 0 : i32
    %dma_start3A_78 = arith.constant 0 : i32
    %dma_start3A_79 = tpu.memref_slice %arg11[%dma_start3A_76, %dma_start3A_77, %dma_start3A_78] : memref<2x8x125xi32, #tpu.memory_space<vmem>> -> memref<1x1x125xi32, #tpu.memory_space<vmem>>
    %dma_start3A_80 = tpu.memref_squeeze %dma_start3A_79 : memref<1x1x125xi32, #tpu.memory_space<vmem>> -> memref<125xi32, #tpu.memory_space<vmem>>
    %dma_start3A_81 = arith.constant 0 : i32
    %dma_start3A_82 = arith.constant 0 : i32
    %dma_start3A_83 = tpu.memref_slice %arg2[%dma_start3A_81, %dma_start3A_82] : memref<10000x128xf32, #tpu.memory_space<hbm>> -> memref<10000x128xf32, #tpu.memory_space<hbm>>
    tpu.enqueue_indirect_dma source(%dma_start3A_83 : memref<10000x128xf32, #tpu.memory_space<hbm>>) target(%arg13 : memref<125x128xf32, #tpu.memory_space<vmem>>) offsets(%dma_start3A_80 : memref<125xi32, #tpu.memory_space<vmem>>) semaphore(%arg17 : memref<!tpu.dma_semaphore, #tpu.memory_space<semaphore_mem>>)
    %scan3A_84 = arith.constant 0 : i32
    %scan3A_85 = arith.constant 0 : i32
    %scan3A_86 = arith.constant 5 : i32
    %scan3A_87 = arith.addi %scan3A_85, %scan3A_86 : i32
    %scan3A_88 = arith.constant 1 : i32
    scf.for %scan3A_106 = %scan3A_85 to %scan3A_87 step %scan3A_88  : i32 {
      %dma_wait3A_107 = arith.constant 0 : i32
      %dma_wait3A_108 = arith.constant 0 : i32
      %dma_wait3A_109 = arith.constant 0 : i32
      %dma_wait3A_110 = tpu.memref_slice %arg11[%dma_wait3A_107, %dma_wait3A_108, %dma_wait3A_109] : memref<2x8x125xi32, #tpu.memory_space<vmem>> -> memref<1x1x125xi32, #tpu.memory_space<vmem>>
      %dma_wait3A_111 = tpu.memref_squeeze %dma_wait3A_110 : memref<1x1x125xi32, #tpu.memory_space<vmem>> -> memref<125xi32, #tpu.memory_space<vmem>>
      %dma_wait3A_112 = arith.constant 0 : i32
      %dma_wait3A_113 = arith.constant 0 : i32
      %dma_wait3A_114 = tpu.memref_slice %arg2[%dma_wait3A_112, %dma_wait3A_113] : memref<10000x128xf32, #tpu.memory_space<hbm>> -> memref<10000x128xf32, #tpu.memory_space<hbm>>
      tpu.wait_indirect_dma semaphore(%arg17 : memref<!tpu.dma_semaphore, #tpu.memory_space<semaphore_mem>>) src(%dma_wait3A_114 : memref<10000x128xf32, #tpu.memory_space<hbm>>) dst(%arg13 : memref<125x128xf32, #tpu.memory_space<vmem>>)
      %dma_start3A_115 = arith.constant 0 : i32
      %dma_start3A_116 = arith.constant 0 : i32
      %dma_start3A_117 = arith.constant 0 : i32
      %dma_start3A_118 = tpu.memref_slice %arg12[%dma_start3A_115, %dma_start3A_116, %dma_start3A_117] : memref<2x8x125xi32, #tpu.memory_space<vmem>> -> memref<1x1x125xi32, #tpu.memory_space<vmem>>
      %dma_start3A_119 = tpu.memref_squeeze %dma_start3A_118 : memref<1x1x125xi32, #tpu.memory_space<vmem>> -> memref<125xi32, #tpu.memory_space<vmem>>
      %dma_start3A_120 = arith.constant 0 : i32
      %dma_start3A_121 = arith.constant 0 : i32
      %dma_start3A_122 = tpu.memref_slice %arg27[%dma_start3A_120, %dma_start3A_121] : memref<10000x128xf32, #tpu.memory_space<vmem_shared>> -> memref<10000x128xf32, #tpu.memory_space<vmem_shared>>
      tpu.enqueue_indirect_dma source(%arg13 : memref<125x128xf32, #tpu.memory_space<vmem>>) target(%dma_start3A_122 : memref<10000x128xf32, #tpu.memory_space<vmem_shared>>) offsets(%dma_start3A_119 : memref<125xi32, #tpu.memory_space<vmem>>) semaphore(%arg19 : memref<!tpu.dma_semaphore, #tpu.memory_space<semaphore_mem>>) {add = true}
      %convert_element_type3A_123 = arith.extui %gt3A_4 : i1 to i32
      %cond3A_124 = arith.constant 0 : i32
      %cond3A_125 = arith.cmpi ne, %convert_element_type3A_123, %cond3A_124 : i32
      scf.if %cond3A_125 {
        %dma_start3A_779 = arith.constant 0 : i32
        %dma_start3A_780 = arith.constant 0 : i32
        %dma_start3A_781 = arith.constant 0 : i32
        %dma_start3A_782 = tpu.memref_slice %arg12[%dma_start3A_779, %dma_start3A_780, %dma_start3A_781] : memref<2x8x125xi32, #tpu.memory_space<vmem>> -> memref<1x1x125xi32, #tpu.memory_space<vmem>>
        %dma_start3A_783 = tpu.memref_squeeze %dma_start3A_782 : memref<1x1x125xi32, #tpu.memory_space<vmem>> -> memref<125xi32, #tpu.memory_space<vmem>>
        %dma_start3A_784 = arith.constant 0 : i32
        %dma_start3A_785 = arith.constant 0 : i32
        %dma_start3A_786 = tpu.memref_slice %arg28[%dma_start3A_784, %dma_start3A_785] : memref<10000x16xf32, #tpu.memory_space<vmem_shared>> -> memref<10000x16xf32, #tpu.memory_space<vmem_shared>>
        tpu.enqueue_indirect_dma source(%arg15 : memref<125x16xf32, #tpu.memory_space<vmem>>) target(%dma_start3A_786 : memref<10000x16xf32, #tpu.memory_space<vmem_shared>>) offsets(%dma_start3A_783 : memref<125xi32, #tpu.memory_space<vmem>>) semaphore(%arg21 : memref<!tpu.dma_semaphore, #tpu.memory_space<semaphore_mem>>) {add = true}
      } else {
      }
      %ge3A = arith.constant 1 : i32
      %ge3A_126 = arith.cmpi sge, %scan3A_106, %ge3A : i32
      %convert_element_type3A_127 = arith.extui %ge3A_126 : i1 to i32
      %cond3A_128 = arith.constant 0 : i32
      %cond3A_129 = arith.cmpi ne, %convert_element_type3A_127, %cond3A_128 : i32
      scf.if %cond3A_129 {
        %dma_wait3A_779 = arith.constant 0 : i32
        %dma_wait3A_780 = arith.constant 0 : i32
        %dma_wait3A_781 = arith.constant 0 : i32
        %dma_wait3A_782 = tpu.memref_slice %arg12[%dma_wait3A_779, %dma_wait3A_780, %dma_wait3A_781] : memref<2x8x125xi32, #tpu.memory_space<vmem>> -> memref<1x1x125xi32, #tpu.memory_space<vmem>>
        %dma_wait3A_783 = tpu.memref_squeeze %dma_wait3A_782 : memref<1x1x125xi32, #tpu.memory_space<vmem>> -> memref<125xi32, #tpu.memory_space<vmem>>
        %dma_wait3A_784 = arith.constant 0 : i32
        %dma_wait3A_785 = arith.constant 0 : i32
        %dma_wait3A_786 = tpu.memref_slice %arg27[%dma_wait3A_784, %dma_wait3A_785] : memref<10000x128xf32, #tpu.memory_space<vmem_shared>> -> memref<10000x128xf32, #tpu.memory_space<vmem_shared>>
        tpu.wait_indirect_dma semaphore(%arg20 : memref<!tpu.dma_semaphore, #tpu.memory_space<semaphore_mem>>) src(%arg14 : memref<125x128xf32, #tpu.memory_space<vmem>>) dst(%dma_wait3A_786 : memref<10000x128xf32, #tpu.memory_space<vmem_shared>>)
        %convert_element_type3A_787 = arith.extui %gt3A_4 : i1 to i32
        %cond3A_788 = arith.constant 0 : i32
        %cond3A_789 = arith.cmpi ne, %convert_element_type3A_787, %cond3A_788 : i32
        scf.if %cond3A_789 {
          %dma_wait3A_790 = arith.constant 0 : i32
          %dma_wait3A_791 = arith.constant 0 : i32
          %dma_wait3A_792 = arith.constant 0 : i32
          %dma_wait3A_793 = tpu.memref_slice %arg12[%dma_wait3A_790, %dma_wait3A_791, %dma_wait3A_792] : memref<2x8x125xi32, #tpu.memory_space<vmem>> -> memref<1x1x125xi32, #tpu.memory_space<vmem>>
          %dma_wait3A_794 = tpu.memref_squeeze %dma_wait3A_793 : memref<1x1x125xi32, #tpu.memory_space<vmem>> -> memref<125xi32, #tpu.memory_space<vmem>>
          %dma_wait3A_795 = arith.constant 0 : i32
          %dma_wait3A_796 = arith.constant 0 : i32
          %dma_wait3A_797 = tpu.memref_slice %arg28[%dma_wait3A_795, %dma_wait3A_796] : memref<10000x16xf32, #tpu.memory_space<vmem_shared>> -> memref<10000x16xf32, #tpu.memory_space<vmem_shared>>
          tpu.wait_indirect_dma semaphore(%arg22 : memref<!tpu.dma_semaphore, #tpu.memory_space<semaphore_mem>>) src(%arg15 : memref<125x16xf32, #tpu.memory_space<vmem>>) dst(%dma_wait3A_797 : memref<10000x16xf32, #tpu.memory_space<vmem_shared>>)
        } else {
        }
      } else {
      }
      %dma_start3A_130 = arith.constant 0 : i32
      %dma_start3A_131 = arith.constant 1 : i32
      %dma_start3A_132 = arith.constant 0 : i32
      %dma_start3A_133 = tpu.memref_slice %arg11[%dma_start3A_130, %dma_start3A_131, %dma_start3A_132] : memref<2x8x125xi32, #tpu.memory_space<vmem>> -> memref<1x1x125xi32, #tpu.memory_space<vmem>>
      %dma_start3A_134 = tpu.memref_squeeze %dma_start3A_133 : memref<1x1x125xi32, #tpu.memory_space<vmem>> -> memref<125xi32, #tpu.memory_space<vmem>>
      %dma_start3A_135 = arith.constant 0 : i32
      %dma_start3A_136 = arith.constant 0 : i32
      %dma_start3A_137 = tpu.memref_slice %arg2[%dma_start3A_135, %dma_start3A_136] : memref<10000x128xf32, #tpu.memory_space<hbm>> -> memref<10000x128xf32, #tpu.memory_space<hbm>>
      tpu.enqueue_indirect_dma source(%dma_start3A_137 : memref<10000x128xf32, #tpu.memory_space<hbm>>) target(%arg14 : memref<125x128xf32, #tpu.memory_space<vmem>>) offsets(%dma_start3A_134 : memref<125xi32, #tpu.memory_space<vmem>>) semaphore(%arg18 : memref<!tpu.dma_semaphore, #tpu.memory_space<semaphore_mem>>)
      %dma_wait3A_138 = arith.constant 0 : i32
      %dma_wait3A_139 = arith.constant 0 : i32
      %dma_wait3A_140 = arith.constant 0 : i32
      %dma_wait3A_141 = tpu.memref_slice %arg11[%dma_wait3A_138, %dma_wait3A_139, %dma_wait3A_140] : memref<2x8x125xi32, #tpu.memory_space<vmem>> -> memref<1x1x125xi32, #tpu.memory_space<vmem>>
      %dma_wait3A_142 = tpu.memref_squeeze %dma_wait3A_141 : memref<1x1x125xi32, #tpu.memory_space<vmem>> -> memref<125xi32, #tpu.memory_space<vmem>>
      %dma_wait3A_143 = arith.constant 0 : i32
      %dma_wait3A_144 = arith.constant 0 : i32
      %dma_wait3A_145 = tpu.memref_slice %arg2[%dma_wait3A_143, %dma_wait3A_144] : memref<10000x128xf32, #tpu.memory_space<hbm>> -> memref<10000x128xf32, #tpu.memory_space<hbm>>
      tpu.wait_indirect_dma semaphore(%arg18 : memref<!tpu.dma_semaphore, #tpu.memory_space<semaphore_mem>>) src(%dma_wait3A_145 : memref<10000x128xf32, #tpu.memory_space<hbm>>) dst(%arg14 : memref<125x128xf32, #tpu.memory_space<vmem>>)
      %dma_start3A_146 = arith.constant 0 : i32
      %dma_start3A_147 = arith.constant 1 : i32
      %dma_start3A_148 = arith.constant 0 : i32
      %dma_start3A_149 = tpu.memref_slice %arg12[%dma_start3A_146, %dma_start3A_147, %dma_start3A_148] : memref<2x8x125xi32, #tpu.memory_space<vmem>> -> memref<1x1x125xi32, #tpu.memory_space<vmem>>
      %dma_start3A_150 = tpu.memref_squeeze %dma_start3A_149 : memref<1x1x125xi32, #tpu.memory_space<vmem>> -> memref<125xi32, #tpu.memory_space<vmem>>
      %dma_start3A_151 = arith.constant 0 : i32
      %dma_start3A_152 = arith.constant 0 : i32
      %dma_start3A_153 = tpu.memref_slice %arg27[%dma_start3A_151, %dma_start3A_152] : memref<10000x128xf32, #tpu.memory_space<vmem_shared>> -> memref<10000x128xf32, #tpu.memory_space<vmem_shared>>
      tpu.enqueue_indirect_dma source(%arg14 : memref<125x128xf32, #tpu.memory_space<vmem>>) target(%dma_start3A_153 : memref<10000x128xf32, #tpu.memory_space<vmem_shared>>) offsets(%dma_start3A_150 : memref<125xi32, #tpu.memory_space<vmem>>) semaphore(%arg20 : memref<!tpu.dma_semaphore, #tpu.memory_space<semaphore_mem>>) {add = true}
      %convert_element_type3A_154 = arith.extui %gt3A_4 : i1 to i32
      %cond3A_155 = arith.constant 0 : i32
      %cond3A_156 = arith.cmpi ne, %convert_element_type3A_154, %cond3A_155 : i32
      scf.if %cond3A_156 {
        %dma_start3A_779 = arith.constant 0 : i32
        %dma_start3A_780 = arith.constant 1 : i32
        %dma_start3A_781 = arith.constant 0 : i32
        %dma_start3A_782 = tpu.memref_slice %arg12[%dma_start3A_779, %dma_start3A_780, %dma_start3A_781] : memref<2x8x125xi32, #tpu.memory_space<vmem>> -> memref<1x1x125xi32, #tpu.memory_space<vmem>>
        %dma_start3A_783 = tpu.memref_squeeze %dma_start3A_782 : memref<1x1x125xi32, #tpu.memory_space<vmem>> -> memref<125xi32, #tpu.memory_space<vmem>>
        %dma_start3A_784 = arith.constant 0 : i32
        %dma_start3A_785 = arith.constant 0 : i32
        %dma_start3A_786 = tpu.memref_slice %arg28[%dma_start3A_784, %dma_start3A_785] : memref<10000x16xf32, #tpu.memory_space<vmem_shared>> -> memref<10000x16xf32, #tpu.memory_space<vmem_shared>>
        tpu.enqueue_indirect_dma source(%arg15 : memref<125x16xf32, #tpu.memory_space<vmem>>) target(%dma_start3A_786 : memref<10000x16xf32, #tpu.memory_space<vmem_shared>>) offsets(%dma_start3A_783 : memref<125xi32, #tpu.memory_space<vmem>>) semaphore(%arg22 : memref<!tpu.dma_semaphore, #tpu.memory_space<semaphore_mem>>) {add = true}
      } else {
      }
      %dma_wait3A_157 = arith.constant 0 : i32
      %dma_wait3A_158 = arith.constant 0 : i32
      %dma_wait3A_159 = arith.constant 0 : i32
      %dma_wait3A_160 = tpu.memref_slice %arg12[%dma_wait3A_157, %dma_wait3A_158, %dma_wait3A_159] : memref<2x8x125xi32, #tpu.memory_space<vmem>> -> memref<1x1x125xi32, #tpu.memory_space<vmem>>
      %dma_wait3A_161 = tpu.memref_squeeze %dma_wait3A_160 : memref<1x1x125xi32, #tpu.memory_space<vmem>> -> memref<125xi32, #tpu.memory_space<vmem>>
      %dma_wait3A_162 = arith.constant 0 : i32
      %dma_wait3A_163 = arith.constant 0 : i32
      %dma_wait3A_164 = tpu.memref_slice %arg27[%dma_wait3A_162, %dma_wait3A_163] : memref<10000x128xf32, #tpu.memory_space<vmem_shared>> -> memref<10000x128xf32, #tpu.memory_space<vmem_shared>>
      tpu.wait_indirect_dma semaphore(%arg19 : memref<!tpu.dma_semaphore, #tpu.memory_space<semaphore_mem>>) src(%arg13 : memref<125x128xf32, #tpu.memory_space<vmem>>) dst(%dma_wait3A_164 : memref<10000x128xf32, #tpu.memory_space<vmem_shared>>)
      %convert_element_type3A_165 = arith.extui %gt3A_4 : i1 to i32
      %cond3A_166 = arith.constant 0 : i32
      %cond3A_167 = arith.cmpi ne, %convert_element_type3A_165, %cond3A_166 : i32
      scf.if %cond3A_167 {
        %dma_wait3A_779 = arith.constant 0 : i32
        %dma_wait3A_780 = arith.constant 0 : i32
        %dma_wait3A_781 = arith.constant 0 : i32
        %dma_wait3A_782 = tpu.memref_slice %arg12[%dma_wait3A_779, %dma_wait3A_780, %dma_wait3A_781] : memref<2x8x125xi32, #tpu.memory_space<vmem>> -> memref<1x1x125xi32, #tpu.memory_space<vmem>>
        %dma_wait3A_783 = tpu.memref_squeeze %dma_wait3A_782 : memref<1x1x125xi32, #tpu.memory_space<vmem>> -> memref<125xi32, #tpu.memory_space<vmem>>
        %dma_wait3A_784 = arith.constant 0 : i32
        %dma_wait3A_785 = arith.constant 0 : i32
        %dma_wait3A_786 = tpu.memref_slice %arg28[%dma_wait3A_784, %dma_wait3A_785] : memref<10000x16xf32, #tpu.memory_space<vmem_shared>> -> memref<10000x16xf32, #tpu.memory_space<vmem_shared>>
        tpu.wait_indirect_dma semaphore(%arg21 : memref<!tpu.dma_semaphore, #tpu.memory_space<semaphore_mem>>) src(%arg15 : memref<125x16xf32, #tpu.memory_space<vmem>>) dst(%dma_wait3A_786 : memref<10000x16xf32, #tpu.memory_space<vmem_shared>>)
      } else {
      }
      %dma_start3A_168 = arith.constant 0 : i32
      %dma_start3A_169 = arith.constant 2 : i32
      %dma_start3A_170 = arith.constant 0 : i32
      %dma_start3A_171 = tpu.memref_slice %arg11[%dma_start3A_168, %dma_start3A_169, %dma_start3A_170] : memref<2x8x125xi32, #tpu.memory_space<vmem>> -> memref<1x1x125xi32, #tpu.memory_space<vmem>>
      %dma_start3A_172 = tpu.memref_squeeze %dma_start3A_171 : memref<1x1x125xi32, #tpu.memory_space<vmem>> -> memref<125xi32, #tpu.memory_space<vmem>>
      %dma_start3A_173 = arith.constant 0 : i32
      %dma_start3A_174 = arith.constant 0 : i32
      %dma_start3A_175 = tpu.memref_slice %arg2[%dma_start3A_173, %dma_start3A_174] : memref<10000x128xf32, #tpu.memory_space<hbm>> -> memref<10000x128xf32, #tpu.memory_space<hbm>>
      tpu.enqueue_indirect_dma source(%dma_start3A_175 : memref<10000x128xf32, #tpu.memory_space<hbm>>) target(%arg13 : memref<125x128xf32, #tpu.memory_space<vmem>>) offsets(%dma_start3A_172 : memref<125xi32, #tpu.memory_space<vmem>>) semaphore(%arg17 : memref<!tpu.dma_semaphore, #tpu.memory_space<semaphore_mem>>)
      %dma_wait3A_176 = arith.constant 0 : i32
      %dma_wait3A_177 = arith.constant 0 : i32
      %dma_wait3A_178 = arith.constant 0 : i32
      %dma_wait3A_179 = tpu.memref_slice %arg11[%dma_wait3A_176, %dma_wait3A_177, %dma_wait3A_178] : memref<2x8x125xi32, #tpu.memory_space<vmem>> -> memref<1x1x125xi32, #tpu.memory_space<vmem>>
      %dma_wait3A_180 = tpu.memref_squeeze %dma_wait3A_179 : memref<1x1x125xi32, #tpu.memory_space<vmem>> -> memref<125xi32, #tpu.memory_space<vmem>>
      %dma_wait3A_181 = arith.constant 0 : i32
      %dma_wait3A_182 = arith.constant 0 : i32
      %dma_wait3A_183 = tpu.memref_slice %arg2[%dma_wait3A_181, %dma_wait3A_182] : memref<10000x128xf32, #tpu.memory_space<hbm>> -> memref<10000x128xf32, #tpu.memory_space<hbm>>
      tpu.wait_indirect_dma semaphore(%arg17 : memref<!tpu.dma_semaphore, #tpu.memory_space<semaphore_mem>>) src(%dma_wait3A_183 : memref<10000x128xf32, #tpu.memory_space<hbm>>) dst(%arg13 : memref<125x128xf32, #tpu.memory_space<vmem>>)
      %dma_start3A_184 = arith.constant 0 : i32
      %dma_start3A_185 = arith.constant 2 : i32
      %dma_start3A_186 = arith.constant 0 : i32
      %dma_start3A_187 = tpu.memref_slice %arg12[%dma_start3A_184, %dma_start3A_185, %dma_start3A_186] : memref<2x8x125xi32, #tpu.memory_space<vmem>> -> memref<1x1x125xi32, #tpu.memory_space<vmem>>
      %dma_start3A_188 = tpu.memref_squeeze %dma_start3A_187 : memref<1x1x125xi32, #tpu.memory_space<vmem>> -> memref<125xi32, #tpu.memory_space<vmem>>
      %dma_start3A_189 = arith.constant 0 : i32
      %dma_start3A_190 = arith.constant 0 : i32
      %dma_start3A_191 = tpu.memref_slice %arg27[%dma_start3A_189, %dma_start3A_190] : memref<10000x128xf32, #tpu.memory_space<vmem_shared>> -> memref<10000x128xf32, #tpu.memory_space<vmem_shared>>
      tpu.enqueue_indirect_dma source(%arg13 : memref<125x128xf32, #tpu.memory_space<vmem>>) target(%dma_start3A_191 : memref<10000x128xf32, #tpu.memory_space<vmem_shared>>) offsets(%dma_start3A_188 : memref<125xi32, #tpu.memory_space<vmem>>) semaphore(%arg19 : memref<!tpu.dma_semaphore, #tpu.memory_space<semaphore_mem>>) {add = true}
      %convert_element_type3A_192 = arith.extui %gt3A_4 : i1 to i32
      %cond3A_193 = arith.constant 0 : i32
      %cond3A_194 = arith.cmpi ne, %convert_element_type3A_192, %cond3A_193 : i32
      scf.if %cond3A_194 {
        %dma_start3A_779 = arith.constant 0 : i32
        %dma_start3A_780 = arith.constant 2 : i32
        %dma_start3A_781 = arith.constant 0 : i32
        %dma_start3A_782 = tpu.memref_slice %arg12[%dma_start3A_779, %dma_start3A_780, %dma_start3A_781] : memref<2x8x125xi32, #tpu.memory_space<vmem>> -> memref<1x1x125xi32, #tpu.memory_space<vmem>>
        %dma_start3A_783 = tpu.memref_squeeze %dma_start3A_782 : memref<1x1x125xi32, #tpu.memory_space<vmem>> -> memref<125xi32, #tpu.memory_space<vmem>>
        %dma_start3A_784 = arith.constant 0 : i32
        %dma_start3A_785 = arith.constant 0 : i32
        %dma_start3A_786 = tpu.memref_slice %arg28[%dma_start3A_784, %dma_start3A_785] : memref<10000x16xf32, #tpu.memory_space<vmem_shared>> -> memref<10000x16xf32, #tpu.memory_space<vmem_shared>>
        tpu.enqueue_indirect_dma source(%arg15 : memref<125x16xf32, #tpu.memory_space<vmem>>) target(%dma_start3A_786 : memref<10000x16xf32, #tpu.memory_space<vmem_shared>>) offsets(%dma_start3A_783 : memref<125xi32, #tpu.memory_space<vmem>>) semaphore(%arg21 : memref<!tpu.dma_semaphore, #tpu.memory_space<semaphore_mem>>) {add = true}
      } else {
      }
      %mul3A = arith.constant 2 : i32
      %mul3A_195 = arith.muli %mul3A, %scan3A_106 : i32
      %add3A = arith.constant 1 : i32
      %add3A_196 = arith.addi %mul3A_195, %add3A : i32
      %mul3A_197 = arith.constant 8 : i32
      %mul3A_198 = arith.muli %add3A_196, %mul3A_197 : i32
      %dma_start3A_199 = arith.constant 1 : i32
      %dma_start3A_200 = arith.constant 0 : i32
      %dma_start3A_201 = arith.constant 0 : i32
      %dma_start3A_202 = tpu.memref_slice %arg11[%dma_start3A_199, %dma_start3A_200, %dma_start3A_201] : memref<2x8x125xi32, #tpu.memory_space<vmem>> -> memref<1x8x125xi32, #tpu.memory_space<vmem>>
      %dma_start3A_203 = tpu.memref_squeeze %dma_start3A_202 : memref<1x8x125xi32, #tpu.memory_space<vmem>> -> memref<8x125xi32, #tpu.memory_space<vmem>>
      %dma_start3A_204 = arith.constant 0 : i32
      %dma_start3A_205 = tpu.memref_slice %arg3[%arg0, %arg1, %mul3A_198, %dma_start3A_204] : memref<2x16x80x125xi32, #tpu.memory_space<hbm>> -> memref<1x1x8x125xi32, #tpu.memory_space<hbm>>
      %dma_start3A_206 = tpu.memref_squeeze %dma_start3A_205 : memref<1x1x8x125xi32, #tpu.memory_space<hbm>> -> memref<8x125xi32, #tpu.memory_space<hbm>>
      %dma_start3A_207 = arith.constant 0 : i32
      %dma_start3A_208 = arith.constant 0 : i32
      %dma_start3A_209 = tpu.memref_slice %arg11[%dma_start3A_199, %dma_start3A_207, %dma_start3A_208] : memref<2x8x125xi32, #tpu.memory_space<vmem>> -> memref<1x8x125xi32, #tpu.memory_space<vmem>>
      %dma_start3A_210 = tpu.memref_squeeze %dma_start3A_209 : memref<1x8x125xi32, #tpu.memory_space<vmem>> -> memref<8x125xi32, #tpu.memory_space<vmem>>
      %dma_start3A_211 = arith.constant 0 : i32
      %dma_start3A_212 = tpu.memref_slice %arg3[%arg0, %arg1, %mul3A_198, %dma_start3A_211] : memref<2x16x80x125xi32, #tpu.memory_space<hbm>> -> memref<1x1x8x125xi32, #tpu.memory_space<hbm>>
      %dma_start3A_213 = tpu.memref_squeeze %dma_start3A_212 : memref<1x1x8x125xi32, #tpu.memory_space<hbm>> -> memref<8x125xi32, #tpu.memory_space<hbm>>
      tpu.enqueue_dma source(%dma_start3A_213 : memref<8x125xi32, #tpu.memory_space<hbm>>) target(%dma_start3A_210 : memref<8x125xi32, #tpu.memory_space<vmem>>) target_semaphore(%arg24 : memref<!tpu.dma_semaphore, #tpu.memory_space<semaphore_mem>>)
      %mul3A_214 = arith.constant 8 : i32
      %mul3A_215 = arith.muli %add3A_196, %mul3A_214 : i32
      %dma_start3A_216 = arith.constant 1 : i32
      %dma_start3A_217 = arith.constant 0 : i32
      %dma_start3A_218 = arith.constant 0 : i32
      %dma_start3A_219 = tpu.memref_slice %arg12[%dma_start3A_216, %dma_start3A_217, %dma_start3A_218] : memref<2x8x125xi32, #tpu.memory_space<vmem>> -> memref<1x8x125xi32, #tpu.memory_space<vmem>>
      %dma_start3A_220 = tpu.memref_squeeze %dma_start3A_219 : memref<1x8x125xi32, #tpu.memory_space<vmem>> -> memref<8x125xi32, #tpu.memory_space<vmem>>
      %dma_start3A_221 = arith.constant 0 : i32
      %dma_start3A_222 = tpu.memref_slice %arg4[%arg0, %arg1, %mul3A_215, %dma_start3A_221] : memref<2x16x80x125xi32, #tpu.memory_space<hbm>> -> memref<1x1x8x125xi32, #tpu.memory_space<hbm>>
      %dma_start3A_223 = tpu.memref_squeeze %dma_start3A_222 : memref<1x1x8x125xi32, #tpu.memory_space<hbm>> -> memref<8x125xi32, #tpu.memory_space<hbm>>
      %dma_start3A_224 = arith.constant 0 : i32
      %dma_start3A_225 = arith.constant 0 : i32
      %dma_start3A_226 = tpu.memref_slice %arg12[%dma_start3A_216, %dma_start3A_224, %dma_start3A_225] : memref<2x8x125xi32, #tpu.memory_space<vmem>> -> memref<1x8x125xi32, #tpu.memory_space<vmem>>
      %dma_start3A_227 = tpu.memref_squeeze %dma_start3A_226 : memref<1x8x125xi32, #tpu.memory_space<vmem>> -> memref<8x125xi32, #tpu.memory_space<vmem>>
      %dma_start3A_228 = arith.constant 0 : i32
      %dma_start3A_229 = tpu.memref_slice %arg4[%arg0, %arg1, %mul3A_215, %dma_start3A_228] : memref<2x16x80x125xi32, #tpu.memory_space<hbm>> -> memref<1x1x8x125xi32, #tpu.memory_space<hbm>>
      %dma_start3A_230 = tpu.memref_squeeze %dma_start3A_229 : memref<1x1x8x125xi32, #tpu.memory_space<hbm>> -> memref<8x125xi32, #tpu.memory_space<hbm>>
      tpu.enqueue_dma source(%dma_start3A_230 : memref<8x125xi32, #tpu.memory_space<hbm>>) target(%dma_start3A_227 : memref<8x125xi32, #tpu.memory_space<vmem>>) target_semaphore(%arg26 : memref<!tpu.dma_semaphore, #tpu.memory_space<semaphore_mem>>)
      %dma_wait3A_231 = arith.constant 0 : i32
      %dma_wait3A_232 = arith.constant 0 : i32
      %dma_wait3A_233 = arith.constant 0 : i32
      %dma_wait3A_234 = tpu.memref_slice %arg12[%dma_wait3A_231, %dma_wait3A_232, %dma_wait3A_233] : memref<2x8x125xi32, #tpu.memory_space<vmem>> -> memref<1x1x125xi32, #tpu.memory_space<vmem>>
      %dma_wait3A_235 = tpu.memref_squeeze %dma_wait3A_234 : memref<1x1x125xi32, #tpu.memory_space<vmem>> -> memref<125xi32, #tpu.memory_space<vmem>>
      %dma_wait3A_236 = arith.constant 0 : i32
      %dma_wait3A_237 = arith.constant 0 : i32
      %dma_wait3A_238 = tpu.memref_slice %arg27[%dma_wait3A_236, %dma_wait3A_237] : memref<10000x128xf32, #tpu.memory_space<vmem_shared>> -> memref<10000x128xf32, #tpu.memory_space<vmem_shared>>
      tpu.wait_indirect_dma semaphore(%arg20 : memref<!tpu.dma_semaphore, #tpu.memory_space<semaphore_mem>>) src(%arg14 : memref<125x128xf32, #tpu.memory_space<vmem>>) dst(%dma_wait3A_238 : memref<10000x128xf32, #tpu.memory_space<vmem_shared>>)
      %convert_element_type3A_239 = arith.extui %gt3A_4 : i1 to i32
      %cond3A_240 = arith.constant 0 : i32
      %cond3A_241 = arith.cmpi ne, %convert_element_type3A_239, %cond3A_240 : i32
      scf.if %cond3A_241 {
        %dma_wait3A_779 = arith.constant 0 : i32
        %dma_wait3A_780 = arith.constant 0 : i32
        %dma_wait3A_781 = arith.constant 0 : i32
        %dma_wait3A_782 = tpu.memref_slice %arg12[%dma_wait3A_779, %dma_wait3A_780, %dma_wait3A_781] : memref<2x8x125xi32, #tpu.memory_space<vmem>> -> memref<1x1x125xi32, #tpu.memory_space<vmem>>
        %dma_wait3A_783 = tpu.memref_squeeze %dma_wait3A_782 : memref<1x1x125xi32, #tpu.memory_space<vmem>> -> memref<125xi32, #tpu.memory_space<vmem>>
        %dma_wait3A_784 = arith.constant 0 : i32
        %dma_wait3A_785 = arith.constant 0 : i32
        %dma_wait3A_786 = tpu.memref_slice %arg28[%dma_wait3A_784, %dma_wait3A_785] : memref<10000x16xf32, #tpu.memory_space<vmem_shared>> -> memref<10000x16xf32, #tpu.memory_space<vmem_shared>>
        tpu.wait_indirect_dma semaphore(%arg22 : memref<!tpu.dma_semaphore, #tpu.memory_space<semaphore_mem>>) src(%arg15 : memref<125x16xf32, #tpu.memory_space<vmem>>) dst(%dma_wait3A_786 : memref<10000x16xf32, #tpu.memory_space<vmem_shared>>)
      } else {
      }
      %dma_start3A_242 = arith.constant 0 : i32
      %dma_start3A_243 = arith.constant 3 : i32
      %dma_start3A_244 = arith.constant 0 : i32
      %dma_start3A_245 = tpu.memref_slice %arg11[%dma_start3A_242, %dma_start3A_243, %dma_start3A_244] : memref<2x8x125xi32, #tpu.memory_space<vmem>> -> memref<1x1x125xi32, #tpu.memory_space<vmem>>
      %dma_start3A_246 = tpu.memref_squeeze %dma_start3A_245 : memref<1x1x125xi32, #tpu.memory_space<vmem>> -> memref<125xi32, #tpu.memory_space<vmem>>
      %dma_start3A_247 = arith.constant 0 : i32
      %dma_start3A_248 = arith.constant 0 : i32
      %dma_start3A_249 = tpu.memref_slice %arg2[%dma_start3A_247, %dma_start3A_248] : memref<10000x128xf32, #tpu.memory_space<hbm>> -> memref<10000x128xf32, #tpu.memory_space<hbm>>
      tpu.enqueue_indirect_dma source(%dma_start3A_249 : memref<10000x128xf32, #tpu.memory_space<hbm>>) target(%arg14 : memref<125x128xf32, #tpu.memory_space<vmem>>) offsets(%dma_start3A_246 : memref<125xi32, #tpu.memory_space<vmem>>) semaphore(%arg18 : memref<!tpu.dma_semaphore, #tpu.memory_space<semaphore_mem>>)
      %dma_wait3A_250 = arith.constant 0 : i32
      %dma_wait3A_251 = arith.constant 0 : i32
      %dma_wait3A_252 = arith.constant 0 : i32
      %dma_wait3A_253 = tpu.memref_slice %arg11[%dma_wait3A_250, %dma_wait3A_251, %dma_wait3A_252] : memref<2x8x125xi32, #tpu.memory_space<vmem>> -> memref<1x1x125xi32, #tpu.memory_space<vmem>>
      %dma_wait3A_254 = tpu.memref_squeeze %dma_wait3A_253 : memref<1x1x125xi32, #tpu.memory_space<vmem>> -> memref<125xi32, #tpu.memory_space<vmem>>
      %dma_wait3A_255 = arith.constant 0 : i32
      %dma_wait3A_256 = arith.constant 0 : i32
      %dma_wait3A_257 = tpu.memref_slice %arg2[%dma_wait3A_255, %dma_wait3A_256] : memref<10000x128xf32, #tpu.memory_space<hbm>> -> memref<10000x128xf32, #tpu.memory_space<hbm>>
      tpu.wait_indirect_dma semaphore(%arg18 : memref<!tpu.dma_semaphore, #tpu.memory_space<semaphore_mem>>) src(%dma_wait3A_257 : memref<10000x128xf32, #tpu.memory_space<hbm>>) dst(%arg14 : memref<125x128xf32, #tpu.memory_space<vmem>>)
      %dma_start3A_258 = arith.constant 0 : i32
      %dma_start3A_259 = arith.constant 3 : i32
      %dma_start3A_260 = arith.constant 0 : i32
      %dma_start3A_261 = tpu.memref_slice %arg12[%dma_start3A_258, %dma_start3A_259, %dma_start3A_260] : memref<2x8x125xi32, #tpu.memory_space<vmem>> -> memref<1x1x125xi32, #tpu.memory_space<vmem>>
      %dma_start3A_262 = tpu.memref_squeeze %dma_start3A_261 : memref<1x1x125xi32, #tpu.memory_space<vmem>> -> memref<125xi32, #tpu.memory_space<vmem>>
      %dma_start3A_263 = arith.constant 0 : i32
      %dma_start3A_264 = arith.constant 0 : i32
      %dma_start3A_265 = tpu.memref_slice %arg27[%dma_start3A_263, %dma_start3A_264] : memref<10000x128xf32, #tpu.memory_space<vmem_shared>> -> memref<10000x128xf32, #tpu.memory_space<vmem_shared>>
      tpu.enqueue_indirect_dma source(%arg14 : memref<125x128xf32, #tpu.memory_space<vmem>>) target(%dma_start3A_265 : memref<10000x128xf32, #tpu.memory_space<vmem_shared>>) offsets(%dma_start3A_262 : memref<125xi32, #tpu.memory_space<vmem>>) semaphore(%arg20 : memref<!tpu.dma_semaphore, #tpu.memory_space<semaphore_mem>>) {add = true}
      %convert_element_type3A_266 = arith.extui %gt3A_4 : i1 to i32
      %cond3A_267 = arith.constant 0 : i32
      %cond3A_268 = arith.cmpi ne, %convert_element_type3A_266, %cond3A_267 : i32
      scf.if %cond3A_268 {
        %dma_start3A_779 = arith.constant 0 : i32
        %dma_start3A_780 = arith.constant 3 : i32
        %dma_start3A_781 = arith.constant 0 : i32
        %dma_start3A_782 = tpu.memref_slice %arg12[%dma_start3A_779, %dma_start3A_780, %dma_start3A_781] : memref<2x8x125xi32, #tpu.memory_space<vmem>> -> memref<1x1x125xi32, #tpu.memory_space<vmem>>
        %dma_start3A_783 = tpu.memref_squeeze %dma_start3A_782 : memref<1x1x125xi32, #tpu.memory_space<vmem>> -> memref<125xi32, #tpu.memory_space<vmem>>
        %dma_start3A_784 = arith.constant 0 : i32
        %dma_start3A_785 = arith.constant 0 : i32
        %dma_start3A_786 = tpu.memref_slice %arg28[%dma_start3A_784, %dma_start3A_785] : memref<10000x16xf32, #tpu.memory_space<vmem_shared>> -> memref<10000x16xf32, #tpu.memory_space<vmem_shared>>
        tpu.enqueue_indirect_dma source(%arg15 : memref<125x16xf32, #tpu.memory_space<vmem>>) target(%dma_start3A_786 : memref<10000x16xf32, #tpu.memory_space<vmem_shared>>) offsets(%dma_start3A_783 : memref<125xi32, #tpu.memory_space<vmem>>) semaphore(%arg22 : memref<!tpu.dma_semaphore, #tpu.memory_space<semaphore_mem>>) {add = true}
      } else {
      }
      %dma_wait3A_269 = arith.constant 0 : i32
      %dma_wait3A_270 = arith.constant 0 : i32
      %dma_wait3A_271 = arith.constant 0 : i32
      %dma_wait3A_272 = tpu.memref_slice %arg12[%dma_wait3A_269, %dma_wait3A_270, %dma_wait3A_271] : memref<2x8x125xi32, #tpu.memory_space<vmem>> -> memref<1x1x125xi32, #tpu.memory_space<vmem>>
      %dma_wait3A_273 = tpu.memref_squeeze %dma_wait3A_272 : memref<1x1x125xi32, #tpu.memory_space<vmem>> -> memref<125xi32, #tpu.memory_space<vmem>>
      %dma_wait3A_274 = arith.constant 0 : i32
      %dma_wait3A_275 = arith.constant 0 : i32
      %dma_wait3A_276 = tpu.memref_slice %arg27[%dma_wait3A_274, %dma_wait3A_275] : memref<10000x128xf32, #tpu.memory_space<vmem_shared>> -> memref<10000x128xf32, #tpu.memory_space<vmem_shared>>
      tpu.wait_indirect_dma semaphore(%arg19 : memref<!tpu.dma_semaphore, #tpu.memory_space<semaphore_mem>>) src(%arg13 : memref<125x128xf32, #tpu.memory_space<vmem>>) dst(%dma_wait3A_276 : memref<10000x128xf32, #tpu.memory_space<vmem_shared>>)
      %convert_element_type3A_277 = arith.extui %gt3A_4 : i1 to i32
      %cond3A_278 = arith.constant 0 : i32
      %cond3A_279 = arith.cmpi ne, %convert_element_type3A_277, %cond3A_278 : i32
      scf.if %cond3A_279 {
        %dma_wait3A_779 = arith.constant 0 : i32
        %dma_wait3A_780 = arith.constant 0 : i32
        %dma_wait3A_781 = arith.constant 0 : i32
        %dma_wait3A_782 = tpu.memref_slice %arg12[%dma_wait3A_779, %dma_wait3A_780, %dma_wait3A_781] : memref<2x8x125xi32, #tpu.memory_space<vmem>> -> memref<1x1x125xi32, #tpu.memory_space<vmem>>
        %dma_wait3A_783 = tpu.memref_squeeze %dma_wait3A_782 : memref<1x1x125xi32, #tpu.memory_space<vmem>> -> memref<125xi32, #tpu.memory_space<vmem>>
        %dma_wait3A_784 = arith.constant 0 : i32
        %dma_wait3A_785 = arith.constant 0 : i32
        %dma_wait3A_786 = tpu.memref_slice %arg28[%dma_wait3A_784, %dma_wait3A_785] : memref<10000x16xf32, #tpu.memory_space<vmem_shared>> -> memref<10000x16xf32, #tpu.memory_space<vmem_shared>>
        tpu.wait_indirect_dma semaphore(%arg21 : memref<!tpu.dma_semaphore, #tpu.memory_space<semaphore_mem>>) src(%arg15 : memref<125x16xf32, #tpu.memory_space<vmem>>) dst(%dma_wait3A_786 : memref<10000x16xf32, #tpu.memory_space<vmem_shared>>)
      } else {
      }
      %dma_start3A_280 = arith.constant 0 : i32
      %dma_start3A_281 = arith.constant 4 : i32
      %dma_start3A_282 = arith.constant 0 : i32
      %dma_start3A_283 = tpu.memref_slice %arg11[%dma_start3A_280, %dma_start3A_281, %dma_start3A_282] : memref<2x8x125xi32, #tpu.memory_space<vmem>> -> memref<1x1x125xi32, #tpu.memory_space<vmem>>
      %dma_start3A_284 = tpu.memref_squeeze %dma_start3A_283 : memref<1x1x125xi32, #tpu.memory_space<vmem>> -> memref<125xi32, #tpu.memory_space<vmem>>
      %dma_start3A_285 = arith.constant 0 : i32
      %dma_start3A_286 = arith.constant 0 : i32
      %dma_start3A_287 = tpu.memref_slice %arg2[%dma_start3A_285, %dma_start3A_286] : memref<10000x128xf32, #tpu.memory_space<hbm>> -> memref<10000x128xf32, #tpu.memory_space<hbm>>
      tpu.enqueue_indirect_dma source(%dma_start3A_287 : memref<10000x128xf32, #tpu.memory_space<hbm>>) target(%arg13 : memref<125x128xf32, #tpu.memory_space<vmem>>) offsets(%dma_start3A_284 : memref<125xi32, #tpu.memory_space<vmem>>) semaphore(%arg17 : memref<!tpu.dma_semaphore, #tpu.memory_space<semaphore_mem>>)
      %dma_wait3A_288 = arith.constant 0 : i32
      %dma_wait3A_289 = arith.constant 0 : i32
      %dma_wait3A_290 = arith.constant 0 : i32
      %dma_wait3A_291 = tpu.memref_slice %arg11[%dma_wait3A_288, %dma_wait3A_289, %dma_wait3A_290] : memref<2x8x125xi32, #tpu.memory_space<vmem>> -> memref<1x1x125xi32, #tpu.memory_space<vmem>>
      %dma_wait3A_292 = tpu.memref_squeeze %dma_wait3A_291 : memref<1x1x125xi32, #tpu.memory_space<vmem>> -> memref<125xi32, #tpu.memory_space<vmem>>
      %dma_wait3A_293 = arith.constant 0 : i32
      %dma_wait3A_294 = arith.constant 0 : i32
      %dma_wait3A_295 = tpu.memref_slice %arg2[%dma_wait3A_293, %dma_wait3A_294] : memref<10000x128xf32, #tpu.memory_space<hbm>> -> memref<10000x128xf32, #tpu.memory_space<hbm>>
      tpu.wait_indirect_dma semaphore(%arg17 : memref<!tpu.dma_semaphore, #tpu.memory_space<semaphore_mem>>) src(%dma_wait3A_295 : memref<10000x128xf32, #tpu.memory_space<hbm>>) dst(%arg13 : memref<125x128xf32, #tpu.memory_space<vmem>>)
      %dma_start3A_296 = arith.constant 0 : i32
      %dma_start3A_297 = arith.constant 4 : i32
      %dma_start3A_298 = arith.constant 0 : i32
      %dma_start3A_299 = tpu.memref_slice %arg12[%dma_start3A_296, %dma_start3A_297, %dma_start3A_298] : memref<2x8x125xi32, #tpu.memory_space<vmem>> -> memref<1x1x125xi32, #tpu.memory_space<vmem>>
      %dma_start3A_300 = tpu.memref_squeeze %dma_start3A_299 : memref<1x1x125xi32, #tpu.memory_space<vmem>> -> memref<125xi32, #tpu.memory_space<vmem>>
      %dma_start3A_301 = arith.constant 0 : i32
      %dma_start3A_302 = arith.constant 0 : i32
      %dma_start3A_303 = tpu.memref_slice %arg27[%dma_start3A_301, %dma_start3A_302] : memref<10000x128xf32, #tpu.memory_space<vmem_shared>> -> memref<10000x128xf32, #tpu.memory_space<vmem_shared>>
      tpu.enqueue_indirect_dma source(%arg13 : memref<125x128xf32, #tpu.memory_space<vmem>>) target(%dma_start3A_303 : memref<10000x128xf32, #tpu.memory_space<vmem_shared>>) offsets(%dma_start3A_300 : memref<125xi32, #tpu.memory_space<vmem>>) semaphore(%arg19 : memref<!tpu.dma_semaphore, #tpu.memory_space<semaphore_mem>>) {add = true}
      %convert_element_type3A_304 = arith.extui %gt3A_4 : i1 to i32
      %cond3A_305 = arith.constant 0 : i32
      %cond3A_306 = arith.cmpi ne, %convert_element_type3A_304, %cond3A_305 : i32
      scf.if %cond3A_306 {
        %dma_start3A_779 = arith.constant 0 : i32
        %dma_start3A_780 = arith.constant 4 : i32
        %dma_start3A_781 = arith.constant 0 : i32
        %dma_start3A_782 = tpu.memref_slice %arg12[%dma_start3A_779, %dma_start3A_780, %dma_start3A_781] : memref<2x8x125xi32, #tpu.memory_space<vmem>> -> memref<1x1x125xi32, #tpu.memory_space<vmem>>
        %dma_start3A_783 = tpu.memref_squeeze %dma_start3A_782 : memref<1x1x125xi32, #tpu.memory_space<vmem>> -> memref<125xi32, #tpu.memory_space<vmem>>
        %dma_start3A_784 = arith.constant 0 : i32
        %dma_start3A_785 = arith.constant 0 : i32
        %dma_start3A_786 = tpu.memref_slice %arg28[%dma_start3A_784, %dma_start3A_785] : memref<10000x16xf32, #tpu.memory_space<vmem_shared>> -> memref<10000x16xf32, #tpu.memory_space<vmem_shared>>
        tpu.enqueue_indirect_dma source(%arg15 : memref<125x16xf32, #tpu.memory_space<vmem>>) target(%dma_start3A_786 : memref<10000x16xf32, #tpu.memory_space<vmem_shared>>) offsets(%dma_start3A_783 : memref<125xi32, #tpu.memory_space<vmem>>) semaphore(%arg21 : memref<!tpu.dma_semaphore, #tpu.memory_space<semaphore_mem>>) {add = true}
      } else {
      }
      %dma_wait3A_307 = arith.constant 0 : i32
      %dma_wait3A_308 = arith.constant 0 : i32
      %dma_wait3A_309 = arith.constant 0 : i32
      %dma_wait3A_310 = tpu.memref_slice %arg12[%dma_wait3A_307, %dma_wait3A_308, %dma_wait3A_309] : memref<2x8x125xi32, #tpu.memory_space<vmem>> -> memref<1x1x125xi32, #tpu.memory_space<vmem>>
      %dma_wait3A_311 = tpu.memref_squeeze %dma_wait3A_310 : memref<1x1x125xi32, #tpu.memory_space<vmem>> -> memref<125xi32, #tpu.memory_space<vmem>>
      %dma_wait3A_312 = arith.constant 0 : i32
      %dma_wait3A_313 = arith.constant 0 : i32
      %dma_wait3A_314 = tpu.memref_slice %arg27[%dma_wait3A_312, %dma_wait3A_313] : memref<10000x128xf32, #tpu.memory_space<vmem_shared>> -> memref<10000x128xf32, #tpu.memory_space<vmem_shared>>
      tpu.wait_indirect_dma semaphore(%arg20 : memref<!tpu.dma_semaphore, #tpu.memory_space<semaphore_mem>>) src(%arg14 : memref<125x128xf32, #tpu.memory_space<vmem>>) dst(%dma_wait3A_314 : memref<10000x128xf32, #tpu.memory_space<vmem_shared>>)
      %convert_element_type3A_315 = arith.extui %gt3A_4 : i1 to i32
      %cond3A_316 = arith.constant 0 : i32
      %cond3A_317 = arith.cmpi ne, %convert_element_type3A_315, %cond3A_316 : i32
      scf.if %cond3A_317 {
        %dma_wait3A_779 = arith.constant 0 : i32
        %dma_wait3A_780 = arith.constant 0 : i32
        %dma_wait3A_781 = arith.constant 0 : i32
        %dma_wait3A_782 = tpu.memref_slice %arg12[%dma_wait3A_779, %dma_wait3A_780, %dma_wait3A_781] : memref<2x8x125xi32, #tpu.memory_space<vmem>> -> memref<1x1x125xi32, #tpu.memory_space<vmem>>
        %dma_wait3A_783 = tpu.memref_squeeze %dma_wait3A_782 : memref<1x1x125xi32, #tpu.memory_space<vmem>> -> memref<125xi32, #tpu.memory_space<vmem>>
        %dma_wait3A_784 = arith.constant 0 : i32
        %dma_wait3A_785 = arith.constant 0 : i32
        %dma_wait3A_786 = tpu.memref_slice %arg28[%dma_wait3A_784, %dma_wait3A_785] : memref<10000x16xf32, #tpu.memory_space<vmem_shared>> -> memref<10000x16xf32, #tpu.memory_space<vmem_shared>>
        tpu.wait_indirect_dma semaphore(%arg22 : memref<!tpu.dma_semaphore, #tpu.memory_space<semaphore_mem>>) src(%arg15 : memref<125x16xf32, #tpu.memory_space<vmem>>) dst(%dma_wait3A_786 : memref<10000x16xf32, #tpu.memory_space<vmem_shared>>)
      } else {
      }
      %dma_start3A_318 = arith.constant 0 : i32
      %dma_start3A_319 = arith.constant 5 : i32
      %dma_start3A_320 = arith.constant 0 : i32
      %dma_start3A_321 = tpu.memref_slice %arg11[%dma_start3A_318, %dma_start3A_319, %dma_start3A_320] : memref<2x8x125xi32, #tpu.memory_space<vmem>> -> memref<1x1x125xi32, #tpu.memory_space<vmem>>
      %dma_start3A_322 = tpu.memref_squeeze %dma_start3A_321 : memref<1x1x125xi32, #tpu.memory_space<vmem>> -> memref<125xi32, #tpu.memory_space<vmem>>
      %dma_start3A_323 = arith.constant 0 : i32
      %dma_start3A_324 = arith.constant 0 : i32
      %dma_start3A_325 = tpu.memref_slice %arg2[%dma_start3A_323, %dma_start3A_324] : memref<10000x128xf32, #tpu.memory_space<hbm>> -> memref<10000x128xf32, #tpu.memory_space<hbm>>
      tpu.enqueue_indirect_dma source(%dma_start3A_325 : memref<10000x128xf32, #tpu.memory_space<hbm>>) target(%arg14 : memref<125x128xf32, #tpu.memory_space<vmem>>) offsets(%dma_start3A_322 : memref<125xi32, #tpu.memory_space<vmem>>) semaphore(%arg18 : memref<!tpu.dma_semaphore, #tpu.memory_space<semaphore_mem>>)
      %dma_wait3A_326 = arith.constant 0 : i32
      %dma_wait3A_327 = arith.constant 0 : i32
      %dma_wait3A_328 = arith.constant 0 : i32
      %dma_wait3A_329 = tpu.memref_slice %arg11[%dma_wait3A_326, %dma_wait3A_327, %dma_wait3A_328] : memref<2x8x125xi32, #tpu.memory_space<vmem>> -> memref<1x1x125xi32, #tpu.memory_space<vmem>>
      %dma_wait3A_330 = tpu.memref_squeeze %dma_wait3A_329 : memref<1x1x125xi32, #tpu.memory_space<vmem>> -> memref<125xi32, #tpu.memory_space<vmem>>
      %dma_wait3A_331 = arith.constant 0 : i32
      %dma_wait3A_332 = arith.constant 0 : i32
      %dma_wait3A_333 = tpu.memref_slice %arg2[%dma_wait3A_331, %dma_wait3A_332] : memref<10000x128xf32, #tpu.memory_space<hbm>> -> memref<10000x128xf32, #tpu.memory_space<hbm>>
      tpu.wait_indirect_dma semaphore(%arg18 : memref<!tpu.dma_semaphore, #tpu.memory_space<semaphore_mem>>) src(%dma_wait3A_333 : memref<10000x128xf32, #tpu.memory_space<hbm>>) dst(%arg14 : memref<125x128xf32, #tpu.memory_space<vmem>>)
      %dma_start3A_334 = arith.constant 0 : i32
      %dma_start3A_335 = arith.constant 5 : i32
      %dma_start3A_336 = arith.constant 0 : i32
      %dma_start3A_337 = tpu.memref_slice %arg12[%dma_start3A_334, %dma_start3A_335, %dma_start3A_336] : memref<2x8x125xi32, #tpu.memory_space<vmem>> -> memref<1x1x125xi32, #tpu.memory_space<vmem>>
      %dma_start3A_338 = tpu.memref_squeeze %dma_start3A_337 : memref<1x1x125xi32, #tpu.memory_space<vmem>> -> memref<125xi32, #tpu.memory_space<vmem>>
      %dma_start3A_339 = arith.constant 0 : i32
      %dma_start3A_340 = arith.constant 0 : i32
      %dma_start3A_341 = tpu.memref_slice %arg27[%dma_start3A_339, %dma_start3A_340] : memref<10000x128xf32, #tpu.memory_space<vmem_shared>> -> memref<10000x128xf32, #tpu.memory_space<vmem_shared>>
      tpu.enqueue_indirect_dma source(%arg14 : memref<125x128xf32, #tpu.memory_space<vmem>>) target(%dma_start3A_341 : memref<10000x128xf32, #tpu.memory_space<vmem_shared>>) offsets(%dma_start3A_338 : memref<125xi32, #tpu.memory_space<vmem>>) semaphore(%arg20 : memref<!tpu.dma_semaphore, #tpu.memory_space<semaphore_mem>>) {add = true}
      %convert_element_type3A_342 = arith.extui %gt3A_4 : i1 to i32
      %cond3A_343 = arith.constant 0 : i32
      %cond3A_344 = arith.cmpi ne, %convert_element_type3A_342, %cond3A_343 : i32
      scf.if %cond3A_344 {
        %dma_start3A_779 = arith.constant 0 : i32
        %dma_start3A_780 = arith.constant 5 : i32
        %dma_start3A_781 = arith.constant 0 : i32
        %dma_start3A_782 = tpu.memref_slice %arg12[%dma_start3A_779, %dma_start3A_780, %dma_start3A_781] : memref<2x8x125xi32, #tpu.memory_space<vmem>> -> memref<1x1x125xi32, #tpu.memory_space<vmem>>
        %dma_start3A_783 = tpu.memref_squeeze %dma_start3A_782 : memref<1x1x125xi32, #tpu.memory_space<vmem>> -> memref<125xi32, #tpu.memory_space<vmem>>
        %dma_start3A_784 = arith.constant 0 : i32
        %dma_start3A_785 = arith.constant 0 : i32
        %dma_start3A_786 = tpu.memref_slice %arg28[%dma_start3A_784, %dma_start3A_785] : memref<10000x16xf32, #tpu.memory_space<vmem_shared>> -> memref<10000x16xf32, #tpu.memory_space<vmem_shared>>
        tpu.enqueue_indirect_dma source(%arg15 : memref<125x16xf32, #tpu.memory_space<vmem>>) target(%dma_start3A_786 : memref<10000x16xf32, #tpu.memory_space<vmem_shared>>) offsets(%dma_start3A_783 : memref<125xi32, #tpu.memory_space<vmem>>) semaphore(%arg22 : memref<!tpu.dma_semaphore, #tpu.memory_space<semaphore_mem>>) {add = true}
      } else {
      }
      %dma_wait3A_345 = arith.constant 0 : i32
      %dma_wait3A_346 = arith.constant 0 : i32
      %dma_wait3A_347 = arith.constant 0 : i32
      %dma_wait3A_348 = tpu.memref_slice %arg12[%dma_wait3A_345, %dma_wait3A_346, %dma_wait3A_347] : memref<2x8x125xi32, #tpu.memory_space<vmem>> -> memref<1x1x125xi32, #tpu.memory_space<vmem>>
      %dma_wait3A_349 = tpu.memref_squeeze %dma_wait3A_348 : memref<1x1x125xi32, #tpu.memory_space<vmem>> -> memref<125xi32, #tpu.memory_space<vmem>>
      %dma_wait3A_350 = arith.constant 0 : i32
      %dma_wait3A_351 = arith.constant 0 : i32
      %dma_wait3A_352 = tpu.memref_slice %arg27[%dma_wait3A_350, %dma_wait3A_351] : memref<10000x128xf32, #tpu.memory_space<vmem_shared>> -> memref<10000x128xf32, #tpu.memory_space<vmem_shared>>
      tpu.wait_indirect_dma semaphore(%arg19 : memref<!tpu.dma_semaphore, #tpu.memory_space<semaphore_mem>>) src(%arg13 : memref<125x128xf32, #tpu.memory_space<vmem>>) dst(%dma_wait3A_352 : memref<10000x128xf32, #tpu.memory_space<vmem_shared>>)
      %convert_element_type3A_353 = arith.extui %gt3A_4 : i1 to i32
      %cond3A_354 = arith.constant 0 : i32
      %cond3A_355 = arith.cmpi ne, %convert_element_type3A_353, %cond3A_354 : i32
      scf.if %cond3A_355 {
        %dma_wait3A_779 = arith.constant 0 : i32
        %dma_wait3A_780 = arith.constant 0 : i32
        %dma_wait3A_781 = arith.constant 0 : i32
        %dma_wait3A_782 = tpu.memref_slice %arg12[%dma_wait3A_779, %dma_wait3A_780, %dma_wait3A_781] : memref<2x8x125xi32, #tpu.memory_space<vmem>> -> memref<1x1x125xi32, #tpu.memory_space<vmem>>
        %dma_wait3A_783 = tpu.memref_squeeze %dma_wait3A_782 : memref<1x1x125xi32, #tpu.memory_space<vmem>> -> memref<125xi32, #tpu.memory_space<vmem>>
        %dma_wait3A_784 = arith.constant 0 : i32
        %dma_wait3A_785 = arith.constant 0 : i32
        %dma_wait3A_786 = tpu.memref_slice %arg28[%dma_wait3A_784, %dma_wait3A_785] : memref<10000x16xf32, #tpu.memory_space<vmem_shared>> -> memref<10000x16xf32, #tpu.memory_space<vmem_shared>>
        tpu.wait_indirect_dma semaphore(%arg21 : memref<!tpu.dma_semaphore, #tpu.memory_space<semaphore_mem>>) src(%arg15 : memref<125x16xf32, #tpu.memory_space<vmem>>) dst(%dma_wait3A_786 : memref<10000x16xf32, #tpu.memory_space<vmem_shared>>)
      } else {
      }
      %dma_start3A_356 = arith.constant 0 : i32
      %dma_start3A_357 = arith.constant 6 : i32
      %dma_start3A_358 = arith.constant 0 : i32
      %dma_start3A_359 = tpu.memref_slice %arg11[%dma_start3A_356, %dma_start3A_357, %dma_start3A_358] : memref<2x8x125xi32, #tpu.memory_space<vmem>> -> memref<1x1x125xi32, #tpu.memory_space<vmem>>
      %dma_start3A_360 = tpu.memref_squeeze %dma_start3A_359 : memref<1x1x125xi32, #tpu.memory_space<vmem>> -> memref<125xi32, #tpu.memory_space<vmem>>
      %dma_start3A_361 = arith.constant 0 : i32
      %dma_start3A_362 = arith.constant 0 : i32
      %dma_start3A_363 = tpu.memref_slice %arg2[%dma_start3A_361, %dma_start3A_362] : memref<10000x128xf32, #tpu.memory_space<hbm>> -> memref<10000x128xf32, #tpu.memory_space<hbm>>
      tpu.enqueue_indirect_dma source(%dma_start3A_363 : memref<10000x128xf32, #tpu.memory_space<hbm>>) target(%arg13 : memref<125x128xf32, #tpu.memory_space<vmem>>) offsets(%dma_start3A_360 : memref<125xi32, #tpu.memory_space<vmem>>) semaphore(%arg17 : memref<!tpu.dma_semaphore, #tpu.memory_space<semaphore_mem>>)
      %dma_wait3A_364 = arith.constant 0 : i32
      %dma_wait3A_365 = arith.constant 0 : i32
      %dma_wait3A_366 = arith.constant 0 : i32
      %dma_wait3A_367 = tpu.memref_slice %arg11[%dma_wait3A_364, %dma_wait3A_365, %dma_wait3A_366] : memref<2x8x125xi32, #tpu.memory_space<vmem>> -> memref<1x1x125xi32, #tpu.memory_space<vmem>>
      %dma_wait3A_368 = tpu.memref_squeeze %dma_wait3A_367 : memref<1x1x125xi32, #tpu.memory_space<vmem>> -> memref<125xi32, #tpu.memory_space<vmem>>
      %dma_wait3A_369 = arith.constant 0 : i32
      %dma_wait3A_370 = arith.constant 0 : i32
      %dma_wait3A_371 = tpu.memref_slice %arg2[%dma_wait3A_369, %dma_wait3A_370] : memref<10000x128xf32, #tpu.memory_space<hbm>> -> memref<10000x128xf32, #tpu.memory_space<hbm>>
      tpu.wait_indirect_dma semaphore(%arg17 : memref<!tpu.dma_semaphore, #tpu.memory_space<semaphore_mem>>) src(%dma_wait3A_371 : memref<10000x128xf32, #tpu.memory_space<hbm>>) dst(%arg13 : memref<125x128xf32, #tpu.memory_space<vmem>>)
      %dma_start3A_372 = arith.constant 0 : i32
      %dma_start3A_373 = arith.constant 6 : i32
      %dma_start3A_374 = arith.constant 0 : i32
      %dma_start3A_375 = tpu.memref_slice %arg12[%dma_start3A_372, %dma_start3A_373, %dma_start3A_374] : memref<2x8x125xi32, #tpu.memory_space<vmem>> -> memref<1x1x125xi32, #tpu.memory_space<vmem>>
      %dma_start3A_376 = tpu.memref_squeeze %dma_start3A_375 : memref<1x1x125xi32, #tpu.memory_space<vmem>> -> memref<125xi32, #tpu.memory_space<vmem>>
      %dma_start3A_377 = arith.constant 0 : i32
      %dma_start3A_378 = arith.constant 0 : i32
      %dma_start3A_379 = tpu.memref_slice %arg27[%dma_start3A_377, %dma_start3A_378] : memref<10000x128xf32, #tpu.memory_space<vmem_shared>> -> memref<10000x128xf32, #tpu.memory_space<vmem_shared>>
      tpu.enqueue_indirect_dma source(%arg13 : memref<125x128xf32, #tpu.memory_space<vmem>>) target(%dma_start3A_379 : memref<10000x128xf32, #tpu.memory_space<vmem_shared>>) offsets(%dma_start3A_376 : memref<125xi32, #tpu.memory_space<vmem>>) semaphore(%arg19 : memref<!tpu.dma_semaphore, #tpu.memory_space<semaphore_mem>>) {add = true}
      %convert_element_type3A_380 = arith.extui %gt3A_4 : i1 to i32
      %cond3A_381 = arith.constant 0 : i32
      %cond3A_382 = arith.cmpi ne, %convert_element_type3A_380, %cond3A_381 : i32
      scf.if %cond3A_382 {
        %dma_start3A_779 = arith.constant 0 : i32
        %dma_start3A_780 = arith.constant 6 : i32
        %dma_start3A_781 = arith.constant 0 : i32
        %dma_start3A_782 = tpu.memref_slice %arg12[%dma_start3A_779, %dma_start3A_780, %dma_start3A_781] : memref<2x8x125xi32, #tpu.memory_space<vmem>> -> memref<1x1x125xi32, #tpu.memory_space<vmem>>
        %dma_start3A_783 = tpu.memref_squeeze %dma_start3A_782 : memref<1x1x125xi32, #tpu.memory_space<vmem>> -> memref<125xi32, #tpu.memory_space<vmem>>
        %dma_start3A_784 = arith.constant 0 : i32
        %dma_start3A_785 = arith.constant 0 : i32
        %dma_start3A_786 = tpu.memref_slice %arg28[%dma_start3A_784, %dma_start3A_785] : memref<10000x16xf32, #tpu.memory_space<vmem_shared>> -> memref<10000x16xf32, #tpu.memory_space<vmem_shared>>
        tpu.enqueue_indirect_dma source(%arg15 : memref<125x16xf32, #tpu.memory_space<vmem>>) target(%dma_start3A_786 : memref<10000x16xf32, #tpu.memory_space<vmem_shared>>) offsets(%dma_start3A_783 : memref<125xi32, #tpu.memory_space<vmem>>) semaphore(%arg21 : memref<!tpu.dma_semaphore, #tpu.memory_space<semaphore_mem>>) {add = true}
      } else {
      }
      %dma_wait3A_383 = arith.constant 0 : i32
      %dma_wait3A_384 = arith.constant 0 : i32
      %dma_wait3A_385 = arith.constant 0 : i32
      %dma_wait3A_386 = tpu.memref_slice %arg12[%dma_wait3A_383, %dma_wait3A_384, %dma_wait3A_385] : memref<2x8x125xi32, #tpu.memory_space<vmem>> -> memref<1x1x125xi32, #tpu.memory_space<vmem>>
      %dma_wait3A_387 = tpu.memref_squeeze %dma_wait3A_386 : memref<1x1x125xi32, #tpu.memory_space<vmem>> -> memref<125xi32, #tpu.memory_space<vmem>>
      %dma_wait3A_388 = arith.constant 0 : i32
      %dma_wait3A_389 = arith.constant 0 : i32
      %dma_wait3A_390 = tpu.memref_slice %arg27[%dma_wait3A_388, %dma_wait3A_389] : memref<10000x128xf32, #tpu.memory_space<vmem_shared>> -> memref<10000x128xf32, #tpu.memory_space<vmem_shared>>
      tpu.wait_indirect_dma semaphore(%arg20 : memref<!tpu.dma_semaphore, #tpu.memory_space<semaphore_mem>>) src(%arg14 : memref<125x128xf32, #tpu.memory_space<vmem>>) dst(%dma_wait3A_390 : memref<10000x128xf32, #tpu.memory_space<vmem_shared>>)
      %convert_element_type3A_391 = arith.extui %gt3A_4 : i1 to i32
      %cond3A_392 = arith.constant 0 : i32
      %cond3A_393 = arith.cmpi ne, %convert_element_type3A_391, %cond3A_392 : i32
      scf.if %cond3A_393 {
        %dma_wait3A_779 = arith.constant 0 : i32
        %dma_wait3A_780 = arith.constant 0 : i32
        %dma_wait3A_781 = arith.constant 0 : i32
        %dma_wait3A_782 = tpu.memref_slice %arg12[%dma_wait3A_779, %dma_wait3A_780, %dma_wait3A_781] : memref<2x8x125xi32, #tpu.memory_space<vmem>> -> memref<1x1x125xi32, #tpu.memory_space<vmem>>
        %dma_wait3A_783 = tpu.memref_squeeze %dma_wait3A_782 : memref<1x1x125xi32, #tpu.memory_space<vmem>> -> memref<125xi32, #tpu.memory_space<vmem>>
        %dma_wait3A_784 = arith.constant 0 : i32
        %dma_wait3A_785 = arith.constant 0 : i32
        %dma_wait3A_786 = tpu.memref_slice %arg28[%dma_wait3A_784, %dma_wait3A_785] : memref<10000x16xf32, #tpu.memory_space<vmem_shared>> -> memref<10000x16xf32, #tpu.memory_space<vmem_shared>>
        tpu.wait_indirect_dma semaphore(%arg22 : memref<!tpu.dma_semaphore, #tpu.memory_space<semaphore_mem>>) src(%arg15 : memref<125x16xf32, #tpu.memory_space<vmem>>) dst(%dma_wait3A_786 : memref<10000x16xf32, #tpu.memory_space<vmem_shared>>)
      } else {
      }
      %dma_start3A_394 = arith.constant 0 : i32
      %dma_start3A_395 = arith.constant 7 : i32
      %dma_start3A_396 = arith.constant 0 : i32
      %dma_start3A_397 = tpu.memref_slice %arg11[%dma_start3A_394, %dma_start3A_395, %dma_start3A_396] : memref<2x8x125xi32, #tpu.memory_space<vmem>> -> memref<1x1x125xi32, #tpu.memory_space<vmem>>
      %dma_start3A_398 = tpu.memref_squeeze %dma_start3A_397 : memref<1x1x125xi32, #tpu.memory_space<vmem>> -> memref<125xi32, #tpu.memory_space<vmem>>
      %dma_start3A_399 = arith.constant 0 : i32
      %dma_start3A_400 = arith.constant 0 : i32
      %dma_start3A_401 = tpu.memref_slice %arg2[%dma_start3A_399, %dma_start3A_400] : memref<10000x128xf32, #tpu.memory_space<hbm>> -> memref<10000x128xf32, #tpu.memory_space<hbm>>
      tpu.enqueue_indirect_dma source(%dma_start3A_401 : memref<10000x128xf32, #tpu.memory_space<hbm>>) target(%arg14 : memref<125x128xf32, #tpu.memory_space<vmem>>) offsets(%dma_start3A_398 : memref<125xi32, #tpu.memory_space<vmem>>) semaphore(%arg18 : memref<!tpu.dma_semaphore, #tpu.memory_space<semaphore_mem>>)
      %dma_wait3A_402 = arith.constant 0 : i32
      %dma_wait3A_403 = arith.constant 0 : i32
      %dma_wait3A_404 = arith.constant 0 : i32
      %dma_wait3A_405 = tpu.memref_slice %arg11[%dma_wait3A_402, %dma_wait3A_403, %dma_wait3A_404] : memref<2x8x125xi32, #tpu.memory_space<vmem>> -> memref<1x1x125xi32, #tpu.memory_space<vmem>>
      %dma_wait3A_406 = tpu.memref_squeeze %dma_wait3A_405 : memref<1x1x125xi32, #tpu.memory_space<vmem>> -> memref<125xi32, #tpu.memory_space<vmem>>
      %dma_wait3A_407 = arith.constant 0 : i32
      %dma_wait3A_408 = arith.constant 0 : i32
      %dma_wait3A_409 = tpu.memref_slice %arg2[%dma_wait3A_407, %dma_wait3A_408] : memref<10000x128xf32, #tpu.memory_space<hbm>> -> memref<10000x128xf32, #tpu.memory_space<hbm>>
      tpu.wait_indirect_dma semaphore(%arg18 : memref<!tpu.dma_semaphore, #tpu.memory_space<semaphore_mem>>) src(%dma_wait3A_409 : memref<10000x128xf32, #tpu.memory_space<hbm>>) dst(%arg14 : memref<125x128xf32, #tpu.memory_space<vmem>>)
      %dma_start3A_410 = arith.constant 0 : i32
      %dma_start3A_411 = arith.constant 7 : i32
      %dma_start3A_412 = arith.constant 0 : i32
      %dma_start3A_413 = tpu.memref_slice %arg12[%dma_start3A_410, %dma_start3A_411, %dma_start3A_412] : memref<2x8x125xi32, #tpu.memory_space<vmem>> -> memref<1x1x125xi32, #tpu.memory_space<vmem>>
      %dma_start3A_414 = tpu.memref_squeeze %dma_start3A_413 : memref<1x1x125xi32, #tpu.memory_space<vmem>> -> memref<125xi32, #tpu.memory_space<vmem>>
      %dma_start3A_415 = arith.constant 0 : i32
      %dma_start3A_416 = arith.constant 0 : i32
      %dma_start3A_417 = tpu.memref_slice %arg27[%dma_start3A_415, %dma_start3A_416] : memref<10000x128xf32, #tpu.memory_space<vmem_shared>> -> memref<10000x128xf32, #tpu.memory_space<vmem_shared>>
      tpu.enqueue_indirect_dma source(%arg14 : memref<125x128xf32, #tpu.memory_space<vmem>>) target(%dma_start3A_417 : memref<10000x128xf32, #tpu.memory_space<vmem_shared>>) offsets(%dma_start3A_414 : memref<125xi32, #tpu.memory_space<vmem>>) semaphore(%arg20 : memref<!tpu.dma_semaphore, #tpu.memory_space<semaphore_mem>>) {add = true}
      %convert_element_type3A_418 = arith.extui %gt3A_4 : i1 to i32
      %cond3A_419 = arith.constant 0 : i32
      %cond3A_420 = arith.cmpi ne, %convert_element_type3A_418, %cond3A_419 : i32
      scf.if %cond3A_420 {
        %dma_start3A_779 = arith.constant 0 : i32
        %dma_start3A_780 = arith.constant 7 : i32
        %dma_start3A_781 = arith.constant 0 : i32
        %dma_start3A_782 = tpu.memref_slice %arg12[%dma_start3A_779, %dma_start3A_780, %dma_start3A_781] : memref<2x8x125xi32, #tpu.memory_space<vmem>> -> memref<1x1x125xi32, #tpu.memory_space<vmem>>
        %dma_start3A_783 = tpu.memref_squeeze %dma_start3A_782 : memref<1x1x125xi32, #tpu.memory_space<vmem>> -> memref<125xi32, #tpu.memory_space<vmem>>
        %dma_start3A_784 = arith.constant 0 : i32
        %dma_start3A_785 = arith.constant 0 : i32
        %dma_start3A_786 = tpu.memref_slice %arg28[%dma_start3A_784, %dma_start3A_785] : memref<10000x16xf32, #tpu.memory_space<vmem_shared>> -> memref<10000x16xf32, #tpu.memory_space<vmem_shared>>
        tpu.enqueue_indirect_dma source(%arg15 : memref<125x16xf32, #tpu.memory_space<vmem>>) target(%dma_start3A_786 : memref<10000x16xf32, #tpu.memory_space<vmem_shared>>) offsets(%dma_start3A_783 : memref<125xi32, #tpu.memory_space<vmem>>) semaphore(%arg22 : memref<!tpu.dma_semaphore, #tpu.memory_space<semaphore_mem>>) {add = true}
      } else {
      }
      %dma_wait3A_421 = arith.constant 0 : i32
      %dma_wait3A_422 = arith.constant 0 : i32
      %dma_wait3A_423 = arith.constant 0 : i32
      %dma_wait3A_424 = tpu.memref_slice %arg12[%dma_wait3A_421, %dma_wait3A_422, %dma_wait3A_423] : memref<2x8x125xi32, #tpu.memory_space<vmem>> -> memref<1x1x125xi32, #tpu.memory_space<vmem>>
      %dma_wait3A_425 = tpu.memref_squeeze %dma_wait3A_424 : memref<1x1x125xi32, #tpu.memory_space<vmem>> -> memref<125xi32, #tpu.memory_space<vmem>>
      %dma_wait3A_426 = arith.constant 0 : i32
      %dma_wait3A_427 = arith.constant 0 : i32
      %dma_wait3A_428 = tpu.memref_slice %arg27[%dma_wait3A_426, %dma_wait3A_427] : memref<10000x128xf32, #tpu.memory_space<vmem_shared>> -> memref<10000x128xf32, #tpu.memory_space<vmem_shared>>
      tpu.wait_indirect_dma semaphore(%arg19 : memref<!tpu.dma_semaphore, #tpu.memory_space<semaphore_mem>>) src(%arg13 : memref<125x128xf32, #tpu.memory_space<vmem>>) dst(%dma_wait3A_428 : memref<10000x128xf32, #tpu.memory_space<vmem_shared>>)
      %convert_element_type3A_429 = arith.extui %gt3A_4 : i1 to i32
      %cond3A_430 = arith.constant 0 : i32
      %cond3A_431 = arith.cmpi ne, %convert_element_type3A_429, %cond3A_430 : i32
      scf.if %cond3A_431 {
        %dma_wait3A_779 = arith.constant 0 : i32
        %dma_wait3A_780 = arith.constant 0 : i32
        %dma_wait3A_781 = arith.constant 0 : i32
        %dma_wait3A_782 = tpu.memref_slice %arg12[%dma_wait3A_779, %dma_wait3A_780, %dma_wait3A_781] : memref<2x8x125xi32, #tpu.memory_space<vmem>> -> memref<1x1x125xi32, #tpu.memory_space<vmem>>
        %dma_wait3A_783 = tpu.memref_squeeze %dma_wait3A_782 : memref<1x1x125xi32, #tpu.memory_space<vmem>> -> memref<125xi32, #tpu.memory_space<vmem>>
        %dma_wait3A_784 = arith.constant 0 : i32
        %dma_wait3A_785 = arith.constant 0 : i32
        %dma_wait3A_786 = tpu.memref_slice %arg28[%dma_wait3A_784, %dma_wait3A_785] : memref<10000x16xf32, #tpu.memory_space<vmem_shared>> -> memref<10000x16xf32, #tpu.memory_space<vmem_shared>>
        tpu.wait_indirect_dma semaphore(%arg21 : memref<!tpu.dma_semaphore, #tpu.memory_space<semaphore_mem>>) src(%arg15 : memref<125x16xf32, #tpu.memory_space<vmem>>) dst(%dma_wait3A_786 : memref<10000x16xf32, #tpu.memory_space<vmem_shared>>)
      } else {
      }
      %dma_wait3A_432 = arith.constant 1 : i32
      %dma_wait3A_433 = arith.constant 0 : i32
      %dma_wait3A_434 = arith.constant 0 : i32
      %dma_wait3A_435 = tpu.memref_slice %arg11[%dma_wait3A_432, %dma_wait3A_433, %dma_wait3A_434] : memref<2x8x125xi32, #tpu.memory_space<vmem>> -> memref<1x8x125xi32, #tpu.memory_space<vmem>>
      %dma_wait3A_436 = tpu.memref_squeeze %dma_wait3A_435 : memref<1x8x125xi32, #tpu.memory_space<vmem>> -> memref<8x125xi32, #tpu.memory_space<vmem>>
      %dma_wait3A_437 = arith.constant 0 : i32
      %dma_wait3A_438 = arith.constant 0 : i32
      %dma_wait3A_439 = tpu.memref_slice %arg3[%arg0, %arg1, %dma_wait3A_437, %dma_wait3A_438] : memref<2x16x80x125xi32, #tpu.memory_space<hbm>> -> memref<1x1x8x125xi32, #tpu.memory_space<hbm>>
      %dma_wait3A_440 = tpu.memref_squeeze %dma_wait3A_439 : memref<1x1x8x125xi32, #tpu.memory_space<hbm>> -> memref<8x125xi32, #tpu.memory_space<hbm>>
      %dma_wait3A_441 = arith.constant 0 : i32
      %dma_wait3A_442 = arith.constant 0 : i32
      %dma_wait3A_443 = tpu.memref_slice %arg11[%dma_wait3A_432, %dma_wait3A_441, %dma_wait3A_442] : memref<2x8x125xi32, #tpu.memory_space<vmem>> -> memref<1x8x125xi32, #tpu.memory_space<vmem>>
      %dma_wait3A_444 = tpu.memref_squeeze %dma_wait3A_443 : memref<1x8x125xi32, #tpu.memory_space<vmem>> -> memref<8x125xi32, #tpu.memory_space<vmem>>
      %dma_wait3A_445 = arith.constant 0 : i32
      %dma_wait3A_446 = arith.constant 0 : i32
      %dma_wait3A_447 = tpu.memref_slice %arg3[%arg0, %arg1, %dma_wait3A_445, %dma_wait3A_446] : memref<2x16x80x125xi32, #tpu.memory_space<hbm>> -> memref<1x1x8x125xi32, #tpu.memory_space<hbm>>
      %dma_wait3A_448 = tpu.memref_squeeze %dma_wait3A_447 : memref<1x1x8x125xi32, #tpu.memory_space<hbm>> -> memref<8x125xi32, #tpu.memory_space<hbm>>
      tpu.wait_dma2 semaphore(%arg24 : memref<!tpu.dma_semaphore, #tpu.memory_space<semaphore_mem>>) src(%dma_wait3A_448 : memref<8x125xi32, #tpu.memory_space<hbm>>) dst(%dma_wait3A_444 : memref<8x125xi32, #tpu.memory_space<vmem>>)
      %dma_wait3A_449 = arith.constant 1 : i32
      %dma_wait3A_450 = arith.constant 0 : i32
      %dma_wait3A_451 = arith.constant 0 : i32
      %dma_wait3A_452 = tpu.memref_slice %arg12[%dma_wait3A_449, %dma_wait3A_450, %dma_wait3A_451] : memref<2x8x125xi32, #tpu.memory_space<vmem>> -> memref<1x8x125xi32, #tpu.memory_space<vmem>>
      %dma_wait3A_453 = tpu.memref_squeeze %dma_wait3A_452 : memref<1x8x125xi32, #tpu.memory_space<vmem>> -> memref<8x125xi32, #tpu.memory_space<vmem>>
      %dma_wait3A_454 = arith.constant 0 : i32
      %dma_wait3A_455 = arith.constant 0 : i32
      %dma_wait3A_456 = tpu.memref_slice %arg4[%arg0, %arg1, %dma_wait3A_454, %dma_wait3A_455] : memref<2x16x80x125xi32, #tpu.memory_space<hbm>> -> memref<1x1x8x125xi32, #tpu.memory_space<hbm>>
      %dma_wait3A_457 = tpu.memref_squeeze %dma_wait3A_456 : memref<1x1x8x125xi32, #tpu.memory_space<hbm>> -> memref<8x125xi32, #tpu.memory_space<hbm>>
      %dma_wait3A_458 = arith.constant 0 : i32
      %dma_wait3A_459 = arith.constant 0 : i32
      %dma_wait3A_460 = tpu.memref_slice %arg12[%dma_wait3A_449, %dma_wait3A_458, %dma_wait3A_459] : memref<2x8x125xi32, #tpu.memory_space<vmem>> -> memref<1x8x125xi32, #tpu.memory_space<vmem>>
      %dma_wait3A_461 = tpu.memref_squeeze %dma_wait3A_460 : memref<1x8x125xi32, #tpu.memory_space<vmem>> -> memref<8x125xi32, #tpu.memory_space<vmem>>
      %dma_wait3A_462 = arith.constant 0 : i32
      %dma_wait3A_463 = arith.constant 0 : i32
      %dma_wait3A_464 = tpu.memref_slice %arg4[%arg0, %arg1, %dma_wait3A_462, %dma_wait3A_463] : memref<2x16x80x125xi32, #tpu.memory_space<hbm>> -> memref<1x1x8x125xi32, #tpu.memory_space<hbm>>
      %dma_wait3A_465 = tpu.memref_squeeze %dma_wait3A_464 : memref<1x1x8x125xi32, #tpu.memory_space<hbm>> -> memref<8x125xi32, #tpu.memory_space<hbm>>
      tpu.wait_dma2 semaphore(%arg26 : memref<!tpu.dma_semaphore, #tpu.memory_space<semaphore_mem>>) src(%dma_wait3A_465 : memref<8x125xi32, #tpu.memory_space<hbm>>) dst(%dma_wait3A_461 : memref<8x125xi32, #tpu.memory_space<vmem>>)
      %dma_start3A_466 = arith.constant 1 : i32
      %dma_start3A_467 = arith.constant 0 : i32
      %dma_start3A_468 = arith.constant 0 : i32
      %dma_start3A_469 = tpu.memref_slice %arg11[%dma_start3A_466, %dma_start3A_467, %dma_start3A_468] : memref<2x8x125xi32, #tpu.memory_space<vmem>> -> memref<1x1x125xi32, #tpu.memory_space<vmem>>
      %dma_start3A_470 = tpu.memref_squeeze %dma_start3A_469 : memref<1x1x125xi32, #tpu.memory_space<vmem>> -> memref<125xi32, #tpu.memory_space<vmem>>
      %dma_start3A_471 = arith.constant 0 : i32
      %dma_start3A_472 = arith.constant 0 : i32
      %dma_start3A_473 = tpu.memref_slice %arg2[%dma_start3A_471, %dma_start3A_472] : memref<10000x128xf32, #tpu.memory_space<hbm>> -> memref<10000x128xf32, #tpu.memory_space<hbm>>
      tpu.enqueue_indirect_dma source(%dma_start3A_473 : memref<10000x128xf32, #tpu.memory_space<hbm>>) target(%arg13 : memref<125x128xf32, #tpu.memory_space<vmem>>) offsets(%dma_start3A_470 : memref<125xi32, #tpu.memory_space<vmem>>) semaphore(%arg17 : memref<!tpu.dma_semaphore, #tpu.memory_space<semaphore_mem>>)
      %dma_wait3A_474 = arith.constant 0 : i32
      %dma_wait3A_475 = arith.constant 0 : i32
      %dma_wait3A_476 = arith.constant 0 : i32
      %dma_wait3A_477 = tpu.memref_slice %arg11[%dma_wait3A_474, %dma_wait3A_475, %dma_wait3A_476] : memref<2x8x125xi32, #tpu.memory_space<vmem>> -> memref<1x1x125xi32, #tpu.memory_space<vmem>>
      %dma_wait3A_478 = tpu.memref_squeeze %dma_wait3A_477 : memref<1x1x125xi32, #tpu.memory_space<vmem>> -> memref<125xi32, #tpu.memory_space<vmem>>
      %dma_wait3A_479 = arith.constant 0 : i32
      %dma_wait3A_480 = arith.constant 0 : i32
      %dma_wait3A_481 = tpu.memref_slice %arg2[%dma_wait3A_479, %dma_wait3A_480] : memref<10000x128xf32, #tpu.memory_space<hbm>> -> memref<10000x128xf32, #tpu.memory_space<hbm>>
      tpu.wait_indirect_dma semaphore(%arg17 : memref<!tpu.dma_semaphore, #tpu.memory_space<semaphore_mem>>) src(%dma_wait3A_481 : memref<10000x128xf32, #tpu.memory_space<hbm>>) dst(%arg13 : memref<125x128xf32, #tpu.memory_space<vmem>>)
      %dma_start3A_482 = arith.constant 1 : i32
      %dma_start3A_483 = arith.constant 0 : i32
      %dma_start3A_484 = arith.constant 0 : i32
      %dma_start3A_485 = tpu.memref_slice %arg12[%dma_start3A_482, %dma_start3A_483, %dma_start3A_484] : memref<2x8x125xi32, #tpu.memory_space<vmem>> -> memref<1x1x125xi32, #tpu.memory_space<vmem>>
      %dma_start3A_486 = tpu.memref_squeeze %dma_start3A_485 : memref<1x1x125xi32, #tpu.memory_space<vmem>> -> memref<125xi32, #tpu.memory_space<vmem>>
      %dma_start3A_487 = arith.constant 0 : i32
      %dma_start3A_488 = arith.constant 0 : i32
      %dma_start3A_489 = tpu.memref_slice %arg27[%dma_start3A_487, %dma_start3A_488] : memref<10000x128xf32, #tpu.memory_space<vmem_shared>> -> memref<10000x128xf32, #tpu.memory_space<vmem_shared>>
      tpu.enqueue_indirect_dma source(%arg13 : memref<125x128xf32, #tpu.memory_space<vmem>>) target(%dma_start3A_489 : memref<10000x128xf32, #tpu.memory_space<vmem_shared>>) offsets(%dma_start3A_486 : memref<125xi32, #tpu.memory_space<vmem>>) semaphore(%arg19 : memref<!tpu.dma_semaphore, #tpu.memory_space<semaphore_mem>>) {add = true}
      %convert_element_type3A_490 = arith.extui %gt3A_4 : i1 to i32
      %cond3A_491 = arith.constant 0 : i32
      %cond3A_492 = arith.cmpi ne, %convert_element_type3A_490, %cond3A_491 : i32
      scf.if %cond3A_492 {
        %dma_start3A_779 = arith.constant 1 : i32
        %dma_start3A_780 = arith.constant 0 : i32
        %dma_start3A_781 = arith.constant 0 : i32
        %dma_start3A_782 = tpu.memref_slice %arg12[%dma_start3A_779, %dma_start3A_780, %dma_start3A_781] : memref<2x8x125xi32, #tpu.memory_space<vmem>> -> memref<1x1x125xi32, #tpu.memory_space<vmem>>
        %dma_start3A_783 = tpu.memref_squeeze %dma_start3A_782 : memref<1x1x125xi32, #tpu.memory_space<vmem>> -> memref<125xi32, #tpu.memory_space<vmem>>
        %dma_start3A_784 = arith.constant 0 : i32
        %dma_start3A_785 = arith.constant 0 : i32
        %dma_start3A_786 = tpu.memref_slice %arg28[%dma_start3A_784, %dma_start3A_785] : memref<10000x16xf32, #tpu.memory_space<vmem_shared>> -> memref<10000x16xf32, #tpu.memory_space<vmem_shared>>
        tpu.enqueue_indirect_dma source(%arg15 : memref<125x16xf32, #tpu.memory_space<vmem>>) target(%dma_start3A_786 : memref<10000x16xf32, #tpu.memory_space<vmem_shared>>) offsets(%dma_start3A_783 : memref<125xi32, #tpu.memory_space<vmem>>) semaphore(%arg21 : memref<!tpu.dma_semaphore, #tpu.memory_space<semaphore_mem>>) {add = true}
      } else {
      }
      %dma_wait3A_493 = arith.constant 0 : i32
      %dma_wait3A_494 = arith.constant 0 : i32
      %dma_wait3A_495 = arith.constant 0 : i32
      %dma_wait3A_496 = tpu.memref_slice %arg12[%dma_wait3A_493, %dma_wait3A_494, %dma_wait3A_495] : memref<2x8x125xi32, #tpu.memory_space<vmem>> -> memref<1x1x125xi32, #tpu.memory_space<vmem>>
      %dma_wait3A_497 = tpu.memref_squeeze %dma_wait3A_496 : memref<1x1x125xi32, #tpu.memory_space<vmem>> -> memref<125xi32, #tpu.memory_space<vmem>>
      %dma_wait3A_498 = arith.constant 0 : i32
      %dma_wait3A_499 = arith.constant 0 : i32
      %dma_wait3A_500 = tpu.memref_slice %arg27[%dma_wait3A_498, %dma_wait3A_499] : memref<10000x128xf32, #tpu.memory_space<vmem_shared>> -> memref<10000x128xf32, #tpu.memory_space<vmem_shared>>
      tpu.wait_indirect_dma semaphore(%arg20 : memref<!tpu.dma_semaphore, #tpu.memory_space<semaphore_mem>>) src(%arg14 : memref<125x128xf32, #tpu.memory_space<vmem>>) dst(%dma_wait3A_500 : memref<10000x128xf32, #tpu.memory_space<vmem_shared>>)
      %convert_element_type3A_501 = arith.extui %gt3A_4 : i1 to i32
      %cond3A_502 = arith.constant 0 : i32
      %cond3A_503 = arith.cmpi ne, %convert_element_type3A_501, %cond3A_502 : i32
      scf.if %cond3A_503 {
        %dma_wait3A_779 = arith.constant 0 : i32
        %dma_wait3A_780 = arith.constant 0 : i32
        %dma_wait3A_781 = arith.constant 0 : i32
        %dma_wait3A_782 = tpu.memref_slice %arg12[%dma_wait3A_779, %dma_wait3A_780, %dma_wait3A_781] : memref<2x8x125xi32, #tpu.memory_space<vmem>> -> memref<1x1x125xi32, #tpu.memory_space<vmem>>
        %dma_wait3A_783 = tpu.memref_squeeze %dma_wait3A_782 : memref<1x1x125xi32, #tpu.memory_space<vmem>> -> memref<125xi32, #tpu.memory_space<vmem>>
        %dma_wait3A_784 = arith.constant 0 : i32
        %dma_wait3A_785 = arith.constant 0 : i32
        %dma_wait3A_786 = tpu.memref_slice %arg28[%dma_wait3A_784, %dma_wait3A_785] : memref<10000x16xf32, #tpu.memory_space<vmem_shared>> -> memref<10000x16xf32, #tpu.memory_space<vmem_shared>>
        tpu.wait_indirect_dma semaphore(%arg22 : memref<!tpu.dma_semaphore, #tpu.memory_space<semaphore_mem>>) src(%arg15 : memref<125x16xf32, #tpu.memory_space<vmem>>) dst(%dma_wait3A_786 : memref<10000x16xf32, #tpu.memory_space<vmem_shared>>)
      } else {
      }
      %dma_start3A_504 = arith.constant 1 : i32
      %dma_start3A_505 = arith.constant 1 : i32
      %dma_start3A_506 = arith.constant 0 : i32
      %dma_start3A_507 = tpu.memref_slice %arg11[%dma_start3A_504, %dma_start3A_505, %dma_start3A_506] : memref<2x8x125xi32, #tpu.memory_space<vmem>> -> memref<1x1x125xi32, #tpu.memory_space<vmem>>
      %dma_start3A_508 = tpu.memref_squeeze %dma_start3A_507 : memref<1x1x125xi32, #tpu.memory_space<vmem>> -> memref<125xi32, #tpu.memory_space<vmem>>
      %dma_start3A_509 = arith.constant 0 : i32
      %dma_start3A_510 = arith.constant 0 : i32
      %dma_start3A_511 = tpu.memref_slice %arg2[%dma_start3A_509, %dma_start3A_510] : memref<10000x128xf32, #tpu.memory_space<hbm>> -> memref<10000x128xf32, #tpu.memory_space<hbm>>
      tpu.enqueue_indirect_dma source(%dma_start3A_511 : memref<10000x128xf32, #tpu.memory_space<hbm>>) target(%arg14 : memref<125x128xf32, #tpu.memory_space<vmem>>) offsets(%dma_start3A_508 : memref<125xi32, #tpu.memory_space<vmem>>) semaphore(%arg18 : memref<!tpu.dma_semaphore, #tpu.memory_space<semaphore_mem>>)
      %dma_wait3A_512 = arith.constant 0 : i32
      %dma_wait3A_513 = arith.constant 0 : i32
      %dma_wait3A_514 = arith.constant 0 : i32
      %dma_wait3A_515 = tpu.memref_slice %arg11[%dma_wait3A_512, %dma_wait3A_513, %dma_wait3A_514] : memref<2x8x125xi32, #tpu.memory_space<vmem>> -> memref<1x1x125xi32, #tpu.memory_space<vmem>>
      %dma_wait3A_516 = tpu.memref_squeeze %dma_wait3A_515 : memref<1x1x125xi32, #tpu.memory_space<vmem>> -> memref<125xi32, #tpu.memory_space<vmem>>
      %dma_wait3A_517 = arith.constant 0 : i32
      %dma_wait3A_518 = arith.constant 0 : i32
      %dma_wait3A_519 = tpu.memref_slice %arg2[%dma_wait3A_517, %dma_wait3A_518] : memref<10000x128xf32, #tpu.memory_space<hbm>> -> memref<10000x128xf32, #tpu.memory_space<hbm>>
      tpu.wait_indirect_dma semaphore(%arg18 : memref<!tpu.dma_semaphore, #tpu.memory_space<semaphore_mem>>) src(%dma_wait3A_519 : memref<10000x128xf32, #tpu.memory_space<hbm>>) dst(%arg14 : memref<125x128xf32, #tpu.memory_space<vmem>>)
      %dma_start3A_520 = arith.constant 1 : i32
      %dma_start3A_521 = arith.constant 1 : i32
      %dma_start3A_522 = arith.constant 0 : i32
      %dma_start3A_523 = tpu.memref_slice %arg12[%dma_start3A_520, %dma_start3A_521, %dma_start3A_522] : memref<2x8x125xi32, #tpu.memory_space<vmem>> -> memref<1x1x125xi32, #tpu.memory_space<vmem>>
      %dma_start3A_524 = tpu.memref_squeeze %dma_start3A_523 : memref<1x1x125xi32, #tpu.memory_space<vmem>> -> memref<125xi32, #tpu.memory_space<vmem>>
      %dma_start3A_525 = arith.constant 0 : i32
      %dma_start3A_526 = arith.constant 0 : i32
      %dma_start3A_527 = tpu.memref_slice %arg27[%dma_start3A_525, %dma_start3A_526] : memref<10000x128xf32, #tpu.memory_space<vmem_shared>> -> memref<10000x128xf32, #tpu.memory_space<vmem_shared>>
      tpu.enqueue_indirect_dma source(%arg14 : memref<125x128xf32, #tpu.memory_space<vmem>>) target(%dma_start3A_527 : memref<10000x128xf32, #tpu.memory_space<vmem_shared>>) offsets(%dma_start3A_524 : memref<125xi32, #tpu.memory_space<vmem>>) semaphore(%arg20 : memref<!tpu.dma_semaphore, #tpu.memory_space<semaphore_mem>>) {add = true}
      %convert_element_type3A_528 = arith.extui %gt3A_4 : i1 to i32
      %cond3A_529 = arith.constant 0 : i32
      %cond3A_530 = arith.cmpi ne, %convert_element_type3A_528, %cond3A_529 : i32
      scf.if %cond3A_530 {
        %dma_start3A_779 = arith.constant 1 : i32
        %dma_start3A_780 = arith.constant 1 : i32
        %dma_start3A_781 = arith.constant 0 : i32
        %dma_start3A_782 = tpu.memref_slice %arg12[%dma_start3A_779, %dma_start3A_780, %dma_start3A_781] : memref<2x8x125xi32, #tpu.memory_space<vmem>> -> memref<1x1x125xi32, #tpu.memory_space<vmem>>
        %dma_start3A_783 = tpu.memref_squeeze %dma_start3A_782 : memref<1x1x125xi32, #tpu.memory_space<vmem>> -> memref<125xi32, #tpu.memory_space<vmem>>
        %dma_start3A_784 = arith.constant 0 : i32
        %dma_start3A_785 = arith.constant 0 : i32
        %dma_start3A_786 = tpu.memref_slice %arg28[%dma_start3A_784, %dma_start3A_785] : memref<10000x16xf32, #tpu.memory_space<vmem_shared>> -> memref<10000x16xf32, #tpu.memory_space<vmem_shared>>
        tpu.enqueue_indirect_dma source(%arg15 : memref<125x16xf32, #tpu.memory_space<vmem>>) target(%dma_start3A_786 : memref<10000x16xf32, #tpu.memory_space<vmem_shared>>) offsets(%dma_start3A_783 : memref<125xi32, #tpu.memory_space<vmem>>) semaphore(%arg22 : memref<!tpu.dma_semaphore, #tpu.memory_space<semaphore_mem>>) {add = true}
      } else {
      }
      %dma_wait3A_531 = arith.constant 0 : i32
      %dma_wait3A_532 = arith.constant 0 : i32
      %dma_wait3A_533 = arith.constant 0 : i32
      %dma_wait3A_534 = tpu.memref_slice %arg12[%dma_wait3A_531, %dma_wait3A_532, %dma_wait3A_533] : memref<2x8x125xi32, #tpu.memory_space<vmem>> -> memref<1x1x125xi32, #tpu.memory_space<vmem>>
      %dma_wait3A_535 = tpu.memref_squeeze %dma_wait3A_534 : memref<1x1x125xi32, #tpu.memory_space<vmem>> -> memref<125xi32, #tpu.memory_space<vmem>>
      %dma_wait3A_536 = arith.constant 0 : i32
      %dma_wait3A_537 = arith.constant 0 : i32
      %dma_wait3A_538 = tpu.memref_slice %arg27[%dma_wait3A_536, %dma_wait3A_537] : memref<10000x128xf32, #tpu.memory_space<vmem_shared>> -> memref<10000x128xf32, #tpu.memory_space<vmem_shared>>
      tpu.wait_indirect_dma semaphore(%arg19 : memref<!tpu.dma_semaphore, #tpu.memory_space<semaphore_mem>>) src(%arg13 : memref<125x128xf32, #tpu.memory_space<vmem>>) dst(%dma_wait3A_538 : memref<10000x128xf32, #tpu.memory_space<vmem_shared>>)
      %convert_element_type3A_539 = arith.extui %gt3A_4 : i1 to i32
      %cond3A_540 = arith.constant 0 : i32
      %cond3A_541 = arith.cmpi ne, %convert_element_type3A_539, %cond3A_540 : i32
      scf.if %cond3A_541 {
        %dma_wait3A_779 = arith.constant 0 : i32
        %dma_wait3A_780 = arith.constant 0 : i32
        %dma_wait3A_781 = arith.constant 0 : i32
        %dma_wait3A_782 = tpu.memref_slice %arg12[%dma_wait3A_779, %dma_wait3A_780, %dma_wait3A_781] : memref<2x8x125xi32, #tpu.memory_space<vmem>> -> memref<1x1x125xi32, #tpu.memory_space<vmem>>
        %dma_wait3A_783 = tpu.memref_squeeze %dma_wait3A_782 : memref<1x1x125xi32, #tpu.memory_space<vmem>> -> memref<125xi32, #tpu.memory_space<vmem>>
        %dma_wait3A_784 = arith.constant 0 : i32
        %dma_wait3A_785 = arith.constant 0 : i32
        %dma_wait3A_786 = tpu.memref_slice %arg28[%dma_wait3A_784, %dma_wait3A_785] : memref<10000x16xf32, #tpu.memory_space<vmem_shared>> -> memref<10000x16xf32, #tpu.memory_space<vmem_shared>>
        tpu.wait_indirect_dma semaphore(%arg21 : memref<!tpu.dma_semaphore, #tpu.memory_space<semaphore_mem>>) src(%arg15 : memref<125x16xf32, #tpu.memory_space<vmem>>) dst(%dma_wait3A_786 : memref<10000x16xf32, #tpu.memory_space<vmem_shared>>)
      } else {
      }
      %dma_start3A_542 = arith.constant 1 : i32
      %dma_start3A_543 = arith.constant 2 : i32
      %dma_start3A_544 = arith.constant 0 : i32
      %dma_start3A_545 = tpu.memref_slice %arg11[%dma_start3A_542, %dma_start3A_543, %dma_start3A_544] : memref<2x8x125xi32, #tpu.memory_space<vmem>> -> memref<1x1x125xi32, #tpu.memory_space<vmem>>
      %dma_start3A_546 = tpu.memref_squeeze %dma_start3A_545 : memref<1x1x125xi32, #tpu.memory_space<vmem>> -> memref<125xi32, #tpu.memory_space<vmem>>
      %dma_start3A_547 = arith.constant 0 : i32
      %dma_start3A_548 = arith.constant 0 : i32
      %dma_start3A_549 = tpu.memref_slice %arg2[%dma_start3A_547, %dma_start3A_548] : memref<10000x128xf32, #tpu.memory_space<hbm>> -> memref<10000x128xf32, #tpu.memory_space<hbm>>
      tpu.enqueue_indirect_dma source(%dma_start3A_549 : memref<10000x128xf32, #tpu.memory_space<hbm>>) target(%arg13 : memref<125x128xf32, #tpu.memory_space<vmem>>) offsets(%dma_start3A_546 : memref<125xi32, #tpu.memory_space<vmem>>) semaphore(%arg17 : memref<!tpu.dma_semaphore, #tpu.memory_space<semaphore_mem>>)
      %dma_wait3A_550 = arith.constant 0 : i32
      %dma_wait3A_551 = arith.constant 0 : i32
      %dma_wait3A_552 = arith.constant 0 : i32
      %dma_wait3A_553 = tpu.memref_slice %arg11[%dma_wait3A_550, %dma_wait3A_551, %dma_wait3A_552] : memref<2x8x125xi32, #tpu.memory_space<vmem>> -> memref<1x1x125xi32, #tpu.memory_space<vmem>>
      %dma_wait3A_554 = tpu.memref_squeeze %dma_wait3A_553 : memref<1x1x125xi32, #tpu.memory_space<vmem>> -> memref<125xi32, #tpu.memory_space<vmem>>
      %dma_wait3A_555 = arith.constant 0 : i32
      %dma_wait3A_556 = arith.constant 0 : i32
      %dma_wait3A_557 = tpu.memref_slice %arg2[%dma_wait3A_555, %dma_wait3A_556] : memref<10000x128xf32, #tpu.memory_space<hbm>> -> memref<10000x128xf32, #tpu.memory_space<hbm>>
      tpu.wait_indirect_dma semaphore(%arg17 : memref<!tpu.dma_semaphore, #tpu.memory_space<semaphore_mem>>) src(%dma_wait3A_557 : memref<10000x128xf32, #tpu.memory_space<hbm>>) dst(%arg13 : memref<125x128xf32, #tpu.memory_space<vmem>>)
      %dma_start3A_558 = arith.constant 1 : i32
      %dma_start3A_559 = arith.constant 2 : i32
      %dma_start3A_560 = arith.constant 0 : i32
      %dma_start3A_561 = tpu.memref_slice %arg12[%dma_start3A_558, %dma_start3A_559, %dma_start3A_560] : memref<2x8x125xi32, #tpu.memory_space<vmem>> -> memref<1x1x125xi32, #tpu.memory_space<vmem>>
      %dma_start3A_562 = tpu.memref_squeeze %dma_start3A_561 : memref<1x1x125xi32, #tpu.memory_space<vmem>> -> memref<125xi32, #tpu.memory_space<vmem>>
      %dma_start3A_563 = arith.constant 0 : i32
      %dma_start3A_564 = arith.constant 0 : i32
      %dma_start3A_565 = tpu.memref_slice %arg27[%dma_start3A_563, %dma_start3A_564] : memref<10000x128xf32, #tpu.memory_space<vmem_shared>> -> memref<10000x128xf32, #tpu.memory_space<vmem_shared>>
      tpu.enqueue_indirect_dma source(%arg13 : memref<125x128xf32, #tpu.memory_space<vmem>>) target(%dma_start3A_565 : memref<10000x128xf32, #tpu.memory_space<vmem_shared>>) offsets(%dma_start3A_562 : memref<125xi32, #tpu.memory_space<vmem>>) semaphore(%arg19 : memref<!tpu.dma_semaphore, #tpu.memory_space<semaphore_mem>>) {add = true}
      %convert_element_type3A_566 = arith.extui %gt3A_4 : i1 to i32
      %cond3A_567 = arith.constant 0 : i32
      %cond3A_568 = arith.cmpi ne, %convert_element_type3A_566, %cond3A_567 : i32
      scf.if %cond3A_568 {
        %dma_start3A_779 = arith.constant 1 : i32
        %dma_start3A_780 = arith.constant 2 : i32
        %dma_start3A_781 = arith.constant 0 : i32
        %dma_start3A_782 = tpu.memref_slice %arg12[%dma_start3A_779, %dma_start3A_780, %dma_start3A_781] : memref<2x8x125xi32, #tpu.memory_space<vmem>> -> memref<1x1x125xi32, #tpu.memory_space<vmem>>
        %dma_start3A_783 = tpu.memref_squeeze %dma_start3A_782 : memref<1x1x125xi32, #tpu.memory_space<vmem>> -> memref<125xi32, #tpu.memory_space<vmem>>
        %dma_start3A_784 = arith.constant 0 : i32
        %dma_start3A_785 = arith.constant 0 : i32
        %dma_start3A_786 = tpu.memref_slice %arg28[%dma_start3A_784, %dma_start3A_785] : memref<10000x16xf32, #tpu.memory_space<vmem_shared>> -> memref<10000x16xf32, #tpu.memory_space<vmem_shared>>
        tpu.enqueue_indirect_dma source(%arg15 : memref<125x16xf32, #tpu.memory_space<vmem>>) target(%dma_start3A_786 : memref<10000x16xf32, #tpu.memory_space<vmem_shared>>) offsets(%dma_start3A_783 : memref<125xi32, #tpu.memory_space<vmem>>) semaphore(%arg21 : memref<!tpu.dma_semaphore, #tpu.memory_space<semaphore_mem>>) {add = true}
      } else {
      }
      %lt3A = arith.constant 4 : i32
      %lt3A_569 = arith.cmpi slt, %scan3A_106, %lt3A : i32
      %convert_element_type3A_570 = arith.extui %lt3A_569 : i1 to i32
      %cond3A_571 = arith.constant 0 : i32
      %cond3A_572 = arith.cmpi ne, %convert_element_type3A_570, %cond3A_571 : i32
      scf.if %cond3A_572 {
        %mul3A_779 = arith.constant 2 : i32
        %mul3A_780 = arith.muli %mul3A_779, %scan3A_106 : i32
        %add3A_781 = arith.constant 2 : i32
        %add3A_782 = arith.addi %mul3A_780, %add3A_781 : i32
        %mul3A_783 = arith.constant 8 : i32
        %mul3A_784 = arith.muli %add3A_782, %mul3A_783 : i32
        %dma_start3A_785 = arith.constant 0 : i32
        %dma_start3A_786 = arith.constant 0 : i32
        %dma_start3A_787 = arith.constant 0 : i32
        %dma_start3A_788 = tpu.memref_slice %arg11[%dma_start3A_785, %dma_start3A_786, %dma_start3A_787] : memref<2x8x125xi32, #tpu.memory_space<vmem>> -> memref<1x8x125xi32, #tpu.memory_space<vmem>>
        %dma_start3A_789 = tpu.memref_squeeze %dma_start3A_788 : memref<1x8x125xi32, #tpu.memory_space<vmem>> -> memref<8x125xi32, #tpu.memory_space<vmem>>
        %dma_start3A_790 = arith.constant 0 : i32
        %dma_start3A_791 = tpu.memref_slice %arg3[%arg0, %arg1, %mul3A_784, %dma_start3A_790] : memref<2x16x80x125xi32, #tpu.memory_space<hbm>> -> memref<1x1x8x125xi32, #tpu.memory_space<hbm>>
        %dma_start3A_792 = tpu.memref_squeeze %dma_start3A_791 : memref<1x1x8x125xi32, #tpu.memory_space<hbm>> -> memref<8x125xi32, #tpu.memory_space<hbm>>
        %dma_start3A_793 = arith.constant 0 : i32
        %dma_start3A_794 = arith.constant 0 : i32
        %dma_start3A_795 = tpu.memref_slice %arg11[%dma_start3A_785, %dma_start3A_793, %dma_start3A_794] : memref<2x8x125xi32, #tpu.memory_space<vmem>> -> memref<1x8x125xi32, #tpu.memory_space<vmem>>
        %dma_start3A_796 = tpu.memref_squeeze %dma_start3A_795 : memref<1x8x125xi32, #tpu.memory_space<vmem>> -> memref<8x125xi32, #tpu.memory_space<vmem>>
        %dma_start3A_797 = arith.constant 0 : i32
        %dma_start3A_798 = tpu.memref_slice %arg3[%arg0, %arg1, %mul3A_784, %dma_start3A_797] : memref<2x16x80x125xi32, #tpu.memory_space<hbm>> -> memref<1x1x8x125xi32, #tpu.memory_space<hbm>>
        %dma_start3A_799 = tpu.memref_squeeze %dma_start3A_798 : memref<1x1x8x125xi32, #tpu.memory_space<hbm>> -> memref<8x125xi32, #tpu.memory_space<hbm>>
        tpu.enqueue_dma source(%dma_start3A_799 : memref<8x125xi32, #tpu.memory_space<hbm>>) target(%dma_start3A_796 : memref<8x125xi32, #tpu.memory_space<vmem>>) target_semaphore(%arg23 : memref<!tpu.dma_semaphore, #tpu.memory_space<semaphore_mem>>)
        %mul3A_800 = arith.constant 8 : i32
        %mul3A_801 = arith.muli %add3A_782, %mul3A_800 : i32
        %dma_start3A_802 = arith.constant 0 : i32
        %dma_start3A_803 = arith.constant 0 : i32
        %dma_start3A_804 = arith.constant 0 : i32
        %dma_start3A_805 = tpu.memref_slice %arg12[%dma_start3A_802, %dma_start3A_803, %dma_start3A_804] : memref<2x8x125xi32, #tpu.memory_space<vmem>> -> memref<1x8x125xi32, #tpu.memory_space<vmem>>
        %dma_start3A_806 = tpu.memref_squeeze %dma_start3A_805 : memref<1x8x125xi32, #tpu.memory_space<vmem>> -> memref<8x125xi32, #tpu.memory_space<vmem>>
        %dma_start3A_807 = arith.constant 0 : i32
        %dma_start3A_808 = tpu.memref_slice %arg4[%arg0, %arg1, %mul3A_801, %dma_start3A_807] : memref<2x16x80x125xi32, #tpu.memory_space<hbm>> -> memref<1x1x8x125xi32, #tpu.memory_space<hbm>>
        %dma_start3A_809 = tpu.memref_squeeze %dma_start3A_808 : memref<1x1x8x125xi32, #tpu.memory_space<hbm>> -> memref<8x125xi32, #tpu.memory_space<hbm>>
        %dma_start3A_810 = arith.constant 0 : i32
        %dma_start3A_811 = arith.constant 0 : i32
        %dma_start3A_812 = tpu.memref_slice %arg12[%dma_start3A_802, %dma_start3A_810, %dma_start3A_811] : memref<2x8x125xi32, #tpu.memory_space<vmem>> -> memref<1x8x125xi32, #tpu.memory_space<vmem>>
        %dma_start3A_813 = tpu.memref_squeeze %dma_start3A_812 : memref<1x8x125xi32, #tpu.memory_space<vmem>> -> memref<8x125xi32, #tpu.memory_space<vmem>>
        %dma_start3A_814 = arith.constant 0 : i32
        %dma_start3A_815 = tpu.memref_slice %arg4[%arg0, %arg1, %mul3A_801, %dma_start3A_814] : memref<2x16x80x125xi32, #tpu.memory_space<hbm>> -> memref<1x1x8x125xi32, #tpu.memory_space<hbm>>
        %dma_start3A_816 = tpu.memref_squeeze %dma_start3A_815 : memref<1x1x8x125xi32, #tpu.memory_space<hbm>> -> memref<8x125xi32, #tpu.memory_space<hbm>>
        tpu.enqueue_dma source(%dma_start3A_816 : memref<8x125xi32, #tpu.memory_space<hbm>>) target(%dma_start3A_813 : memref<8x125xi32, #tpu.memory_space<vmem>>) target_semaphore(%arg25 : memref<!tpu.dma_semaphore, #tpu.memory_space<semaphore_mem>>)
      } else {
      }
      %dma_wait3A_573 = arith.constant 0 : i32
      %dma_wait3A_574 = arith.constant 0 : i32
      %dma_wait3A_575 = arith.constant 0 : i32
      %dma_wait3A_576 = tpu.memref_slice %arg12[%dma_wait3A_573, %dma_wait3A_574, %dma_wait3A_575] : memref<2x8x125xi32, #tpu.memory_space<vmem>> -> memref<1x1x125xi32, #tpu.memory_space<vmem>>
      %dma_wait3A_577 = tpu.memref_squeeze %dma_wait3A_576 : memref<1x1x125xi32, #tpu.memory_space<vmem>> -> memref<125xi32, #tpu.memory_space<vmem>>
      %dma_wait3A_578 = arith.constant 0 : i32
      %dma_wait3A_579 = arith.constant 0 : i32
      %dma_wait3A_580 = tpu.memref_slice %arg27[%dma_wait3A_578, %dma_wait3A_579] : memref<10000x128xf32, #tpu.memory_space<vmem_shared>> -> memref<10000x128xf32, #tpu.memory_space<vmem_shared>>
      tpu.wait_indirect_dma semaphore(%arg20 : memref<!tpu.dma_semaphore, #tpu.memory_space<semaphore_mem>>) src(%arg14 : memref<125x128xf32, #tpu.memory_space<vmem>>) dst(%dma_wait3A_580 : memref<10000x128xf32, #tpu.memory_space<vmem_shared>>)
      %convert_element_type3A_581 = arith.extui %gt3A_4 : i1 to i32
      %cond3A_582 = arith.constant 0 : i32
      %cond3A_583 = arith.cmpi ne, %convert_element_type3A_581, %cond3A_582 : i32
      scf.if %cond3A_583 {
        %dma_wait3A_779 = arith.constant 0 : i32
        %dma_wait3A_780 = arith.constant 0 : i32
        %dma_wait3A_781 = arith.constant 0 : i32
        %dma_wait3A_782 = tpu.memref_slice %arg12[%dma_wait3A_779, %dma_wait3A_780, %dma_wait3A_781] : memref<2x8x125xi32, #tpu.memory_space<vmem>> -> memref<1x1x125xi32, #tpu.memory_space<vmem>>
        %dma_wait3A_783 = tpu.memref_squeeze %dma_wait3A_782 : memref<1x1x125xi32, #tpu.memory_space<vmem>> -> memref<125xi32, #tpu.memory_space<vmem>>
        %dma_wait3A_784 = arith.constant 0 : i32
        %dma_wait3A_785 = arith.constant 0 : i32
        %dma_wait3A_786 = tpu.memref_slice %arg28[%dma_wait3A_784, %dma_wait3A_785] : memref<10000x16xf32, #tpu.memory_space<vmem_shared>> -> memref<10000x16xf32, #tpu.memory_space<vmem_shared>>
        tpu.wait_indirect_dma semaphore(%arg22 : memref<!tpu.dma_semaphore, #tpu.memory_space<semaphore_mem>>) src(%arg15 : memref<125x16xf32, #tpu.memory_space<vmem>>) dst(%dma_wait3A_786 : memref<10000x16xf32, #tpu.memory_space<vmem_shared>>)
      } else {
      }
      %dma_start3A_584 = arith.constant 1 : i32
      %dma_start3A_585 = arith.constant 3 : i32
      %dma_start3A_586 = arith.constant 0 : i32
      %dma_start3A_587 = tpu.memref_slice %arg11[%dma_start3A_584, %dma_start3A_585, %dma_start3A_586] : memref<2x8x125xi32, #tpu.memory_space<vmem>> -> memref<1x1x125xi32, #tpu.memory_space<vmem>>
      %dma_start3A_588 = tpu.memref_squeeze %dma_start3A_587 : memref<1x1x125xi32, #tpu.memory_space<vmem>> -> memref<125xi32, #tpu.memory_space<vmem>>
      %dma_start3A_589 = arith.constant 0 : i32
      %dma_start3A_590 = arith.constant 0 : i32
      %dma_start3A_591 = tpu.memref_slice %arg2[%dma_start3A_589, %dma_start3A_590] : memref<10000x128xf32, #tpu.memory_space<hbm>> -> memref<10000x128xf32, #tpu.memory_space<hbm>>
      tpu.enqueue_indirect_dma source(%dma_start3A_591 : memref<10000x128xf32, #tpu.memory_space<hbm>>) target(%arg14 : memref<125x128xf32, #tpu.memory_space<vmem>>) offsets(%dma_start3A_588 : memref<125xi32, #tpu.memory_space<vmem>>) semaphore(%arg18 : memref<!tpu.dma_semaphore, #tpu.memory_space<semaphore_mem>>)
      %dma_wait3A_592 = arith.constant 0 : i32
      %dma_wait3A_593 = arith.constant 0 : i32
      %dma_wait3A_594 = arith.constant 0 : i32
      %dma_wait3A_595 = tpu.memref_slice %arg11[%dma_wait3A_592, %dma_wait3A_593, %dma_wait3A_594] : memref<2x8x125xi32, #tpu.memory_space<vmem>> -> memref<1x1x125xi32, #tpu.memory_space<vmem>>
      %dma_wait3A_596 = tpu.memref_squeeze %dma_wait3A_595 : memref<1x1x125xi32, #tpu.memory_space<vmem>> -> memref<125xi32, #tpu.memory_space<vmem>>
      %dma_wait3A_597 = arith.constant 0 : i32
      %dma_wait3A_598 = arith.constant 0 : i32
      %dma_wait3A_599 = tpu.memref_slice %arg2[%dma_wait3A_597, %dma_wait3A_598] : memref<10000x128xf32, #tpu.memory_space<hbm>> -> memref<10000x128xf32, #tpu.memory_space<hbm>>
      tpu.wait_indirect_dma semaphore(%arg18 : memref<!tpu.dma_semaphore, #tpu.memory_space<semaphore_mem>>) src(%dma_wait3A_599 : memref<10000x128xf32, #tpu.memory_space<hbm>>) dst(%arg14 : memref<125x128xf32, #tpu.memory_space<vmem>>)
      %dma_start3A_600 = arith.constant 1 : i32
      %dma_start3A_601 = arith.constant 3 : i32
      %dma_start3A_602 = arith.constant 0 : i32
      %dma_start3A_603 = tpu.memref_slice %arg12[%dma_start3A_600, %dma_start3A_601, %dma_start3A_602] : memref<2x8x125xi32, #tpu.memory_space<vmem>> -> memref<1x1x125xi32, #tpu.memory_space<vmem>>
      %dma_start3A_604 = tpu.memref_squeeze %dma_start3A_603 : memref<1x1x125xi32, #tpu.memory_space<vmem>> -> memref<125xi32, #tpu.memory_space<vmem>>
      %dma_start3A_605 = arith.constant 0 : i32
      %dma_start3A_606 = arith.constant 0 : i32
      %dma_start3A_607 = tpu.memref_slice %arg27[%dma_start3A_605, %dma_start3A_606] : memref<10000x128xf32, #tpu.memory_space<vmem_shared>> -> memref<10000x128xf32, #tpu.memory_space<vmem_shared>>
      tpu.enqueue_indirect_dma source(%arg14 : memref<125x128xf32, #tpu.memory_space<vmem>>) target(%dma_start3A_607 : memref<10000x128xf32, #tpu.memory_space<vmem_shared>>) offsets(%dma_start3A_604 : memref<125xi32, #tpu.memory_space<vmem>>) semaphore(%arg20 : memref<!tpu.dma_semaphore, #tpu.memory_space<semaphore_mem>>) {add = true}
      %convert_element_type3A_608 = arith.extui %gt3A_4 : i1 to i32
      %cond3A_609 = arith.constant 0 : i32
      %cond3A_610 = arith.cmpi ne, %convert_element_type3A_608, %cond3A_609 : i32
      scf.if %cond3A_610 {
        %dma_start3A_779 = arith.constant 1 : i32
        %dma_start3A_780 = arith.constant 3 : i32
        %dma_start3A_781 = arith.constant 0 : i32
        %dma_start3A_782 = tpu.memref_slice %arg12[%dma_start3A_779, %dma_start3A_780, %dma_start3A_781] : memref<2x8x125xi32, #tpu.memory_space<vmem>> -> memref<1x1x125xi32, #tpu.memory_space<vmem>>
        %dma_start3A_783 = tpu.memref_squeeze %dma_start3A_782 : memref<1x1x125xi32, #tpu.memory_space<vmem>> -> memref<125xi32, #tpu.memory_space<vmem>>
        %dma_start3A_784 = arith.constant 0 : i32
        %dma_start3A_785 = arith.constant 0 : i32
        %dma_start3A_786 = tpu.memref_slice %arg28[%dma_start3A_784, %dma_start3A_785] : memref<10000x16xf32, #tpu.memory_space<vmem_shared>> -> memref<10000x16xf32, #tpu.memory_space<vmem_shared>>
        tpu.enqueue_indirect_dma source(%arg15 : memref<125x16xf32, #tpu.memory_space<vmem>>) target(%dma_start3A_786 : memref<10000x16xf32, #tpu.memory_space<vmem_shared>>) offsets(%dma_start3A_783 : memref<125xi32, #tpu.memory_space<vmem>>) semaphore(%arg22 : memref<!tpu.dma_semaphore, #tpu.memory_space<semaphore_mem>>) {add = true}
      } else {
      }
      %dma_wait3A_611 = arith.constant 0 : i32
      %dma_wait3A_612 = arith.constant 0 : i32
      %dma_wait3A_613 = arith.constant 0 : i32
      %dma_wait3A_614 = tpu.memref_slice %arg12[%dma_wait3A_611, %dma_wait3A_612, %dma_wait3A_613] : memref<2x8x125xi32, #tpu.memory_space<vmem>> -> memref<1x1x125xi32, #tpu.memory_space<vmem>>
      %dma_wait3A_615 = tpu.memref_squeeze %dma_wait3A_614 : memref<1x1x125xi32, #tpu.memory_space<vmem>> -> memref<125xi32, #tpu.memory_space<vmem>>
      %dma_wait3A_616 = arith.constant 0 : i32
      %dma_wait3A_617 = arith.constant 0 : i32
      %dma_wait3A_618 = tpu.memref_slice %arg27[%dma_wait3A_616, %dma_wait3A_617] : memref<10000x128xf32, #tpu.memory_space<vmem_shared>> -> memref<10000x128xf32, #tpu.memory_space<vmem_shared>>
      tpu.wait_indirect_dma semaphore(%arg19 : memref<!tpu.dma_semaphore, #tpu.memory_space<semaphore_mem>>) src(%arg13 : memref<125x128xf32, #tpu.memory_space<vmem>>) dst(%dma_wait3A_618 : memref<10000x128xf32, #tpu.memory_space<vmem_shared>>)
      %convert_element_type3A_619 = arith.extui %gt3A_4 : i1 to i32
      %cond3A_620 = arith.constant 0 : i32
      %cond3A_621 = arith.cmpi ne, %convert_element_type3A_619, %cond3A_620 : i32
      scf.if %cond3A_621 {
        %dma_wait3A_779 = arith.constant 0 : i32
        %dma_wait3A_780 = arith.constant 0 : i32
        %dma_wait3A_781 = arith.constant 0 : i32
        %dma_wait3A_782 = tpu.memref_slice %arg12[%dma_wait3A_779, %dma_wait3A_780, %dma_wait3A_781] : memref<2x8x125xi32, #tpu.memory_space<vmem>> -> memref<1x1x125xi32, #tpu.memory_space<vmem>>
        %dma_wait3A_783 = tpu.memref_squeeze %dma_wait3A_782 : memref<1x1x125xi32, #tpu.memory_space<vmem>> -> memref<125xi32, #tpu.memory_space<vmem>>
        %dma_wait3A_784 = arith.constant 0 : i32
        %dma_wait3A_785 = arith.constant 0 : i32
        %dma_wait3A_786 = tpu.memref_slice %arg28[%dma_wait3A_784, %dma_wait3A_785] : memref<10000x16xf32, #tpu.memory_space<vmem_shared>> -> memref<10000x16xf32, #tpu.memory_space<vmem_shared>>
        tpu.wait_indirect_dma semaphore(%arg21 : memref<!tpu.dma_semaphore, #tpu.memory_space<semaphore_mem>>) src(%arg15 : memref<125x16xf32, #tpu.memory_space<vmem>>) dst(%dma_wait3A_786 : memref<10000x16xf32, #tpu.memory_space<vmem_shared>>)
      } else {
      }
      %dma_start3A_622 = arith.constant 1 : i32
      %dma_start3A_623 = arith.constant 4 : i32
      %dma_start3A_624 = arith.constant 0 : i32
      %dma_start3A_625 = tpu.memref_slice %arg11[%dma_start3A_622, %dma_start3A_623, %dma_start3A_624] : memref<2x8x125xi32, #tpu.memory_space<vmem>> -> memref<1x1x125xi32, #tpu.memory_space<vmem>>
      %dma_start3A_626 = tpu.memref_squeeze %dma_start3A_625 : memref<1x1x125xi32, #tpu.memory_space<vmem>> -> memref<125xi32, #tpu.memory_space<vmem>>
      %dma_start3A_627 = arith.constant 0 : i32
      %dma_start3A_628 = arith.constant 0 : i32
      %dma_start3A_629 = tpu.memref_slice %arg2[%dma_start3A_627, %dma_start3A_628] : memref<10000x128xf32, #tpu.memory_space<hbm>> -> memref<10000x128xf32, #tpu.memory_space<hbm>>
      tpu.enqueue_indirect_dma source(%dma_start3A_629 : memref<10000x128xf32, #tpu.memory_space<hbm>>) target(%arg13 : memref<125x128xf32, #tpu.memory_space<vmem>>) offsets(%dma_start3A_626 : memref<125xi32, #tpu.memory_space<vmem>>) semaphore(%arg17 : memref<!tpu.dma_semaphore, #tpu.memory_space<semaphore_mem>>)
      %dma_wait3A_630 = arith.constant 0 : i32
      %dma_wait3A_631 = arith.constant 0 : i32
      %dma_wait3A_632 = arith.constant 0 : i32
      %dma_wait3A_633 = tpu.memref_slice %arg11[%dma_wait3A_630, %dma_wait3A_631, %dma_wait3A_632] : memref<2x8x125xi32, #tpu.memory_space<vmem>> -> memref<1x1x125xi32, #tpu.memory_space<vmem>>
      %dma_wait3A_634 = tpu.memref_squeeze %dma_wait3A_633 : memref<1x1x125xi32, #tpu.memory_space<vmem>> -> memref<125xi32, #tpu.memory_space<vmem>>
      %dma_wait3A_635 = arith.constant 0 : i32
      %dma_wait3A_636 = arith.constant 0 : i32
      %dma_wait3A_637 = tpu.memref_slice %arg2[%dma_wait3A_635, %dma_wait3A_636] : memref<10000x128xf32, #tpu.memory_space<hbm>> -> memref<10000x128xf32, #tpu.memory_space<hbm>>
      tpu.wait_indirect_dma semaphore(%arg17 : memref<!tpu.dma_semaphore, #tpu.memory_space<semaphore_mem>>) src(%dma_wait3A_637 : memref<10000x128xf32, #tpu.memory_space<hbm>>) dst(%arg13 : memref<125x128xf32, #tpu.memory_space<vmem>>)
      %dma_start3A_638 = arith.constant 1 : i32
      %dma_start3A_639 = arith.constant 4 : i32
      %dma_start3A_640 = arith.constant 0 : i32
      %dma_start3A_641 = tpu.memref_slice %arg12[%dma_start3A_638, %dma_start3A_639, %dma_start3A_640] : memref<2x8x125xi32, #tpu.memory_space<vmem>> -> memref<1x1x125xi32, #tpu.memory_space<vmem>>
      %dma_start3A_642 = tpu.memref_squeeze %dma_start3A_641 : memref<1x1x125xi32, #tpu.memory_space<vmem>> -> memref<125xi32, #tpu.memory_space<vmem>>
      %dma_start3A_643 = arith.constant 0 : i32
      %dma_start3A_644 = arith.constant 0 : i32
      %dma_start3A_645 = tpu.memref_slice %arg27[%dma_start3A_643, %dma_start3A_644] : memref<10000x128xf32, #tpu.memory_space<vmem_shared>> -> memref<10000x128xf32, #tpu.memory_space<vmem_shared>>
      tpu.enqueue_indirect_dma source(%arg13 : memref<125x128xf32, #tpu.memory_space<vmem>>) target(%dma_start3A_645 : memref<10000x128xf32, #tpu.memory_space<vmem_shared>>) offsets(%dma_start3A_642 : memref<125xi32, #tpu.memory_space<vmem>>) semaphore(%arg19 : memref<!tpu.dma_semaphore, #tpu.memory_space<semaphore_mem>>) {add = true}
      %convert_element_type3A_646 = arith.extui %gt3A_4 : i1 to i32
      %cond3A_647 = arith.constant 0 : i32
      %cond3A_648 = arith.cmpi ne, %convert_element_type3A_646, %cond3A_647 : i32
      scf.if %cond3A_648 {
        %dma_start3A_779 = arith.constant 1 : i32
        %dma_start3A_780 = arith.constant 4 : i32
        %dma_start3A_781 = arith.constant 0 : i32
        %dma_start3A_782 = tpu.memref_slice %arg12[%dma_start3A_779, %dma_start3A_780, %dma_start3A_781] : memref<2x8x125xi32, #tpu.memory_space<vmem>> -> memref<1x1x125xi32, #tpu.memory_space<vmem>>
        %dma_start3A_783 = tpu.memref_squeeze %dma_start3A_782 : memref<1x1x125xi32, #tpu.memory_space<vmem>> -> memref<125xi32, #tpu.memory_space<vmem>>
        %dma_start3A_784 = arith.constant 0 : i32
        %dma_start3A_785 = arith.constant 0 : i32
        %dma_start3A_786 = tpu.memref_slice %arg28[%dma_start3A_784, %dma_start3A_785] : memref<10000x16xf32, #tpu.memory_space<vmem_shared>> -> memref<10000x16xf32, #tpu.memory_space<vmem_shared>>
        tpu.enqueue_indirect_dma source(%arg15 : memref<125x16xf32, #tpu.memory_space<vmem>>) target(%dma_start3A_786 : memref<10000x16xf32, #tpu.memory_space<vmem_shared>>) offsets(%dma_start3A_783 : memref<125xi32, #tpu.memory_space<vmem>>) semaphore(%arg21 : memref<!tpu.dma_semaphore, #tpu.memory_space<semaphore_mem>>) {add = true}
      } else {
      }
      %dma_wait3A_649 = arith.constant 0 : i32
      %dma_wait3A_650 = arith.constant 0 : i32
      %dma_wait3A_651 = arith.constant 0 : i32
      %dma_wait3A_652 = tpu.memref_slice %arg12[%dma_wait3A_649, %dma_wait3A_650, %dma_wait3A_651] : memref<2x8x125xi32, #tpu.memory_space<vmem>> -> memref<1x1x125xi32, #tpu.memory_space<vmem>>
      %dma_wait3A_653 = tpu.memref_squeeze %dma_wait3A_652 : memref<1x1x125xi32, #tpu.memory_space<vmem>> -> memref<125xi32, #tpu.memory_space<vmem>>
      %dma_wait3A_654 = arith.constant 0 : i32
      %dma_wait3A_655 = arith.constant 0 : i32
      %dma_wait3A_656 = tpu.memref_slice %arg27[%dma_wait3A_654, %dma_wait3A_655] : memref<10000x128xf32, #tpu.memory_space<vmem_shared>> -> memref<10000x128xf32, #tpu.memory_space<vmem_shared>>
      tpu.wait_indirect_dma semaphore(%arg20 : memref<!tpu.dma_semaphore, #tpu.memory_space<semaphore_mem>>) src(%arg14 : memref<125x128xf32, #tpu.memory_space<vmem>>) dst(%dma_wait3A_656 : memref<10000x128xf32, #tpu.memory_space<vmem_shared>>)
      %convert_element_type3A_657 = arith.extui %gt3A_4 : i1 to i32
      %cond3A_658 = arith.constant 0 : i32
      %cond3A_659 = arith.cmpi ne, %convert_element_type3A_657, %cond3A_658 : i32
      scf.if %cond3A_659 {
        %dma_wait3A_779 = arith.constant 0 : i32
        %dma_wait3A_780 = arith.constant 0 : i32
        %dma_wait3A_781 = arith.constant 0 : i32
        %dma_wait3A_782 = tpu.memref_slice %arg12[%dma_wait3A_779, %dma_wait3A_780, %dma_wait3A_781] : memref<2x8x125xi32, #tpu.memory_space<vmem>> -> memref<1x1x125xi32, #tpu.memory_space<vmem>>
        %dma_wait3A_783 = tpu.memref_squeeze %dma_wait3A_782 : memref<1x1x125xi32, #tpu.memory_space<vmem>> -> memref<125xi32, #tpu.memory_space<vmem>>
        %dma_wait3A_784 = arith.constant 0 : i32
        %dma_wait3A_785 = arith.constant 0 : i32
        %dma_wait3A_786 = tpu.memref_slice %arg28[%dma_wait3A_784, %dma_wait3A_785] : memref<10000x16xf32, #tpu.memory_space<vmem_shared>> -> memref<10000x16xf32, #tpu.memory_space<vmem_shared>>
        tpu.wait_indirect_dma semaphore(%arg22 : memref<!tpu.dma_semaphore, #tpu.memory_space<semaphore_mem>>) src(%arg15 : memref<125x16xf32, #tpu.memory_space<vmem>>) dst(%dma_wait3A_786 : memref<10000x16xf32, #tpu.memory_space<vmem_shared>>)
      } else {
      }
      %dma_start3A_660 = arith.constant 1 : i32
      %dma_start3A_661 = arith.constant 5 : i32
      %dma_start3A_662 = arith.constant 0 : i32
      %dma_start3A_663 = tpu.memref_slice %arg11[%dma_start3A_660, %dma_start3A_661, %dma_start3A_662] : memref<2x8x125xi32, #tpu.memory_space<vmem>> -> memref<1x1x125xi32, #tpu.memory_space<vmem>>
      %dma_start3A_664 = tpu.memref_squeeze %dma_start3A_663 : memref<1x1x125xi32, #tpu.memory_space<vmem>> -> memref<125xi32, #tpu.memory_space<vmem>>
      %dma_start3A_665 = arith.constant 0 : i32
      %dma_start3A_666 = arith.constant 0 : i32
      %dma_start3A_667 = tpu.memref_slice %arg2[%dma_start3A_665, %dma_start3A_666] : memref<10000x128xf32, #tpu.memory_space<hbm>> -> memref<10000x128xf32, #tpu.memory_space<hbm>>
      tpu.enqueue_indirect_dma source(%dma_start3A_667 : memref<10000x128xf32, #tpu.memory_space<hbm>>) target(%arg14 : memref<125x128xf32, #tpu.memory_space<vmem>>) offsets(%dma_start3A_664 : memref<125xi32, #tpu.memory_space<vmem>>) semaphore(%arg18 : memref<!tpu.dma_semaphore, #tpu.memory_space<semaphore_mem>>)
      %dma_wait3A_668 = arith.constant 0 : i32
      %dma_wait3A_669 = arith.constant 0 : i32
      %dma_wait3A_670 = arith.constant 0 : i32
      %dma_wait3A_671 = tpu.memref_slice %arg11[%dma_wait3A_668, %dma_wait3A_669, %dma_wait3A_670] : memref<2x8x125xi32, #tpu.memory_space<vmem>> -> memref<1x1x125xi32, #tpu.memory_space<vmem>>
      %dma_wait3A_672 = tpu.memref_squeeze %dma_wait3A_671 : memref<1x1x125xi32, #tpu.memory_space<vmem>> -> memref<125xi32, #tpu.memory_space<vmem>>
      %dma_wait3A_673 = arith.constant 0 : i32
      %dma_wait3A_674 = arith.constant 0 : i32
      %dma_wait3A_675 = tpu.memref_slice %arg2[%dma_wait3A_673, %dma_wait3A_674] : memref<10000x128xf32, #tpu.memory_space<hbm>> -> memref<10000x128xf32, #tpu.memory_space<hbm>>
      tpu.wait_indirect_dma semaphore(%arg18 : memref<!tpu.dma_semaphore, #tpu.memory_space<semaphore_mem>>) src(%dma_wait3A_675 : memref<10000x128xf32, #tpu.memory_space<hbm>>) dst(%arg14 : memref<125x128xf32, #tpu.memory_space<vmem>>)
      %dma_start3A_676 = arith.constant 1 : i32
      %dma_start3A_677 = arith.constant 5 : i32
      %dma_start3A_678 = arith.constant 0 : i32
      %dma_start3A_679 = tpu.memref_slice %arg12[%dma_start3A_676, %dma_start3A_677, %dma_start3A_678] : memref<2x8x125xi32, #tpu.memory_space<vmem>> -> memref<1x1x125xi32, #tpu.memory_space<vmem>>
      %dma_start3A_680 = tpu.memref_squeeze %dma_start3A_679 : memref<1x1x125xi32, #tpu.memory_space<vmem>> -> memref<125xi32, #tpu.memory_space<vmem>>
      %dma_start3A_681 = arith.constant 0 : i32
      %dma_start3A_682 = arith.constant 0 : i32
      %dma_start3A_683 = tpu.memref_slice %arg27[%dma_start3A_681, %dma_start3A_682] : memref<10000x128xf32, #tpu.memory_space<vmem_shared>> -> memref<10000x128xf32, #tpu.memory_space<vmem_shared>>
      tpu.enqueue_indirect_dma source(%arg14 : memref<125x128xf32, #tpu.memory_space<vmem>>) target(%dma_start3A_683 : memref<10000x128xf32, #tpu.memory_space<vmem_shared>>) offsets(%dma_start3A_680 : memref<125xi32, #tpu.memory_space<vmem>>) semaphore(%arg20 : memref<!tpu.dma_semaphore, #tpu.memory_space<semaphore_mem>>) {add = true}
      %convert_element_type3A_684 = arith.extui %gt3A_4 : i1 to i32
      %cond3A_685 = arith.constant 0 : i32
      %cond3A_686 = arith.cmpi ne, %convert_element_type3A_684, %cond3A_685 : i32
      scf.if %cond3A_686 {
        %dma_start3A_779 = arith.constant 1 : i32
        %dma_start3A_780 = arith.constant 5 : i32
        %dma_start3A_781 = arith.constant 0 : i32
        %dma_start3A_782 = tpu.memref_slice %arg12[%dma_start3A_779, %dma_start3A_780, %dma_start3A_781] : memref<2x8x125xi32, #tpu.memory_space<vmem>> -> memref<1x1x125xi32, #tpu.memory_space<vmem>>
        %dma_start3A_783 = tpu.memref_squeeze %dma_start3A_782 : memref<1x1x125xi32, #tpu.memory_space<vmem>> -> memref<125xi32, #tpu.memory_space<vmem>>
        %dma_start3A_784 = arith.constant 0 : i32
        %dma_start3A_785 = arith.constant 0 : i32
        %dma_start3A_786 = tpu.memref_slice %arg28[%dma_start3A_784, %dma_start3A_785] : memref<10000x16xf32, #tpu.memory_space<vmem_shared>> -> memref<10000x16xf32, #tpu.memory_space<vmem_shared>>
        tpu.enqueue_indirect_dma source(%arg15 : memref<125x16xf32, #tpu.memory_space<vmem>>) target(%dma_start3A_786 : memref<10000x16xf32, #tpu.memory_space<vmem_shared>>) offsets(%dma_start3A_783 : memref<125xi32, #tpu.memory_space<vmem>>) semaphore(%arg22 : memref<!tpu.dma_semaphore, #tpu.memory_space<semaphore_mem>>) {add = true}
      } else {
      }
      %dma_wait3A_687 = arith.constant 0 : i32
      %dma_wait3A_688 = arith.constant 0 : i32
      %dma_wait3A_689 = arith.constant 0 : i32
      %dma_wait3A_690 = tpu.memref_slice %arg12[%dma_wait3A_687, %dma_wait3A_688, %dma_wait3A_689] : memref<2x8x125xi32, #tpu.memory_space<vmem>> -> memref<1x1x125xi32, #tpu.memory_space<vmem>>
      %dma_wait3A_691 = tpu.memref_squeeze %dma_wait3A_690 : memref<1x1x125xi32, #tpu.memory_space<vmem>> -> memref<125xi32, #tpu.memory_space<vmem>>
      %dma_wait3A_692 = arith.constant 0 : i32
      %dma_wait3A_693 = arith.constant 0 : i32
      %dma_wait3A_694 = tpu.memref_slice %arg27[%dma_wait3A_692, %dma_wait3A_693] : memref<10000x128xf32, #tpu.memory_space<vmem_shared>> -> memref<10000x128xf32, #tpu.memory_space<vmem_shared>>
      tpu.wait_indirect_dma semaphore(%arg19 : memref<!tpu.dma_semaphore, #tpu.memory_space<semaphore_mem>>) src(%arg13 : memref<125x128xf32, #tpu.memory_space<vmem>>) dst(%dma_wait3A_694 : memref<10000x128xf32, #tpu.memory_space<vmem_shared>>)
      %convert_element_type3A_695 = arith.extui %gt3A_4 : i1 to i32
      %cond3A_696 = arith.constant 0 : i32
      %cond3A_697 = arith.cmpi ne, %convert_element_type3A_695, %cond3A_696 : i32
      scf.if %cond3A_697 {
        %dma_wait3A_779 = arith.constant 0 : i32
        %dma_wait3A_780 = arith.constant 0 : i32
        %dma_wait3A_781 = arith.constant 0 : i32
        %dma_wait3A_782 = tpu.memref_slice %arg12[%dma_wait3A_779, %dma_wait3A_780, %dma_wait3A_781] : memref<2x8x125xi32, #tpu.memory_space<vmem>> -> memref<1x1x125xi32, #tpu.memory_space<vmem>>
        %dma_wait3A_783 = tpu.memref_squeeze %dma_wait3A_782 : memref<1x1x125xi32, #tpu.memory_space<vmem>> -> memref<125xi32, #tpu.memory_space<vmem>>
        %dma_wait3A_784 = arith.constant 0 : i32
        %dma_wait3A_785 = arith.constant 0 : i32
        %dma_wait3A_786 = tpu.memref_slice %arg28[%dma_wait3A_784, %dma_wait3A_785] : memref<10000x16xf32, #tpu.memory_space<vmem_shared>> -> memref<10000x16xf32, #tpu.memory_space<vmem_shared>>
        tpu.wait_indirect_dma semaphore(%arg21 : memref<!tpu.dma_semaphore, #tpu.memory_space<semaphore_mem>>) src(%arg15 : memref<125x16xf32, #tpu.memory_space<vmem>>) dst(%dma_wait3A_786 : memref<10000x16xf32, #tpu.memory_space<vmem_shared>>)
      } else {
      }
      %dma_start3A_698 = arith.constant 1 : i32
      %dma_start3A_699 = arith.constant 6 : i32
      %dma_start3A_700 = arith.constant 0 : i32
      %dma_start3A_701 = tpu.memref_slice %arg11[%dma_start3A_698, %dma_start3A_699, %dma_start3A_700] : memref<2x8x125xi32, #tpu.memory_space<vmem>> -> memref<1x1x125xi32, #tpu.memory_space<vmem>>
      %dma_start3A_702 = tpu.memref_squeeze %dma_start3A_701 : memref<1x1x125xi32, #tpu.memory_space<vmem>> -> memref<125xi32, #tpu.memory_space<vmem>>
      %dma_start3A_703 = arith.constant 0 : i32
      %dma_start3A_704 = arith.constant 0 : i32
      %dma_start3A_705 = tpu.memref_slice %arg2[%dma_start3A_703, %dma_start3A_704] : memref<10000x128xf32, #tpu.memory_space<hbm>> -> memref<10000x128xf32, #tpu.memory_space<hbm>>
      tpu.enqueue_indirect_dma source(%dma_start3A_705 : memref<10000x128xf32, #tpu.memory_space<hbm>>) target(%arg13 : memref<125x128xf32, #tpu.memory_space<vmem>>) offsets(%dma_start3A_702 : memref<125xi32, #tpu.memory_space<vmem>>) semaphore(%arg17 : memref<!tpu.dma_semaphore, #tpu.memory_space<semaphore_mem>>)
      %dma_wait3A_706 = arith.constant 0 : i32
      %dma_wait3A_707 = arith.constant 0 : i32
      %dma_wait3A_708 = arith.constant 0 : i32
      %dma_wait3A_709 = tpu.memref_slice %arg11[%dma_wait3A_706, %dma_wait3A_707, %dma_wait3A_708] : memref<2x8x125xi32, #tpu.memory_space<vmem>> -> memref<1x1x125xi32, #tpu.memory_space<vmem>>
      %dma_wait3A_710 = tpu.memref_squeeze %dma_wait3A_709 : memref<1x1x125xi32, #tpu.memory_space<vmem>> -> memref<125xi32, #tpu.memory_space<vmem>>
      %dma_wait3A_711 = arith.constant 0 : i32
      %dma_wait3A_712 = arith.constant 0 : i32
      %dma_wait3A_713 = tpu.memref_slice %arg2[%dma_wait3A_711, %dma_wait3A_712] : memref<10000x128xf32, #tpu.memory_space<hbm>> -> memref<10000x128xf32, #tpu.memory_space<hbm>>
      tpu.wait_indirect_dma semaphore(%arg17 : memref<!tpu.dma_semaphore, #tpu.memory_space<semaphore_mem>>) src(%dma_wait3A_713 : memref<10000x128xf32, #tpu.memory_space<hbm>>) dst(%arg13 : memref<125x128xf32, #tpu.memory_space<vmem>>)
      %dma_start3A_714 = arith.constant 1 : i32
      %dma_start3A_715 = arith.constant 6 : i32
      %dma_start3A_716 = arith.constant 0 : i32
      %dma_start3A_717 = tpu.memref_slice %arg12[%dma_start3A_714, %dma_start3A_715, %dma_start3A_716] : memref<2x8x125xi32, #tpu.memory_space<vmem>> -> memref<1x1x125xi32, #tpu.memory_space<vmem>>
      %dma_start3A_718 = tpu.memref_squeeze %dma_start3A_717 : memref<1x1x125xi32, #tpu.memory_space<vmem>> -> memref<125xi32, #tpu.memory_space<vmem>>
      %dma_start3A_719 = arith.constant 0 : i32
      %dma_start3A_720 = arith.constant 0 : i32
      %dma_start3A_721 = tpu.memref_slice %arg27[%dma_start3A_719, %dma_start3A_720] : memref<10000x128xf32, #tpu.memory_space<vmem_shared>> -> memref<10000x128xf32, #tpu.memory_space<vmem_shared>>
      tpu.enqueue_indirect_dma source(%arg13 : memref<125x128xf32, #tpu.memory_space<vmem>>) target(%dma_start3A_721 : memref<10000x128xf32, #tpu.memory_space<vmem_shared>>) offsets(%dma_start3A_718 : memref<125xi32, #tpu.memory_space<vmem>>) semaphore(%arg19 : memref<!tpu.dma_semaphore, #tpu.memory_space<semaphore_mem>>) {add = true}
      %convert_element_type3A_722 = arith.extui %gt3A_4 : i1 to i32
      %cond3A_723 = arith.constant 0 : i32
      %cond3A_724 = arith.cmpi ne, %convert_element_type3A_722, %cond3A_723 : i32
      scf.if %cond3A_724 {
        %dma_start3A_779 = arith.constant 1 : i32
        %dma_start3A_780 = arith.constant 6 : i32
        %dma_start3A_781 = arith.constant 0 : i32
        %dma_start3A_782 = tpu.memref_slice %arg12[%dma_start3A_779, %dma_start3A_780, %dma_start3A_781] : memref<2x8x125xi32, #tpu.memory_space<vmem>> -> memref<1x1x125xi32, #tpu.memory_space<vmem>>
        %dma_start3A_783 = tpu.memref_squeeze %dma_start3A_782 : memref<1x1x125xi32, #tpu.memory_space<vmem>> -> memref<125xi32, #tpu.memory_space<vmem>>
        %dma_start3A_784 = arith.constant 0 : i32
        %dma_start3A_785 = arith.constant 0 : i32
        %dma_start3A_786 = tpu.memref_slice %arg28[%dma_start3A_784, %dma_start3A_785] : memref<10000x16xf32, #tpu.memory_space<vmem_shared>> -> memref<10000x16xf32, #tpu.memory_space<vmem_shared>>
        tpu.enqueue_indirect_dma source(%arg15 : memref<125x16xf32, #tpu.memory_space<vmem>>) target(%dma_start3A_786 : memref<10000x16xf32, #tpu.memory_space<vmem_shared>>) offsets(%dma_start3A_783 : memref<125xi32, #tpu.memory_space<vmem>>) semaphore(%arg21 : memref<!tpu.dma_semaphore, #tpu.memory_space<semaphore_mem>>) {add = true}
      } else {
      }
      %dma_wait3A_725 = arith.constant 0 : i32
      %dma_wait3A_726 = arith.constant 0 : i32
      %dma_wait3A_727 = arith.constant 0 : i32
      %dma_wait3A_728 = tpu.memref_slice %arg12[%dma_wait3A_725, %dma_wait3A_726, %dma_wait3A_727] : memref<2x8x125xi32, #tpu.memory_space<vmem>> -> memref<1x1x125xi32, #tpu.memory_space<vmem>>
      %dma_wait3A_729 = tpu.memref_squeeze %dma_wait3A_728 : memref<1x1x125xi32, #tpu.memory_space<vmem>> -> memref<125xi32, #tpu.memory_space<vmem>>
      %dma_wait3A_730 = arith.constant 0 : i32
      %dma_wait3A_731 = arith.constant 0 : i32
      %dma_wait3A_732 = tpu.memref_slice %arg27[%dma_wait3A_730, %dma_wait3A_731] : memref<10000x128xf32, #tpu.memory_space<vmem_shared>> -> memref<10000x128xf32, #tpu.memory_space<vmem_shared>>
      tpu.wait_indirect_dma semaphore(%arg20 : memref<!tpu.dma_semaphore, #tpu.memory_space<semaphore_mem>>) src(%arg14 : memref<125x128xf32, #tpu.memory_space<vmem>>) dst(%dma_wait3A_732 : memref<10000x128xf32, #tpu.memory_space<vmem_shared>>)
      %convert_element_type3A_733 = arith.extui %gt3A_4 : i1 to i32
      %cond3A_734 = arith.constant 0 : i32
      %cond3A_735 = arith.cmpi ne, %convert_element_type3A_733, %cond3A_734 : i32
      scf.if %cond3A_735 {
        %dma_wait3A_779 = arith.constant 0 : i32
        %dma_wait3A_780 = arith.constant 0 : i32
        %dma_wait3A_781 = arith.constant 0 : i32
        %dma_wait3A_782 = tpu.memref_slice %arg12[%dma_wait3A_779, %dma_wait3A_780, %dma_wait3A_781] : memref<2x8x125xi32, #tpu.memory_space<vmem>> -> memref<1x1x125xi32, #tpu.memory_space<vmem>>
        %dma_wait3A_783 = tpu.memref_squeeze %dma_wait3A_782 : memref<1x1x125xi32, #tpu.memory_space<vmem>> -> memref<125xi32, #tpu.memory_space<vmem>>
        %dma_wait3A_784 = arith.constant 0 : i32
        %dma_wait3A_785 = arith.constant 0 : i32
        %dma_wait3A_786 = tpu.memref_slice %arg28[%dma_wait3A_784, %dma_wait3A_785] : memref<10000x16xf32, #tpu.memory_space<vmem_shared>> -> memref<10000x16xf32, #tpu.memory_space<vmem_shared>>
        tpu.wait_indirect_dma semaphore(%arg22 : memref<!tpu.dma_semaphore, #tpu.memory_space<semaphore_mem>>) src(%arg15 : memref<125x16xf32, #tpu.memory_space<vmem>>) dst(%dma_wait3A_786 : memref<10000x16xf32, #tpu.memory_space<vmem_shared>>)
      } else {
      }
      %dma_start3A_736 = arith.constant 1 : i32
      %dma_start3A_737 = arith.constant 7 : i32
      %dma_start3A_738 = arith.constant 0 : i32
      %dma_start3A_739 = tpu.memref_slice %arg11[%dma_start3A_736, %dma_start3A_737, %dma_start3A_738] : memref<2x8x125xi32, #tpu.memory_space<vmem>> -> memref<1x1x125xi32, #tpu.memory_space<vmem>>
      %dma_start3A_740 = tpu.memref_squeeze %dma_start3A_739 : memref<1x1x125xi32, #tpu.memory_space<vmem>> -> memref<125xi32, #tpu.memory_space<vmem>>
      %dma_start3A_741 = arith.constant 0 : i32
      %dma_start3A_742 = arith.constant 0 : i32
      %dma_start3A_743 = tpu.memref_slice %arg2[%dma_start3A_741, %dma_start3A_742] : memref<10000x128xf32, #tpu.memory_space<hbm>> -> memref<10000x128xf32, #tpu.memory_space<hbm>>
      tpu.enqueue_indirect_dma source(%dma_start3A_743 : memref<10000x128xf32, #tpu.memory_space<hbm>>) target(%arg14 : memref<125x128xf32, #tpu.memory_space<vmem>>) offsets(%dma_start3A_740 : memref<125xi32, #tpu.memory_space<vmem>>) semaphore(%arg18 : memref<!tpu.dma_semaphore, #tpu.memory_space<semaphore_mem>>)
      %dma_wait3A_744 = arith.constant 0 : i32
      %dma_wait3A_745 = arith.constant 0 : i32
      %dma_wait3A_746 = arith.constant 0 : i32
      %dma_wait3A_747 = tpu.memref_slice %arg11[%dma_wait3A_744, %dma_wait3A_745, %dma_wait3A_746] : memref<2x8x125xi32, #tpu.memory_space<vmem>> -> memref<1x1x125xi32, #tpu.memory_space<vmem>>
      %dma_wait3A_748 = tpu.memref_squeeze %dma_wait3A_747 : memref<1x1x125xi32, #tpu.memory_space<vmem>> -> memref<125xi32, #tpu.memory_space<vmem>>
      %dma_wait3A_749 = arith.constant 0 : i32
      %dma_wait3A_750 = arith.constant 0 : i32
      %dma_wait3A_751 = tpu.memref_slice %arg2[%dma_wait3A_749, %dma_wait3A_750] : memref<10000x128xf32, #tpu.memory_space<hbm>> -> memref<10000x128xf32, #tpu.memory_space<hbm>>
      tpu.wait_indirect_dma semaphore(%arg18 : memref<!tpu.dma_semaphore, #tpu.memory_space<semaphore_mem>>) src(%dma_wait3A_751 : memref<10000x128xf32, #tpu.memory_space<hbm>>) dst(%arg14 : memref<125x128xf32, #tpu.memory_space<vmem>>)
      %dma_start3A_752 = arith.constant 1 : i32
      %dma_start3A_753 = arith.constant 7 : i32
      %dma_start3A_754 = arith.constant 0 : i32
      %dma_start3A_755 = tpu.memref_slice %arg12[%dma_start3A_752, %dma_start3A_753, %dma_start3A_754] : memref<2x8x125xi32, #tpu.memory_space<vmem>> -> memref<1x1x125xi32, #tpu.memory_space<vmem>>
      %dma_start3A_756 = tpu.memref_squeeze %dma_start3A_755 : memref<1x1x125xi32, #tpu.memory_space<vmem>> -> memref<125xi32, #tpu.memory_space<vmem>>
      %dma_start3A_757 = arith.constant 0 : i32
      %dma_start3A_758 = arith.constant 0 : i32
      %dma_start3A_759 = tpu.memref_slice %arg27[%dma_start3A_757, %dma_start3A_758] : memref<10000x128xf32, #tpu.memory_space<vmem_shared>> -> memref<10000x128xf32, #tpu.memory_space<vmem_shared>>
      tpu.enqueue_indirect_dma source(%arg14 : memref<125x128xf32, #tpu.memory_space<vmem>>) target(%dma_start3A_759 : memref<10000x128xf32, #tpu.memory_space<vmem_shared>>) offsets(%dma_start3A_756 : memref<125xi32, #tpu.memory_space<vmem>>) semaphore(%arg20 : memref<!tpu.dma_semaphore, #tpu.memory_space<semaphore_mem>>) {add = true}
      %convert_element_type3A_760 = arith.extui %gt3A_4 : i1 to i32
      %cond3A_761 = arith.constant 0 : i32
      %cond3A_762 = arith.cmpi ne, %convert_element_type3A_760, %cond3A_761 : i32
      scf.if %cond3A_762 {
        %dma_start3A_779 = arith.constant 1 : i32
        %dma_start3A_780 = arith.constant 7 : i32
        %dma_start3A_781 = arith.constant 0 : i32
        %dma_start3A_782 = tpu.memref_slice %arg12[%dma_start3A_779, %dma_start3A_780, %dma_start3A_781] : memref<2x8x125xi32, #tpu.memory_space<vmem>> -> memref<1x1x125xi32, #tpu.memory_space<vmem>>
        %dma_start3A_783 = tpu.memref_squeeze %dma_start3A_782 : memref<1x1x125xi32, #tpu.memory_space<vmem>> -> memref<125xi32, #tpu.memory_space<vmem>>
        %dma_start3A_784 = arith.constant 0 : i32
        %dma_start3A_785 = arith.constant 0 : i32
        %dma_start3A_786 = tpu.memref_slice %arg28[%dma_start3A_784, %dma_start3A_785] : memref<10000x16xf32, #tpu.memory_space<vmem_shared>> -> memref<10000x16xf32, #tpu.memory_space<vmem_shared>>
        tpu.enqueue_indirect_dma source(%arg15 : memref<125x16xf32, #tpu.memory_space<vmem>>) target(%dma_start3A_786 : memref<10000x16xf32, #tpu.memory_space<vmem_shared>>) offsets(%dma_start3A_783 : memref<125xi32, #tpu.memory_space<vmem>>) semaphore(%arg22 : memref<!tpu.dma_semaphore, #tpu.memory_space<semaphore_mem>>) {add = true}
      } else {
      }
      %dma_wait3A_763 = arith.constant 0 : i32
      %dma_wait3A_764 = arith.constant 0 : i32
      %dma_wait3A_765 = arith.constant 0 : i32
      %dma_wait3A_766 = tpu.memref_slice %arg12[%dma_wait3A_763, %dma_wait3A_764, %dma_wait3A_765] : memref<2x8x125xi32, #tpu.memory_space<vmem>> -> memref<1x1x125xi32, #tpu.memory_space<vmem>>
      %dma_wait3A_767 = tpu.memref_squeeze %dma_wait3A_766 : memref<1x1x125xi32, #tpu.memory_space<vmem>> -> memref<125xi32, #tpu.memory_space<vmem>>
      %dma_wait3A_768 = arith.constant 0 : i32
      %dma_wait3A_769 = arith.constant 0 : i32
      %dma_wait3A_770 = tpu.memref_slice %arg27[%dma_wait3A_768, %dma_wait3A_769] : memref<10000x128xf32, #tpu.memory_space<vmem_shared>> -> memref<10000x128xf32, #tpu.memory_space<vmem_shared>>
      tpu.wait_indirect_dma semaphore(%arg19 : memref<!tpu.dma_semaphore, #tpu.memory_space<semaphore_mem>>) src(%arg13 : memref<125x128xf32, #tpu.memory_space<vmem>>) dst(%dma_wait3A_770 : memref<10000x128xf32, #tpu.memory_space<vmem_shared>>)
      %convert_element_type3A_771 = arith.extui %gt3A_4 : i1 to i32
      %cond3A_772 = arith.constant 0 : i32
      %cond3A_773 = arith.cmpi ne, %convert_element_type3A_771, %cond3A_772 : i32
      scf.if %cond3A_773 {
        %dma_wait3A_779 = arith.constant 0 : i32
        %dma_wait3A_780 = arith.constant 0 : i32
        %dma_wait3A_781 = arith.constant 0 : i32
        %dma_wait3A_782 = tpu.memref_slice %arg12[%dma_wait3A_779, %dma_wait3A_780, %dma_wait3A_781] : memref<2x8x125xi32, #tpu.memory_space<vmem>> -> memref<1x1x125xi32, #tpu.memory_space<vmem>>
        %dma_wait3A_783 = tpu.memref_squeeze %dma_wait3A_782 : memref<1x1x125xi32, #tpu.memory_space<vmem>> -> memref<125xi32, #tpu.memory_space<vmem>>
        %dma_wait3A_784 = arith.constant 0 : i32
        %dma_wait3A_785 = arith.constant 0 : i32
        %dma_wait3A_786 = tpu.memref_slice %arg28[%dma_wait3A_784, %dma_wait3A_785] : memref<10000x16xf32, #tpu.memory_space<vmem_shared>> -> memref<10000x16xf32, #tpu.memory_space<vmem_shared>>
        tpu.wait_indirect_dma semaphore(%arg21 : memref<!tpu.dma_semaphore, #tpu.memory_space<semaphore_mem>>) src(%arg15 : memref<125x16xf32, #tpu.memory_space<vmem>>) dst(%dma_wait3A_786 : memref<10000x16xf32, #tpu.memory_space<vmem_shared>>)
      } else {
      }
      %lt3A_774 = arith.constant 4 : i32
      %lt3A_775 = arith.cmpi slt, %scan3A_106, %lt3A_774 : i32
      %convert_element_type3A_776 = arith.extui %lt3A_775 : i1 to i32
      %cond3A_777 = arith.constant 0 : i32
      %cond3A_778 = arith.cmpi ne, %convert_element_type3A_776, %cond3A_777 : i32
      scf.if %cond3A_778 {
        %dma_wait3A_779 = arith.constant 0 : i32
        %dma_wait3A_780 = arith.constant 0 : i32
        %dma_wait3A_781 = arith.constant 0 : i32
        %dma_wait3A_782 = tpu.memref_slice %arg11[%dma_wait3A_779, %dma_wait3A_780, %dma_wait3A_781] : memref<2x8x125xi32, #tpu.memory_space<vmem>> -> memref<1x8x125xi32, #tpu.memory_space<vmem>>
        %dma_wait3A_783 = tpu.memref_squeeze %dma_wait3A_782 : memref<1x8x125xi32, #tpu.memory_space<vmem>> -> memref<8x125xi32, #tpu.memory_space<vmem>>
        %dma_wait3A_784 = arith.constant 0 : i32
        %dma_wait3A_785 = arith.constant 0 : i32
        %dma_wait3A_786 = tpu.memref_slice %arg3[%arg0, %arg1, %dma_wait3A_784, %dma_wait3A_785] : memref<2x16x80x125xi32, #tpu.memory_space<hbm>> -> memref<1x1x8x125xi32, #tpu.memory_space<hbm>>
        %dma_wait3A_787 = tpu.memref_squeeze %dma_wait3A_786 : memref<1x1x8x125xi32, #tpu.memory_space<hbm>> -> memref<8x125xi32, #tpu.memory_space<hbm>>
        %dma_wait3A_788 = arith.constant 0 : i32
        %dma_wait3A_789 = arith.constant 0 : i32
        %dma_wait3A_790 = tpu.memref_slice %arg11[%dma_wait3A_779, %dma_wait3A_788, %dma_wait3A_789] : memref<2x8x125xi32, #tpu.memory_space<vmem>> -> memref<1x8x125xi32, #tpu.memory_space<vmem>>
        %dma_wait3A_791 = tpu.memref_squeeze %dma_wait3A_790 : memref<1x8x125xi32, #tpu.memory_space<vmem>> -> memref<8x125xi32, #tpu.memory_space<vmem>>
        %dma_wait3A_792 = arith.constant 0 : i32
        %dma_wait3A_793 = arith.constant 0 : i32
        %dma_wait3A_794 = tpu.memref_slice %arg3[%arg0, %arg1, %dma_wait3A_792, %dma_wait3A_793] : memref<2x16x80x125xi32, #tpu.memory_space<hbm>> -> memref<1x1x8x125xi32, #tpu.memory_space<hbm>>
        %dma_wait3A_795 = tpu.memref_squeeze %dma_wait3A_794 : memref<1x1x8x125xi32, #tpu.memory_space<hbm>> -> memref<8x125xi32, #tpu.memory_space<hbm>>
        tpu.wait_dma2 semaphore(%arg23 : memref<!tpu.dma_semaphore, #tpu.memory_space<semaphore_mem>>) src(%dma_wait3A_795 : memref<8x125xi32, #tpu.memory_space<hbm>>) dst(%dma_wait3A_791 : memref<8x125xi32, #tpu.memory_space<vmem>>)
        %dma_wait3A_796 = arith.constant 0 : i32
        %dma_wait3A_797 = arith.constant 0 : i32
        %dma_wait3A_798 = arith.constant 0 : i32
        %dma_wait3A_799 = tpu.memref_slice %arg12[%dma_wait3A_796, %dma_wait3A_797, %dma_wait3A_798] : memref<2x8x125xi32, #tpu.memory_space<vmem>> -> memref<1x8x125xi32, #tpu.memory_space<vmem>>
        %dma_wait3A_800 = tpu.memref_squeeze %dma_wait3A_799 : memref<1x8x125xi32, #tpu.memory_space<vmem>> -> memref<8x125xi32, #tpu.memory_space<vmem>>
        %dma_wait3A_801 = arith.constant 0 : i32
        %dma_wait3A_802 = arith.constant 0 : i32
        %dma_wait3A_803 = tpu.memref_slice %arg4[%arg0, %arg1, %dma_wait3A_801, %dma_wait3A_802] : memref<2x16x80x125xi32, #tpu.memory_space<hbm>> -> memref<1x1x8x125xi32, #tpu.memory_space<hbm>>
        %dma_wait3A_804 = tpu.memref_squeeze %dma_wait3A_803 : memref<1x1x8x125xi32, #tpu.memory_space<hbm>> -> memref<8x125xi32, #tpu.memory_space<hbm>>
        %dma_wait3A_805 = arith.constant 0 : i32
        %dma_wait3A_806 = arith.constant 0 : i32
        %dma_wait3A_807 = tpu.memref_slice %arg12[%dma_wait3A_796, %dma_wait3A_805, %dma_wait3A_806] : memref<2x8x125xi32, #tpu.memory_space<vmem>> -> memref<1x8x125xi32, #tpu.memory_space<vmem>>
        %dma_wait3A_808 = tpu.memref_squeeze %dma_wait3A_807 : memref<1x8x125xi32, #tpu.memory_space<vmem>> -> memref<8x125xi32, #tpu.memory_space<vmem>>
        %dma_wait3A_809 = arith.constant 0 : i32
        %dma_wait3A_810 = arith.constant 0 : i32
        %dma_wait3A_811 = tpu.memref_slice %arg4[%arg0, %arg1, %dma_wait3A_809, %dma_wait3A_810] : memref<2x16x80x125xi32, #tpu.memory_space<hbm>> -> memref<1x1x8x125xi32, #tpu.memory_space<hbm>>
        %dma_wait3A_812 = tpu.memref_squeeze %dma_wait3A_811 : memref<1x1x8x125xi32, #tpu.memory_space<hbm>> -> memref<8x125xi32, #tpu.memory_space<hbm>>
        tpu.wait_dma2 semaphore(%arg25 : memref<!tpu.dma_semaphore, #tpu.memory_space<semaphore_mem>>) src(%dma_wait3A_812 : memref<8x125xi32, #tpu.memory_space<hbm>>) dst(%dma_wait3A_808 : memref<8x125xi32, #tpu.memory_space<vmem>>)
        %dma_start3A_813 = arith.constant 0 : i32
        %dma_start3A_814 = arith.constant 0 : i32
        %dma_start3A_815 = arith.constant 0 : i32
        %dma_start3A_816 = tpu.memref_slice %arg11[%dma_start3A_813, %dma_start3A_814, %dma_start3A_815] : memref<2x8x125xi32, #tpu.memory_space<vmem>> -> memref<1x1x125xi32, #tpu.memory_space<vmem>>
        %dma_start3A_817 = tpu.memref_squeeze %dma_start3A_816 : memref<1x1x125xi32, #tpu.memory_space<vmem>> -> memref<125xi32, #tpu.memory_space<vmem>>
        %dma_start3A_818 = arith.constant 0 : i32
        %dma_start3A_819 = arith.constant 0 : i32
        %dma_start3A_820 = tpu.memref_slice %arg2[%dma_start3A_818, %dma_start3A_819] : memref<10000x128xf32, #tpu.memory_space<hbm>> -> memref<10000x128xf32, #tpu.memory_space<hbm>>
        tpu.enqueue_indirect_dma source(%dma_start3A_820 : memref<10000x128xf32, #tpu.memory_space<hbm>>) target(%arg13 : memref<125x128xf32, #tpu.memory_space<vmem>>) offsets(%dma_start3A_817 : memref<125xi32, #tpu.memory_space<vmem>>) semaphore(%arg17 : memref<!tpu.dma_semaphore, #tpu.memory_space<semaphore_mem>>)
      } else {
      }
    }
    %scan3A_89 = arith.constant 5 : i32
    %dma_wait3A_90 = arith.constant 0 : i32
    %dma_wait3A_91 = arith.constant 0 : i32
    %dma_wait3A_92 = arith.constant 0 : i32
    %dma_wait3A_93 = tpu.memref_slice %arg12[%dma_wait3A_90, %dma_wait3A_91, %dma_wait3A_92] : memref<2x8x125xi32, #tpu.memory_space<vmem>> -> memref<1x1x125xi32, #tpu.memory_space<vmem>>
    %dma_wait3A_94 = tpu.memref_squeeze %dma_wait3A_93 : memref<1x1x125xi32, #tpu.memory_space<vmem>> -> memref<125xi32, #tpu.memory_space<vmem>>
    %dma_wait3A_95 = arith.constant 0 : i32
    %dma_wait3A_96 = arith.constant 0 : i32
    %dma_wait3A_97 = tpu.memref_slice %arg27[%dma_wait3A_95, %dma_wait3A_96] : memref<10000x128xf32, #tpu.memory_space<vmem_shared>> -> memref<10000x128xf32, #tpu.memory_space<vmem_shared>>
    tpu.wait_indirect_dma semaphore(%arg20 : memref<!tpu.dma_semaphore, #tpu.memory_space<semaphore_mem>>) src(%arg14 : memref<125x128xf32, #tpu.memory_space<vmem>>) dst(%dma_wait3A_97 : memref<10000x128xf32, #tpu.memory_space<vmem_shared>>)
    %convert_element_type3A = arith.extui %gt3A_4 : i1 to i32
    %cond3A = arith.constant 0 : i32
    %cond3A_98 = arith.cmpi ne, %convert_element_type3A, %cond3A : i32
    scf.if %cond3A_98 {
      %dma_wait3A_106 = arith.constant 0 : i32
      %dma_wait3A_107 = arith.constant 0 : i32
      %dma_wait3A_108 = arith.constant 0 : i32
      %dma_wait3A_109 = tpu.memref_slice %arg12[%dma_wait3A_106, %dma_wait3A_107, %dma_wait3A_108] : memref<2x8x125xi32, #tpu.memory_space<vmem>> -> memref<1x1x125xi32, #tpu.memory_space<vmem>>
      %dma_wait3A_110 = tpu.memref_squeeze %dma_wait3A_109 : memref<1x1x125xi32, #tpu.memory_space<vmem>> -> memref<125xi32, #tpu.memory_space<vmem>>
      %dma_wait3A_111 = arith.constant 0 : i32
      %dma_wait3A_112 = arith.constant 0 : i32
      %dma_wait3A_113 = tpu.memref_slice %arg28[%dma_wait3A_111, %dma_wait3A_112] : memref<10000x16xf32, #tpu.memory_space<vmem_shared>> -> memref<10000x16xf32, #tpu.memory_space<vmem_shared>>
      tpu.wait_indirect_dma semaphore(%arg22 : memref<!tpu.dma_semaphore, #tpu.memory_space<semaphore_mem>>) src(%arg15 : memref<125x16xf32, #tpu.memory_space<vmem>>) dst(%dma_wait3A_113 : memref<10000x16xf32, #tpu.memory_space<vmem_shared>>)
    } else {
    }
    %barrier3A_99 = arith.constant 0 : index
    tpu.barrier barrier_id(%barrier3A_99)
    %scan3A_100 = arith.constant 0 : i32
    %scan3A_101 = arith.constant 0 : i32
    %scan3A_102 = arith.constant 5 : i32
    %scan3A_103 = arith.addi %scan3A_101, %scan3A_102 : i32
    %scan3A_104 = arith.constant 1 : i32
    scf.for %scan3A_106 = %scan3A_101 to %scan3A_103 step %scan3A_104  : i32 {
      %mul3A = arith.constant 625 : i32
      %mul3A_107 = arith.muli %arg1, %mul3A : i32
      %mul3A_108 = arith.constant 125 : i32
      %mul3A_109 = arith.muli %scan3A_106, %mul3A_108 : i32
      %add3A = arith.addi %mul3A_107, %mul3A_109 : i32
      "tpu.region"() ({
        %run_scoped3A = tpu.sem_alloc : memref<!tpu.dma_semaphore, #tpu.memory_space<semaphore_mem>>
        %dma_start3A_113 = arith.constant 0 : i32
        %dma_start3A_114 = tpu.memref_slice %arg9[%arg0, %add3A, %dma_start3A_113] : memref<2x10000x128xf32, #tpu.memory_space<hbm>> -> memref<1x125x128xf32, #tpu.memory_space<hbm>>
        %dma_start3A_115 = tpu.memref_squeeze %dma_start3A_114 : memref<1x125x128xf32, #tpu.memory_space<hbm>> -> memref<125x128xf32, #tpu.memory_space<hbm>>
        %dma_start3A_116 = arith.constant 0 : i32
        %dma_start3A_117 = tpu.memref_slice %arg27[%add3A, %dma_start3A_116] : memref<10000x128xf32, #tpu.memory_space<vmem_shared>> -> memref<125x128xf32, #tpu.memory_space<vmem_shared>>
        tpu.enqueue_dma source(%dma_start3A_117 : memref<125x128xf32, #tpu.memory_space<vmem_shared>>) target(%dma_start3A_115 : memref<125x128xf32, #tpu.memory_space<hbm>>) target_semaphore(%run_scoped3A : memref<!tpu.dma_semaphore, #tpu.memory_space<semaphore_mem>>)
        %dma_wait3A_118 = arith.constant 0 : i32
        %dma_wait3A_119 = tpu.memref_slice %arg9[%arg0, %add3A, %dma_wait3A_118] : memref<2x10000x128xf32, #tpu.memory_space<hbm>> -> memref<1x125x128xf32, #tpu.memory_space<hbm>>
        %dma_wait3A_120 = tpu.memref_squeeze %dma_wait3A_119 : memref<1x125x128xf32, #tpu.memory_space<hbm>> -> memref<125x128xf32, #tpu.memory_space<hbm>>
        %dma_wait3A_121 = arith.constant 0 : i32
        %dma_wait3A_122 = tpu.memref_slice %arg27[%add3A, %dma_wait3A_121] : memref<10000x128xf32, #tpu.memory_space<vmem_shared>> -> memref<125x128xf32, #tpu.memory_space<vmem_shared>>
        tpu.wait_dma2 semaphore(%run_scoped3A : memref<!tpu.dma_semaphore, #tpu.memory_space<semaphore_mem>>) src(%dma_wait3A_122 : memref<125x128xf32, #tpu.memory_space<vmem_shared>>) dst(%dma_wait3A_120 : memref<125x128xf32, #tpu.memory_space<hbm>>)
        tpu.yield
      }) : () -> ()
      %convert_element_type3A_110 = arith.extui %gt3A_4 : i1 to i32
      %cond3A_111 = arith.constant 0 : i32
      %cond3A_112 = arith.cmpi ne, %convert_element_type3A_110, %cond3A_111 : i32
      scf.if %cond3A_112 {
        "tpu.region"() ({
          %run_scoped3A = tpu.sem_alloc : memref<!tpu.dma_semaphore, #tpu.memory_space<semaphore_mem>>
          %dma_start3A_113 = arith.constant 0 : i32
          %dma_start3A_114 = tpu.memref_slice %arg10[%arg0, %add3A, %dma_start3A_113] : memref<2x10000x16xf32, #tpu.memory_space<hbm>> -> memref<1x125x16xf32, #tpu.memory_space<hbm>>
          %dma_start3A_115 = tpu.memref_squeeze %dma_start3A_114 : memref<1x125x16xf32, #tpu.memory_space<hbm>> -> memref<125x16xf32, #tpu.memory_space<hbm>>
          %dma_start3A_116 = arith.constant 0 : i32
          %dma_start3A_117 = tpu.memref_slice %arg28[%add3A, %dma_start3A_116] : memref<10000x16xf32, #tpu.memory_space<vmem_shared>> -> memref<125x16xf32, #tpu.memory_space<vmem_shared>>
          tpu.enqueue_dma source(%dma_start3A_117 : memref<125x16xf32, #tpu.memory_space<vmem_shared>>) target(%dma_start3A_115 : memref<125x16xf32, #tpu.memory_space<hbm>>) target_semaphore(%run_scoped3A : memref<!tpu.dma_semaphore, #tpu.memory_space<semaphore_mem>>)
          %dma_wait3A_118 = arith.constant 0 : i32
          %dma_wait3A_119 = tpu.memref_slice %arg10[%arg0, %add3A, %dma_wait3A_118] : memref<2x10000x16xf32, #tpu.memory_space<hbm>> -> memref<1x125x16xf32, #tpu.memory_space<hbm>>
          %dma_wait3A_120 = tpu.memref_squeeze %dma_wait3A_119 : memref<1x125x16xf32, #tpu.memory_space<hbm>> -> memref<125x16xf32, #tpu.memory_space<hbm>>
          %dma_wait3A_121 = arith.constant 0 : i32
          %dma_wait3A_122 = tpu.memref_slice %arg28[%add3A, %dma_wait3A_121] : memref<10000x16xf32, #tpu.memory_space<vmem_shared>> -> memref<125x16xf32, #tpu.memory_space<vmem_shared>>
          tpu.wait_dma2 semaphore(%run_scoped3A : memref<!tpu.dma_semaphore, #tpu.memory_space<semaphore_mem>>) src(%dma_wait3A_122 : memref<125x16xf32, #tpu.memory_space<vmem_shared>>) dst(%dma_wait3A_120 : memref<125x16xf32, #tpu.memory_space<hbm>>)
          tpu.yield
        }) : () -> ()
      } else {
      }
    }
    %scan3A_105 = arith.constant 5 : i32
    return
  }
}

module attributes {stable_mosaic.version = 14 : i64} {
  func.func @_wcomb_body(%arg0: memref<128x128xf32, #tpu.memory_space<vmem>>, %arg1: memref<128x128xf32, #tpu.memory_space<vmem>>, %arg2: memref<128xf32, #tpu.memory_space<vmem>>, %arg3: memref<128x128xf32, #tpu.memory_space<vmem>>, %arg4: memref<128xf32, #tpu.memory_space<vmem>>) attributes {dimension_semantics = [], scalar_prefetch = 0 : i64, scratch_operands = 0 : i64, tpu.core_type = #tpu.core_type<tc>} {
    %get3A = arith.constant 0 : index
    %get3A_0 = arith.constant 0 : index
    %get3A_1 = vector.load %arg0[%get3A, %get3A_0] : memref<128x128xf32, #tpu.memory_space<vmem>>, vector<128x128xf32>
    %get3A_2 = arith.constant 0 : index
    %get3A_3 = arith.constant 0 : index
    %get3A_4 = vector.load %arg1[%get3A_2, %get3A_3] : memref<128x128xf32, #tpu.memory_space<vmem>>, vector<128x128xf32>
    %dot_general3A = arith.constant dense<0.000000e+00> : vector<128x128xf32>
    %dot_general3A_5 = tpu.matmul %get3A_1, %get3A_4, %dot_general3A {dimension_numbers = #tpu.dot_dimension_numbers<[1], [0], [0], [1], [0, 0, 1, 1], [], []>, transpose_lhs_hint = false} : vector<128x128xf32>, vector<128x128xf32>, vector<128x128xf32> -> vector<128x128xf32>
    %swap3A = arith.constant 0 : index
    %swap3A_6 = arith.constant 0 : index
    %swap3A_7 = vector.load %arg3[%swap3A, %swap3A_6] : memref<128x128xf32, #tpu.memory_space<vmem>>, vector<128x128xf32>
    tpu.vector_store %arg3[%swap3A, %swap3A_6], %dot_general3A_5 {strides = array<i32>} : memref<128x128xf32, #tpu.memory_space<vmem>>, vector<128x128xf32>,
    %get3A_8 = arith.constant 0 : index
    %get3A_9 = vector.load %arg2[%get3A_8] : memref<128xf32, #tpu.memory_space<vmem>>, vector<128xf32>
    %broadcast_in_dim3A = vector.shape_cast %get3A_9 : vector<128xf32> to vector<1x128xf32>
    %get3A_10 = arith.constant 0 : index
    %get3A_11 = arith.constant 0 : index
    %get3A_12 = vector.load %arg1[%get3A_10, %get3A_11] : memref<128x128xf32, #tpu.memory_space<vmem>>, vector<128x128xf32>
    %dot_general3A_13 = arith.constant dense<0.000000e+00> : vector<1x128xf32>
    %dot_general3A_14 = tpu.matmul %broadcast_in_dim3A, %get3A_12, %dot_general3A_13 {dimension_numbers = #tpu.dot_dimension_numbers<[1], [0], [0], [1], [0, 0, 1, 1], [], []>, transpose_lhs_hint = false} : vector<1x128xf32>, vector<128x128xf32>, vector<1x128xf32> -> vector<1x128xf32>
    %squeeze3A = vector.shape_cast %dot_general3A_14 : vector<1x128xf32> to vector<128xf32>
    %swap3A_15 = arith.constant 0 : index
    %swap3A_16 = vector.load %arg4[%swap3A_15] : memref<128xf32, #tpu.memory_space<vmem>>, vector<128xf32>
    tpu.vector_store %arg4[%swap3A_15], %squeeze3A {strides = array<i32>} : memref<128xf32, #tpu.memory_space<vmem>>, vector<128xf32>,
    return
  }
}

module attributes {stable_mosaic.version = 14 : i64} {
  func.func @_comb_gemm_body(%arg0: i32, %arg1: memref<2x1000x128xf32, #tpu.memory_space<vmem>>, %arg2: memref<2x1000x16xf32, #tpu.memory_space<vmem>>, %arg3: memref<128x128xf32, #tpu.memory_space<vmem>>, %arg4: memref<128xf32, #tpu.memory_space<vmem>>, %arg5: memref<128xf32, #tpu.memory_space<vmem>>, %arg6: memref<1000x128xf32, #tpu.memory_space<vmem>>) attributes {dimension_semantics = [#tpu.dimension_semantics<arbitrary>], iteration_bounds = array<i64: 10>, scalar_prefetch = 0 : i64, scratch_operands = 0 : i64, tpu.core_type = #tpu.core_type<tc>, window_params = [{transform_indices = @transform_0, window_bounds = array<i64: 2, 1000, 128>}, {transform_indices = @transform_1, window_bounds = array<i64: 2, 1000, 16>}, {pipeline_mode = #tpu.pipeline_mode<synchronous>, transform_indices = @transform_2, window_bounds = array<i64: 128, 128>}, {pipeline_mode = #tpu.pipeline_mode<synchronous>, transform_indices = @transform_3, window_bounds = array<i64: 128>}, {pipeline_mode = #tpu.pipeline_mode<synchronous>, transform_indices = @transform_4, window_bounds = array<i64: 128>}, {transform_indices = @transform_5, window_bounds = array<i64: 1000, 128>}]} {
    %get3A = arith.constant 0 : index
    %get3A_0 = arith.constant 0 : index
    %get3A_1 = arith.constant 0 : index
    %get3A_2 = vector.load %arg2[%get3A, %get3A_0, %get3A_1] : memref<2x1000x16xf32, #tpu.memory_space<vmem>>, vector<1x1000x16xf32>
    %get3A_3 = vector.shape_cast %get3A_2 : vector<1x1000x16xf32> to vector<1000x16xf32>
    %get3A_4 = arith.constant 1 : index
    %get3A_5 = arith.constant 0 : index
    %get3A_6 = arith.constant 0 : index
    %get3A_7 = vector.load %arg2[%get3A_4, %get3A_5, %get3A_6] : memref<2x1000x16xf32, #tpu.memory_space<vmem>>, vector<1x1000x16xf32>
    %get3A_8 = vector.shape_cast %get3A_7 : vector<1x1000x16xf32> to vector<1000x16xf32>
    %add3A = arith.addf %get3A_3, %get3A_8 : vector<1000x16xf32>
    %reduce_sum3A = arith.constant dense<0.000000e+00> : vector<1000xf32>
    %reduce_sum3A_9 = vector.multi_reduction <add>, %add3A, %reduce_sum3A [1] : vector<1000x16xf32> to vector<1000xf32>
    %broadcast_in_dim3A = vector.shape_cast %reduce_sum3A_9 : vector<1000xf32> to vector<1000x1xf32>
    %div3A = arith.constant 1.600000e+01 : f32
    %div3A_10 = vector.broadcast %div3A : f32 to vector<1000x1xf32>
    %div3A_11 = arith.divf %broadcast_in_dim3A, %div3A_10 : vector<1000x1xf32>
    %get3A_12 = arith.constant 0 : index
    %get3A_13 = arith.constant 0 : index
    %get3A_14 = arith.constant 0 : index
    %get3A_15 = vector.load %arg1[%get3A_12, %get3A_13, %get3A_14] : memref<2x1000x128xf32, #tpu.memory_space<vmem>>, vector<1x1000x128xf32>
    %get3A_16 = vector.shape_cast %get3A_15 : vector<1x1000x128xf32> to vector<1000x128xf32>
    %get3A_17 = arith.constant 1 : index
    %get3A_18 = arith.constant 0 : index
    %get3A_19 = arith.constant 0 : index
    %get3A_20 = vector.load %arg1[%get3A_17, %get3A_18, %get3A_19] : memref<2x1000x128xf32, #tpu.memory_space<vmem>>, vector<1x1000x128xf32>
    %get3A_21 = vector.shape_cast %get3A_20 : vector<1x1000x128xf32> to vector<1000x128xf32>
    %add3A_22 = arith.addf %get3A_16, %get3A_21 : vector<1000x128xf32>
    %max3A = arith.constant 1.000000e+00 : f32
    %max3A_23 = vector.broadcast %max3A : f32 to vector<1000x1xf32>
    %max3A_24 = arith.maximumf %div3A_11, %max3A_23 : vector<1000x1xf32>
    %div3A_25 = vector.broadcast %max3A_24 : vector<1000x1xf32> to vector<1000x128xf32>
    %div3A_26 = arith.divf %add3A_22, %div3A_25 : vector<1000x128xf32>
    %gt3A = arith.constant 0.000000e+00 : f32
    %gt3A_27 = vector.broadcast %gt3A : f32 to vector<1000x1xf32>
    %gt3A_28 = arith.cmpf ogt, %div3A_11, %gt3A_27 : vector<1000x1xf32>
    %jit3A = arith.constant 1.000000e+00 : f32
    %jit3A_29 = arith.constant 0.000000e+00 : f32
    %broadcast_in_dim3A_30 = vector.broadcast %jit3A : f32 to vector<1000x1xf32>
    %broadcast_in_dim3A_31 = vector.broadcast %jit3A_29 : f32 to vector<1000x1xf32>
    %select_n3A = arith.select %gt3A_28, %broadcast_in_dim3A_30, %broadcast_in_dim3A_31 : vector<1000x1xi1>, vector<1000x1xf32>
    %get3A_32 = arith.constant 0 : index
    %get3A_33 = arith.constant 0 : index
    %get3A_34 = vector.load %arg3[%get3A_32, %get3A_33] : memref<128x128xf32, #tpu.memory_space<vmem>>, vector<128x128xf32>
    %dot_general3A = arith.constant dense<0.000000e+00> : vector<1000x128xf32>
    %dot_general3A_35 = tpu.matmul %div3A_26, %get3A_34, %dot_general3A {dimension_numbers = #tpu.dot_dimension_numbers<[1], [0], [0], [1], [0, 0, 1, 1], [], []>, transpose_lhs_hint = false} : vector<1000x128xf32>, vector<128x128xf32>, vector<1000x128xf32> -> vector<1000x128xf32>
    %get3A_36 = arith.constant 0 : index
    %get3A_37 = vector.load %arg4[%get3A_36] : memref<128xf32, #tpu.memory_space<vmem>>, vector<128xf32>
    %broadcast_in_dim3A_38 = vector.shape_cast %get3A_37 : vector<128xf32> to vector<1x128xf32>
    %mul3A = vector.broadcast %select_n3A : vector<1000x1xf32> to vector<1000x128xf32>
    %mul3A_39 = vector.broadcast %broadcast_in_dim3A_38 : vector<1x128xf32> to vector<1000x128xf32>
    %mul3A_40 = arith.mulf %mul3A, %mul3A_39 : vector<1000x128xf32>
    %add3A_41 = arith.addf %dot_general3A_35, %mul3A_40 : vector<1000x128xf32>
    %get3A_42 = arith.constant 0 : index
    %get3A_43 = vector.load %arg5[%get3A_42] : memref<128xf32, #tpu.memory_space<vmem>>, vector<128xf32>
    %broadcast_in_dim3A_44 = vector.shape_cast %get3A_43 : vector<128xf32> to vector<1x128xf32>
    %add3A_45 = vector.broadcast %broadcast_in_dim3A_44 : vector<1x128xf32> to vector<1000x128xf32>
    %add3A_46 = arith.addf %add3A_41, %add3A_45 : vector<1000x128xf32>
    %swap3A = arith.constant 0 : index
    %swap3A_47 = arith.constant 0 : index
    %swap3A_48 = vector.load %arg6[%swap3A, %swap3A_47] : memref<1000x128xf32, #tpu.memory_space<vmem>>, vector<1000x128xf32>
    tpu.vector_store %arg6[%swap3A, %swap3A_47], %add3A_46 {strides = array<i32>} : memref<1000x128xf32, #tpu.memory_space<vmem>>, vector<1000x128xf32>,
    return
  }
  func.func @transform_0(%arg0: i32) -> (i32, i32, i32) {
    %c0_i32 = arith.constant 0 : i32
    %c0_i32_0 = arith.constant 0 : i32
    %c0_i32_1 = arith.constant 0 : i32
    return %c0_i32, %arg0, %c0_i32_0 : i32, i32, i32
  }
  func.func @transform_1(%arg0: i32) -> (i32, i32, i32) {
    %c0_i32 = arith.constant 0 : i32
    %c0_i32_0 = arith.constant 0 : i32
    %c0_i32_1 = arith.constant 0 : i32
    return %c0_i32, %arg0, %c0_i32_0 : i32, i32, i32
  }
  func.func @transform_2(%arg0: i32) -> (i32, i32) {
    %c0_i32 = arith.constant 0 : i32
    %c0_i32_0 = arith.constant 0 : i32
    %c0_i32_1 = arith.constant 0 : i32
    return %c0_i32, %c0_i32_0 : i32, i32
  }
  func.func @transform_3(%arg0: i32) -> i32 {
    %c0_i32 = arith.constant 0 : i32
    %c0_i32_0 = arith.constant 0 : i32
    return %c0_i32 : i32
  }
  func.func @transform_4(%arg0: i32) -> i32 {
    %c0_i32 = arith.constant 0 : i32
    %c0_i32_0 = arith.constant 0 : i32
    return %c0_i32 : i32
  }
  func.func @transform_5(%arg0: i32) -> (i32, i32) {
    %c0_i32 = arith.constant 0 : i32
    %c0_i32_0 = arith.constant 0 : i32
    return %arg0, %c0_i32 : i32, i32
  }
}

module attributes {stable_mosaic.version = 14 : i64} {
  func.func @_comb_body(%arg0: i32, %arg1: memref<2x1000x128xf32, #tpu.memory_space<vmem>>, %arg2: memref<2x1000x16xf32, #tpu.memory_space<vmem>>, %arg3: memref<1000x128xf32, #tpu.memory_space<vmem>>) attributes {dimension_semantics = [#tpu.dimension_semantics<arbitrary>], iteration_bounds = array<i64: 10>, scalar_prefetch = 0 : i64, scratch_operands = 0 : i64, tpu.core_type = #tpu.core_type<tc>, window_params = [{transform_indices = @transform_0, window_bounds = array<i64: 2, 1000, 128>}, {transform_indices = @transform_1, window_bounds = array<i64: 2, 1000, 16>}, {transform_indices = @transform_2, window_bounds = array<i64: 1000, 128>}]} {
    %get3A = arith.constant 0 : index
    %get3A_0 = arith.constant 0 : index
    %get3A_1 = arith.constant 0 : index
    %get3A_2 = vector.load %arg1[%get3A, %get3A_0, %get3A_1] : memref<2x1000x128xf32, #tpu.memory_space<vmem>>, vector<1x1000x128xf32>
    %get3A_3 = vector.shape_cast %get3A_2 : vector<1x1000x128xf32> to vector<1000x128xf32>
    %get3A_4 = arith.constant 1 : index
    %get3A_5 = arith.constant 0 : index
    %get3A_6 = arith.constant 0 : index
    %get3A_7 = vector.load %arg1[%get3A_4, %get3A_5, %get3A_6] : memref<2x1000x128xf32, #tpu.memory_space<vmem>>, vector<1x1000x128xf32>
    %get3A_8 = vector.shape_cast %get3A_7 : vector<1x1000x128xf32> to vector<1000x128xf32>
    %add3A = arith.addf %get3A_3, %get3A_8 : vector<1000x128xf32>
    %get3A_9 = arith.constant 0 : index
    %get3A_10 = arith.constant 0 : index
    %get3A_11 = arith.constant 0 : index
    %get3A_12 = vector.load %arg2[%get3A_9, %get3A_10, %get3A_11] : memref<2x1000x16xf32, #tpu.memory_space<vmem>>, vector<1x1000x16xf32>
    %get3A_13 = vector.shape_cast %get3A_12 : vector<1x1000x16xf32> to vector<1000x16xf32>
    %get3A_14 = arith.constant 1 : index
    %get3A_15 = arith.constant 0 : index
    %get3A_16 = arith.constant 0 : index
    %get3A_17 = vector.load %arg2[%get3A_14, %get3A_15, %get3A_16] : memref<2x1000x16xf32, #tpu.memory_space<vmem>>, vector<1x1000x16xf32>
    %get3A_18 = vector.shape_cast %get3A_17 : vector<1x1000x16xf32> to vector<1000x16xf32>
    %add3A_19 = arith.addf %get3A_13, %get3A_18 : vector<1000x16xf32>
    %reduce_sum3A = arith.constant dense<0.000000e+00> : vector<1000xf32>
    %reduce_sum3A_20 = vector.multi_reduction <add>, %add3A_19, %reduce_sum3A [1] : vector<1000x16xf32> to vector<1000xf32>
    %broadcast_in_dim3A = vector.shape_cast %reduce_sum3A_20 : vector<1000xf32> to vector<1000x1xf32>
    %div3A = arith.constant 1.600000e+01 : f32
    %div3A_21 = vector.broadcast %div3A : f32 to vector<1000x1xf32>
    %div3A_22 = arith.divf %broadcast_in_dim3A, %div3A_21 : vector<1000x1xf32>
    %max3A = arith.constant 1.000000e+00 : f32
    %max3A_23 = vector.broadcast %max3A : f32 to vector<1000x1xf32>
    %max3A_24 = arith.maximumf %div3A_22, %max3A_23 : vector<1000x1xf32>
    %div3A_25 = vector.broadcast %max3A_24 : vector<1000x1xf32> to vector<1000x128xf32>
    %div3A_26 = arith.divf %add3A, %div3A_25 : vector<1000x128xf32>
    %swap3A = arith.constant 0 : index
    %swap3A_27 = arith.constant 0 : index
    %swap3A_28 = vector.load %arg3[%swap3A, %swap3A_27] : memref<1000x128xf32, #tpu.memory_space<vmem>>, vector<1000x128xf32>
    tpu.vector_store %arg3[%swap3A, %swap3A_27], %div3A_26 {strides = array<i32>} : memref<1000x128xf32, #tpu.memory_space<vmem>>, vector<1000x128xf32>,
    return
  }
  func.func @transform_0(%arg0: i32) -> (i32, i32, i32) {
    %c0_i32 = arith.constant 0 : i32
    %c0_i32_0 = arith.constant 0 : i32
    %c0_i32_1 = arith.constant 0 : i32
    return %c0_i32, %arg0, %c0_i32_0 : i32, i32, i32
  }
  func.func @transform_1(%arg0: i32) -> (i32, i32, i32) {
    %c0_i32 = arith.constant 0 : i32
    %c0_i32_0 = arith.constant 0 : i32
    %c0_i32_1 = arith.constant 0 : i32
    return %c0_i32, %arg0, %c0_i32_0 : i32, i32, i32
  }
  func.func @transform_2(%arg0: i32) -> (i32, i32) {
    %c0_i32 = arith.constant 0 : i32
    %c0_i32_0 = arith.constant 0 : i32
    return %arg0, %c0_i32 : i32, i32
  }
}

</mosaic_0001>

<sc_bundles>
// kernel: kernel.10.cloned.1.call-start
scs
__scs_entry_jumppad:
0x0: {  	(pc) =	sbr.rel $0x88, $3  }
0x1: {  	(tag) =	ssettag $0x0;
	lr =	simm.s32 $0x1  }
0x2: {  	[smem:$0x3F9B] =	sst lr;
	_ =	strace $0xD0000000  }
0x3: {  	_ = 	snop  }
0x4: {  	_ = 	snop  }
0x5: {  	_ = 	snop  }
0x6: {  	_ = 	snop  }
0x7: {  	_ = 	snop  }
__scs_overlays_trampoline_lowered:
0x8: {  	[smem:$0x3FAA] =	sst s0  }
0x9: {  	[smem:$0x3FAB] =	sst s1  }
0xa: {  	[smem:$0x3FAC] =	sst s2  }
0xb: {  	[smem:$0x3FAD] =	sst s3  }
0xc: {  	[smem:$0x3FAE] =	sst s4  }
0xd: {  	[smem:$0x3FAF] =	sst s5  }
0xe: {  	[smem:$0x3FB0] =	sst s6  }
0xf: {  	[smem:$0x3FB1] =	sst s7  }
0x10: {  	[smem:$0x3FB2] =	sst s8  }
0x11: {  	[smem:$0x3FB3] =	sst s9;
	s0 =	simm.s32 @!p0 $0x0  }
0x12: {  	s1 =	sld [smem:$0x3F99];
	s0 =	simm.s32 @p0 $0x1  }
0x13: {  	[smem:$0x3FB4] =	sst s0;
	s0 =	simm.s32 @!p1 $0x0  }
0x14: {  	s2 =	sld [smem:$0x3F98];
	s0 =	simm.s32 @p1 $0x1  }
0x15: {  	[smem:$0x3FB5] =	sst s0;
	s0 =	simm.s32 @!p2 $0x0  }
0x16: {  	s3 =	sld [smem:$0x3FDB];
	s0 =	simm.s32 @p2 $0x1  }
0x17: {  	s4 =	simm.s32 $0x1BF5;
	[smem:$0x3FB7] =	sst s0  }
0x18: {  	s0 =	sld [smem:$0x3F9A];
	_ =	swait.ge [sflag:s4], $0x0  }
0x19: {  	s7 =	sld [smem:$0x3F9B]  }
0x1a: {  	s8 =	sadd.s32 $0xFFFFE003, lr  }
0x1b: {  	s9 =	sadd.s32 $0xFFFFFEF7, lr;
	s5 =	simm.s32 $0xFFFFFFFF;
	p2 =	slt.u32 s8, $0xFFFFF086  }
0x1c: {  	p1 =	slt.u32 s9, $0xF7A;
	s5 =	simm.s32 @!p2 $0x0  }
0x1d: {  	s5 =	simm.s32 @p1 $0x1;
	p0 =	seq.s32 s7, s2  }
0x1e: {  	s7 =	smul.u32 @!p0 $0xF7A, s2;
	p2 =	seq.s32 @!p0 s5, $0x0  }
0x1f: {  	s9 =	smul.u32 $0xF7A, s1;
	s8 =	simm.s32 @!p0 $0x1BF5;
	p2 =	por !p2, p0  }
0x20: {  	[sflag:s8] =	ssyncset.s32 @!p0 $0xFFFFF086;
	s6 =	sadd.s32 @!p0 s3, s7;
	s7 =	simm.s32 @!p0 $0x108  }
0x21: {  	s3 =	sadd.s32 s3, s9;
	s6 =	sadd.s32 @!p0 $0x88, s6;
	s7 =	simm.s32 @p2 $0x1082  }
0x22: {  	[simem:s7], [sflag:s8] =	dma.local @!p0 [hbm:s6], $0xF7A  }
0x23: {  	s9 =	sor.u32 $0xD0000000, s2;
	s6 =	simm.s32 $0x108;
	_ =	swait.ge @!p0 [sflag:s8], $0x0  }
0x24: {  	s3 =	sadd.s32 $0x88, s3;
	s6 =	simm.s32 @!p1 $0x1082;
	[sflag:s4] =	ssyncset.s32 $0xFFFFF086  }
0x25: {  	[simem:s6], [sflag:s4] =	dma.local [hbm:s3], $0xF7A  }
0x26: {  	[smem:$0x3F9B] =	sst s1;
	(tag) =	ssettag s2;
	_ =	strace s9  }
0x27: {  	s1 =	sld [smem:$0x3FAB]  }
0x28: {  	s2 =	sld [smem:$0x3FAC]  }
0x29: {  	s4 =	sld [smem:$0x3FAE]  }
0x2a: {  	p0 =	seq.s32 s5, $0x0;
	s5 =	sld [smem:$0x3FAF]  }
0x2b: {  	s6 =	sld [smem:$0x3FB0]  }
0x2c: {  	s7 =	sld [smem:$0x3FB1]  }
0x2d: {  	s3 =	simm.s32 $0x108;
	s8 =	sld [smem:$0x3FB2]  }
0x2e: {  	s3 =	simm.s32 @!p0 $0x1082;
	s9 =	sld [smem:$0x3FB3]  }
0x2f: {  	lr =	sadd.s32 s0, s3;
	s0 =	sld [smem:$0x3FAA]  }
0x30: {  	s3 =	sld [smem:$0x3FAD]  }
0x31: {  	[smem:$0x3FB6] =	sst s10  }
0x32: {  	s10 =	sld [smem:$0x3FB4];
	_ =	sdelay $0x3  }
0x33: {  	p0 =	seq.s32 s10, $0x1;
	s10 =	sld [smem:$0x3FB6];
	_ =	sdelay $0x3  }
0x34: {  	[smem:$0x3FB6] =	sst s10  }
0x35: {  	s10 =	sld [smem:$0x3FB5];
	_ =	sdelay $0x3  }
0x36: {  	p1 =	seq.s32 s10, $0x1;
	s10 =	sld [smem:$0x3FB6];
	_ =	sdelay $0x3  }
0x37: {  	[smem:$0x3FB6] =	sst s10  }
0x38: {  	s10 =	sld [smem:$0x3FB7]  }
0x39: {  	_ = 	snop;
	(pc) =	sbr.ind lr, $3  }
0x3a: {  	_ = 	snop  }
0x3b: {  	_ = 	snop  }
0x3c: {  	p2 =	seq.s32 s10, $0x1;
	s10 =	sld [smem:$0x3FB6]  }
0x3d: {  	_ =	shalt  }
0x3e: {  	_ =	shalt  }
0x3f: {  	_ =	shalt  }
0x40: {  	_ =	shalt  }
0x41: {  	_ =	shalt  }
0x42: {  	_ =	shalt  }
0x43: {  	_ =	shalt  }
0x44: {  	_ =	shalt  }
0x45: {  	_ =	shalt  }
0x46: {  	_ =	shalt  }
0x47: {  	_ =	shalt  }
0x48: {  	_ =	shalt  }
0x49: {  	_ =	shalt  }
0x4a: {  	_ =	shalt  }
0x4b: {  	_ =	shalt  }
0x4c: {  	_ =	shalt  }
0x4d: {  	_ =	shalt  }
0x4e: {  	_ =	shalt  }
0x4f: {  	_ =	shalt  }
0x50: {  	_ =	shalt  }
0x51: {  	_ =	shalt  }
0x52: {  	_ =	shalt  }
0x53: {  	_ =	shalt  }
0x54: {  	_ =	shalt  }
0x55: {  	_ =	shalt  }
0x56: {  	_ =	shalt  }
0x57: {  	_ =	shalt  }
0x58: {  	_ =	shalt  }
0x59: {  	_ =	shalt  }
0x5a: {  	_ =	shalt  }
0x5b: {  	_ =	shalt  }
0x5c: {  	_ =	shalt  }
0x5d: {  	_ =	shalt  }
0x5e: {  	_ =	shalt  }
0x5f: {  	_ =	shalt  }
0x60: {  	_ =	shalt  }
0x61: {  	_ =	shalt  }
0x62: {  	_ =	shalt  }
0x63: {  	_ =	shalt  }
0x64: {  	_ =	shalt  }
0x65: {  	_ =	shalt  }
0x66: {  	_ =	shalt  }
0x67: {  	_ =	shalt  }
0x68: {  	_ =	shalt  }
0x69: {  	_ =	shalt  }
0x6a: {  	_ =	shalt  }
0x6b: {  	_ =	shalt  }
0x6c: {  	_ =	shalt  }
0x6d: {  	_ =	shalt  }
0x6e: {  	_ =	shalt  }
0x6f: {  	_ =	shalt  }
0x70: {  	_ =	shalt  }
0x71: {  	_ =	shalt  }
0x72: {  	_ =	shalt  }
0x73: {  	_ =	shalt  }
0x74: {  	_ =	shalt  }
0x75: {  	_ =	shalt  }
0x76: {  	_ =	shalt  }
0x77: {  	_ =	shalt  }
0x78: {  	_ =	shalt  }
0x79: {  	_ =	shalt  }
0x7a: {  	_ =	shalt  }
0x7b: {  	_ =	shalt  }
0x7c: {  	_ =	shalt  }
0x7d: {  	_ =	shalt  }
0x7e: {  	_ =	shalt  }
0x7f: {  	_ =	shalt  }
0x80: {  	_ =	shalt  }
0x81: {  	_ =	shalt  }
0x82: {  	_ =	shalt  }
0x83: {  	_ =	shalt  }
0x84: {  	_ =	shalt  }
0x85: {  	_ =	shalt  }
0x86: {  	_ =	shalt  }
0x87: {  	_ =	shalt  }
.Lfunc_end0:
.L_simem_size_0:
called_computation.1_lowered:
.L_overlay_start_0:
0x88: {  	s2 =	sld [smem:$0x3FD9]  }
0x89: {  	s3 =	sld [smem:$0x3FFE];
	_ =	sdelay $0x1  }
0x8a: {  	s1 =	srdreg.scid  }
0x8b: {  	s0 =	sand.u32 $0x1, s1  }
0x8c: {  	s17 =	sshll.u32 s0, $0xA;
	s2 =	sadd.s32 s3, s2  }
0x8d: {  	s2 =	sadd.s32 s2, s17  }
0x8e: {  	[smem:$0x3FC2] =	sst s2  }
0x8f: {  	_ = 	snop  }
0x90: {  	s2 =	sld [smem:$0x3FD0];
	(tm) =	ssettm $0x1  }
0x91: {  	s18 =	sld [smem:$0x3FFB];
	_ =	sdelay $0x3  }
0x92: {  	_ =	strace s18  }
0x93: {  	s3 =	sld [smem:$0x3FFC];
	_ =	sdelay $0x3  }
0x94: {  	_ =	strace s3  }
0x95: {  	s3 =	sld [smem:$0x3FFD];
	_ =	sdelay $0x3  }
0x96: {  	_ =	strace s3  }
0x97: {  	_ =	strace $0x8FFFFFFF  }
0x98: {  	s19 =	sld [smem:$0x3FDB];
	_ =	sdelay $0x1  }
0x99: {  	s4 =	simm.s32 $_scs_section_size  }
0x9a: {  	s5 =	simm.s32 $_size__tile_overlayer_lowered;
	s6 =	simm.s32 $_tile_overlayer_lowered  }
0x9b: {  	s22 =	simm.s32 $0x1BFF;
	s21 =	sshll.u32 s6, $0x1;
	s3 =	sadd.s32 s4, s19  }
0x9c: {  	s7 =	simm.s32 $0x0;
	s20 =	sshll.u32 s5, $0x1;
	s5 =	sadd.s32 s21, s3  }
0x9d: {  	[timem:s7], [sflag:s22] =	dma.local [hbm:s5], s20  }
0x9e: {  	_ =	swait.ge [sflag:s22], s20  }
0x9f: {  	s4 =	ssub.s32 $0x0, s20;
	[sflag:s22] =	ssyncset.done $0x0  }
0xa0: {  	[sflag:s22] =	ssyncadd.s32 s4;
	_ =	sdelay $0x1  }
0xa1: {  	s23 =	simm.s32 $0x1B8B  }
0xa2: {  	_ =	swait.ge [sflag:s23], $0x1  }
0xa3: {  	[sflag:s23] =	ssyncset.done $0x0  }
0xa4: {  	s25 =	simm.s32 $0x1B8E;
	s24 =	sld [smem:$0x3FFE];
	[sflag:s23] =	ssyncadd.s32 $0xFFFFFFFF  }
0xa5: {  	s26 =	simm.s32 $execute0_lowered;
	[smem:$0x3FD2] =	sst s25  }
0xa6: {  	s5 =	sshll.u32 s26, $0x1;
	_ =	strace $0x80000049;
	[dreg:$0x1] =	wrdreg $0xFFFFFFFF  }
0xa7: {  	s28 =	simm.s32 $_size_execute0_lowered;
	s3 =	sadd.s32 s3, s5;
	[dreg:$0x0] =	wrdreg $0x0  }
0xa8: {  	s5 =	sshll.u32 s28, $0x1;
	[dreg:$0x2] =	wrdreg s3  }
0xa9: {  	[dreg:$0x3] =	wrdreg s5  }
0xaa: {  	[dreg:$0x4] =	wrdreg $0xC0  }
0xab: {  	_ =	task [dreg:s7], $0x5FFFF  }
0xac: {  	[dreg:$0x1] =	wrdreg $0xFFFFFFFF  }
0xad: {  	[dreg:$0x0] =	wrdreg $0x60  }
0xae: {  	[dreg:$0x2] =	wrdreg s2  }
0xaf: {  	[dreg:$0x3] =	wrdreg s24  }
0xb0: {  	[dreg:$0x4] =	wrdreg $0x94E00  }
0xb1: {  	[dreg:$0x5] =	wrdreg $0x1CD600  }
0xb2: {  	[dreg:$0x6] =	wrdreg $0x9  }
0xb3: {  	_ =	task.clear_ibuf [dreg:s7], $0x7FFFF;
	_ =	strace $0x90000049  }
0xb4: {  	s29 =	simm.s32 $0x9;
	_ =	strace $0x8000004B  }
0xb5: {  	_ =	swait.ge [sflag:s29], $0x1  }
0xb6: {  	[sflag:s29] =	ssyncadd.s32 $0xFFFFFFFF  }
0xb7: {  	_ =	strace $0x9000004B  }
0xb8: {  	_ =	sfence  }
0xb9: {  	s30 =	sld [smem:$0x0];
	_ =	sdelay $0x2  }
0xba: {  	s31 =	sshll.u32 s1, $0xD;
	s1 =	sshrl.u32 s1, $0x2  }
0xbb: {  	s3 =	sand.u32 $0x4000, s31;
	s1 =	sadd.s32 s1, s30  }
0xbc: {  	s0 =	sor.u32 s3, s0;
	s1 =	sshll.u32 s1, $0x11  }
0xbd: {  	s0 =	sor.u32 s1, s0  }
0xbe: {  	s0 =	sadd.s32 $0x8F2B, s0  }
0xbf: {  	[sflag:s0] =	ssyncadd.remote.s32 $0x1  }
0xc0: {  	_ =	sfence.sel $0xFFFF  }
0xc1: {  	[dreg:$0x0] =	wrdreg $0xFFFFFFFF;
	(pc) =	sbr.abs _section_cstart, $3  }
0xc2: {  	[dreg:$0x1] =	wrdreg $0xFFFFFFFF  }
0xc3: {  	_ =	task.clear_ibuf [dreg:s7], $0x2FFFF;
	_ =	strace $0x9FFFFFFF  }
0xc4: {  	(tm) =	ssettm $0x7FFFFFFF  }
0xc5: {  	_ =	shalt  }
tec
execute0_lowered:
.L_overlay_start_1:
0x0: {  	(tag) =	ssettag $0x1  }
0x1: {  	s0 =	rddreg [dreg:$0x0]  }
0x2: {  	s2 =	rddreg [dreg:$0x1];
	s22 =	stileid.u32  }
0x3: {  	s26 =	simm.s32 $0x0;
	s1 =	srdreg.scid;
	s6 =	smul.u32 $0x2800, s22  }
0x4: {  	[smem:$0x7FF] =	sst s26;
	s9 =	smul.u32 $0x271, s22  }
0x5: {  	s3 =	sand.u32 $0x1, s1;
	s5 =	sadd.s32 $0xB3600, s2;
	s21 =	smul.u32 $0x2710, s22  }
0x6: {  	s7 =	sadd.s32 $0x17200, s2;
	s1 =	smul.u32 $0x28000, s3;
	s4 =	ssub.s32 $0x2, s3  }
0x7: {  	s31 =	smul.u32 $0x138800, s3;
	s8 =	sshrl.u32 s4, $0x1;
	s23 =	sadd.s32 $0x7D, s9  }
0x8: {  	s10 =	sadd.s32 $0xFA, s9;
	s12 =	sadd.s32 $0x177, s9;
	s9 =	sadd.s32 $0x1F4, s9  }
0x9: {  	s4 =	ssub.s32 s4, s8;
	s1 =	sadd.s32 s6, s1;
	s8 =	smul.u32 $0x27100, s3  }
0xa: {  	s11 =	sshll.u32 s23, $0x7;
	s14 =	sshll.u32 s23, $0x4;
	s15 =	sshll.u32 s10, $0x7  }
0xb: {  	s10 =	sshll.u32 s10, $0x4;
	s3 =	smul.u32 $0x13880, s22;
	s18 =	sshll.u32 s12, $0x7  }
0xc: {  	s19 =	sshll.u32 s12, $0x4;
	s20 =	sshll.u32 s9, $0x7;
	s9 =	sshll.u32 s9, $0x4  }
0xd: {  	s13 =	sadd.s32 s31, s11;
	s16 =	sadd.s32 s31, s15;
	s17 =	sadd.s32 s31, s18  }
0xe: {  	s6 =	sadd.s32 s31, s20;
	s24 =	sadd.s32 s31, s3;
	s13 =	sshrl.u32 s13, $0x3  }
0xf: {  	s25 =	sadd.s32 s8, s21;
	s16 =	sshrl.u32 s16, $0x3;
	s13 =	sadd.s32 s5, s13  }
0x10: {  	s28 =	sadd.s32 s8, s14;
	s16 =	sadd.s32 s5, s16;
	[dreg:$0x6] =	wrdreg s13  }
0x11: {  	s31 =	sshrl.u32 s17, $0x3;
	s12 =	sshrl.u32 s24, $0x3;
	[dreg:$0x7] =	wrdreg s16  }
0x12: {  	s6 =	sshrl.u32 s6, $0x3;
	s12 =	sadd.s32 s5, s12;
	s13 =	rddreg [dreg:$0x3]  }
0x13: {  	s17 =	sshrl.u32 s25, $0x3;
	s16 =	sadd.s32 s5, s31;
	[dreg:$0x5] =	wrdreg s12  }
0x14: {  	s23 =	sshrl.u32 s28, $0x3;
	s5 =	sadd.s32 s5, s6;
	[dreg:$0x8] =	wrdreg s16  }
0x15: {  	s25 =	sadd.s32 s8, s19;
	s6 =	sadd.s32 s7, s17;
	[dreg:$0x9] =	wrdreg s5  }
0x16: {  	s24 =	sadd.s32 s7, s23;
	s16 =	sadd.s32 s8, s10;
	[dreg:$0xa] =	wrdreg s6  }
0x17: {  	s28 =	sadd.s32 s8, s9;
	[dreg:$0xb] =	wrdreg s24;
	s5 =	sshrl.u32 s16, $0x3  }
0x18: {  	s12 =	rddreg [dreg:$0x2];
	s6 =	sshrl.u32 s28, $0x3;
	s5 =	sadd.s32 s7, s5  }
0x19: {  	s31 =	sadd.s32 s7, s6;
	[dreg:$0xc] =	wrdreg s5;
	s5 =	sshrl.u32 s25, $0x3  }
0x1a: {  	[dreg:$0xe] =	wrdreg s31;
	s5 =	sadd.s32 s7, s5  }
0x1b: {  	s17 =	sadd.s32 $0x2400, s2;
	s6 =	sadd.s32 $0x16A00, s2;
	[dreg:$0xd] =	wrdreg s5  }
0x1c: {  	s7 =	sadd.s32 $0x16800, s2;
	_ =	strace $0x8000004A;
	[dreg:$0xf] =	wrdreg s6  }
0x1d: {  	s23 =	sadd.s32 $0x16600, s2;
	s24 =	sshrl.u32 s1, $0x3;
	[dreg:$0x10] =	wrdreg s7  }
0x1e: {  	s16 =	sadd.s32 $0xC400, s2;
	s2 =	sadd.s32 $0x16400, s2;
	[dreg:$0x11] =	wrdreg s23  }
0x1f: {  	s28 =	sadd.s32 s16, s24;
	[dreg:$0x12] =	wrdreg s2  }
0x20: {  	s31 =	sadd.s32 s17, s24;
	[dreg:$0x13] =	wrdreg s28  }
0x21: {  	s4 =	smax.u32 s4, $0x1;
	[dreg:$0x14] =	wrdreg s31  }
0x22: {  	s8 =	smul.u32 $0x4E200, s22;
	s18 =	sadd.s32 s18, s12;
	[dreg:$0x15] =	wrdreg s4  }
0x23: {  	s25 =	smul.u32 $0x9C40, s22;
	s22 =	sadd.s32 s19, s13;
	[dreg:$0x1b] =	wrdreg s18  }
0x24: {  	s29 =	simm.s32 $0x4E80;
	s24 =	sadd.s32 s9, s13;
	[dreg:$0x1c] =	wrdreg s22  }
0x25: {  	s30 =	simm.s32 $0x2;
	s1 =	sadd.s32 $0x800, s1;
	[dreg:$0x1e] =	wrdreg s24  }
0x26: {  	s6 =	sshrl.u32 s8, $0x2;
	s8 =	sadd.s32 s11, s12;
	[smem:$0x7FB] =	sst s1  }
0x27: {  	s3 =	sadd.s32 s3, s12;
	s11 =	sadd.s32 s14, s13;
	[dreg:$0x17] =	wrdreg s8  }
0x28: {  	s5 =	simm.s32 $0x5;
	s14 =	sadd.s32 s15, s12;
	[dreg:$0x18] =	wrdreg s11  }
0x29: {  	s7 =	sshrl.u32 s25, $0x2;
	s15 =	sadd.s32 s10, s13;
	[dreg:$0x19] =	wrdreg s14  }
0x2a: {  	s23 =	sadd.s32 s20, s12;
	s25 =	sadd.s32 s21, s13;
	[dreg:$0x1a] =	wrdreg s15  }
0x2b: {  	s31 =	sshrl.u32 s3, $0x3;
	s24 =	simm.s32 $0x1000;
	[dreg:$0x1d] =	wrdreg s23  }
.Ltmp0:
0x2c: {  	s3 =	simm.s32 $0x3;
	[dreg:$0x1f] =	wrdreg s25;
	(pc) =	sbr.rel .LBB2_1-.Ltmp0, $4  }
0x2d: {  	s2 =	sadd.s32 s6, s12;
	s4 =	sadd.s32 s7, s13;
	[smem:$0x7FD] =	sst s31  }
0x2e: {  	s11 =	simm.s32 $0xC;
	s23 =	simm.s32 $0x7D;
	s25 =	simm.s32 $0x1  }
0x2f: {  	s14 =	simm.s32 $0x880;
	[dreg:$0x16] =	wrdreg s4;
	s28 =	sshrl.u32 s2, $0x3  }
0x30: {  	s8 =	simm.s32 $0x0;
	s4 =	simm.s32 $0x4;
	[smem:$0x7FC] =	sst s28  }
.LBB2_13:
0x31: {  	_ =	swait.ge [sflag:s4], $0x3E80  }
0x32: {  	s26 =	simm.s32 $0x0;
	[sflag:s4] =	ssyncset.done $0x0  }
0x33: {  	s14 =	simm.s32 $0x880;
	s8 =	sld [smem:$0x7EE];
	[sflag:s4] =	ssyncadd.s32 $0xFFFFC180  }
.LBB2_15:
0x34: {  	[bflag:$0x0] =	sbarrier.arrive $0xFFFF  }
0x35: {  	s2 =	sld [smem:$0x7FD]  }
0x36: {  	s9 =	sld [smem:$0x7F7];
	_ =	sdelay $0x1  }
0x37: {  	s11 =	simm.s32 $0xC;
	s1 =	rddreg [dreg:$0x5]  }
0x38: {  	[hbm:s1], [sflag:s9] =	dma.local [spmem:s2], $0x7D0  }
0x39: {  	_ =	swait.ge [sflag:s11], $0x7D0  }
0x3a: {  	s1 =	sld [smem:$0x7EF]  }
0x3b: {  	[sflag:s11] =	ssyncset.done $0x0  }
0x3c: {  	s6 =	rddreg [dreg:$0x6];
	[sflag:s11] =	ssyncadd.s32 $0xFFFFF830  }
0x3d: {  	[hbm:s6], [sflag:s9] =	dma.local @p0 [spmem:s1], $0x7D0  }
0x3e: {  	s1 =	simm.s32 @p0 $0xC  }
0x3f: {  	_ =	swait.ge @p0 [sflag:s1], $0x7D0  }
0x40: {  	s10 =	sld [smem:$0x7F9]  }
0x41: {  	[sflag:s1] =	ssyncset.done @p0 $0x0;
	s2 =	rddreg [dreg:$0x1f]  }
0x42: {  	s7 =	rddreg [dreg:$0xa];
	[sflag:s1] =	ssyncadd.s32 @p0 $0xFFFFF830;
	s2 =	sshrl.u32 @!p0 s2, $0x3  }
0x43: {  	[hbm:s7], [sflag:s10] =	dma.local @!p0 [spmem:s2], $0xFA  }
0x44: {  	s2 =	simm.s32 @!p0 $0xB  }
0x45: {  	_ =	swait.ge @!p0 [sflag:s2], $0xFA  }
0x46: {  	s7 =	sld [smem:$0x7F0]  }
0x47: {  	[sflag:s2] =	ssyncset.done @!p0 $0x0  }
0x48: {  	[sflag:s2] =	ssyncadd.s32 @!p0 $0xFFFFFF06  }
0x49: {  	[hbm:s6], [sflag:s9] =	dma.local @!p0 [spmem:s7], $0x7D0  }
0x4a: {  	s6 =	simm.s32 @!p0 $0xC  }
0x4b: {  	_ =	swait.ge @!p0 [sflag:s6], $0x7D0  }
0x4c: {  	s15 =	sld [smem:$0x7F1]  }
0x4d: {  	[sflag:s6] =	ssyncset.done @!p0 $0x0  }
0x4e: {  	s7 =	rddreg [dreg:$0xb];
	[sflag:s6] =	ssyncadd.s32 @!p0 $0xFFFFF830  }
0x4f: {  	[hbm:s7], [sflag:s10] =	dma.local @!p0 [spmem:s15], $0xFA  }
0x50: {  	_ =	swait.ge @!p0 [sflag:s2], $0xFA  }
0x51: {  	s21 =	sld [smem:$0x7F2]  }
0x52: {  	[sflag:s2] =	ssyncset.done @!p0 $0x0  }
0x53: {  	s20 =	rddreg [dreg:$0x7];
	[sflag:s2] =	ssyncadd.s32 @!p0 $0xFFFFFF06  }
0x54: {  	[hbm:s20], [sflag:s9] =	dma.local [spmem:s21], $0x7D0  }
0x55: {  	_ =	swait.ge [sflag:s11], $0x7D0  }
0x56: {  	s15 =	sld [smem:$0x7F3]  }
0x57: {  	[sflag:s11] =	ssyncset.done $0x0  }
0x58: {  	s7 =	rddreg [dreg:$0x8];
	[sflag:s11] =	ssyncadd.s32 $0xFFFFF830  }
0x59: {  	[hbm:s7], [sflag:s9] =	dma.local @p0 [spmem:s15], $0x7D0  }
0x5a: {  	_ =	swait.ge @p0 [sflag:s1], $0x7D0  }
0x5b: {  	s15 =	sld [smem:$0x7F4]  }
0x5c: {  	[sflag:s1] =	ssyncset.done @p0 $0x0  }
0x5d: {  	[sflag:s1] =	ssyncadd.s32 @p0 $0xFFFFF830;
	s1 =	rddreg [dreg:$0xc]  }
0x5e: {  	[hbm:s1], [sflag:s10] =	dma.local @!p0 [spmem:s15], $0xFA  }
0x5f: {  	_ =	swait.ge @!p0 [sflag:s2], $0xFA  }
0x60: {  	s1 =	sld [smem:$0x7F5]  }
0x61: {  	[sflag:s2] =	ssyncset.done @!p0 $0x0  }
0x62: {  	[sflag:s2] =	ssyncadd.s32 @!p0 $0xFFFFFF06  }
0x63: {  	[hbm:s7], [sflag:s9] =	dma.local @!p0 [spmem:s1], $0x7D0  }
0x64: {  	_ =	swait.ge @!p0 [sflag:s6], $0x7D0  }
0x65: {  	[sflag:s6] =	ssyncset.done @!p0 $0x0  }
0x66: {  	[sflag:s6] =	ssyncadd.s32 @!p0 $0xFFFFF830;
	s6 =	sld [smem:$0x7F6];
	_ =	sdelay $0x1  }
0x67: {  	s1 =	rddreg [dreg:$0xd]  }
0x68: {  	[hbm:s1], [sflag:s10] =	dma.local @!p0 [spmem:s6], $0xFA  }
0x69: {  	_ =	swait.ge @!p0 [sflag:s2], $0xFA  }
0x6a: {  	s28 =	sld [smem:$0x7F8]  }
0x6b: {  	[sflag:s2] =	ssyncset.done @!p0 $0x0  }
0x6c: {  	s22 =	rddreg [dreg:$0x9];
	[sflag:s2] =	ssyncadd.s32 @!p0 $0xFFFFFF06  }
0x6d: {  	[hbm:s22], [sflag:s9] =	dma.local [spmem:s28], $0x7D0  }
0x6e: {  	_ =	swait.ge [sflag:s11], $0x7D0  }
0x6f: {  	s6 =	sld [smem:$0x7FA]  }
0x70: {  	[sflag:s11] =	ssyncset.done $0x0  }
0x71: {  	s1 =	rddreg [dreg:$0xe];
	[sflag:s11] =	ssyncadd.s32 $0xFFFFF830  }
0x72: {  	[hbm:s1], [sflag:s10] =	dma.local @!p0 [spmem:s6], $0xFA  }
0x73: {  	_ =	swait.ge @!p0 [sflag:s2], $0xFA  }
0x74: {  	s8 =	sadd.s32 $0x1, s8;
	s31 =	rddreg [dreg:$0x15]  }
0x75: {  	p1 =	sne.s32 s8, s31  }
.Ltmp1:
0x76: {  	_ = 	snop;
	(pc) =	sbr.rel @!p1 .LBB2_16-.Ltmp1, $3  }
0x77: {  	_ =	sdelay $0x1  }
0x78: {  	[sflag:s2] =	ssyncset.done @!p0 $0x0  }
0x79: {  	[sflag:s2] =	ssyncadd.s32 @!p0 $0xFFFFFF06  }
.LBB2_1:
0x7a: {  	[smem:$0x7EE] =	sst s8  }
0x7b: {  	s1 =	rddreg [dreg:$0x12];
	s2 =	simm.s32 $0x94D0;
	s10 =	simm.s32 $0xB  }
0x7c: {  	[tilespmem:s2], [sflag:$0xB] =	stream.linear.gather [hbm4b:s1+s26], $0x10, $0x38;
	[tilespmem:$0x1F470] =	vst v63  }
0x7d: {  	_ =	swait.ge [sflag:s10], $0x10  }
0x7e: {  	[sflag:s10] =	ssyncset.done $0x0  }
0x7f: {  	[sflag:s10] =	ssyncadd.s32 $0xFFFFFFF0  }
0x80: {  	v0 =	vld [tilespmem:$0x94D0];
	_ =	sdelay $0x4  }
0x81: {  	(xrf0) =	vadd.scan.msk.s32 $0xffff, v0;
	_ =	sdelay $0x5  }
0x82: {  	v0, _, _ =	vpop (xrf0)  }
0x83: {  	(v2sf) =	vpush v0, $0xF;
	_ =	sdelay $0xc  }
0x84: {  	s6 =	stileid.u32;
	s28 =	sld [smem:$0x7FC]  }
0x85: {  	s21 =	sshll.u32 s6, $0x6  }
0x86: {  	s15 =	sor.u32 $0x1C0C, s21;
	s7 =	rddreg [dreg:$0xf];
	s22 =	spop (v2sf)  }
0x87: {  	[spmem:s28], [sflag:s15] =	dma.local [hbm:s7], $0x7D0  }
0x88: {  	_ =	swait.ge [sflag:s11], $0x7D0  }
0x89: {  	p0 =	slt.s32 s22, $0x1;
	s9 =	rddreg [dreg:$0x17]  }
0x8a: {  	[sflag:s11] =	ssyncset.done $0x0;
	s1 =	sshrl.u32 @p0 s9, $0x3  }
0x8b: {  	[sflag:s11] =	ssyncadd.s32 $0xFFFFF830;
	[smem:$0x7EF] =	sst s1  }
0x8c: {  	[spmem:s1], [sflag:s15] =	dma.local @p0 [hbm:s7], $0x7D0  }
0x8d: {  	s1 =	simm.s32 @p0 $0xC  }
0x8e: {  	s2 =	sshll.u32 @!p0 s6, $0x6;
	_ =	swait.ge @p0 [sflag:s1], $0x7D0  }
0x8f: {  	s18 =	sor.u32 @!p0 $0x1C0B, s2;
	[sflag:s1] =	ssyncset.done @p0 $0x0;
	s2 =	rddreg [dreg:$0x16]  }
0x90: {  	s8 =	rddreg [dreg:$0x10];
	[sflag:s1] =	ssyncadd.s32 @p0 $0xFFFFF830;
	s2 =	sshrl.u32 @!p0 s2, $0x3  }
0x91: {  	[spmem:s2], [sflag:s18] =	dma.local @!p0 [hbm:s8], $0xFA  }
0x92: {  	s2 =	simm.s32 @!p0 $0xB  }
0x93: {  	_ =	swait.ge @!p0 [sflag:s2], $0xFA  }
0x94: {  	s6 =	sshrl.u32 @!p0 s9, $0x3;
	[sflag:s2] =	ssyncset.done @!p0 $0x0  }
0x95: {  	[smem:$0x7F0] =	sst s6;
	[sflag:s2] =	ssyncadd.s32 @!p0 $0xFFFFFF06  }
0x96: {  	[spmem:s6], [sflag:s15] =	dma.local @!p0 [hbm:s7], $0x7D0  }
0x97: {  	s6 =	simm.s32 @!p0 $0xC  }
0x98: {  	_ =	swait.ge @!p0 [sflag:s6], $0x7D0  }
0x99: {  	s9 =	rddreg [dreg:$0x18]  }
0x9a: {  	[sflag:s6] =	ssyncset.done @!p0 $0x0;
	s9 =	sshrl.u32 @!p0 s9, $0x3  }
0x9b: {  	[sflag:s6] =	ssyncadd.s32 @!p0 $0xFFFFF830;
	[smem:$0x7F1] =	sst s9  }
0x9c: {  	[spmem:s9], [sflag:s18] =	dma.local @!p0 [hbm:s8], $0xFA  }
0x9d: {  	_ =	swait.ge @!p0 [sflag:s2], $0xFA  }
0x9e: {  	s31 =	rddreg [dreg:$0x19]  }
0x9f: {  	[sflag:s2] =	ssyncset.done @!p0 $0x0;
	s9 =	sshrl.u32 s31, $0x3  }
0xa0: {  	[sflag:s2] =	ssyncadd.s32 @!p0 $0xFFFFFF06;
	[smem:$0x7F2] =	sst s9  }
0xa1: {  	[spmem:s9], [sflag:s15] =	dma.local [hbm:s7], $0x7D0  }
0xa2: {  	_ =	swait.ge [sflag:s11], $0x7D0  }
0xa3: {  	s9 =	rddreg [dreg:$0x1b]  }
0xa4: {  	[sflag:s11] =	ssyncset.done $0x0;
	s19 =	sshrl.u32 @p0 s9, $0x3  }
0xa5: {  	[sflag:s11] =	ssyncadd.s32 $0xFFFFF830;
	[smem:$0x7F3] =	sst s19  }
0xa6: {  	[spmem:s19], [sflag:s15] =	dma.local @p0 [hbm:s7], $0x7D0  }
0xa7: {  	_ =	swait.ge @p0 [sflag:s1], $0x7D0  }
0xa8: {  	[sflag:s1] =	ssyncset.done @p0 $0x0  }
0xa9: {  	[sflag:s1] =	ssyncadd.s32 @p0 $0xFFFFF830;
	s1 =	rddreg [dreg:$0x1a]  }
0xaa: {  	s1 =	sshrl.u32 @!p0 s1, $0x3  }
0xab: {  	[smem:$0x7F4] =	sst s1  }
0xac: {  	[spmem:s1], [sflag:s18] =	dma.local @!p0 [hbm:s8], $0xFA  }
0xad: {  	_ =	swait.ge @!p0 [sflag:s2], $0xFA  }
0xae: {  	s1 =	sshrl.u32 @!p0 s9, $0x3;
	[sflag:s2] =	ssyncset.done @!p0 $0x0  }
0xaf: {  	[smem:$0x7F5] =	sst s1;
	[sflag:s2] =	ssyncadd.s32 @!p0 $0xFFFFFF06  }
0xb0: {  	[spmem:s1], [sflag:s15] =	dma.local @!p0 [hbm:s7], $0x7D0  }
0xb1: {  	_ =	swait.ge @!p0 [sflag:s6], $0x7D0  }
0xb2: {  	s1 =	rddreg [dreg:$0x1c]  }
0xb3: {  	[sflag:s6] =	ssyncset.done @!p0 $0x0;
	s1 =	sshrl.u32 @!p0 s1, $0x3  }
0xb4: {  	[sflag:s6] =	ssyncadd.s32 @!p0 $0xFFFFF830;
	[smem:$0x7F6] =	sst s1  }
0xb5: {  	[spmem:s1], [sflag:s18] =	dma.local @!p0 [hbm:s8], $0xFA  }
0xb6: {  	_ =	swait.ge @!p0 [sflag:s2], $0xFA  }
0xb7: {  	s9 =	rddreg [dreg:$0x1d]  }
0xb8: {  	[sflag:s2] =	ssyncset.done @!p0 $0x0;
	[smem:$0x7F7] =	sst s15;
	s1 =	sshrl.u32 s9, $0x3  }
0xb9: {  	[sflag:s2] =	ssyncadd.s32 @!p0 $0xFFFFFF06;
	[smem:$0x7F8] =	sst s1  }
0xba: {  	[spmem:s1], [sflag:s15] =	dma.local [hbm:s7], $0x7D0  }
0xbb: {  	_ =	swait.ge [sflag:s11], $0x7D0  }
0xbc: {  	s1 =	rddreg [dreg:$0x1e]  }
0xbd: {  	[sflag:s11] =	ssyncset.done $0x0;
	[smem:$0x7F9] =	sst s18;
	s1 =	sshrl.u32 @!p0 s1, $0x3  }
0xbe: {  	[sflag:s11] =	ssyncadd.s32 $0xFFFFF830;
	[smem:$0x7FA] =	sst s1  }
0xbf: {  	[spmem:s1], [sflag:s18] =	dma.local @!p0 [hbm:s8], $0xFA  }
0xc0: {  	_ =	swait.ge @!p0 [sflag:s2], $0xFA  }
0xc1: {  	[sflag:s2] =	ssyncset.done @!p0 $0x0  }
0xc2: {  	s19 =	simm.s32 $0x8D00;
	s18 =	rddreg [dreg:$0x11];
	[sflag:s2] =	ssyncadd.s32 @!p0 $0xFFFFFF06  }
0xc3: {  	[tilespmem:s19], [sflag:$0xB] =	stream.linear.gather [hbm4b:s18+s26], $0x7D0, $0x38;
	[tilespmem:$0x1F470] =	vst v63  }
0xc4: {  	_ =	swait.ge [sflag:s10], $0x7D0  }
0xc5: {  	[sflag:s10] =	ssyncset.done $0x0  }
0xc6: {  	s20 =	rddreg [dreg:$0x13];
	[sflag:s10] =	ssyncadd.s32 $0xFFFFF830  }
0xc7: {  	[tilespmem:s26], [sflag:$0x7] =	stream.linear.gather [hbm4b:s20+s26], $0x400, $0x38;
	[tilespmem:$0x1F470] =	vst v63  }
0xc8: {  	s22 =	simm.s32 $0x800;
	s28 =	simm.s32 $0x7;
	s21 =	rddreg [dreg:$0x14]  }
0xc9: {  	[tilespmem:s22], [sflag:$0x9] =	stream.linear.gather [hbm4b:s21+s26], $0x400, $0x38;
	[tilespmem:$0x1F470] =	vst v63  }
0xca: {  	_ =	swait.ge [sflag:s28], $0x400  }
0xcb: {  	[sflag:s28] =	ssyncset.done $0x0  }
0xcc: {  	s31 =	simm.s32 $0x9;
	[sflag:s28] =	ssyncadd.s32 $0xFFFFFC00  }
0xcd: {  	_ =	swait.ge [sflag:s31], $0x400  }
.Ltmp2:
0xce: {  	[sflag:s31] =	ssyncset.done $0x0;
	(pc) =	sbr.rel .LBB2_2-.Ltmp2, $4  }
0xcf: {  	[sflag:s31] =	ssyncadd.s32 $0xFFFFFC00  }
0xd0: {  	[bflag:$0x0] =	sbarrier.arrive $0xFFFF  }
0xd1: {  	[tilespmem:s24], [sflag:$0x1] =	stream.indirect.gather [hbm4b:s0+s23], $0x80, s26, s23, $0xb8;
	[tilespmem:$0x1F470] =	vst v63  }
0xd2: {  	s19 =	simm.s32 $0x4;
	s1 =	sld [smem:$0x7FB]  }
.LBB2_12:
0xd3: {  	p1 =	sne.s32 s19, $0x0  }
.Ltmp3:
0xd4: {  	_ = 	snop;
	(pc) =	sbr.rel @!p1 .LBB2_13-.Ltmp3, $4  }
0xd5: {  	_ = 	snop  }
0xd6: {  	_ =	swait.ge [sflag:s3], $0x3E80  }
0xd7: {  	[sflag:s3] =	ssyncset.done $0x0  }
0xd8: {  	[sflag:s3] =	ssyncadd.s32 $0xFFFFC180  }
.LBB2_11:
0xd9: {  	s2 =	simm.s32 $0x7  }
0xda: {  	_ =	swait.ge [sflag:s2], $0x400  }
0xdb: {  	[sflag:s2] =	ssyncset.done $0x0  }
0xdc: {  	s31 =	simm.s32 $0x9;
	[sflag:s2] =	ssyncadd.s32 $0xFFFFFC00  }
0xdd: {  	_ =	swait.ge [sflag:s31], $0x400  }
0xde: {  	s26 =	simm.s32 $0x0;
	s19 =	sadd.s32 $0xFFFFFFFF, s19;
	[sflag:s31] =	ssyncset.done $0x0  }
0xdf: {  	s1 =	sadd.s32 $0x800, s1;
	s14 =	simm.s32 $0x880;
	[sflag:s31] =	ssyncadd.s32 $0xFFFFFC00  }
0xe0: {  	[tilespmem:s24], [sflag:$0x1] =	stream.indirect.gather [hbm4b:s0+s23], $0x80, s26, s23, $0xb8;
	[tilespmem:$0x1F470] =	vst v63  }
.LBB2_2:
0xe1: {  	_ =	swait.ge [sflag:s25], $0x3E80;
	p1 =	seq.s32 s19, $0x4  }
.Ltmp4:
0xe2: {  	[sflag:s25] =	ssyncset.done $0x0;
	(pc) =	sbr.rel @p1 .LBB2_5-.Ltmp4, $4  }
0xe3: {  	s2 =	simm.s32 $0x800;
	[sflag:s25] =	ssyncadd.s32 $0xFFFFC180  }
0xe4: {  	[spmem:s12] =	stream.indirect.scatter.add.f32 [tilespmem:s24], [sflag:$0x3], $0x80, s2, s23, $0xb8;
	[tilespmem:$0x1F470] =	vst v63  }
0xe5: {  	s6 =	simm.s32 @!p0 $0x800;
	s8 =	simm.s32 @!p0 $0x8D00;
	s2 =	simm.s32 @!p0 $0x7D  }
0xe6: {  	[spmem:s13] =	stream.indirect.scatter.add.f32 @!p0 [tilespmem:s8], [sflag:$0x5], $0x10, s6, s2, $0xb8;
	[tilespmem:$0x1F470] =	vst v63  }
.Ltmp5:
0xe7: {  	(pc) =	sbr.rel @p0 .LBB2_7-.Ltmp5, $4  }
0xe8: {  	_ = 	snop  }
0xe9: {  	_ =	swait.ge [sflag:s4], $0x3E80  }
0xea: {  	[sflag:s4] =	ssyncset.done $0x0  }
0xeb: {  	[sflag:s4] =	ssyncadd.s32 $0xFFFFC180  }
0xec: {  	s2 =	simm.s32 $0x6  }
0xed: {  	_ =	swait.ge [sflag:s2], $0x7D0  }
0xee: {  	[sflag:s2] =	ssyncset.done $0x0  }
0xef: {  	[sflag:s2] =	ssyncadd.s32 $0xFFFFF830  }
.LBB2_5:
0xf0: {  	s2 =	simm.s32 $0x80  }
0xf1: {  	[tilespmem:s29], [sflag:$0x2] =	stream.indirect.gather [hbm4b:s0+s23], $0x80, s2, s23, $0xb8;
	[tilespmem:$0x1F470] =	vst v63  }
.Ltmp6:
0xf2: {  	_ = 	snop;
	(pc) =	sbr.rel @p0 .LBB2_8-.Ltmp6, $4  }
0xf3: {  	_ =	swait.ge [sflag:s30], $0x3E80  }
0xf4: {  	[sflag:s30] =	ssyncset.done $0x0  }
0xf5: {  	[sflag:s30] =	ssyncadd.s32 $0xFFFFC180  }
0xf6: {  	[spmem:s12] =	stream.indirect.scatter.add.f32 [tilespmem:s29], [sflag:$0x4], $0x80, s14, s23, $0xb8;
	[tilespmem:$0x1F470] =	vst v63  }
0xf7: {  	s2 =	simm.s32 $0x8D00  }
0xf8: {  	[spmem:s13] =	stream.indirect.scatter.add.f32 [tilespmem:s2], [sflag:$0x6], $0x10, s14, s23, $0xb8;
	[tilespmem:$0x1F470] =	vst v63  }
0xf9: {  	_ =	swait.ge [sflag:s3], $0x3E80  }
.Ltmp7:
0xfa: {  	[sflag:s3] =	ssyncset.done $0x0;
	(pc) =	sbr.rel .LBB2_9-.Ltmp7, $4  }
0xfb: {  	[sflag:s3] =	ssyncadd.s32 $0xFFFFC180  }
0xfc: {  	_ =	swait.ge [sflag:s5], $0x7D0  }
0xfd: {  	[sflag:s5] =	ssyncset.done $0x0  }
0xfe: {  	[sflag:s5] =	ssyncadd.s32 $0xFFFFF830  }
.LBB2_7:
0xff: {  	s2 =	simm.s32 $0x80  }
0x100: {  	[tilespmem:s29], [sflag:$0x2] =	stream.indirect.gather [hbm4b:s0+s23], $0x80, s2, s23, $0xb8;
	[tilespmem:$0x1F470] =	vst v63  }
0x101: {  	_ =	swait.ge [sflag:s30], $0x3E80  }
0x102: {  	[sflag:s30] =	ssyncset.done $0x0  }
0x103: {  	[sflag:s30] =	ssyncadd.s32 $0xFFFFC180  }
0x104: {  	[spmem:s12] =	stream.indirect.scatter.add.f32 [tilespmem:s29], [sflag:$0x4], $0x80, s14, s23, $0xb8;
	[tilespmem:$0x1F470] =	vst v63  }
.LBB2_8:
0x105: {  	_ =	swait.ge [sflag:s3], $0x3E80  }
0x106: {  	[sflag:s3] =	ssyncset.done $0x0  }
0x107: {  	[sflag:s3] =	ssyncadd.s32 $0xFFFFC180  }
.LBB2_9:
0x108: {  	s2 =	simm.s32 $0x100  }
0x109: {  	[tilespmem:s24], [sflag:$0x1] =	stream.indirect.gather [hbm4b:s0+s23], $0x80, s2, s23, $0xb8;
	[tilespmem:$0x1F470] =	vst v63  }
0x10a: {  	_ =	swait.ge [sflag:s25], $0x3E80  }
0x10b: {  	[sflag:s25] =	ssyncset.done $0x0  }
0x10c: {  	s10 =	simm.s32 $0x900;
	s18 =	simm.s32 @!p0 $0x7D;
	[sflag:s25] =	ssyncadd.s32 $0xFFFFC180  }
0x10d: {  	[spmem:s12] =	stream.indirect.scatter.add.f32 [tilespmem:s24], [sflag:$0x3], $0x80, s10, s23, $0xb8;
	[tilespmem:$0x1F470] =	vst v63  }
0x10e: {  	s14 =	simm.s32 @!p0 $0x8D00;
	s11 =	sadd.s32 $0xFFFFFC00, s1;
	s2 =	simm.s32 @!p0 $0x900  }
0x10f: {  	[spmem:s13] =	stream.indirect.scatter.add.f32 @!p0 [tilespmem:s14], [sflag:$0x5], $0x10, s2, s18, $0xb8;
	[tilespmem:$0x1F470] =	vst v63  }
0x110: {  	s2 =	sshrl.u32 s11, $0x3  }
0x111: {  	s7 =	simm.s32 $0x400;
	s6 =	sadd.s32 s16, s2  }
0x112: {  	[tilespmem:s7], [sflag:$0x8] =	stream.linear.gather [hbm4b:s6+s26], $0x400, $0x38;
	[tilespmem:$0x1F470] =	vst v63  }
0x113: {  	s9 =	simm.s32 $0xC00;
	s2 =	sadd.s32 s17, s2  }
0x114: {  	[tilespmem:s9], [sflag:$0xA] =	stream.linear.gather [hbm4b:s2+s26], $0x400, $0x38;
	[tilespmem:$0x1F470] =	vst v63  }
0x115: {  	_ =	swait.ge [sflag:s4], $0x3E80  }
0x116: {  	s8 =	simm.s32 @p0 $0x2;
	s10 =	simm.s32 @p0 $0x4E80;
	[sflag:s4] =	ssyncset.done $0x0  }
0x117: {  	s26 =	simm.s32 @p0 $0x7D;
	s2 =	simm.s32 @p0 $0x180;
	[sflag:s4] =	ssyncadd.s32 $0xFFFFC180  }
0x118: {  	[tilespmem:s10], [sflag:$0x2] =	stream.indirect.gather @p0 [hbm4b:s0+s26], $0x80, s2, s26, $0xb8;
	[tilespmem:$0x1F470] =	vst v63  }
0x119: {  	_ =	swait.ge @p0 [sflag:s8], $0x3E80  }
0x11a: {  	[sflag:s8] =	ssyncset.done @p0 $0x0  }
0x11b: {  	s6 =	simm.s32 @p0 $0x3;
	s2 =	simm.s32 @p0 $0x980;
	[sflag:s8] =	ssyncadd.s32 @p0 $0xFFFFC180  }
0x11c: {  	[spmem:s12] =	stream.indirect.scatter.add.f32 @p0 [tilespmem:s10], [sflag:$0x4], $0x80, s2, s26, $0xb8;
	[tilespmem:$0x1F470] =	vst v63  }
0x11d: {  	_ =	swait.ge @p0 [sflag:s6], $0x3E80  }
0x11e: {  	[sflag:s6] =	ssyncset.done @p0 $0x0  }
0x11f: {  	s28 =	simm.s32 @!p0 $0x6;
	[sflag:s6] =	ssyncadd.s32 @p0 $0xFFFFC180  }
0x120: {  	_ =	swait.ge @!p0 [sflag:s28], $0x7D0  }
0x121: {  	s21 =	simm.s32 @!p0 $0x2;
	[sflag:s28] =	ssyncset.done @!p0 $0x0  }
0x122: {  	s11 =	simm.s32 @!p0 $0x180;
	s2 =	simm.s32 @!p0 $0x4E80;
	[sflag:s28] =	ssyncadd.s32 @!p0 $0xFFFFF830  }
0x123: {  	[tilespmem:s2], [sflag:$0x2] =	stream.indirect.gather @!p0 [hbm4b:s0+s18], $0x80, s11, s18, $0xb8;
	[tilespmem:$0x1F470] =	vst v63  }
0x124: {  	_ =	swait.ge @!p0 [sflag:s21], $0x3E80  }
0x125: {  	[sflag:s21] =	ssyncset.done @!p0 $0x0  }
0x126: {  	s11 =	simm.s32 @!p0 $0x980;
	[sflag:s21] =	ssyncadd.s32 @!p0 $0xFFFFC180  }
0x127: {  	[spmem:s12] =	stream.indirect.scatter.add.f32 @!p0 [tilespmem:s2], [sflag:$0x4], $0x80, s11, s18, $0xb8;
	[tilespmem:$0x1F470] =	vst v63  }
0x128: {  	s31 =	simm.s32 @!p0 $0x3  }
0x129: {  	[spmem:s13] =	stream.indirect.scatter.add.f32 @!p0 [tilespmem:s14], [sflag:$0x6], $0x10, s11, s18, $0xb8;
	[tilespmem:$0x1F470] =	vst v63  }
0x12a: {  	_ =	swait.ge @!p0 [sflag:s31], $0x3E80  }
0x12b: {  	[sflag:s31] =	ssyncset.done @!p0 $0x0  }
0x12c: {  	s20 =	simm.s32 @!p0 $0x5;
	[sflag:s31] =	ssyncadd.s32 @!p0 $0xFFFFC180  }
0x12d: {  	_ =	swait.ge @!p0 [sflag:s20], $0x7D0  }
0x12e: {  	[sflag:s20] =	ssyncset.done @!p0 $0x0  }
0x12f: {  	s15 =	simm.s32 $0x200;
	[sflag:s20] =	ssyncadd.s32 @!p0 $0xFFFFF830  }
0x130: {  	[tilespmem:s24], [sflag:$0x1] =	stream.indirect.gather [hbm4b:s0+s23], $0x80, s15, s23, $0xb8;
	[tilespmem:$0x1F470] =	vst v63  }
0x131: {  	_ =	swait.ge [sflag:s25], $0x3E80  }
0x132: {  	[sflag:s25] =	ssyncset.done $0x0  }
0x133: {  	s22 =	simm.s32 $0xA00;
	s15 =	simm.s32 @p0 $0x4;
	[sflag:s25] =	ssyncadd.s32 $0xFFFFC180  }
0x134: {  	[spmem:s12] =	stream.indirect.scatter.add.f32 [tilespmem:s24], [sflag:$0x3], $0x80, s22, s23, $0xb8;
	[tilespmem:$0x1F470] =	vst v63  }
0x135: {  	_ =	swait.ge @p0 [sflag:s15], $0x3E80  }
0x136: {  	[sflag:s15] =	ssyncset.done @p0 $0x0  }
0x137: {  	s11 =	simm.s32 @!p0 $0xA00;
	[sflag:s15] =	ssyncadd.s32 @p0 $0xFFFFC180  }
0x138: {  	[spmem:s13] =	stream.indirect.scatter.add.f32 @!p0 [tilespmem:s14], [sflag:$0x5], $0x10, s11, s18, $0xb8;
	[tilespmem:$0x1F470] =	vst v63  }
0x139: {  	s11 =	simm.s32 @!p0 $0x4  }
0x13a: {  	_ =	swait.ge @!p0 [sflag:s11], $0x3E80  }
0x13b: {  	[sflag:s11] =	ssyncset.done @!p0 $0x0  }
0x13c: {  	[sflag:s11] =	ssyncadd.s32 @!p0 $0xFFFFC180  }
0x13d: {  	_ =	swait.ge @!p0 [sflag:s28], $0x7D0  }
0x13e: {  	[sflag:s28] =	ssyncset.done @!p0 $0x0  }
0x13f: {  	s22 =	simm.s32 $0x280;
	[sflag:s28] =	ssyncadd.s32 @!p0 $0xFFFFF830  }
0x140: {  	[tilespmem:s29], [sflag:$0x2] =	stream.indirect.gather [hbm4b:s0+s23], $0x80, s22, s23, $0xb8;
	[tilespmem:$0x1F470] =	vst v63  }
0x141: {  	_ =	swait.ge [sflag:s30], $0x3E80  }
0x142: {  	[sflag:s30] =	ssyncset.done $0x0  }
0x143: {  	s22 =	simm.s32 $0xA80;
	[sflag:s30] =	ssyncadd.s32 $0xFFFFC180  }
0x144: {  	[spmem:s12] =	stream.indirect.scatter.add.f32 [tilespmem:s29], [sflag:$0x4], $0x80, s22, s23, $0xb8;
	[tilespmem:$0x1F470] =	vst v63  }
0x145: {  	_ =	swait.ge @p0 [sflag:s6], $0x3E80  }
0x146: {  	[sflag:s6] =	ssyncset.done @p0 $0x0  }
0x147: {  	s22 =	simm.s32 @!p0 $0xA80;
	[sflag:s6] =	ssyncadd.s32 @p0 $0xFFFFC180  }
0x148: {  	[spmem:s13] =	stream.indirect.scatter.add.f32 @!p0 [tilespmem:s14], [sflag:$0x6], $0x10, s22, s18, $0xb8;
	[tilespmem:$0x1F470] =	vst v63  }
0x149: {  	_ =	swait.ge @!p0 [sflag:s31], $0x3E80  }
0x14a: {  	[sflag:s31] =	ssyncset.done @!p0 $0x0  }
0x14b: {  	[sflag:s31] =	ssyncadd.s32 @!p0 $0xFFFFC180  }
0x14c: {  	_ =	swait.ge @!p0 [sflag:s20], $0x7D0  }
0x14d: {  	[sflag:s20] =	ssyncset.done @!p0 $0x0  }
0x14e: {  	s22 =	simm.s32 $0x300;
	[sflag:s20] =	ssyncadd.s32 @!p0 $0xFFFFF830  }
0x14f: {  	[tilespmem:s24], [sflag:$0x1] =	stream.indirect.gather [hbm4b:s0+s23], $0x80, s22, s23, $0xb8;
	[tilespmem:$0x1F470] =	vst v63  }
0x150: {  	_ =	swait.ge [sflag:s25], $0x3E80  }
0x151: {  	[sflag:s25] =	ssyncset.done $0x0  }
0x152: {  	s22 =	simm.s32 $0xB00;
	[sflag:s25] =	ssyncadd.s32 $0xFFFFC180  }
0x153: {  	[spmem:s12] =	stream.indirect.scatter.add.f32 [tilespmem:s24], [sflag:$0x3], $0x80, s22, s23, $0xb8;
	[tilespmem:$0x1F470] =	vst v63  }
0x154: {  	_ =	swait.ge @p0 [sflag:s15], $0x3E80  }
0x155: {  	[sflag:s15] =	ssyncset.done @p0 $0x0  }
0x156: {  	s22 =	simm.s32 @!p0 $0xB00;
	[sflag:s15] =	ssyncadd.s32 @p0 $0xFFFFC180  }
0x157: {  	[spmem:s13] =	stream.indirect.scatter.add.f32 @!p0 [tilespmem:s14], [sflag:$0x5], $0x10, s22, s18, $0xb8;
	[tilespmem:$0x1F470] =	vst v63  }
0x158: {  	_ =	swait.ge @!p0 [sflag:s11], $0x3E80  }
0x159: {  	[sflag:s11] =	ssyncset.done @!p0 $0x0  }
0x15a: {  	[sflag:s11] =	ssyncadd.s32 @!p0 $0xFFFFC180  }
0x15b: {  	_ =	swait.ge @!p0 [sflag:s28], $0x7D0  }
0x15c: {  	[sflag:s28] =	ssyncset.done @!p0 $0x0  }
0x15d: {  	s22 =	simm.s32 $0x380;
	[sflag:s28] =	ssyncadd.s32 @!p0 $0xFFFFF830  }
0x15e: {  	[tilespmem:s29], [sflag:$0x2] =	stream.indirect.gather [hbm4b:s0+s23], $0x80, s22, s23, $0xb8;
	[tilespmem:$0x1F470] =	vst v63  }
0x15f: {  	_ =	swait.ge [sflag:s30], $0x3E80  }
0x160: {  	[sflag:s30] =	ssyncset.done $0x0  }
0x161: {  	s22 =	simm.s32 $0xB80;
	[sflag:s30] =	ssyncadd.s32 $0xFFFFC180  }
0x162: {  	[spmem:s12] =	stream.indirect.scatter.add.f32 [tilespmem:s29], [sflag:$0x4], $0x80, s22, s23, $0xb8;
	[tilespmem:$0x1F470] =	vst v63  }
0x163: {  	_ =	swait.ge @p0 [sflag:s6], $0x3E80  }
0x164: {  	[sflag:s6] =	ssyncset.done @p0 $0x0  }
0x165: {  	s22 =	simm.s32 @!p0 $0xB80;
	[sflag:s6] =	ssyncadd.s32 @p0 $0xFFFFC180  }
0x166: {  	[spmem:s13] =	stream.indirect.scatter.add.f32 @!p0 [tilespmem:s14], [sflag:$0x6], $0x10, s22, s18, $0xb8;
	[tilespmem:$0x1F470] =	vst v63  }
0x167: {  	_ =	swait.ge @!p0 [sflag:s31], $0x3E80  }
0x168: {  	[sflag:s31] =	ssyncset.done @!p0 $0x0  }
0x169: {  	[sflag:s31] =	ssyncadd.s32 @!p0 $0xFFFFC180  }
0x16a: {  	_ =	swait.ge @!p0 [sflag:s20], $0x7D0  }
0x16b: {  	[sflag:s20] =	ssyncset.done @!p0 $0x0  }
0x16c: {  	s22 =	simm.s32 $0x8;
	[sflag:s20] =	ssyncadd.s32 @!p0 $0xFFFFF830  }
0x16d: {  	_ =	swait.ge [sflag:s22], $0x400  }
0x16e: {  	[sflag:s22] =	ssyncset.done $0x0  }
0x16f: {  	[sflag:s22] =	ssyncadd.s32 $0xFFFFFC00;
	s22 =	simm.s32 $0xA  }
0x170: {  	_ =	swait.ge [sflag:s22], $0x400  }
0x171: {  	[sflag:s22] =	ssyncset.done $0x0  }
0x172: {  	[sflag:s22] =	ssyncadd.s32 $0xFFFFFC00  }
0x173: {  	[tilespmem:s24], [sflag:$0x1] =	stream.indirect.gather [hbm4b:s0+s23], $0x80, s7, s23, $0xb8;
	[tilespmem:$0x1F470] =	vst v63  }
0x174: {  	_ =	swait.ge [sflag:s25], $0x3E80  }
0x175: {  	[sflag:s25] =	ssyncset.done $0x0  }
0x176: {  	[sflag:s25] =	ssyncadd.s32 $0xFFFFC180  }
0x177: {  	[spmem:s12] =	stream.indirect.scatter.add.f32 [tilespmem:s24], [sflag:$0x3], $0x80, s9, s23, $0xb8;
	[tilespmem:$0x1F470] =	vst v63  }
0x178: {  	_ =	swait.ge @p0 [sflag:s15], $0x3E80  }
0x179: {  	[sflag:s15] =	ssyncset.done @p0 $0x0  }
0x17a: {  	s22 =	simm.s32 @!p0 $0xC00;
	[sflag:s15] =	ssyncadd.s32 @p0 $0xFFFFC180  }
0x17b: {  	[spmem:s13] =	stream.indirect.scatter.add.f32 @!p0 [tilespmem:s14], [sflag:$0x5], $0x10, s22, s18, $0xb8;
	[tilespmem:$0x1F470] =	vst v63  }
0x17c: {  	_ =	swait.ge @!p0 [sflag:s11], $0x3E80  }
0x17d: {  	[sflag:s11] =	ssyncset.done @!p0 $0x0  }
0x17e: {  	[sflag:s11] =	ssyncadd.s32 @!p0 $0xFFFFC180  }
0x17f: {  	_ =	swait.ge @!p0 [sflag:s28], $0x7D0  }
0x180: {  	[sflag:s28] =	ssyncset.done @!p0 $0x0  }
0x181: {  	s9 =	simm.s32 $0x480;
	[sflag:s28] =	ssyncadd.s32 @!p0 $0xFFFFF830  }
0x182: {  	[tilespmem:s29], [sflag:$0x2] =	stream.indirect.gather [hbm4b:s0+s23], $0x80, s9, s23, $0xb8;
	[tilespmem:$0x1F470] =	vst v63  }
0x183: {  	_ =	swait.ge [sflag:s30], $0x3E80  }
0x184: {  	[sflag:s30] =	ssyncset.done $0x0  }
0x185: {  	s22 =	simm.s32 $0xC80;
	[sflag:s30] =	ssyncadd.s32 $0xFFFFC180  }
0x186: {  	[spmem:s12] =	stream.indirect.scatter.add.f32 [tilespmem:s29], [sflag:$0x4], $0x80, s22, s23, $0xb8;
	[tilespmem:$0x1F470] =	vst v63  }
0x187: {  	_ =	swait.ge @p0 [sflag:s6], $0x3E80  }
0x188: {  	[sflag:s6] =	ssyncset.done @p0 $0x0  }
0x189: {  	s22 =	simm.s32 @!p0 $0xC80;
	[sflag:s6] =	ssyncadd.s32 @p0 $0xFFFFC180  }
0x18a: {  	[spmem:s13] =	stream.indirect.scatter.add.f32 @!p0 [tilespmem:s14], [sflag:$0x6], $0x10, s22, s18, $0xb8;
	[tilespmem:$0x1F470] =	vst v63  }
0x18b: {  	_ =	swait.ge @!p0 [sflag:s31], $0x3E80  }
0x18c: {  	[sflag:s31] =	ssyncset.done @!p0 $0x0  }
0x18d: {  	[sflag:s31] =	ssyncadd.s32 @!p0 $0xFFFFC180  }
0x18e: {  	_ =	swait.ge @!p0 [sflag:s20], $0x7D0  }
0x18f: {  	[sflag:s20] =	ssyncset.done @!p0 $0x0  }
0x190: {  	s9 =	simm.s32 $0x500;
	[sflag:s20] =	ssyncadd.s32 @!p0 $0xFFFFF830  }
0x191: {  	[tilespmem:s24], [sflag:$0x1] =	stream.indirect.gather [hbm4b:s0+s23], $0x80, s9, s23, $0xb8;
	[tilespmem:$0x1F470] =	vst v63  }
0x192: {  	_ =	swait.ge [sflag:s25], $0x3E80  }
0x193: {  	[sflag:s25] =	ssyncset.done $0x0  }
0x194: {  	s22 =	simm.s32 $0xD00;
	[sflag:s25] =	ssyncadd.s32 $0xFFFFC180  }
0x195: {  	[spmem:s12] =	stream.indirect.scatter.add.f32 [tilespmem:s24], [sflag:$0x3], $0x80, s22, s23, $0xb8;
	[tilespmem:$0x1F470] =	vst v63  }
0x196: {  	p1 =	seq.s32 s19, $0x0;
	s22 =	simm.s32 @!p0 $0xD00  }
0x197: {  	[spmem:s13] =	stream.indirect.scatter.add.f32 @!p0 [tilespmem:s14], [sflag:$0x5], $0x10, s22, s18, $0xb8;
	[tilespmem:$0x1F470] =	vst v63  }
0x198: {  	s22 =	sshrl.u32 @!p1 s1, $0x3  }
0x199: {  	s9 =	simm.s32 @!p1 $0x0;
	s7 =	sadd.s32 @!p1 s16, s22  }
0x19a: {  	[tilespmem:s9], [sflag:$0x7] =	stream.linear.gather @!p1 [hbm4b:s7+s9], $0x400, $0x38;
	[tilespmem:$0x1F470] =	vst v63  }
0x19b: {  	s7 =	sadd.s32 @!p1 s17, s22;
	s22 =	simm.s32 @!p1 $0x800  }
0x19c: {  	[tilespmem:s22], [sflag:$0x9] =	stream.linear.gather @!p1 [hbm4b:s7+s9], $0x400, $0x38;
	[tilespmem:$0x1F470] =	vst v63  }
0x19d: {  	_ =	swait.ge [sflag:s4], $0x3E80  }
0x19e: {  	[sflag:s4] =	ssyncset.done $0x0  }
0x19f: {  	s7 =	simm.s32 @p0 $0x580;
	[sflag:s4] =	ssyncadd.s32 $0xFFFFC180  }
0x1a0: {  	[tilespmem:s10], [sflag:$0x2] =	stream.indirect.gather @p0 [hbm4b:s0+s26], $0x80, s7, s26, $0xb8;
	[tilespmem:$0x1F470] =	vst v63  }
0x1a1: {  	_ =	swait.ge @p0 [sflag:s8], $0x3E80  }
0x1a2: {  	[sflag:s8] =	ssyncset.done @p0 $0x0  }
0x1a3: {  	s7 =	simm.s32 @p0 $0xD80;
	[sflag:s8] =	ssyncadd.s32 @p0 $0xFFFFC180  }
0x1a4: {  	[spmem:s12] =	stream.indirect.scatter.add.f32 @p0 [tilespmem:s10], [sflag:$0x4], $0x80, s7, s26, $0xb8;
	[tilespmem:$0x1F470] =	vst v63  }
0x1a5: {  	_ =	swait.ge @p0 [sflag:s6], $0x3E80  }
0x1a6: {  	[sflag:s6] =	ssyncset.done @p0 $0x0  }
0x1a7: {  	[sflag:s6] =	ssyncadd.s32 @p0 $0xFFFFC180  }
0x1a8: {  	_ =	swait.ge @!p0 [sflag:s28], $0x7D0  }
0x1a9: {  	[sflag:s28] =	ssyncset.done @!p0 $0x0  }
0x1aa: {  	s7 =	simm.s32 @!p0 $0x580;
	[sflag:s28] =	ssyncadd.s32 @!p0 $0xFFFFF830  }
0x1ab: {  	[tilespmem:s2], [sflag:$0x2] =	stream.indirect.gather @!p0 [hbm4b:s0+s18], $0x80, s7, s18, $0xb8;
	[tilespmem:$0x1F470] =	vst v63  }
0x1ac: {  	_ =	swait.ge @!p0 [sflag:s21], $0x3E80  }
0x1ad: {  	[sflag:s21] =	ssyncset.done @!p0 $0x0  }
0x1ae: {  	s7 =	simm.s32 @!p0 $0xD80;
	[sflag:s21] =	ssyncadd.s32 @!p0 $0xFFFFC180  }
0x1af: {  	[spmem:s12] =	stream.indirect.scatter.add.f32 @!p0 [tilespmem:s2], [sflag:$0x4], $0x80, s7, s18, $0xb8;
	[tilespmem:$0x1F470] =	vst v63  }
0x1b0: {  	_ = 	snop  }
0x1b1: {  	[spmem:s13] =	stream.indirect.scatter.add.f32 @!p0 [tilespmem:s14], [sflag:$0x6], $0x10, s7, s18, $0xb8;
	[tilespmem:$0x1F470] =	vst v63  }
0x1b2: {  	_ =	swait.ge @!p0 [sflag:s31], $0x3E80  }
0x1b3: {  	[sflag:s31] =	ssyncset.done @!p0 $0x0  }
0x1b4: {  	[sflag:s31] =	ssyncadd.s32 @!p0 $0xFFFFC180  }
0x1b5: {  	_ =	swait.ge @!p0 [sflag:s20], $0x7D0  }
0x1b6: {  	[sflag:s20] =	ssyncset.done @!p0 $0x0  }
0x1b7: {  	s8 =	simm.s32 $0x600;
	[sflag:s20] =	ssyncadd.s32 @!p0 $0xFFFFF830  }
0x1b8: {  	[tilespmem:s24], [sflag:$0x1] =	stream.indirect.gather [hbm4b:s0+s23], $0x80, s8, s23, $0xb8;
	[tilespmem:$0x1F470] =	vst v63  }
0x1b9: {  	_ =	swait.ge [sflag:s25], $0x3E80  }
0x1ba: {  	[sflag:s25] =	ssyncset.done $0x0  }
0x1bb: {  	s9 =	simm.s32 $0xE00;
	[sflag:s25] =	ssyncadd.s32 $0xFFFFC180  }
0x1bc: {  	[spmem:s12] =	stream.indirect.scatter.add.f32 [tilespmem:s24], [sflag:$0x3], $0x80, s9, s23, $0xb8;
	[tilespmem:$0x1F470] =	vst v63  }
0x1bd: {  	_ =	swait.ge @p0 [sflag:s15], $0x3E80  }
0x1be: {  	[sflag:s15] =	ssyncset.done @p0 $0x0  }
0x1bf: {  	s2 =	simm.s32 @!p0 $0xE00;
	[sflag:s15] =	ssyncadd.s32 @p0 $0xFFFFC180  }
0x1c0: {  	[spmem:s13] =	stream.indirect.scatter.add.f32 @!p0 [tilespmem:s14], [sflag:$0x5], $0x10, s2, s18, $0xb8;
	[tilespmem:$0x1F470] =	vst v63  }
0x1c1: {  	_ =	swait.ge @!p0 [sflag:s11], $0x3E80  }
0x1c2: {  	[sflag:s11] =	ssyncset.done @!p0 $0x0  }
0x1c3: {  	[sflag:s11] =	ssyncadd.s32 @!p0 $0xFFFFC180  }
0x1c4: {  	_ =	swait.ge @!p0 [sflag:s28], $0x7D0  }
0x1c5: {  	[sflag:s28] =	ssyncset.done @!p0 $0x0  }
0x1c6: {  	s10 =	simm.s32 $0x680;
	[sflag:s28] =	ssyncadd.s32 @!p0 $0xFFFFF830  }
0x1c7: {  	[tilespmem:s29], [sflag:$0x2] =	stream.indirect.gather [hbm4b:s0+s23], $0x80, s10, s23, $0xb8;
	[tilespmem:$0x1F470] =	vst v63  }
0x1c8: {  	_ =	swait.ge [sflag:s30], $0x3E80  }
0x1c9: {  	[sflag:s30] =	ssyncset.done $0x0  }
0x1ca: {  	s21 =	simm.s32 $0xE80;
	[sflag:s30] =	ssyncadd.s32 $0xFFFFC180  }
0x1cb: {  	[spmem:s12] =	stream.indirect.scatter.add.f32 [tilespmem:s29], [sflag:$0x4], $0x80, s21, s23, $0xb8;
	[tilespmem:$0x1F470] =	vst v63  }
0x1cc: {  	_ =	swait.ge @p0 [sflag:s6], $0x3E80  }
0x1cd: {  	[sflag:s6] =	ssyncset.done @p0 $0x0  }
0x1ce: {  	s2 =	simm.s32 @!p0 $0xE80;
	[sflag:s6] =	ssyncadd.s32 @p0 $0xFFFFC180  }
0x1cf: {  	[spmem:s13] =	stream.indirect.scatter.add.f32 @!p0 [tilespmem:s14], [sflag:$0x6], $0x10, s2, s18, $0xb8;
	[tilespmem:$0x1F470] =	vst v63  }
0x1d0: {  	_ =	swait.ge @!p0 [sflag:s31], $0x3E80  }
0x1d1: {  	[sflag:s31] =	ssyncset.done @!p0 $0x0  }
0x1d2: {  	[sflag:s31] =	ssyncadd.s32 @!p0 $0xFFFFC180  }
0x1d3: {  	_ =	swait.ge @!p0 [sflag:s20], $0x7D0  }
0x1d4: {  	[sflag:s20] =	ssyncset.done @!p0 $0x0  }
0x1d5: {  	s22 =	simm.s32 $0x700;
	[sflag:s20] =	ssyncadd.s32 @!p0 $0xFFFFF830  }
0x1d6: {  	[tilespmem:s24], [sflag:$0x1] =	stream.indirect.gather [hbm4b:s0+s23], $0x80, s22, s23, $0xb8;
	[tilespmem:$0x1F470] =	vst v63  }
0x1d7: {  	_ =	swait.ge [sflag:s25], $0x3E80  }
0x1d8: {  	[sflag:s25] =	ssyncset.done $0x0  }
0x1d9: {  	s26 =	simm.s32 $0xF00;
	[sflag:s25] =	ssyncadd.s32 $0xFFFFC180  }
0x1da: {  	[spmem:s12] =	stream.indirect.scatter.add.f32 [tilespmem:s24], [sflag:$0x3], $0x80, s26, s23, $0xb8;
	[tilespmem:$0x1F470] =	vst v63  }
0x1db: {  	_ =	swait.ge @p0 [sflag:s15], $0x3E80  }
0x1dc: {  	[sflag:s15] =	ssyncset.done @p0 $0x0  }
0x1dd: {  	s2 =	simm.s32 @!p0 $0xF00;
	[sflag:s15] =	ssyncadd.s32 @p0 $0xFFFFC180  }
0x1de: {  	[spmem:s13] =	stream.indirect.scatter.add.f32 @!p0 [tilespmem:s14], [sflag:$0x5], $0x10, s2, s18, $0xb8;
	[tilespmem:$0x1F470] =	vst v63  }
0x1df: {  	_ =	swait.ge @!p0 [sflag:s11], $0x3E80  }
0x1e0: {  	[sflag:s11] =	ssyncset.done @!p0 $0x0  }
0x1e1: {  	[sflag:s11] =	ssyncadd.s32 @!p0 $0xFFFFC180  }
0x1e2: {  	_ =	swait.ge @!p0 [sflag:s28], $0x7D0  }
0x1e3: {  	[sflag:s28] =	ssyncset.done @!p0 $0x0  }
0x1e4: {  	s31 =	simm.s32 $0x780;
	[sflag:s28] =	ssyncadd.s32 @!p0 $0xFFFFF830  }
0x1e5: {  	[tilespmem:s29], [sflag:$0x2] =	stream.indirect.gather [hbm4b:s0+s23], $0x80, s31, s23, $0xb8;
	[tilespmem:$0x1F470] =	vst v63  }
.Ltmp8:
0x1e6: {  	_ = 	snop;
	(pc) =	sbr.rel @p0 .LBB2_12-.Ltmp8, $4  }
0x1e7: {  	_ =	swait.ge [sflag:s30], $0x3E80  }
0x1e8: {  	[sflag:s30] =	ssyncset.done $0x0  }
0x1e9: {  	s6 =	simm.s32 $0xF80;
	[sflag:s30] =	ssyncadd.s32 $0xFFFFC180  }
0x1ea: {  	[spmem:s12] =	stream.indirect.scatter.add.f32 [tilespmem:s29], [sflag:$0x4], $0x80, s6, s23, $0xb8;
	[tilespmem:$0x1F470] =	vst v63  }
0x1eb: {  	s2 =	simm.s32 $0x8D00  }
0x1ec: {  	[spmem:s13] =	stream.indirect.scatter.add.f32 [tilespmem:s2], [sflag:$0x6], $0x10, s6, s23, $0xb8;
	[tilespmem:$0x1F470] =	vst v63  }
0x1ed: {  	_ =	swait.ge [sflag:s3], $0x3E80  }
.Ltmp9:
0x1ee: {  	[sflag:s3] =	ssyncset.done $0x0;
	(pc) =	sbr.rel @!p1 .LBB2_11-.Ltmp9, $4  }
0x1ef: {  	[sflag:s3] =	ssyncadd.s32 $0xFFFFC180  }
0x1f0: {  	_ =	swait.ge [sflag:s5], $0x7D0  }
0x1f1: {  	[sflag:s5] =	ssyncset.done $0x0  }
0x1f2: {  	[sflag:s5] =	ssyncadd.s32 $0xFFFFF830  }
0x1f3: {  	_ =	swait.ge [sflag:s4], $0x3E80  }
.Ltmp10:
0x1f4: {  	[sflag:s4] =	ssyncset.done $0x0;
	(pc) =	sbr.rel .LBB2_15-.Ltmp10, $4  }
0x1f5: {  	s1 =	simm.s32 $0x6;
	[sflag:s4] =	ssyncadd.s32 $0xFFFFC180  }
0x1f6: {  	_ =	swait.ge [sflag:s1], $0x7D0  }
0x1f7: {  	s26 =	simm.s32 $0x0;
	[sflag:s1] =	ssyncset.done $0x0  }
0x1f8: {  	s14 =	simm.s32 $0x880;
	s8 =	sld [smem:$0x7EE];
	[sflag:s1] =	ssyncadd.s32 $0xFFFFF830  }
.LBB2_16:
0x1f9: {  	_ =	sfence.sel $0x180000  }
0x1fa: {  	[bflag:$0x0] =	sbarrier.arrive $0xFFFF  }
0x1fb: {  	_ =	strace $0x9000004A  }
0x1fc: {  	s0 =	stileid.u32;
	[bflag:$0x2] =	sbarrier.arrive $0xFFFF  }
0x1fd: {  	p0 =	sne.s32 s0, $0x0;
	s0 =	rddreg [dreg:$0x4]  }
0x1fe: {  	s0 =	sadd.s32 @!p0 $0x100000, s0  }
0x1ff: {  	[sflag:s0] =	ssyncadd.tile.s32 @!p0 $0x1;
	_ =	shalt  }
.Lfunc_end2:
_tile_overlayer_lowered:
.L_overlay_start_2:
0x200: {  	(tag) =	ssettag $0x2  }
0x201: {  	s0 =	rddreg [dreg:$0x0];
	s2 =	stileid.u32  }
0x202: {  	s1 =	rddreg [dreg:$0x1];
	p0 =	sne.s32 s2, $0x0  }
0x203: {  	s3 =	rddreg [dreg:$0x2];
	[bflag:$0x3] =	sbarrier.arrive $0xFFFF;
	s2 =	simm.s32 @!p0 $0x1C0B  }
0x204: {  	[timem:s3], [sflag:s2] =	dma.local @!p0 [hbm:s0], s1  }
0x205: {  	s0 =	simm.s32 @!p0 $0xB  }
0x206: {  	_ =	swait.ge @!p0 [sflag:s0], s1  }
0x207: {  	s1 =	ssub.s32 @!p0 $0x0, s1;
	[sflag:s0] =	ssyncset.done @!p0 $0x0  }
0x208: {  	[sflag:s0] =	ssyncadd.s32 @!p0 s1  }
0x209: {  	[bflag:$0x3] =	sbarrier.arrive $0xFFFF  }
0x20a: {  	_ =	shalt  }

// kernel: kernel.7.cloned.1.call-start
scs
__scs_entry_jumppad:
0x0: {  	(pc) =	sbr.rel $0x88, $3  }
0x1: {  	(tag) =	ssettag $0x0;
	lr =	simm.s32 $0x1  }
0x2: {  	[smem:$0x3F9B] =	sst lr;
	_ =	strace $0xD0000000  }
0x3: {  	_ = 	snop  }
0x4: {  	_ = 	snop  }
0x5: {  	_ = 	snop  }
0x6: {  	_ = 	snop  }
0x7: {  	_ = 	snop  }
__scs_overlays_trampoline_lowered:
0x8: {  	[smem:$0x3FAA] =	sst s0  }
0x9: {  	[smem:$0x3FAB] =	sst s1  }
0xa: {  	[smem:$0x3FAC] =	sst s2  }
0xb: {  	[smem:$0x3FAD] =	sst s3  }
0xc: {  	[smem:$0x3FAE] =	sst s4  }
0xd: {  	[smem:$0x3FAF] =	sst s5  }
0xe: {  	[smem:$0x3FB0] =	sst s6  }
0xf: {  	[smem:$0x3FB1] =	sst s7  }
0x10: {  	[smem:$0x3FB2] =	sst s8  }
0x11: {  	[smem:$0x3FB3] =	sst s9;
	s0 =	simm.s32 @!p0 $0x0  }
0x12: {  	s1 =	sld [smem:$0x3F99];
	s0 =	simm.s32 @p0 $0x1  }
0x13: {  	[smem:$0x3FB4] =	sst s0;
	s0 =	simm.s32 @!p1 $0x0  }
0x14: {  	s2 =	sld [smem:$0x3F98];
	s0 =	simm.s32 @p1 $0x1  }
0x15: {  	[smem:$0x3FB5] =	sst s0;
	s0 =	simm.s32 @!p2 $0x0  }
0x16: {  	s3 =	sld [smem:$0x3FDB];
	s0 =	simm.s32 @p2 $0x1  }
0x17: {  	s4 =	simm.s32 $0x1BF5;
	[smem:$0x3FB7] =	sst s0  }
0x18: {  	s0 =	sld [smem:$0x3F9A];
	_ =	swait.ge [sflag:s4], $0x0  }
0x19: {  	s7 =	sld [smem:$0x3F9B]  }
0x1a: {  	s8 =	sadd.s32 $0xFFFFE003, lr  }
0x1b: {  	s9 =	sadd.s32 $0xFFFFFEF7, lr;
	s5 =	simm.s32 $0xFFFFFFFF;
	p2 =	slt.u32 s8, $0xFFFFF086  }
0x1c: {  	p1 =	slt.u32 s9, $0xF7A;
	s5 =	simm.s32 @!p2 $0x0  }
0x1d: {  	s5 =	simm.s32 @p1 $0x1;
	p0 =	seq.s32 s7, s2  }
0x1e: {  	s7 =	smul.u32 @!p0 $0xF7A, s2;
	p2 =	seq.s32 @!p0 s5, $0x0  }
0x1f: {  	s9 =	smul.u32 $0xF7A, s1;
	s8 =	simm.s32 @!p0 $0x1BF5;
	p2 =	por !p2, p0  }
0x20: {  	[sflag:s8] =	ssyncset.s32 @!p0 $0xFFFFF086;
	s6 =	sadd.s32 @!p0 s3, s7;
	s7 =	simm.s32 @!p0 $0x108  }
0x21: {  	s3 =	sadd.s32 s3, s9;
	s6 =	sadd.s32 @!p0 $0x88, s6;
	s7 =	simm.s32 @p2 $0x1082  }
0x22: {  	[simem:s7], [sflag:s8] =	dma.local @!p0 [hbm:s6], $0xF7A  }
0x23: {  	s9 =	sor.u32 $0xD0000000, s2;
	s6 =	simm.s32 $0x108;
	_ =	swait.ge @!p0 [sflag:s8], $0x0  }
0x24: {  	s3 =	sadd.s32 $0x88, s3;
	s6 =	simm.s32 @!p1 $0x1082;
	[sflag:s4] =	ssyncset.s32 $0xFFFFF086  }
0x25: {  	[simem:s6], [sflag:s4] =	dma.local [hbm:s3], $0xF7A  }
0x26: {  	[smem:$0x3F9B] =	sst s1;
	(tag) =	ssettag s2;
	_ =	strace s9  }
0x27: {  	s1 =	sld [smem:$0x3FAB]  }
0x28: {  	s2 =	sld [smem:$0x3FAC]  }
0x29: {  	s4 =	sld [smem:$0x3FAE]  }
0x2a: {  	p0 =	seq.s32 s5, $0x0;
	s5 =	sld [smem:$0x3FAF]  }
0x2b: {  	s6 =	sld [smem:$0x3FB0]  }
0x2c: {  	s7 =	sld [smem:$0x3FB1]  }
0x2d: {  	s3 =	simm.s32 $0x108;
	s8 =	sld [smem:$0x3FB2]  }
0x2e: {  	s3 =	simm.s32 @!p0 $0x1082;
	s9 =	sld [smem:$0x3FB3]  }
0x2f: {  	lr =	sadd.s32 s0, s3;
	s0 =	sld [smem:$0x3FAA]  }
0x30: {  	s3 =	sld [smem:$0x3FAD]  }
0x31: {  	[smem:$0x3FB6] =	sst s10  }
0x32: {  	s10 =	sld [smem:$0x3FB4];
	_ =	sdelay $0x3  }
0x33: {  	p0 =	seq.s32 s10, $0x1;
	s10 =	sld [smem:$0x3FB6];
	_ =	sdelay $0x3  }
0x34: {  	[smem:$0x3FB6] =	sst s10  }
0x35: {  	s10 =	sld [smem:$0x3FB5];
	_ =	sdelay $0x3  }
0x36: {  	p1 =	seq.s32 s10, $0x1;
	s10 =	sld [smem:$0x3FB6];
	_ =	sdelay $0x3  }
0x37: {  	[smem:$0x3FB6] =	sst s10  }
0x38: {  	s10 =	sld [smem:$0x3FB7]  }
0x39: {  	_ = 	snop;
	(pc) =	sbr.ind lr, $3  }
0x3a: {  	_ = 	snop  }
0x3b: {  	_ = 	snop  }
0x3c: {  	p2 =	seq.s32 s10, $0x1;
	s10 =	sld [smem:$0x3FB6]  }
0x3d: {  	_ =	shalt  }
0x3e: {  	_ =	shalt  }
0x3f: {  	_ =	shalt  }
0x40: {  	_ =	shalt  }
0x41: {  	_ =	shalt  }
0x42: {  	_ =	shalt  }
0x43: {  	_ =	shalt  }
0x44: {  	_ =	shalt  }
0x45: {  	_ =	shalt  }
0x46: {  	_ =	shalt  }
0x47: {  	_ =	shalt  }
0x48: {  	_ =	shalt  }
0x49: {  	_ =	shalt  }
0x4a: {  	_ =	shalt  }
0x4b: {  	_ =	shalt  }
0x4c: {  	_ =	shalt  }
0x4d: {  	_ =	shalt  }
0x4e: {  	_ =	shalt  }
0x4f: {  	_ =	shalt  }
0x50: {  	_ =	shalt  }
0x51: {  	_ =	shalt  }
0x52: {  	_ =	shalt  }
0x53: {  	_ =	shalt  }
0x54: {  	_ =	shalt  }
0x55: {  	_ =	shalt  }
0x56: {  	_ =	shalt  }
0x57: {  	_ =	shalt  }
0x58: {  	_ =	shalt  }
0x59: {  	_ =	shalt  }
0x5a: {  	_ =	shalt  }
0x5b: {  	_ =	shalt  }
0x5c: {  	_ =	shalt  }
0x5d: {  	_ =	shalt  }
0x5e: {  	_ =	shalt  }
0x5f: {  	_ =	shalt  }
0x60: {  	_ =	shalt  }
0x61: {  	_ =	shalt  }
0x62: {  	_ =	shalt  }
0x63: {  	_ =	shalt  }
0x64: {  	_ =	shalt  }
0x65: {  	_ =	shalt  }
0x66: {  	_ =	shalt  }
0x67: {  	_ =	shalt  }
0x68: {  	_ =	shalt  }
0x69: {  	_ =	shalt  }
0x6a: {  	_ =	shalt  }
0x6b: {  	_ =	shalt  }
0x6c: {  	_ =	shalt  }
0x6d: {  	_ =	shalt  }
0x6e: {  	_ =	shalt  }
0x6f: {  	_ =	shalt  }
0x70: {  	_ =	shalt  }
0x71: {  	_ =	shalt  }
0x72: {  	_ =	shalt  }
0x73: {  	_ =	shalt  }
0x74: {  	_ =	shalt  }
0x75: {  	_ =	shalt  }
0x76: {  	_ =	shalt  }
0x77: {  	_ =	shalt  }
0x78: {  	_ =	shalt  }
0x79: {  	_ =	shalt  }
0x7a: {  	_ =	shalt  }
0x7b: {  	_ =	shalt  }
0x7c: {  	_ =	shalt  }
0x7d: {  	_ =	shalt  }
0x7e: {  	_ =	shalt  }
0x7f: {  	_ =	shalt  }
0x80: {  	_ =	shalt  }
0x81: {  	_ =	shalt  }
0x82: {  	_ =	shalt  }
0x83: {  	_ =	shalt  }
0x84: {  	_ =	shalt  }
0x85: {  	_ =	shalt  }
0x86: {  	_ =	shalt  }
0x87: {  	_ =	shalt  }
.Lfunc_end0:
.L_simem_size_0:
called_computation_lowered:
.L_overlay_start_0:
0x88: {  	s2 =	sld [smem:$0x3FD9]  }
0x89: {  	s3 =	sld [smem:$0x3FFE];
	_ =	sdelay $0x1  }
0x8a: {  	s1 =	srdreg.scid  }
0x8b: {  	s0 =	sand.u32 $0x1, s1  }
0x8c: {  	s17 =	sshll.u32 s0, $0xA;
	s2 =	sadd.s32 s3, s2  }
0x8d: {  	s2 =	sadd.s32 s2, s17  }
0x8e: {  	[smem:$0x3FC2] =	sst s2  }
0x8f: {  	_ = 	snop  }
0x90: {  	s2 =	sld [smem:$0x3FC9]  }
0x91: {  	s18 =	sld [smem:$0x3FD0];
	(tm) =	ssettm $0x1  }
0x92: {  	s4 =	sld [smem:$0x3FFB];
	_ =	sdelay $0x3  }
0x93: {  	_ =	strace s4  }
0x94: {  	s4 =	sld [smem:$0x3FFC];
	_ =	sdelay $0x3  }
0x95: {  	_ =	strace s4  }
0x96: {  	s4 =	sld [smem:$0x3FFD];
	_ =	sdelay $0x3  }
0x97: {  	_ =	strace s4  }
0x98: {  	_ =	strace $0x8FFFFFFF  }
0x99: {  	s19 =	sld [smem:$0x3FDB];
	_ =	sdelay $0x1  }
0x9a: {  	s5 =	simm.s32 $_scs_section_size  }
0x9b: {  	s6 =	simm.s32 $_size__tile_overlayer_lowered;
	s7 =	simm.s32 $_tile_overlayer_lowered  }
0x9c: {  	s22 =	simm.s32 $0x1BFF;
	s21 =	sshll.u32 s7, $0x1;
	s4 =	sadd.s32 s5, s19  }
0x9d: {  	s8 =	simm.s32 $0x0;
	s20 =	sshll.u32 s6, $0x1;
	s6 =	sadd.s32 s21, s4  }
0x9e: {  	[timem:s8], [sflag:s22] =	dma.local [hbm:s6], s20  }
0x9f: {  	_ =	swait.ge [sflag:s22], s20  }
0xa0: {  	s5 =	ssub.s32 $0x0, s20;
	[sflag:s22] =	ssyncset.done $0x0  }
0xa1: {  	[sflag:s22] =	ssyncadd.s32 s5;
	_ =	sdelay $0x1  }
0xa2: {  	s23 =	simm.s32 $0x1B8B  }
0xa3: {  	_ =	swait.ge [sflag:s23], $0x1  }
0xa4: {  	[sflag:s23] =	ssyncset.done $0x0  }
0xa5: {  	s25 =	simm.s32 $0x1B8E;
	s24 =	sld [smem:$0x3FFE];
	[sflag:s23] =	ssyncadd.s32 $0xFFFFFFFF  }
0xa6: {  	s26 =	simm.s32 $execute0_lowered;
	[smem:$0x3FD2] =	sst s25  }
0xa7: {  	s6 =	sshll.u32 s26, $0x1;
	_ =	strace $0x80000046;
	[dreg:$0x1] =	wrdreg $0xFFFFFFFF  }
0xa8: {  	s28 =	simm.s32 $_size_execute0_lowered;
	s4 =	sadd.s32 s4, s6;
	[dreg:$0x0] =	wrdreg $0x0  }
0xa9: {  	s6 =	sshll.u32 s28, $0x1;
	[dreg:$0x2] =	wrdreg s4  }
0xaa: {  	[dreg:$0x3] =	wrdreg s6  }
0xab: {  	[dreg:$0x4] =	wrdreg $0xC0  }
0xac: {  	_ =	task [dreg:s8], $0x5FFFF  }
0xad: {  	[dreg:$0x1] =	wrdreg $0xFFFFFFFF  }
0xae: {  	[dreg:$0x0] =	wrdreg $0x60  }
0xaf: {  	[dreg:$0x2] =	wrdreg s2  }
0xb0: {  	[dreg:$0x3] =	wrdreg s24  }
0xb1: {  	[dreg:$0x4] =	wrdreg s18  }
0xb2: {  	[dreg:$0x5] =	wrdreg $0x94E00  }
0xb3: {  	[dreg:$0x6] =	wrdreg $0x1CD600  }
0xb4: {  	[dreg:$0x7] =	wrdreg $0x9  }
0xb5: {  	_ =	task.clear_ibuf [dreg:s8], $0x8FFFF;
	_ =	strace $0x90000046  }
0xb6: {  	s29 =	simm.s32 $0x9;
	_ =	strace $0x80000048  }
0xb7: {  	_ =	swait.ge [sflag:s29], $0x1  }
0xb8: {  	[sflag:s29] =	ssyncadd.s32 $0xFFFFFFFF  }
0xb9: {  	_ =	strace $0x90000048  }
0xba: {  	_ =	sfence  }
0xbb: {  	s30 =	sld [smem:$0x0];
	_ =	sdelay $0x2  }
0xbc: {  	s31 =	sshll.u32 s1, $0xD;
	s1 =	sshrl.u32 s1, $0x2  }
0xbd: {  	s3 =	sand.u32 $0x4000, s31;
	s1 =	sadd.s32 s1, s30  }
0xbe: {  	s0 =	sor.u32 s3, s0;
	s1 =	sshll.u32 s1, $0x11  }
0xbf: {  	s0 =	sor.u32 s1, s0  }
0xc0: {  	s0 =	sadd.s32 $0x8F2B, s0  }
0xc1: {  	[sflag:s0] =	ssyncadd.remote.s32 $0x1  }
0xc2: {  	_ =	sfence.sel $0xFFFF  }
0xc3: {  	[dreg:$0x0] =	wrdreg $0xFFFFFFFF;
	(pc) =	sbr.abs _section_cstart, $3  }
0xc4: {  	[dreg:$0x1] =	wrdreg $0xFFFFFFFF  }
0xc5: {  	_ =	task.clear_ibuf [dreg:s8], $0x2FFFF;
	_ =	strace $0x9FFFFFFF  }
0xc6: {  	(tm) =	ssettm $0x7FFFFFFF  }
0xc7: {  	_ =	shalt  }
tec
execute0_lowered:
.L_overlay_start_1:
0x0: {  	(tag) =	ssettag $0x1  }
0x1: {  	s0 =	rddreg [dreg:$0x0]  }
0x2: {  	s2 =	rddreg [dreg:$0x1];
	s22 =	stileid.u32  }
0x3: {  	s1 =	srdreg.scid;
	s6 =	smul.u32 $0x2800, s22  }
0x4: {  	s5 =	rddreg [dreg:$0x2];
	s26 =	simm.s32 $0x0;
	s9 =	smul.u32 $0x271, s22  }
0x5: {  	s3 =	sand.u32 $0x1, s1;
	[smem:$0x7FF] =	sst s26;
	s21 =	smul.u32 $0x2710, s22  }
0x6: {  	s7 =	sadd.s32 $0x17200, s2;
	s1 =	smul.u32 $0x28000, s3;
	s4 =	ssub.s32 $0x2, s3  }
0x7: {  	s31 =	smul.u32 $0x138800, s3;
	s8 =	sshrl.u32 s4, $0x1;
	s23 =	sadd.s32 $0x7D, s9  }
0x8: {  	s10 =	sadd.s32 $0xFA, s9;
	s12 =	sadd.s32 $0x177, s9;
	s9 =	sadd.s32 $0x1F4, s9  }
0x9: {  	s4 =	ssub.s32 s4, s8;
	s1 =	sadd.s32 s6, s1;
	s8 =	smul.u32 $0x27100, s3  }
0xa: {  	s11 =	sshll.u32 s23, $0x7;
	s14 =	sshll.u32 s23, $0x4;
	s15 =	sshll.u32 s10, $0x7  }
0xb: {  	s10 =	sshll.u32 s10, $0x4;
	s3 =	smul.u32 $0x13880, s22;
	s18 =	sshll.u32 s12, $0x7  }
0xc: {  	s19 =	sshll.u32 s12, $0x4;
	s20 =	sshll.u32 s9, $0x7;
	s9 =	sshll.u32 s9, $0x4  }
0xd: {  	s13 =	sadd.s32 s31, s11;
	s16 =	sadd.s32 s31, s15;
	s17 =	sadd.s32 s31, s18  }
0xe: {  	s6 =	sadd.s32 s31, s20;
	s24 =	sadd.s32 s31, s3;
	s13 =	sshrl.u32 s13, $0x3  }
0xf: {  	s25 =	sadd.s32 s8, s21;
	s16 =	sshrl.u32 s16, $0x3;
	s13 =	sadd.s32 s7, s13  }
0x10: {  	s6 =	sshrl.u32 s6, $0x3;
	s16 =	sadd.s32 s7, s16;
	[dreg:$0x7] =	wrdreg s13  }
0x11: {  	s28 =	sadd.s32 s8, s14;
	s6 =	sadd.s32 s7, s6;
	[dreg:$0x8] =	wrdreg s16  }
0x12: {  	s31 =	sshrl.u32 s17, $0x3;
	s12 =	sshrl.u32 s24, $0x3;
	[dreg:$0xa] =	wrdreg s6  }
0x13: {  	s17 =	sadd.s32 s8, s10;
	s12 =	sadd.s32 s7, s12;
	s13 =	rddreg [dreg:$0x4]  }
0x14: {  	s23 =	sshrl.u32 s25, $0x3;
	s16 =	sadd.s32 s7, s31;
	[dreg:$0x6] =	wrdreg s12  }
0x15: {  	s24 =	sshrl.u32 s28, $0x3;
	s7 =	sadd.s32 s5, s23;
	[dreg:$0x9] =	wrdreg s16  }
0x16: {  	s6 =	sshrl.u32 s17, $0x3;
	s25 =	sadd.s32 s5, s24;
	[dreg:$0xb] =	wrdreg s7  }
0x17: {  	s28 =	sadd.s32 s8, s19;
	[dreg:$0xc] =	wrdreg s25;
	s6 =	sadd.s32 s5, s6  }
0x18: {  	s31 =	sadd.s32 s8, s9;
	[dreg:$0xd] =	wrdreg s6;
	s6 =	sshrl.u32 s28, $0x3  }
0x19: {  	s12 =	rddreg [dreg:$0x3];
	s7 =	sshrl.u32 s31, $0x3;
	s6 =	sadd.s32 s5, s6  }
0x1a: {  	s5 =	sadd.s32 s5, s7;
	[dreg:$0xe] =	wrdreg s6  }
0x1b: {  	s17 =	sadd.s32 $0x2400, s2;
	[dreg:$0xf] =	wrdreg s5;
	s6 =	sadd.s32 $0x16A00, s2  }
0x1c: {  	s7 =	sadd.s32 $0x16800, s2;
	_ =	strace $0x80000047;
	[dreg:$0x10] =	wrdreg s6  }
0x1d: {  	s23 =	sadd.s32 $0x16600, s2;
	s24 =	sshrl.u32 s1, $0x3;
	[dreg:$0x11] =	wrdreg s7  }
0x1e: {  	s16 =	sadd.s32 $0xC400, s2;
	s2 =	sadd.s32 $0x16400, s2;
	[dreg:$0x12] =	wrdreg s23  }
0x1f: {  	s28 =	sadd.s32 s16, s24;
	[dreg:$0x13] =	wrdreg s2  }
0x20: {  	s31 =	sadd.s32 s17, s24;
	[dreg:$0x14] =	wrdreg s28  }
0x21: {  	s4 =	smax.u32 s4, $0x1;
	[dreg:$0x15] =	wrdreg s31  }
0x22: {  	s8 =	smul.u32 $0x4E200, s22;
	s18 =	sadd.s32 s18, s12;
	[dreg:$0x16] =	wrdreg s4  }
0x23: {  	s25 =	smul.u32 $0x9C40, s22;
	s22 =	sadd.s32 s19, s13;
	[dreg:$0x1c] =	wrdreg s18  }
0x24: {  	s29 =	simm.s32 $0x4E80;
	s24 =	sadd.s32 s9, s13;
	[dreg:$0x1d] =	wrdreg s22  }
0x25: {  	s30 =	simm.s32 $0x2;
	s1 =	sadd.s32 $0x800, s1;
	[dreg:$0x1f] =	wrdreg s24  }
0x26: {  	s6 =	sshrl.u32 s8, $0x2;
	s8 =	sadd.s32 s11, s12;
	[smem:$0x7FB] =	sst s1  }
0x27: {  	s3 =	sadd.s32 s3, s12;
	s11 =	sadd.s32 s14, s13;
	[dreg:$0x18] =	wrdreg s8  }
0x28: {  	s5 =	simm.s32 $0x5;
	s14 =	sadd.s32 s15, s12;
	[dreg:$0x19] =	wrdreg s11  }
0x29: {  	s7 =	sshrl.u32 s25, $0x2;
	s15 =	sadd.s32 s10, s13;
	[dreg:$0x1a] =	wrdreg s14  }
0x2a: {  	s23 =	sadd.s32 s20, s12;
	s25 =	sadd.s32 s21, s13;
	[dreg:$0x1b] =	wrdreg s15  }
0x2b: {  	s31 =	sshrl.u32 s3, $0x3;
	s24 =	simm.s32 $0x1000;
	[dreg:$0x1e] =	wrdreg s23  }
.Ltmp0:
0x2c: {  	s3 =	simm.s32 $0x3;
	[smem:$0x7FA] =	sst s25;
	(pc) =	sbr.rel .LBB2_1-.Ltmp0, $4  }
0x2d: {  	s2 =	sadd.s32 s6, s12;
	s4 =	sadd.s32 s7, s13;
	[smem:$0x7FD] =	sst s31  }
0x2e: {  	s11 =	simm.s32 $0xC;
	s23 =	simm.s32 $0x7D;
	s25 =	simm.s32 $0x1  }
0x2f: {  	s14 =	simm.s32 $0x880;
	[dreg:$0x17] =	wrdreg s4;
	s28 =	sshrl.u32 s2, $0x3  }
0x30: {  	s8 =	simm.s32 $0x0;
	s4 =	simm.s32 $0x4;
	[smem:$0x7FC] =	sst s28  }
.LBB2_13:
0x31: {  	_ =	swait.ge [sflag:s4], $0x3E80  }
0x32: {  	s26 =	simm.s32 $0x0;
	[sflag:s4] =	ssyncset.done $0x0  }
0x33: {  	s14 =	simm.s32 $0x880;
	s8 =	sld [smem:$0x7ED];
	[sflag:s4] =	ssyncadd.s32 $0xFFFFC180  }
.LBB2_15:
0x34: {  	[bflag:$0x0] =	sbarrier.arrive $0xFFFF  }
0x35: {  	s2 =	sld [smem:$0x7FD]  }
0x36: {  	s9 =	sld [smem:$0x7F6];
	_ =	sdelay $0x1  }
0x37: {  	s11 =	simm.s32 $0xC;
	s1 =	rddreg [dreg:$0x6]  }
0x38: {  	[hbm:s1], [sflag:s9] =	dma.local [spmem:s2], $0x7D0  }
0x39: {  	_ =	swait.ge [sflag:s11], $0x7D0  }
0x3a: {  	s1 =	sld [smem:$0x7EE]  }
0x3b: {  	[sflag:s11] =	ssyncset.done $0x0  }
0x3c: {  	s6 =	rddreg [dreg:$0x7];
	[sflag:s11] =	ssyncadd.s32 $0xFFFFF830  }
0x3d: {  	[hbm:s6], [sflag:s9] =	dma.local @p0 [spmem:s1], $0x7D0  }
0x3e: {  	s1 =	simm.s32 @p0 $0xC  }
0x3f: {  	_ =	swait.ge @p0 [sflag:s1], $0x7D0  }
0x40: {  	s2 =	sld [smem:$0x7FA]  }
0x41: {  	s10 =	sld [smem:$0x7F8]  }
0x42: {  	[sflag:s1] =	ssyncset.done @p0 $0x0  }
0x43: {  	s7 =	rddreg [dreg:$0xb];
	[sflag:s1] =	ssyncadd.s32 @p0 $0xFFFFF830;
	s2 =	sshrl.u32 @!p0 s2, $0x3  }
0x44: {  	[hbm:s7], [sflag:s10] =	dma.local @!p0 [spmem:s2], $0xFA  }
0x45: {  	s2 =	simm.s32 @!p0 $0xB  }
0x46: {  	_ =	swait.ge @!p0 [sflag:s2], $0xFA  }
0x47: {  	s7 =	sld [smem:$0x7EF]  }
0x48: {  	[sflag:s2] =	ssyncset.done @!p0 $0x0  }
0x49: {  	[sflag:s2] =	ssyncadd.s32 @!p0 $0xFFFFFF06  }
0x4a: {  	[hbm:s6], [sflag:s9] =	dma.local @!p0 [spmem:s7], $0x7D0  }
0x4b: {  	s6 =	simm.s32 @!p0 $0xC  }
0x4c: {  	_ =	swait.ge @!p0 [sflag:s6], $0x7D0  }
0x4d: {  	s15 =	sld [smem:$0x7F0]  }
0x4e: {  	[sflag:s6] =	ssyncset.done @!p0 $0x0  }
0x4f: {  	s7 =	rddreg [dreg:$0xc];
	[sflag:s6] =	ssyncadd.s32 @!p0 $0xFFFFF830  }
0x50: {  	[hbm:s7], [sflag:s10] =	dma.local @!p0 [spmem:s15], $0xFA  }
0x51: {  	_ =	swait.ge @!p0 [sflag:s2], $0xFA  }
0x52: {  	s21 =	sld [smem:$0x7F1]  }
0x53: {  	[sflag:s2] =	ssyncset.done @!p0 $0x0  }
0x54: {  	s20 =	rddreg [dreg:$0x8];
	[sflag:s2] =	ssyncadd.s32 @!p0 $0xFFFFFF06  }
0x55: {  	[hbm:s20], [sflag:s9] =	dma.local [spmem:s21], $0x7D0  }
0x56: {  	_ =	swait.ge [sflag:s11], $0x7D0  }
0x57: {  	s15 =	sld [smem:$0x7F2]  }
0x58: {  	[sflag:s11] =	ssyncset.done $0x0  }
0x59: {  	s7 =	rddreg [dreg:$0x9];
	[sflag:s11] =	ssyncadd.s32 $0xFFFFF830  }
0x5a: {  	[hbm:s7], [sflag:s9] =	dma.local @p0 [spmem:s15], $0x7D0  }
0x5b: {  	_ =	swait.ge @p0 [sflag:s1], $0x7D0  }
0x5c: {  	s15 =	sld [smem:$0x7F3]  }
0x5d: {  	[sflag:s1] =	ssyncset.done @p0 $0x0  }
0x5e: {  	[sflag:s1] =	ssyncadd.s32 @p0 $0xFFFFF830;
	s1 =	rddreg [dreg:$0xd]  }
0x5f: {  	[hbm:s1], [sflag:s10] =	dma.local @!p0 [spmem:s15], $0xFA  }
0x60: {  	_ =	swait.ge @!p0 [sflag:s2], $0xFA  }
0x61: {  	s1 =	sld [smem:$0x7F4]  }
0x62: {  	[sflag:s2] =	ssyncset.done @!p0 $0x0  }
0x63: {  	[sflag:s2] =	ssyncadd.s32 @!p0 $0xFFFFFF06  }
0x64: {  	[hbm:s7], [sflag:s9] =	dma.local @!p0 [spmem:s1], $0x7D0  }
0x65: {  	_ =	swait.ge @!p0 [sflag:s6], $0x7D0  }
0x66: {  	[sflag:s6] =	ssyncset.done @!p0 $0x0  }
0x67: {  	[sflag:s6] =	ssyncadd.s32 @!p0 $0xFFFFF830;
	s6 =	sld [smem:$0x7F5];
	_ =	sdelay $0x1  }
0x68: {  	s1 =	rddreg [dreg:$0xe]  }
0x69: {  	[hbm:s1], [sflag:s10] =	dma.local @!p0 [spmem:s6], $0xFA  }
0x6a: {  	_ =	swait.ge @!p0 [sflag:s2], $0xFA  }
0x6b: {  	s28 =	sld [smem:$0x7F7]  }
0x6c: {  	[sflag:s2] =	ssyncset.done @!p0 $0x0  }
0x6d: {  	s22 =	rddreg [dreg:$0xa];
	[sflag:s2] =	ssyncadd.s32 @!p0 $0xFFFFFF06  }
0x6e: {  	[hbm:s22], [sflag:s9] =	dma.local [spmem:s28], $0x7D0  }
0x6f: {  	_ =	swait.ge [sflag:s11], $0x7D0  }
0x70: {  	s6 =	sld [smem:$0x7F9]  }
0x71: {  	[sflag:s11] =	ssyncset.done $0x0  }
0x72: {  	s1 =	rddreg [dreg:$0xf];
	[sflag:s11] =	ssyncadd.s32 $0xFFFFF830  }
0x73: {  	[hbm:s1], [sflag:s10] =	dma.local @!p0 [spmem:s6], $0xFA  }
0x74: {  	_ =	swait.ge @!p0 [sflag:s2], $0xFA  }
0x75: {  	s8 =	sadd.s32 $0x1, s8;
	s31 =	rddreg [dreg:$0x16]  }
0x76: {  	p1 =	sne.s32 s8, s31  }
.Ltmp1:
0x77: {  	_ = 	snop;
	(pc) =	sbr.rel @!p1 .LBB2_16-.Ltmp1, $3  }
0x78: {  	_ =	sdelay $0x1  }
0x79: {  	[sflag:s2] =	ssyncset.done @!p0 $0x0  }
0x7a: {  	[sflag:s2] =	ssyncadd.s32 @!p0 $0xFFFFFF06  }
.LBB2_1:
0x7b: {  	[smem:$0x7ED] =	sst s8  }
0x7c: {  	s1 =	rddreg [dreg:$0x13];
	s2 =	simm.s32 $0x94D0;
	s10 =	simm.s32 $0xB  }
0x7d: {  	[tilespmem:s2], [sflag:$0xB] =	stream.linear.gather [hbm4b:s1+s26], $0x10, $0x38;
	[tilespmem:$0x1F470] =	vst v63  }
0x7e: {  	_ =	swait.ge [sflag:s10], $0x10  }
0x7f: {  	[sflag:s10] =	ssyncset.done $0x0  }
0x80: {  	[sflag:s10] =	ssyncadd.s32 $0xFFFFFFF0  }
0x81: {  	v0 =	vld [tilespmem:$0x94D0];
	_ =	sdelay $0x4  }
0x82: {  	(xrf0) =	vadd.scan.msk.s32 $0xffff, v0;
	_ =	sdelay $0x5  }
0x83: {  	v0, _, _ =	vpop (xrf0)  }
0x84: {  	(v2sf) =	vpush v0, $0xF;
	_ =	sdelay $0xc  }
0x85: {  	s6 =	stileid.u32;
	s28 =	sld [smem:$0x7FC]  }
0x86: {  	s21 =	sshll.u32 s6, $0x6  }
0x87: {  	s15 =	sor.u32 $0x1C0C, s21;
	s7 =	rddreg [dreg:$0x10];
	s22 =	spop (v2sf)  }
0x88: {  	[spmem:s28], [sflag:s15] =	dma.local [hbm:s7], $0x7D0  }
0x89: {  	_ =	swait.ge [sflag:s11], $0x7D0  }
0x8a: {  	p0 =	slt.s32 s22, $0x1;
	s9 =	rddreg [dreg:$0x18]  }
0x8b: {  	[sflag:s11] =	ssyncset.done $0x0;
	s1 =	sshrl.u32 @p0 s9, $0x3  }
0x8c: {  	[sflag:s11] =	ssyncadd.s32 $0xFFFFF830;
	[smem:$0x7EE] =	sst s1  }
0x8d: {  	[spmem:s1], [sflag:s15] =	dma.local @p0 [hbm:s7], $0x7D0  }
0x8e: {  	s1 =	simm.s32 @p0 $0xC  }
0x8f: {  	s2 =	sshll.u32 @!p0 s6, $0x6;
	_ =	swait.ge @p0 [sflag:s1], $0x7D0  }
0x90: {  	s18 =	sor.u32 @!p0 $0x1C0B, s2;
	[sflag:s1] =	ssyncset.done @p0 $0x0;
	s2 =	rddreg [dreg:$0x17]  }
0x91: {  	s8 =	rddreg [dreg:$0x11];
	[sflag:s1] =	ssyncadd.s32 @p0 $0xFFFFF830;
	s2 =	sshrl.u32 @!p0 s2, $0x3  }
0x92: {  	[spmem:s2], [sflag:s18] =	dma.local @!p0 [hbm:s8], $0xFA  }
0x93: {  	s2 =	simm.s32 @!p0 $0xB  }
0x94: {  	_ =	swait.ge @!p0 [sflag:s2], $0xFA  }
0x95: {  	s6 =	sshrl.u32 @!p0 s9, $0x3;
	[sflag:s2] =	ssyncset.done @!p0 $0x0  }
0x96: {  	[smem:$0x7EF] =	sst s6;
	[sflag:s2] =	ssyncadd.s32 @!p0 $0xFFFFFF06  }
0x97: {  	[spmem:s6], [sflag:s15] =	dma.local @!p0 [hbm:s7], $0x7D0  }
0x98: {  	s6 =	simm.s32 @!p0 $0xC  }
0x99: {  	_ =	swait.ge @!p0 [sflag:s6], $0x7D0  }
0x9a: {  	s9 =	rddreg [dreg:$0x19]  }
0x9b: {  	[sflag:s6] =	ssyncset.done @!p0 $0x0;
	s9 =	sshrl.u32 @!p0 s9, $0x3  }
0x9c: {  	[sflag:s6] =	ssyncadd.s32 @!p0 $0xFFFFF830;
	[smem:$0x7F0] =	sst s9  }
0x9d: {  	[spmem:s9], [sflag:s18] =	dma.local @!p0 [hbm:s8], $0xFA  }
0x9e: {  	_ =	swait.ge @!p0 [sflag:s2], $0xFA  }
0x9f: {  	s31 =	rddreg [dreg:$0x1a]  }
0xa0: {  	[sflag:s2] =	ssyncset.done @!p0 $0x0;
	s9 =	sshrl.u32 s31, $0x3  }
0xa1: {  	[sflag:s2] =	ssyncadd.s32 @!p0 $0xFFFFFF06;
	[smem:$0x7F1] =	sst s9  }
0xa2: {  	[spmem:s9], [sflag:s15] =	dma.local [hbm:s7], $0x7D0  }
0xa3: {  	_ =	swait.ge [sflag:s11], $0x7D0  }
0xa4: {  	s9 =	rddreg [dreg:$0x1c]  }
0xa5: {  	[sflag:s11] =	ssyncset.done $0x0;
	s19 =	sshrl.u32 @p0 s9, $0x3  }
0xa6: {  	[sflag:s11] =	ssyncadd.s32 $0xFFFFF830;
	[smem:$0x7F2] =	sst s19  }
0xa7: {  	[spmem:s19], [sflag:s15] =	dma.local @p0 [hbm:s7], $0x7D0  }
0xa8: {  	_ =	swait.ge @p0 [sflag:s1], $0x7D0  }
0xa9: {  	[sflag:s1] =	ssyncset.done @p0 $0x0  }
0xaa: {  	[sflag:s1] =	ssyncadd.s32 @p0 $0xFFFFF830;
	s1 =	rddreg [dreg:$0x1b]  }
0xab: {  	s1 =	sshrl.u32 @!p0 s1, $0x3  }
0xac: {  	[smem:$0x7F3] =	sst s1  }
0xad: {  	[spmem:s1], [sflag:s18] =	dma.local @!p0 [hbm:s8], $0xFA  }
0xae: {  	_ =	swait.ge @!p0 [sflag:s2], $0xFA  }
0xaf: {  	s1 =	sshrl.u32 @!p0 s9, $0x3;
	[sflag:s2] =	ssyncset.done @!p0 $0x0  }
0xb0: {  	[smem:$0x7F4] =	sst s1;
	[sflag:s2] =	ssyncadd.s32 @!p0 $0xFFFFFF06  }
0xb1: {  	[spmem:s1], [sflag:s15] =	dma.local @!p0 [hbm:s7], $0x7D0  }
0xb2: {  	_ =	swait.ge @!p0 [sflag:s6], $0x7D0  }
0xb3: {  	s1 =	rddreg [dreg:$0x1d]  }
0xb4: {  	[sflag:s6] =	ssyncset.done @!p0 $0x0;
	s1 =	sshrl.u32 @!p0 s1, $0x3  }
0xb5: {  	[sflag:s6] =	ssyncadd.s32 @!p0 $0xFFFFF830;
	[smem:$0x7F5] =	sst s1  }
0xb6: {  	[spmem:s1], [sflag:s18] =	dma.local @!p0 [hbm:s8], $0xFA  }
0xb7: {  	_ =	swait.ge @!p0 [sflag:s2], $0xFA  }
0xb8: {  	s9 =	rddreg [dreg:$0x1e]  }
0xb9: {  	[sflag:s2] =	ssyncset.done @!p0 $0x0;
	[smem:$0x7F6] =	sst s15;
	s1 =	sshrl.u32 s9, $0x3  }
0xba: {  	[sflag:s2] =	ssyncadd.s32 @!p0 $0xFFFFFF06;
	[smem:$0x7F7] =	sst s1  }
0xbb: {  	[spmem:s1], [sflag:s15] =	dma.local [hbm:s7], $0x7D0  }
0xbc: {  	_ =	swait.ge [sflag:s11], $0x7D0  }
0xbd: {  	s1 =	rddreg [dreg:$0x1f]  }
0xbe: {  	[sflag:s11] =	ssyncset.done $0x0;
	[smem:$0x7F8] =	sst s18;
	s1 =	sshrl.u32 @!p0 s1, $0x3  }
0xbf: {  	[sflag:s11] =	ssyncadd.s32 $0xFFFFF830;
	[smem:$0x7F9] =	sst s1  }
0xc0: {  	[spmem:s1], [sflag:s18] =	dma.local @!p0 [hbm:s8], $0xFA  }
0xc1: {  	_ =	swait.ge @!p0 [sflag:s2], $0xFA  }
0xc2: {  	[sflag:s2] =	ssyncset.done @!p0 $0x0  }
0xc3: {  	s19 =	simm.s32 $0x8D00;
	s18 =	rddreg [dreg:$0x12];
	[sflag:s2] =	ssyncadd.s32 @!p0 $0xFFFFFF06  }
0xc4: {  	[tilespmem:s19], [sflag:$0xB] =	stream.linear.gather [hbm4b:s18+s26], $0x7D0, $0x38;
	[tilespmem:$0x1F470] =	vst v63  }
0xc5: {  	_ =	swait.ge [sflag:s10], $0x7D0  }
0xc6: {  	[sflag:s10] =	ssyncset.done $0x0  }
0xc7: {  	s20 =	rddreg [dreg:$0x14];
	[sflag:s10] =	ssyncadd.s32 $0xFFFFF830  }
0xc8: {  	[tilespmem:s26], [sflag:$0x7] =	stream.linear.gather [hbm4b:s20+s26], $0x400, $0x38;
	[tilespmem:$0x1F470] =	vst v63  }
0xc9: {  	s22 =	simm.s32 $0x800;
	s28 =	simm.s32 $0x7;
	s21 =	rddreg [dreg:$0x15]  }
0xca: {  	[tilespmem:s22], [sflag:$0x9] =	stream.linear.gather [hbm4b:s21+s26], $0x400, $0x38;
	[tilespmem:$0x1F470] =	vst v63  }
0xcb: {  	_ =	swait.ge [sflag:s28], $0x400  }
0xcc: {  	[sflag:s28] =	ssyncset.done $0x0  }
0xcd: {  	s31 =	simm.s32 $0x9;
	[sflag:s28] =	ssyncadd.s32 $0xFFFFFC00  }
0xce: {  	_ =	swait.ge [sflag:s31], $0x400  }
.Ltmp2:
0xcf: {  	[sflag:s31] =	ssyncset.done $0x0;
	(pc) =	sbr.rel .LBB2_2-.Ltmp2, $4  }
0xd0: {  	[sflag:s31] =	ssyncadd.s32 $0xFFFFFC00  }
0xd1: {  	[bflag:$0x0] =	sbarrier.arrive $0xFFFF  }
0xd2: {  	[tilespmem:s24], [sflag:$0x1] =	stream.indirect.gather [hbm4b:s0+s23], $0x80, s26, s23, $0xb8;
	[tilespmem:$0x1F470] =	vst v63  }
0xd3: {  	s19 =	simm.s32 $0x4;
	s1 =	sld [smem:$0x7FB]  }
.LBB2_12:
0xd4: {  	p1 =	sne.s32 s19, $0x0  }
.Ltmp3:
0xd5: {  	_ = 	snop;
	(pc) =	sbr.rel @!p1 .LBB2_13-.Ltmp3, $4  }
0xd6: {  	_ = 	snop  }
0xd7: {  	_ =	swait.ge [sflag:s3], $0x3E80  }
0xd8: {  	[sflag:s3] =	ssyncset.done $0x0  }
0xd9: {  	[sflag:s3] =	ssyncadd.s32 $0xFFFFC180  }
.LBB2_11:
0xda: {  	s2 =	simm.s32 $0x7  }
0xdb: {  	_ =	swait.ge [sflag:s2], $0x400  }
0xdc: {  	[sflag:s2] =	ssyncset.done $0x0  }
0xdd: {  	s31 =	simm.s32 $0x9;
	[sflag:s2] =	ssyncadd.s32 $0xFFFFFC00  }
0xde: {  	_ =	swait.ge [sflag:s31], $0x400  }
0xdf: {  	s26 =	simm.s32 $0x0;
	s19 =	sadd.s32 $0xFFFFFFFF, s19;
	[sflag:s31] =	ssyncset.done $0x0  }
0xe0: {  	s1 =	sadd.s32 $0x800, s1;
	s14 =	simm.s32 $0x880;
	[sflag:s31] =	ssyncadd.s32 $0xFFFFFC00  }
0xe1: {  	[tilespmem:s24], [sflag:$0x1] =	stream.indirect.gather [hbm4b:s0+s23], $0x80, s26, s23, $0xb8;
	[tilespmem:$0x1F470] =	vst v63  }
.LBB2_2:
0xe2: {  	_ =	swait.ge [sflag:s25], $0x3E80;
	p1 =	seq.s32 s19, $0x4  }
.Ltmp4:
0xe3: {  	[sflag:s25] =	ssyncset.done $0x0;
	(pc) =	sbr.rel @p1 .LBB2_5-.Ltmp4, $4  }
0xe4: {  	s2 =	simm.s32 $0x800;
	[sflag:s25] =	ssyncadd.s32 $0xFFFFC180  }
0xe5: {  	[spmem:s12] =	stream.indirect.scatter.add.f32 [tilespmem:s24], [sflag:$0x3], $0x80, s2, s23, $0xb8;
	[tilespmem:$0x1F470] =	vst v63  }
0xe6: {  	s6 =	simm.s32 @!p0 $0x800;
	s8 =	simm.s32 @!p0 $0x8D00;
	s2 =	simm.s32 @!p0 $0x7D  }
0xe7: {  	[spmem:s13] =	stream.indirect.scatter.add.f32 @!p0 [tilespmem:s8], [sflag:$0x5], $0x10, s6, s2, $0xb8;
	[tilespmem:$0x1F470] =	vst v63  }
.Ltmp5:
0xe8: {  	(pc) =	sbr.rel @p0 .LBB2_7-.Ltmp5, $4  }
0xe9: {  	_ = 	snop  }
0xea: {  	_ =	swait.ge [sflag:s4], $0x3E80  }
0xeb: {  	[sflag:s4] =	ssyncset.done $0x0  }
0xec: {  	[sflag:s4] =	ssyncadd.s32 $0xFFFFC180  }
0xed: {  	s2 =	simm.s32 $0x6  }
0xee: {  	_ =	swait.ge [sflag:s2], $0x7D0  }
0xef: {  	[sflag:s2] =	ssyncset.done $0x0  }
0xf0: {  	[sflag:s2] =	ssyncadd.s32 $0xFFFFF830  }
.LBB2_5:
0xf1: {  	s2 =	simm.s32 $0x80  }
0xf2: {  	[tilespmem:s29], [sflag:$0x2] =	stream.indirect.gather [hbm4b:s0+s23], $0x80, s2, s23, $0xb8;
	[tilespmem:$0x1F470] =	vst v63  }
.Ltmp6:
0xf3: {  	_ = 	snop;
	(pc) =	sbr.rel @p0 .LBB2_8-.Ltmp6, $4  }
0xf4: {  	_ =	swait.ge [sflag:s30], $0x3E80  }
0xf5: {  	[sflag:s30] =	ssyncset.done $0x0  }
0xf6: {  	[sflag:s30] =	ssyncadd.s32 $0xFFFFC180  }
0xf7: {  	[spmem:s12] =	stream.indirect.scatter.add.f32 [tilespmem:s29], [sflag:$0x4], $0x80, s14, s23, $0xb8;
	[tilespmem:$0x1F470] =	vst v63  }
0xf8: {  	s2 =	simm.s32 $0x8D00  }
0xf9: {  	[spmem:s13] =	stream.indirect.scatter.add.f32 [tilespmem:s2], [sflag:$0x6], $0x10, s14, s23, $0xb8;
	[tilespmem:$0x1F470] =	vst v63  }
0xfa: {  	_ =	swait.ge [sflag:s3], $0x3E80  }
.Ltmp7:
0xfb: {  	[sflag:s3] =	ssyncset.done $0x0;
	(pc) =	sbr.rel .LBB2_9-.Ltmp7, $4  }
0xfc: {  	[sflag:s3] =	ssyncadd.s32 $0xFFFFC180  }
0xfd: {  	_ =	swait.ge [sflag:s5], $0x7D0  }
0xfe: {  	[sflag:s5] =	ssyncset.done $0x0  }
0xff: {  	[sflag:s5] =	ssyncadd.s32 $0xFFFFF830  }
.LBB2_7:
0x100: {  	s2 =	simm.s32 $0x80  }
0x101: {  	[tilespmem:s29], [sflag:$0x2] =	stream.indirect.gather [hbm4b:s0+s23], $0x80, s2, s23, $0xb8;
	[tilespmem:$0x1F470] =	vst v63  }
0x102: {  	_ =	swait.ge [sflag:s30], $0x3E80  }
0x103: {  	[sflag:s30] =	ssyncset.done $0x0  }
0x104: {  	[sflag:s30] =	ssyncadd.s32 $0xFFFFC180  }
0x105: {  	[spmem:s12] =	stream.indirect.scatter.add.f32 [tilespmem:s29], [sflag:$0x4], $0x80, s14, s23, $0xb8;
	[tilespmem:$0x1F470] =	vst v63  }
.LBB2_8:
0x106: {  	_ =	swait.ge [sflag:s3], $0x3E80  }
0x107: {  	[sflag:s3] =	ssyncset.done $0x0  }
0x108: {  	[sflag:s3] =	ssyncadd.s32 $0xFFFFC180  }
.LBB2_9:
0x109: {  	s2 =	simm.s32 $0x100  }
0x10a: {  	[tilespmem:s24], [sflag:$0x1] =	stream.indirect.gather [hbm4b:s0+s23], $0x80, s2, s23, $0xb8;
	[tilespmem:$0x1F470] =	vst v63  }
0x10b: {  	_ =	swait.ge [sflag:s25], $0x3E80  }
0x10c: {  	[sflag:s25] =	ssyncset.done $0x0  }
0x10d: {  	s10 =	simm.s32 $0x900;
	s18 =	simm.s32 @!p0 $0x7D;
	[sflag:s25] =	ssyncadd.s32 $0xFFFFC180  }
0x10e: {  	[spmem:s12] =	stream.indirect.scatter.add.f32 [tilespmem:s24], [sflag:$0x3], $0x80, s10, s23, $0xb8;
	[tilespmem:$0x1F470] =	vst v63  }
0x10f: {  	s14 =	simm.s32 @!p0 $0x8D00;
	s11 =	sadd.s32 $0xFFFFFC00, s1;
	s2 =	simm.s32 @!p0 $0x900  }
0x110: {  	[spmem:s13] =	stream.indirect.scatter.add.f32 @!p0 [tilespmem:s14], [sflag:$0x5], $0x10, s2, s18, $0xb8;
	[tilespmem:$0x1F470] =	vst v63  }
0x111: {  	s2 =	sshrl.u32 s11, $0x3  }
0x112: {  	s7 =	simm.s32 $0x400;
	s6 =	sadd.s32 s16, s2  }
0x113: {  	[tilespmem:s7], [sflag:$0x8] =	stream.linear.gather [hbm4b:s6+s26], $0x400, $0x38;
	[tilespmem:$0x1F470] =	vst v63  }
0x114: {  	s9 =	simm.s32 $0xC00;
	s2 =	sadd.s32 s17, s2  }
0x115: {  	[tilespmem:s9], [sflag:$0xA] =	stream.linear.gather [hbm4b:s2+s26], $0x400, $0x38;
	[tilespmem:$0x1F470] =	vst v63  }
0x116: {  	_ =	swait.ge [sflag:s4], $0x3E80  }
0x117: {  	s8 =	simm.s32 @p0 $0x2;
	s10 =	simm.s32 @p0 $0x4E80;
	[sflag:s4] =	ssyncset.done $0x0  }
0x118: {  	s26 =	simm.s32 @p0 $0x7D;
	s2 =	simm.s32 @p0 $0x180;
	[sflag:s4] =	ssyncadd.s32 $0xFFFFC180  }
0x119: {  	[tilespmem:s10], [sflag:$0x2] =	stream.indirect.gather @p0 [hbm4b:s0+s26], $0x80, s2, s26, $0xb8;
	[tilespmem:$0x1F470] =	vst v63  }
0x11a: {  	_ =	swait.ge @p0 [sflag:s8], $0x3E80  }
0x11b: {  	[sflag:s8] =	ssyncset.done @p0 $0x0  }
0x11c: {  	s6 =	simm.s32 @p0 $0x3;
	s2 =	simm.s32 @p0 $0x980;
	[sflag:s8] =	ssyncadd.s32 @p0 $0xFFFFC180  }
0x11d: {  	[spmem:s12] =	stream.indirect.scatter.add.f32 @p0 [tilespmem:s10], [sflag:$0x4], $0x80, s2, s26, $0xb8;
	[tilespmem:$0x1F470] =	vst v63  }
0x11e: {  	_ =	swait.ge @p0 [sflag:s6], $0x3E80  }
0x11f: {  	[sflag:s6] =	ssyncset.done @p0 $0x0  }
0x120: {  	s28 =	simm.s32 @!p0 $0x6;
	[sflag:s6] =	ssyncadd.s32 @p0 $0xFFFFC180  }
0x121: {  	_ =	swait.ge @!p0 [sflag:s28], $0x7D0  }
0x122: {  	s21 =	simm.s32 @!p0 $0x2;
	[sflag:s28] =	ssyncset.done @!p0 $0x0  }
0x123: {  	s11 =	simm.s32 @!p0 $0x180;
	s2 =	simm.s32 @!p0 $0x4E80;
	[sflag:s28] =	ssyncadd.s32 @!p0 $0xFFFFF830  }
0x124: {  	[tilespmem:s2], [sflag:$0x2] =	stream.indirect.gather @!p0 [hbm4b:s0+s18], $0x80, s11, s18, $0xb8;
	[tilespmem:$0x1F470] =	vst v63  }
0x125: {  	_ =	swait.ge @!p0 [sflag:s21], $0x3E80  }
0x126: {  	[sflag:s21] =	ssyncset.done @!p0 $0x0  }
0x127: {  	s11 =	simm.s32 @!p0 $0x980;
	[sflag:s21] =	ssyncadd.s32 @!p0 $0xFFFFC180  }
0x128: {  	[spmem:s12] =	stream.indirect.scatter.add.f32 @!p0 [tilespmem:s2], [sflag:$0x4], $0x80, s11, s18, $0xb8;
	[tilespmem:$0x1F470] =	vst v63  }
0x129: {  	s31 =	simm.s32 @!p0 $0x3  }
0x12a: {  	[spmem:s13] =	stream.indirect.scatter.add.f32 @!p0 [tilespmem:s14], [sflag:$0x6], $0x10, s11, s18, $0xb8;
	[tilespmem:$0x1F470] =	vst v63  }
0x12b: {  	_ =	swait.ge @!p0 [sflag:s31], $0x3E80  }
0x12c: {  	[sflag:s31] =	ssyncset.done @!p0 $0x0  }
0x12d: {  	s20 =	simm.s32 @!p0 $0x5;
	[sflag:s31] =	ssyncadd.s32 @!p0 $0xFFFFC180  }
0x12e: {  	_ =	swait.ge @!p0 [sflag:s20], $0x7D0  }
0x12f: {  	[sflag:s20] =	ssyncset.done @!p0 $0x0  }
0x130: {  	s15 =	simm.s32 $0x200;
	[sflag:s20] =	ssyncadd.s32 @!p0 $0xFFFFF830  }
0x131: {  	[tilespmem:s24], [sflag:$0x1] =	stream.indirect.gather [hbm4b:s0+s23], $0x80, s15, s23, $0xb8;
	[tilespmem:$0x1F470] =	vst v63  }
0x132: {  	_ =	swait.ge [sflag:s25], $0x3E80  }
0x133: {  	[sflag:s25] =	ssyncset.done $0x0  }
0x134: {  	s22 =	simm.s32 $0xA00;
	s15 =	simm.s32 @p0 $0x4;
	[sflag:s25] =	ssyncadd.s32 $0xFFFFC180  }
0x135: {  	[spmem:s12] =	stream.indirect.scatter.add.f32 [tilespmem:s24], [sflag:$0x3], $0x80, s22, s23, $0xb8;
	[tilespmem:$0x1F470] =	vst v63  }
0x136: {  	_ =	swait.ge @p0 [sflag:s15], $0x3E80  }
0x137: {  	[sflag:s15] =	ssyncset.done @p0 $0x0  }
0x138: {  	s11 =	simm.s32 @!p0 $0xA00;
	[sflag:s15] =	ssyncadd.s32 @p0 $0xFFFFC180  }
0x139: {  	[spmem:s13] =	stream.indirect.scatter.add.f32 @!p0 [tilespmem:s14], [sflag:$0x5], $0x10, s11, s18, $0xb8;
	[tilespmem:$0x1F470] =	vst v63  }
0x13a: {  	s11 =	simm.s32 @!p0 $0x4  }
0x13b: {  	_ =	swait.ge @!p0 [sflag:s11], $0x3E80  }
0x13c: {  	[sflag:s11] =	ssyncset.done @!p0 $0x0  }
0x13d: {  	[sflag:s11] =	ssyncadd.s32 @!p0 $0xFFFFC180  }
0x13e: {  	_ =	swait.ge @!p0 [sflag:s28], $0x7D0  }
0x13f: {  	[sflag:s28] =	ssyncset.done @!p0 $0x0  }
0x140: {  	s22 =	simm.s32 $0x280;
	[sflag:s28] =	ssyncadd.s32 @!p0 $0xFFFFF830  }
0x141: {  	[tilespmem:s29], [sflag:$0x2] =	stream.indirect.gather [hbm4b:s0+s23], $0x80, s22, s23, $0xb8;
	[tilespmem:$0x1F470] =	vst v63  }
0x142: {  	_ =	swait.ge [sflag:s30], $0x3E80  }
0x143: {  	[sflag:s30] =	ssyncset.done $0x0  }
0x144: {  	s22 =	simm.s32 $0xA80;
	[sflag:s30] =	ssyncadd.s32 $0xFFFFC180  }
0x145: {  	[spmem:s12] =	stream.indirect.scatter.add.f32 [tilespmem:s29], [sflag:$0x4], $0x80, s22, s23, $0xb8;
	[tilespmem:$0x1F470] =	vst v63  }
0x146: {  	_ =	swait.ge @p0 [sflag:s6], $0x3E80  }
0x147: {  	[sflag:s6] =	ssyncset.done @p0 $0x0  }
0x148: {  	s22 =	simm.s32 @!p0 $0xA80;
	[sflag:s6] =	ssyncadd.s32 @p0 $0xFFFFC180  }
0x149: {  	[spmem:s13] =	stream.indirect.scatter.add.f32 @!p0 [tilespmem:s14], [sflag:$0x6], $0x10, s22, s18, $0xb8;
	[tilespmem:$0x1F470] =	vst v63  }
0x14a: {  	_ =	swait.ge @!p0 [sflag:s31], $0x3E80  }
0x14b: {  	[sflag:s31] =	ssyncset.done @!p0 $0x0  }
0x14c: {  	[sflag:s31] =	ssyncadd.s32 @!p0 $0xFFFFC180  }
0x14d: {  	_ =	swait.ge @!p0 [sflag:s20], $0x7D0  }
0x14e: {  	[sflag:s20] =	ssyncset.done @!p0 $0x0  }
0x14f: {  	s22 =	simm.s32 $0x300;
	[sflag:s20] =	ssyncadd.s32 @!p0 $0xFFFFF830  }
0x150: {  	[tilespmem:s24], [sflag:$0x1] =	stream.indirect.gather [hbm4b:s0+s23], $0x80, s22, s23, $0xb8;
	[tilespmem:$0x1F470] =	vst v63  }
0x151: {  	_ =	swait.ge [sflag:s25], $0x3E80  }
0x152: {  	[sflag:s25] =	ssyncset.done $0x0  }
0x153: {  	s22 =	simm.s32 $0xB00;
	[sflag:s25] =	ssyncadd.s32 $0xFFFFC180  }
0x154: {  	[spmem:s12] =	stream.indirect.scatter.add.f32 [tilespmem:s24], [sflag:$0x3], $0x80, s22, s23, $0xb8;
	[tilespmem:$0x1F470] =	vst v63  }
0x155: {  	_ =	swait.ge @p0 [sflag:s15], $0x3E80  }
0x156: {  	[sflag:s15] =	ssyncset.done @p0 $0x0  }
0x157: {  	s22 =	simm.s32 @!p0 $0xB00;
	[sflag:s15] =	ssyncadd.s32 @p0 $0xFFFFC180  }
0x158: {  	[spmem:s13] =	stream.indirect.scatter.add.f32 @!p0 [tilespmem:s14], [sflag:$0x5], $0x10, s22, s18, $0xb8;
	[tilespmem:$0x1F470] =	vst v63  }
0x159: {  	_ =	swait.ge @!p0 [sflag:s11], $0x3E80  }
0x15a: {  	[sflag:s11] =	ssyncset.done @!p0 $0x0  }
0x15b: {  	[sflag:s11] =	ssyncadd.s32 @!p0 $0xFFFFC180  }
0x15c: {  	_ =	swait.ge @!p0 [sflag:s28], $0x7D0  }
0x15d: {  	[sflag:s28] =	ssyncset.done @!p0 $0x0  }
0x15e: {  	s22 =	simm.s32 $0x380;
	[sflag:s28] =	ssyncadd.s32 @!p0 $0xFFFFF830  }
0x15f: {  	[tilespmem:s29], [sflag:$0x2] =	stream.indirect.gather [hbm4b:s0+s23], $0x80, s22, s23, $0xb8;
	[tilespmem:$0x1F470] =	vst v63  }
0x160: {  	_ =	swait.ge [sflag:s30], $0x3E80  }
0x161: {  	[sflag:s30] =	ssyncset.done $0x0  }
0x162: {  	s22 =	simm.s32 $0xB80;
	[sflag:s30] =	ssyncadd.s32 $0xFFFFC180  }
0x163: {  	[spmem:s12] =	stream.indirect.scatter.add.f32 [tilespmem:s29], [sflag:$0x4], $0x80, s22, s23, $0xb8;
	[tilespmem:$0x1F470] =	vst v63  }
0x164: {  	_ =	swait.ge @p0 [sflag:s6], $0x3E80  }
0x165: {  	[sflag:s6] =	ssyncset.done @p0 $0x0  }
0x166: {  	s22 =	simm.s32 @!p0 $0xB80;
	[sflag:s6] =	ssyncadd.s32 @p0 $0xFFFFC180  }
0x167: {  	[spmem:s13] =	stream.indirect.scatter.add.f32 @!p0 [tilespmem:s14], [sflag:$0x6], $0x10, s22, s18, $0xb8;
	[tilespmem:$0x1F470] =	vst v63  }
0x168: {  	_ =	swait.ge @!p0 [sflag:s31], $0x3E80  }
0x169: {  	[sflag:s31] =	ssyncset.done @!p0 $0x0  }
0x16a: {  	[sflag:s31] =	ssyncadd.s32 @!p0 $0xFFFFC180  }
0x16b: {  	_ =	swait.ge @!p0 [sflag:s20], $0x7D0  }
0x16c: {  	[sflag:s20] =	ssyncset.done @!p0 $0x0  }
0x16d: {  	s22 =	simm.s32 $0x8;
	[sflag:s20] =	ssyncadd.s32 @!p0 $0xFFFFF830  }
0x16e: {  	_ =	swait.ge [sflag:s22], $0x400  }
0x16f: {  	[sflag:s22] =	ssyncset.done $0x0  }
0x170: {  	[sflag:s22] =	ssyncadd.s32 $0xFFFFFC00;
	s22 =	simm.s32 $0xA  }
0x171: {  	_ =	swait.ge [sflag:s22], $0x400  }
0x172: {  	[sflag:s22] =	ssyncset.done $0x0  }
0x173: {  	[sflag:s22] =	ssyncadd.s32 $0xFFFFFC00  }
0x174: {  	[tilespmem:s24], [sflag:$0x1] =	stream.indirect.gather [hbm4b:s0+s23], $0x80, s7, s23, $0xb8;
	[tilespmem:$0x1F470] =	vst v63  }
0x175: {  	_ =	swait.ge [sflag:s25], $0x3E80  }
0x176: {  	[sflag:s25] =	ssyncset.done $0x0  }
0x177: {  	[sflag:s25] =	ssyncadd.s32 $0xFFFFC180  }
0x178: {  	[spmem:s12] =	stream.indirect.scatter.add.f32 [tilespmem:s24], [sflag:$0x3], $0x80, s9, s23, $0xb8;
	[tilespmem:$0x1F470] =	vst v63  }
0x179: {  	_ =	swait.ge @p0 [sflag:s15], $0x3E80  }
0x17a: {  	[sflag:s15] =	ssyncset.done @p0 $0x0  }
0x17b: {  	s22 =	simm.s32 @!p0 $0xC00;
	[sflag:s15] =	ssyncadd.s32 @p0 $0xFFFFC180  }
0x17c: {  	[spmem:s13] =	stream.indirect.scatter.add.f32 @!p0 [tilespmem:s14], [sflag:$0x5], $0x10, s22, s18, $0xb8;
	[tilespmem:$0x1F470] =	vst v63  }
0x17d: {  	_ =	swait.ge @!p0 [sflag:s11], $0x3E80  }
0x17e: {  	[sflag:s11] =	ssyncset.done @!p0 $0x0  }
0x17f: {  	[sflag:s11] =	ssyncadd.s32 @!p0 $0xFFFFC180  }
0x180: {  	_ =	swait.ge @!p0 [sflag:s28], $0x7D0  }
0x181: {  	[sflag:s28] =	ssyncset.done @!p0 $0x0  }
0x182: {  	s9 =	simm.s32 $0x480;
	[sflag:s28] =	ssyncadd.s32 @!p0 $0xFFFFF830  }
0x183: {  	[tilespmem:s29], [sflag:$0x2] =	stream.indirect.gather [hbm4b:s0+s23], $0x80, s9, s23, $0xb8;
	[tilespmem:$0x1F470] =	vst v63  }
0x184: {  	_ =	swait.ge [sflag:s30], $0x3E80  }
0x185: {  	[sflag:s30] =	ssyncset.done $0x0  }
0x186: {  	s22 =	simm.s32 $0xC80;
	[sflag:s30] =	ssyncadd.s32 $0xFFFFC180  }
0x187: {  	[spmem:s12] =	stream.indirect.scatter.add.f32 [tilespmem:s29], [sflag:$0x4], $0x80, s22, s23, $0xb8;
	[tilespmem:$0x1F470] =	vst v63  }
0x188: {  	_ =	swait.ge @p0 [sflag:s6], $0x3E80  }
0x189: {  	[sflag:s6] =	ssyncset.done @p0 $0x0  }
0x18a: {  	s22 =	simm.s32 @!p0 $0xC80;
	[sflag:s6] =	ssyncadd.s32 @p0 $0xFFFFC180  }
0x18b: {  	[spmem:s13] =	stream.indirect.scatter.add.f32 @!p0 [tilespmem:s14], [sflag:$0x6], $0x10, s22, s18, $0xb8;
	[tilespmem:$0x1F470] =	vst v63  }
0x18c: {  	_ =	swait.ge @!p0 [sflag:s31], $0x3E80  }
0x18d: {  	[sflag:s31] =	ssyncset.done @!p0 $0x0  }
0x18e: {  	[sflag:s31] =	ssyncadd.s32 @!p0 $0xFFFFC180  }
0x18f: {  	_ =	swait.ge @!p0 [sflag:s20], $0x7D0  }
0x190: {  	[sflag:s20] =	ssyncset.done @!p0 $0x0  }
0x191: {  	s9 =	simm.s32 $0x500;
	[sflag:s20] =	ssyncadd.s32 @!p0 $0xFFFFF830  }
0x192: {  	[tilespmem:s24], [sflag:$0x1] =	stream.indirect.gather [hbm4b:s0+s23], $0x80, s9, s23, $0xb8;
	[tilespmem:$0x1F470] =	vst v63  }
0x193: {  	_ =	swait.ge [sflag:s25], $0x3E80  }
0x194: {  	[sflag:s25] =	ssyncset.done $0x0  }
0x195: {  	s22 =	simm.s32 $0xD00;
	[sflag:s25] =	ssyncadd.s32 $0xFFFFC180  }
0x196: {  	[spmem:s12] =	stream.indirect.scatter.add.f32 [tilespmem:s24], [sflag:$0x3], $0x80, s22, s23, $0xb8;
	[tilespmem:$0x1F470] =	vst v63  }
0x197: {  	p1 =	seq.s32 s19, $0x0;
	s22 =	simm.s32 @!p0 $0xD00  }
0x198: {  	[spmem:s13] =	stream.indirect.scatter.add.f32 @!p0 [tilespmem:s14], [sflag:$0x5], $0x10, s22, s18, $0xb8;
	[tilespmem:$0x1F470] =	vst v63  }
0x199: {  	s22 =	sshrl.u32 @!p1 s1, $0x3  }
0x19a: {  	s9 =	simm.s32 @!p1 $0x0;
	s7 =	sadd.s32 @!p1 s16, s22  }
0x19b: {  	[tilespmem:s9], [sflag:$0x7] =	stream.linear.gather @!p1 [hbm4b:s7+s9], $0x400, $0x38;
	[tilespmem:$0x1F470] =	vst v63  }
0x19c: {  	s7 =	sadd.s32 @!p1 s17, s22;
	s22 =	simm.s32 @!p1 $0x800  }
0x19d: {  	[tilespmem:s22], [sflag:$0x9] =	stream.linear.gather @!p1 [hbm4b:s7+s9], $0x400, $0x38;
	[tilespmem:$0x1F470] =	vst v63  }
0x19e: {  	_ =	swait.ge [sflag:s4], $0x3E80  }
0x19f: {  	[sflag:s4] =	ssyncset.done $0x0  }
0x1a0: {  	s7 =	simm.s32 @p0 $0x580;
	[sflag:s4] =	ssyncadd.s32 $0xFFFFC180  }
0x1a1: {  	[tilespmem:s10], [sflag:$0x2] =	stream.indirect.gather @p0 [hbm4b:s0+s26], $0x80, s7, s26, $0xb8;
	[tilespmem:$0x1F470] =	vst v63  }
0x1a2: {  	_ =	swait.ge @p0 [sflag:s8], $0x3E80  }
0x1a3: {  	[sflag:s8] =	ssyncset.done @p0 $0x0  }
0x1a4: {  	s7 =	simm.s32 @p0 $0xD80;
	[sflag:s8] =	ssyncadd.s32 @p0 $0xFFFFC180  }
0x1a5: {  	[spmem:s12] =	stream.indirect.scatter.add.f32 @p0 [tilespmem:s10], [sflag:$0x4], $0x80, s7, s26, $0xb8;
	[tilespmem:$0x1F470] =	vst v63  }
0x1a6: {  	_ =	swait.ge @p0 [sflag:s6], $0x3E80  }
0x1a7: {  	[sflag:s6] =	ssyncset.done @p0 $0x0  }
0x1a8: {  	[sflag:s6] =	ssyncadd.s32 @p0 $0xFFFFC180  }
0x1a9: {  	_ =	swait.ge @!p0 [sflag:s28], $0x7D0  }
0x1aa: {  	[sflag:s28] =	ssyncset.done @!p0 $0x0  }
0x1ab: {  	s7 =	simm.s32 @!p0 $0x580;
	[sflag:s28] =	ssyncadd.s32 @!p0 $0xFFFFF830  }
0x1ac: {  	[tilespmem:s2], [sflag:$0x2] =	stream.indirect.gather @!p0 [hbm4b:s0+s18], $0x80, s7, s18, $0xb8;
	[tilespmem:$0x1F470] =	vst v63  }
0x1ad: {  	_ =	swait.ge @!p0 [sflag:s21], $0x3E80  }
0x1ae: {  	[sflag:s21] =	ssyncset.done @!p0 $0x0  }
0x1af: {  	s7 =	simm.s32 @!p0 $0xD80;
	[sflag:s21] =	ssyncadd.s32 @!p0 $0xFFFFC180  }
0x1b0: {  	[spmem:s12] =	stream.indirect.scatter.add.f32 @!p0 [tilespmem:s2], [sflag:$0x4], $0x80, s7, s18, $0xb8;
	[tilespmem:$0x1F470] =	vst v63  }
0x1b1: {  	_ = 	snop  }
0x1b2: {  	[spmem:s13] =	stream.indirect.scatter.add.f32 @!p0 [tilespmem:s14], [sflag:$0x6], $0x10, s7, s18, $0xb8;
	[tilespmem:$0x1F470] =	vst v63  }
0x1b3: {  	_ =	swait.ge @!p0 [sflag:s31], $0x3E80  }
0x1b4: {  	[sflag:s31] =	ssyncset.done @!p0 $0x0  }
0x1b5: {  	[sflag:s31] =	ssyncadd.s32 @!p0 $0xFFFFC180  }
0x1b6: {  	_ =	swait.ge @!p0 [sflag:s20], $0x7D0  }
0x1b7: {  	[sflag:s20] =	ssyncset.done @!p0 $0x0  }
0x1b8: {  	s8 =	simm.s32 $0x600;
	[sflag:s20] =	ssyncadd.s32 @!p0 $0xFFFFF830  }
0x1b9: {  	[tilespmem:s24], [sflag:$0x1] =	stream.indirect.gather [hbm4b:s0+s23], $0x80, s8, s23, $0xb8;
	[tilespmem:$0x1F470] =	vst v63  }
0x1ba: {  	_ =	swait.ge [sflag:s25], $0x3E80  }
0x1bb: {  	[sflag:s25] =	ssyncset.done $0x0  }
0x1bc: {  	s9 =	simm.s32 $0xE00;
	[sflag:s25] =	ssyncadd.s32 $0xFFFFC180  }
0x1bd: {  	[spmem:s12] =	stream.indirect.scatter.add.f32 [tilespmem:s24], [sflag:$0x3], $0x80, s9, s23, $0xb8;
	[tilespmem:$0x1F470] =	vst v63  }
0x1be: {  	_ =	swait.ge @p0 [sflag:s15], $0x3E80  }
0x1bf: {  	[sflag:s15] =	ssyncset.done @p0 $0x0  }
0x1c0: {  	s2 =	simm.s32 @!p0 $0xE00;
	[sflag:s15] =	ssyncadd.s32 @p0 $0xFFFFC180  }
0x1c1: {  	[spmem:s13] =	stream.indirect.scatter.add.f32 @!p0 [tilespmem:s14], [sflag:$0x5], $0x10, s2, s18, $0xb8;
	[tilespmem:$0x1F470] =	vst v63  }
0x1c2: {  	_ =	swait.ge @!p0 [sflag:s11], $0x3E80  }
0x1c3: {  	[sflag:s11] =	ssyncset.done @!p0 $0x0  }
0x1c4: {  	[sflag:s11] =	ssyncadd.s32 @!p0 $0xFFFFC180  }
0x1c5: {  	_ =	swait.ge @!p0 [sflag:s28], $0x7D0  }
0x1c6: {  	[sflag:s28] =	ssyncset.done @!p0 $0x0  }
0x1c7: {  	s10 =	simm.s32 $0x680;
	[sflag:s28] =	ssyncadd.s32 @!p0 $0xFFFFF830  }
0x1c8: {  	[tilespmem:s29], [sflag:$0x2] =	stream.indirect.gather [hbm4b:s0+s23], $0x80, s10, s23, $0xb8;
	[tilespmem:$0x1F470] =	vst v63  }
0x1c9: {  	_ =	swait.ge [sflag:s30], $0x3E80  }
0x1ca: {  	[sflag:s30] =	ssyncset.done $0x0  }
0x1cb: {  	s21 =	simm.s32 $0xE80;
	[sflag:s30] =	ssyncadd.s32 $0xFFFFC180  }
0x1cc: {  	[spmem:s12] =	stream.indirect.scatter.add.f32 [tilespmem:s29], [sflag:$0x4], $0x80, s21, s23, $0xb8;
	[tilespmem:$0x1F470] =	vst v63  }
0x1cd: {  	_ =	swait.ge @p0 [sflag:s6], $0x3E80  }
0x1ce: {  	[sflag:s6] =	ssyncset.done @p0 $0x0  }
0x1cf: {  	s2 =	simm.s32 @!p0 $0xE80;
	[sflag:s6] =	ssyncadd.s32 @p0 $0xFFFFC180  }
0x1d0: {  	[spmem:s13] =	stream.indirect.scatter.add.f32 @!p0 [tilespmem:s14], [sflag:$0x6], $0x10, s2, s18, $0xb8;
	[tilespmem:$0x1F470] =	vst v63  }
0x1d1: {  	_ =	swait.ge @!p0 [sflag:s31], $0x3E80  }
0x1d2: {  	[sflag:s31] =	ssyncset.done @!p0 $0x0  }
0x1d3: {  	[sflag:s31] =	ssyncadd.s32 @!p0 $0xFFFFC180  }
0x1d4: {  	_ =	swait.ge @!p0 [sflag:s20], $0x7D0  }
0x1d5: {  	[sflag:s20] =	ssyncset.done @!p0 $0x0  }
0x1d6: {  	s22 =	simm.s32 $0x700;
	[sflag:s20] =	ssyncadd.s32 @!p0 $0xFFFFF830  }
0x1d7: {  	[tilespmem:s24], [sflag:$0x1] =	stream.indirect.gather [hbm4b:s0+s23], $0x80, s22, s23, $0xb8;
	[tilespmem:$0x1F470] =	vst v63  }
0x1d8: {  	_ =	swait.ge [sflag:s25], $0x3E80  }
0x1d9: {  	[sflag:s25] =	ssyncset.done $0x0  }
0x1da: {  	s26 =	simm.s32 $0xF00;
	[sflag:s25] =	ssyncadd.s32 $0xFFFFC180  }
0x1db: {  	[spmem:s12] =	stream.indirect.scatter.add.f32 [tilespmem:s24], [sflag:$0x3], $0x80, s26, s23, $0xb8;
	[tilespmem:$0x1F470] =	vst v63  }
0x1dc: {  	_ =	swait.ge @p0 [sflag:s15], $0x3E80  }
0x1dd: {  	[sflag:s15] =	ssyncset.done @p0 $0x0  }
0x1de: {  	s2 =	simm.s32 @!p0 $0xF00;
	[sflag:s15] =	ssyncadd.s32 @p0 $0xFFFFC180  }
0x1df: {  	[spmem:s13] =	stream.indirect.scatter.add.f32 @!p0 [tilespmem:s14], [sflag:$0x5], $0x10, s2, s18, $0xb8;
	[tilespmem:$0x1F470] =	vst v63  }
0x1e0: {  	_ =	swait.ge @!p0 [sflag:s11], $0x3E80  }
0x1e1: {  	[sflag:s11] =	ssyncset.done @!p0 $0x0  }
0x1e2: {  	[sflag:s11] =	ssyncadd.s32 @!p0 $0xFFFFC180  }
0x1e3: {  	_ =	swait.ge @!p0 [sflag:s28], $0x7D0  }
0x1e4: {  	[sflag:s28] =	ssyncset.done @!p0 $0x0  }
0x1e5: {  	s31 =	simm.s32 $0x780;
	[sflag:s28] =	ssyncadd.s32 @!p0 $0xFFFFF830  }
0x1e6: {  	[tilespmem:s29], [sflag:$0x2] =	stream.indirect.gather [hbm4b:s0+s23], $0x80, s31, s23, $0xb8;
	[tilespmem:$0x1F470] =	vst v63  }
.Ltmp8:
0x1e7: {  	_ = 	snop;
	(pc) =	sbr.rel @p0 .LBB2_12-.Ltmp8, $4  }
0x1e8: {  	_ =	swait.ge [sflag:s30], $0x3E80  }
0x1e9: {  	[sflag:s30] =	ssyncset.done $0x0  }
0x1ea: {  	s6 =	simm.s32 $0xF80;
	[sflag:s30] =	ssyncadd.s32 $0xFFFFC180  }
0x1eb: {  	[spmem:s12] =	stream.indirect.scatter.add.f32 [tilespmem:s29], [sflag:$0x4], $0x80, s6, s23, $0xb8;
	[tilespmem:$0x1F470] =	vst v63  }
0x1ec: {  	s2 =	simm.s32 $0x8D00  }
0x1ed: {  	[spmem:s13] =	stream.indirect.scatter.add.f32 [tilespmem:s2], [sflag:$0x6], $0x10, s6, s23, $0xb8;
	[tilespmem:$0x1F470] =	vst v63  }
0x1ee: {  	_ =	swait.ge [sflag:s3], $0x3E80  }
.Ltmp9:
0x1ef: {  	[sflag:s3] =	ssyncset.done $0x0;
	(pc) =	sbr.rel @!p1 .LBB2_11-.Ltmp9, $4  }
0x1f0: {  	[sflag:s3] =	ssyncadd.s32 $0xFFFFC180  }
0x1f1: {  	_ =	swait.ge [sflag:s5], $0x7D0  }
0x1f2: {  	[sflag:s5] =	ssyncset.done $0x0  }
0x1f3: {  	[sflag:s5] =	ssyncadd.s32 $0xFFFFF830  }
0x1f4: {  	_ =	swait.ge [sflag:s4], $0x3E80  }
.Ltmp10:
0x1f5: {  	[sflag:s4] =	ssyncset.done $0x0;
	(pc) =	sbr.rel .LBB2_15-.Ltmp10, $4  }
0x1f6: {  	s1 =	simm.s32 $0x6;
	[sflag:s4] =	ssyncadd.s32 $0xFFFFC180  }
0x1f7: {  	_ =	swait.ge [sflag:s1], $0x7D0  }
0x1f8: {  	s26 =	simm.s32 $0x0;
	[sflag:s1] =	ssyncset.done $0x0  }
0x1f9: {  	s14 =	simm.s32 $0x880;
	s8 =	sld [smem:$0x7ED];
	[sflag:s1] =	ssyncadd.s32 $0xFFFFF830  }
.LBB2_16:
0x1fa: {  	_ =	sfence.sel $0x180000  }
0x1fb: {  	[bflag:$0x0] =	sbarrier.arrive $0xFFFF  }
0x1fc: {  	_ =	strace $0x90000047  }
0x1fd: {  	s0 =	stileid.u32;
	[bflag:$0x2] =	sbarrier.arrive $0xFFFF  }
0x1fe: {  	p0 =	sne.s32 s0, $0x0;
	s0 =	rddreg [dreg:$0x5]  }
0x1ff: {  	s0 =	sadd.s32 @!p0 $0x100000, s0  }
0x200: {  	[sflag:s0] =	ssyncadd.tile.s32 @!p0 $0x1;
	_ =	shalt  }
.Lfunc_end2:
_tile_overlayer_lowered:
.L_overlay_start_2:
0x201: {  	(tag) =	ssettag $0x2  }
0x202: {  	s0 =	rddreg [dreg:$0x0];
	s2 =	stileid.u32  }
0x203: {  	s1 =	rddreg [dreg:$0x1];
	p0 =	sne.s32 s2, $0x0  }
0x204: {  	s3 =	rddreg [dreg:$0x2];
	[bflag:$0x3] =	sbarrier.arrive $0xFFFF;
	s2 =	simm.s32 @!p0 $0x1C0B  }
0x205: {  	[timem:s3], [sflag:s2] =	dma.local @!p0 [hbm:s0], s1  }
0x206: {  	s0 =	simm.s32 @!p0 $0xB  }
0x207: {  	_ =	swait.ge @!p0 [sflag:s0], s1  }
0x208: {  	s1 =	ssub.s32 @!p0 $0x0, s1;
	[sflag:s0] =	ssyncset.done @!p0 $0x0  }
0x209: {  	[sflag:s0] =	ssyncadd.s32 @!p0 s1  }
0x20a: {  	[bflag:$0x3] =	sbarrier.arrive $0xFFFF  }
0x20b: {  	_ =	shalt  }

</sc_bundles>
